<compile_context>
chip_gen: v7x
topology: tpu7x:2x2x1
jax: 0.10.2.dev20260603
libtpu: 0.0.44.dev20260713+nightly
codegen_flags: <defaults>
</compile_context>

<pallas_src>
import functools

import jax
import jax.numpy as jnp
from jax import lax
from jax.experimental import pallas as pl
from jax.experimental.pallas import tpu as pltpu
from jax.experimental.pallas import tpu_sc as plsc

_L = 16


def _dist(dx, dy, dz):
    s = dx * dx + dy * dy + dz * dz
    i = jnp.int32(0x5F0B54EA) - lax.shift_right_arithmetic(
        lax.bitcast_convert_type(s, jnp.int32), 1)
    z = lax.bitcast_convert_type(i, jnp.float32)
    return s * (z * (jnp.float32(1.8912) - s * z * z))


@functools.lru_cache(maxsize=None)
def _build(B, N, T, CH):
    info = plsc.get_sparse_core_info()
    NC, NS = info.num_cores, info.num_subcores
    NW = NC * NS
    assert N % NW == 0 and (B * N) % NW == 0
    tiles_per_batch = NW // B
    rows_per_tile = N // tiles_per_batch
    assert rows_per_tile % (2 * CH) == 0
    nchunks = rows_per_tile // CH
    nvec = T // _L

    mesh = plsc.VectorSubcoreMesh(core_axis_name="c", subcore_axis_name="s")
    f32 = jnp.float32
    i32 = jnp.int32

    @functools.partial(
        pl.kernel,
        mesh=mesh,
        compiler_params=pltpu.CompilerParams(needs_layout_passes=False),
        out_type=(
            jax.ShapeDtypeStruct((B, N, T), f32),
            jax.ShapeDtypeStruct((B, N, T), f32),
            jax.ShapeDtypeStruct((B, N, T), f32),
        ),
        scratch_types=[
            pltpu.VMEM((N,), f32),
            pltpu.VMEM((N,), f32),
            pltpu.VMEM((N,), f32),
            pltpu.VMEM((2, CH, T), i32),
            pltpu.VMEM((2, CH, T), i32),
            pltpu.VMEM((2, CH, T), f32),
            pltpu.VMEM((2, CH, T), f32),
            pltpu.VMEM((2, CH, T), f32),
            pltpu.SemaphoreType.DMA((2,)),
            pltpu.SemaphoreType.DMA((2,)),
        ],
    )
    def triples(pos_hbm, nj_hbm, nk_hbm, oij_hbm, oik_hbm, ojk_hbm,
                xt_v, yt_v, zt_v, nj_v, nk_v, oij_v, oik_v, ojk_v,
                in_sem, out_sem):
        wid = lax.axis_index("s") * NC + lax.axis_index("c")
        b = wid // tiles_per_batch
        row0 = (wid % tiles_per_batch) * rows_per_tile

        pltpu.sync_copy(pos_hbm.at[b, pl.ds(0, N)], xt_v)
        pltpu.sync_copy(pos_hbm.at[b, pl.ds(N, N)], yt_v)
        pltpu.sync_copy(pos_hbm.at[b, pl.ds(2 * N, N)], zt_v)

        def in_copies(ci, p):
            n0 = row0 + ci * CH
            return (
                pltpu.make_async_copy(nj_hbm.at[b, pl.ds(n0, CH)], nj_v.at[p],
                                      in_sem.at[p]),
                pltpu.make_async_copy(nk_hbm.at[b, pl.ds(n0, CH)], nk_v.at[p],
                                      in_sem.at[p]),
            )

        def out_copies(ci, p):
            n0 = row0 + ci * CH
            return (
                pltpu.make_async_copy(oij_v.at[p], oij_hbm.at[b, pl.ds(n0, CH)],
                                      out_sem.at[p]),
                pltpu.make_async_copy(oik_v.at[p], oik_hbm.at[b, pl.ds(n0, CH)],
                                      out_sem.at[p]),
                pltpu.make_async_copy(ojk_v.at[p], ojk_hbm.at[b, pl.ds(n0, CH)],
                                      out_sem.at[p]),
            )

        for p in (0, 1):
            for cp in in_copies(p, p):
                cp.start()

        def outer(ci0, _):
            for p in (0, 1):
                ci = 2 * ci0 + p
                n0 = row0 + ci * CH

                for cp in in_copies(ci, p):
                    cp.wait()

                @pl.when(ci0 > 0)
                def _():
                    for cp in out_copies(ci - 2, p):
                        cp.wait()

                @plsc.parallel_loop(0, CH, unroll=4)
                def row_body(r):
                    n = n0 + r
                    ii = jnp.full((_L,), n, dtype=i32)
                    xi = plsc.load_gather(xt_v, [ii])
                    yi = plsc.load_gather(yt_v, [ii])
                    zi = plsc.load_gather(zt_v, [ii])
                    for v in range(nvec):
                        sl = pl.ds(v * _L, _L)
                        ij = nj_v[p, r, sl]
                        ik = nk_v[p, r, sl]
                        xj = plsc.load_gather(xt_v, [ij])
                        yj = plsc.load_gather(yt_v, [ij])
                        zj = plsc.load_gather(zt_v, [ij])
                        xk = plsc.load_gather(xt_v, [ik])
                        yk = plsc.load_gather(yt_v, [ik])
                        zk = plsc.load_gather(zt_v, [ik])
                        oij_v[p, r, sl] = _dist(xj - xi, yj - yi, zj - zi)
                        oik_v[p, r, sl] = _dist(xk - xi, yk - yi, zk - zi)
                        ojk_v[p, r, sl] = _dist(xj - xk, yj - yk, zj - zk)

                @pl.when(ci + 2 < nchunks)
                def _():
                    for cp in in_copies(ci + 2, p):
                        cp.start()

                for cp in out_copies(ci, p):
                    cp.start()
            return 0

        lax.fori_loop(0, nchunks // 2, outer, 0)

        for p in (0, 1):
            for cp in out_copies(nchunks - 2 + p, p):
                cp.wait()

    return triples


def kernel(positions, neighbors_j, neighbors_k):
    B, N, _ = positions.shape
    T = neighbors_j.shape[2]
    pos_planes = positions.transpose(0, 2, 1).reshape(B, 3 * N)
    fn = _build(B, N, T, 64)
    return fn(pos_planes, neighbors_j, neighbors_k)

# --- scband reference (transcript-rebuilt; emitter-appended) ---
"""Pipeline reference for scband-triples-distances-16234976379049 (READ-ONLY COPY).

The authoritative reference and input builder live on the scoring server;
editing this copy changes nothing except your own understanding.
"""

import jax, jax.numpy as jnp
import numpy as np

B, N, T = 4, 4096, 128


def setup_inputs(seed: int = 0) -> dict:
    key = jax.random.key(seed)
    k1, k2, k3 = jax.random.split(key, 3)
    positions = jax.random.normal(k1, (B, N, 3), dtype=jnp.float32) * 5.0
    # Central atom index along the atom axis.
    i = jnp.arange(N, dtype=jnp.int32).reshape(1, N, 1)
    # Offsets in [1, N-1] guarantee j != i (avoids zero-distance degeneracies).
    off_j = jax.random.randint(k2, (B, N, T), 1, N, dtype=jnp.int32)
    # off_k in {1..N-1} \ {off_j} guarantees k != i and k != j.
    r = jax.random.randint(k3, (B, N, T), 0, N - 2, dtype=jnp.int32)
    off_k = 1 + ((off_j - 1) + 1 + r) % (N - 1)
    neighbors_j = (i + off_j) % N
    neighbors_k = (i + off_k) % N
    return {"positions": positions, "neighbors_j": neighbors_j, "neighbors_k": neighbors_k}


def reference(positions, neighbors_j, neighbors_k):
    nbatch = positions.shape[0]
    idx_m = jnp.arange(nbatch, dtype=jnp.int32)[:, None, None]
    # Gather neighbor positions: [B, N, T, 3]
    pos_j = positions[idx_m, neighbors_j, :]
    pos_k = positions[idx_m, neighbors_k, :]
    R_ij = pos_j - positions[:, :, None, :]
    R_ik = pos_k - positions[:, :, None, :]
    R_jk = pos_j - pos_k
    r_ij = jnp.linalg.norm(R_ij, ord=2, axis=3)
    r_ik = jnp.linalg.norm(R_ik, ord=2, axis=3)
    r_jk = jnp.linalg.norm(R_jk, ord=2, axis=3)
    return (r_ij, r_ik, r_jk)

if __name__ == "__main__":
    import jax
    _d = setup_inputs()
    print(jax.jit(kernel)(*tuple(_d.values())))

</pallas_src>

<mosaic_0001>
#map = affine_map<(d0, d1) -> (0, 0)>
#map1 = affine_map<(d0, d1) -> (0, 0, 0)>
module attributes {stable_mosaic.version = 14 : i64} {
  func.func @triples(%arg0: i32, %arg1: i32, %arg2: memref<4x12288xf32, #tpu.memory_space<hbm>>, %arg3: memref<4x4096x128xi32, #tpu.memory_space<hbm>>, %arg4: memref<4x4096x128xi32, #tpu.memory_space<hbm>>, %arg5: memref<4x4096x128xf32, #tpu.memory_space<hbm>>, %arg6: memref<4x4096x128xf32, #tpu.memory_space<hbm>>, %arg7: memref<4x4096x128xf32, #tpu.memory_space<hbm>>, %arg8: memref<4096xf32, #tpu.memory_space<vmem>>, %arg9: memref<4096xf32, #tpu.memory_space<vmem>>, %arg10: memref<4096xf32, #tpu.memory_space<vmem>>, %arg11: memref<2x64x128xi32, #tpu.memory_space<vmem>>, %arg12: memref<2x64x128xi32, #tpu.memory_space<vmem>>, %arg13: memref<2x64x128xf32, #tpu.memory_space<vmem>>, %arg14: memref<2x64x128xf32, #tpu.memory_space<vmem>>, %arg15: memref<2x64x128xf32, #tpu.memory_space<vmem>>, %arg16: memref<2x!tpu.dma_semaphore, #tpu.memory_space<semaphore_mem>>, %arg17: memref<2x!tpu.dma_semaphore, #tpu.memory_space<semaphore_mem>>) attributes {dimension_semantics = [#tpu.dimension_semantics<core_parallel>, #tpu.dimension_semantics<subcore_parallel>], iteration_bounds = array<i64: 2, 16>, scalar_prefetch = 0 : i64, scratch_operands = 10 : i64, tpu.core_type = #tpu.core_type<sc_vector_subcore>, window_params = [{transform_indices = #map}, {transform_indices = #map1}, {transform_indices = #map1}, {transform_indices = #map1}, {transform_indices = #map1}, {transform_indices = #map1}]} {
    %mul3A = arith.constant 2 : i32
    %mul3A_0 = arith.muli %arg1, %mul3A : i32
    %add3A = arith.addi %mul3A_0, %arg0 : i32
    %jit3A = arith.constant 8 : i32
    %div3A = arith.divsi %add3A, %jit3A : i32
    %sign3A = arith.constant 0 : i32
    %sign3A_1 = arith.cmpi sgt, %add3A, %sign3A : i32
    %sign3A_2 = arith.extui %sign3A_1 : i1 to i32
    %sign3A_3 = arith.constant 0 : i32
    %sign3A_4 = arith.cmpi slt, %add3A, %sign3A_3 : i32
    %sign3A_5 = arith.extui %sign3A_4 : i1 to i32
    %sign3A_6 = arith.subi %sign3A_2, %sign3A_5 : i32
    %sign3A_7 = arith.constant 0 : i32
    %sign3A_8 = arith.cmpi sgt, %jit3A, %sign3A_7 : i32
    %sign3A_9 = arith.extui %sign3A_8 : i1 to i32
    %sign3A_10 = arith.constant 0 : i32
    %sign3A_11 = arith.cmpi slt, %jit3A, %sign3A_10 : i32
    %sign3A_12 = arith.extui %sign3A_11 : i1 to i32
    %sign3A_13 = arith.subi %sign3A_9, %sign3A_12 : i32
    %ne3A = arith.cmpi ne, %sign3A_6, %sign3A_13 : i32
    %rem3A = arith.remsi %add3A, %jit3A : i32
    %ne3A_14 = arith.constant 0 : i32
    %ne3A_15 = arith.cmpi ne, %rem3A, %ne3A_14 : i32
    %and3A = arith.andi %ne3A, %ne3A_15 : i1
    %sub3A = arith.constant 1 : i32
    %sub3A_16 = arith.subi %div3A, %sub3A : i32
    %select_n3A = arith.select %and3A, %sub3A_16, %div3A : i32
    %jit3A_17 = arith.constant 8 : i32
    %eq3A = arith.constant 0 : i32
    %eq3A_18 = arith.cmpi eq, %jit3A_17, %eq3A : i32
    %jit3A_19 = arith.constant 1 : i32
    %select_n3A_20 = arith.select %eq3A_18, %jit3A_19, %jit3A_17 : i32
    %rem3A_21 = arith.remsi %add3A, %select_n3A_20 : i32
    %ne3A_22 = arith.constant 0 : i32
    %ne3A_23 = arith.cmpi ne, %rem3A_21, %ne3A_22 : i32
    %lt3A = arith.constant 0 : i32
    %lt3A_24 = arith.cmpi slt, %rem3A_21, %lt3A : i32
    %lt3A_25 = arith.constant 0 : i32
    %lt3A_26 = arith.cmpi slt, %select_n3A_20, %lt3A_25 : i32
    %ne3A_27 = arith.xori %lt3A_24, %lt3A_26 : i1
    %and3A_28 = arith.andi %ne3A_27, %ne3A_23 : i1
    %add3A_29 = arith.addi %rem3A_21, %select_n3A_20 : i32
    %select_n3A_30 = arith.select %and3A_28, %add3A_29, %rem3A_21 : i32
    %mul3A_31 = arith.constant 512 : i32
    %mul3A_32 = arith.muli %select_n3A_30, %mul3A_31 : i32
    "tpu.region"() ({
      %run_scoped3A = tpu.sem_alloc : memref<!tpu.dma_semaphore, #tpu.memory_space<semaphore_mem>>
      %dma_start3A_225 = arith.constant 0 : i32
      %dma_start3A_226 = tpu.memref_slice %arg2[%select_n3A, %dma_start3A_225] : memref<4x12288xf32, #tpu.memory_space<hbm>> -> memref<1x4096xf32, #tpu.memory_space<hbm>>
      %dma_start3A_227 = tpu.memref_squeeze %dma_start3A_226 : memref<1x4096xf32, #tpu.memory_space<hbm>> -> memref<4096xf32, #tpu.memory_space<hbm>>
      %dma_start3A_228 = arith.constant 0 : i32
      %dma_start3A_229 = tpu.memref_slice %arg2[%select_n3A, %dma_start3A_228] : memref<4x12288xf32, #tpu.memory_space<hbm>> -> memref<1x4096xf32, #tpu.memory_space<hbm>>
      %dma_start3A_230 = tpu.memref_squeeze %dma_start3A_229 : memref<1x4096xf32, #tpu.memory_space<hbm>> -> memref<4096xf32, #tpu.memory_space<hbm>>
      tpu.enqueue_dma source(%dma_start3A_230 : memref<4096xf32, #tpu.memory_space<hbm>>) target(%arg8 : memref<4096xf32, #tpu.memory_space<vmem>>) target_semaphore(%run_scoped3A : memref<!tpu.dma_semaphore, #tpu.memory_space<semaphore_mem>>)
      %dma_wait3A_231 = arith.constant 0 : i32
      %dma_wait3A_232 = tpu.memref_slice %arg2[%select_n3A, %dma_wait3A_231] : memref<4x12288xf32, #tpu.memory_space<hbm>> -> memref<1x4096xf32, #tpu.memory_space<hbm>>
      %dma_wait3A_233 = tpu.memref_squeeze %dma_wait3A_232 : memref<1x4096xf32, #tpu.memory_space<hbm>> -> memref<4096xf32, #tpu.memory_space<hbm>>
      %dma_wait3A_234 = arith.constant 0 : i32
      %dma_wait3A_235 = tpu.memref_slice %arg2[%select_n3A, %dma_wait3A_234] : memref<4x12288xf32, #tpu.memory_space<hbm>> -> memref<1x4096xf32, #tpu.memory_space<hbm>>
      %dma_wait3A_236 = tpu.memref_squeeze %dma_wait3A_235 : memref<1x4096xf32, #tpu.memory_space<hbm>> -> memref<4096xf32, #tpu.memory_space<hbm>>
      tpu.wait_dma2 semaphore(%run_scoped3A : memref<!tpu.dma_semaphore, #tpu.memory_space<semaphore_mem>>) src(%dma_wait3A_236 : memref<4096xf32, #tpu.memory_space<hbm>>) dst(%arg8 : memref<4096xf32, #tpu.memory_space<vmem>>)
      tpu.yield
    }) : () -> ()
    "tpu.region"() ({
      %run_scoped3A = tpu.sem_alloc : memref<!tpu.dma_semaphore, #tpu.memory_space<semaphore_mem>>
      %dma_start3A_225 = arith.constant 4096 : i32
      %dma_start3A_226 = tpu.memref_slice %arg2[%select_n3A, %dma_start3A_225] : memref<4x12288xf32, #tpu.memory_space<hbm>> -> memref<1x4096xf32, #tpu.memory_space<hbm>>
      %dma_start3A_227 = tpu.memref_squeeze %dma_start3A_226 : memref<1x4096xf32, #tpu.memory_space<hbm>> -> memref<4096xf32, #tpu.memory_space<hbm>>
      %dma_start3A_228 = arith.constant 4096 : i32
      %dma_start3A_229 = tpu.memref_slice %arg2[%select_n3A, %dma_start3A_228] : memref<4x12288xf32, #tpu.memory_space<hbm>> -> memref<1x4096xf32, #tpu.memory_space<hbm>>
      %dma_start3A_230 = tpu.memref_squeeze %dma_start3A_229 : memref<1x4096xf32, #tpu.memory_space<hbm>> -> memref<4096xf32, #tpu.memory_space<hbm>>
      tpu.enqueue_dma source(%dma_start3A_230 : memref<4096xf32, #tpu.memory_space<hbm>>) target(%arg9 : memref<4096xf32, #tpu.memory_space<vmem>>) target_semaphore(%run_scoped3A : memref<!tpu.dma_semaphore, #tpu.memory_space<semaphore_mem>>)
      %dma_wait3A_231 = arith.constant 4096 : i32
      %dma_wait3A_232 = tpu.memref_slice %arg2[%select_n3A, %dma_wait3A_231] : memref<4x12288xf32, #tpu.memory_space<hbm>> -> memref<1x4096xf32, #tpu.memory_space<hbm>>
      %dma_wait3A_233 = tpu.memref_squeeze %dma_wait3A_232 : memref<1x4096xf32, #tpu.memory_space<hbm>> -> memref<4096xf32, #tpu.memory_space<hbm>>
      %dma_wait3A_234 = arith.constant 4096 : i32
      %dma_wait3A_235 = tpu.memref_slice %arg2[%select_n3A, %dma_wait3A_234] : memref<4x12288xf32, #tpu.memory_space<hbm>> -> memref<1x4096xf32, #tpu.memory_space<hbm>>
      %dma_wait3A_236 = tpu.memref_squeeze %dma_wait3A_235 : memref<1x4096xf32, #tpu.memory_space<hbm>> -> memref<4096xf32, #tpu.memory_space<hbm>>
      tpu.wait_dma2 semaphore(%run_scoped3A : memref<!tpu.dma_semaphore, #tpu.memory_space<semaphore_mem>>) src(%dma_wait3A_236 : memref<4096xf32, #tpu.memory_space<hbm>>) dst(%arg9 : memref<4096xf32, #tpu.memory_space<vmem>>)
      tpu.yield
    }) : () -> ()
    "tpu.region"() ({
      %run_scoped3A = tpu.sem_alloc : memref<!tpu.dma_semaphore, #tpu.memory_space<semaphore_mem>>
      %dma_start3A_225 = arith.constant 8192 : i32
      %dma_start3A_226 = tpu.memref_slice %arg2[%select_n3A, %dma_start3A_225] : memref<4x12288xf32, #tpu.memory_space<hbm>> -> memref<1x4096xf32, #tpu.memory_space<hbm>>
      %dma_start3A_227 = tpu.memref_squeeze %dma_start3A_226 : memref<1x4096xf32, #tpu.memory_space<hbm>> -> memref<4096xf32, #tpu.memory_space<hbm>>
      %dma_start3A_228 = arith.constant 8192 : i32
      %dma_start3A_229 = tpu.memref_slice %arg2[%select_n3A, %dma_start3A_228] : memref<4x12288xf32, #tpu.memory_space<hbm>> -> memref<1x4096xf32, #tpu.memory_space<hbm>>
      %dma_start3A_230 = tpu.memref_squeeze %dma_start3A_229 : memref<1x4096xf32, #tpu.memory_space<hbm>> -> memref<4096xf32, #tpu.memory_space<hbm>>
      tpu.enqueue_dma source(%dma_start3A_230 : memref<4096xf32, #tpu.memory_space<hbm>>) target(%arg10 : memref<4096xf32, #tpu.memory_space<vmem>>) target_semaphore(%run_scoped3A : memref<!tpu.dma_semaphore, #tpu.memory_space<semaphore_mem>>)
      %dma_wait3A_231 = arith.constant 8192 : i32
      %dma_wait3A_232 = tpu.memref_slice %arg2[%select_n3A, %dma_wait3A_231] : memref<4x12288xf32, #tpu.memory_space<hbm>> -> memref<1x4096xf32, #tpu.memory_space<hbm>>
      %dma_wait3A_233 = tpu.memref_squeeze %dma_wait3A_232 : memref<1x4096xf32, #tpu.memory_space<hbm>> -> memref<4096xf32, #tpu.memory_space<hbm>>
      %dma_wait3A_234 = arith.constant 8192 : i32
      %dma_wait3A_235 = tpu.memref_slice %arg2[%select_n3A, %dma_wait3A_234] : memref<4x12288xf32, #tpu.memory_space<hbm>> -> memref<1x4096xf32, #tpu.memory_space<hbm>>
      %dma_wait3A_236 = tpu.memref_squeeze %dma_wait3A_235 : memref<1x4096xf32, #tpu.memory_space<hbm>> -> memref<4096xf32, #tpu.memory_space<hbm>>
      tpu.wait_dma2 semaphore(%run_scoped3A : memref<!tpu.dma_semaphore, #tpu.memory_space<semaphore_mem>>) src(%dma_wait3A_236 : memref<4096xf32, #tpu.memory_space<hbm>>) dst(%arg10 : memref<4096xf32, #tpu.memory_space<vmem>>)
      tpu.yield
    }) : () -> ()
    %add3A_33 = arith.constant 0 : i32
    %add3A_34 = arith.addi %mul3A_32, %add3A_33 : i32
    %dma_start3A = arith.constant 0 : i32
    %dma_start3A_35 = arith.constant 0 : i32
    %dma_start3A_36 = arith.constant 0 : i32
    %dma_start3A_37 = arith.constant 0 : i32
    %dma_start3A_38 = tpu.memref_slice %arg11[%dma_start3A, %dma_start3A_36, %dma_start3A_37] : memref<2x64x128xi32, #tpu.memory_space<vmem>> -> memref<1x64x128xi32, #tpu.memory_space<vmem>>
    %dma_start3A_39 = tpu.memref_squeeze %dma_start3A_38 : memref<1x64x128xi32, #tpu.memory_space<vmem>> -> memref<64x128xi32, #tpu.memory_space<vmem>>
    %dma_start3A_40 = arith.constant 0 : i32
    %dma_start3A_41 = tpu.memref_slice %arg3[%select_n3A, %add3A_34, %dma_start3A_40] : memref<4x4096x128xi32, #tpu.memory_space<hbm>> -> memref<1x64x128xi32, #tpu.memory_space<hbm>>
    %dma_start3A_42 = tpu.memref_squeeze %dma_start3A_41 : memref<1x64x128xi32, #tpu.memory_space<hbm>> -> memref<64x128xi32, #tpu.memory_space<hbm>>
    %dma_start3A_43 = tpu.memref_slice %arg16[%dma_start3A_35] : memref<2x!tpu.dma_semaphore, #tpu.memory_space<semaphore_mem>> -> memref<1x!tpu.dma_semaphore, #tpu.memory_space<semaphore_mem>>
    %dma_start3A_44 = tpu.memref_squeeze %dma_start3A_43 : memref<1x!tpu.dma_semaphore, #tpu.memory_space<semaphore_mem>> -> memref<!tpu.dma_semaphore, #tpu.memory_space<semaphore_mem>>
    %dma_start3A_45 = arith.constant 0 : i32
    %dma_start3A_46 = arith.constant 0 : i32
    %dma_start3A_47 = tpu.memref_slice %arg11[%dma_start3A, %dma_start3A_45, %dma_start3A_46] : memref<2x64x128xi32, #tpu.memory_space<vmem>> -> memref<1x64x128xi32, #tpu.memory_space<vmem>>
    %dma_start3A_48 = tpu.memref_squeeze %dma_start3A_47 : memref<1x64x128xi32, #tpu.memory_space<vmem>> -> memref<64x128xi32, #tpu.memory_space<vmem>>
    %dma_start3A_49 = arith.constant 0 : i32
    %dma_start3A_50 = tpu.memref_slice %arg3[%select_n3A, %add3A_34, %dma_start3A_49] : memref<4x4096x128xi32, #tpu.memory_space<hbm>> -> memref<1x64x128xi32, #tpu.memory_space<hbm>>
    %dma_start3A_51 = tpu.memref_squeeze %dma_start3A_50 : memref<1x64x128xi32, #tpu.memory_space<hbm>> -> memref<64x128xi32, #tpu.memory_space<hbm>>
    tpu.enqueue_dma source(%dma_start3A_51 : memref<64x128xi32, #tpu.memory_space<hbm>>) target(%dma_start3A_48 : memref<64x128xi32, #tpu.memory_space<vmem>>) target_semaphore(%dma_start3A_44 : memref<!tpu.dma_semaphore, #tpu.memory_space<semaphore_mem>>)
    %dma_start3A_52 = arith.constant 0 : i32
    %dma_start3A_53 = arith.constant 0 : i32
    %dma_start3A_54 = arith.constant 0 : i32
    %dma_start3A_55 = arith.constant 0 : i32
    %dma_start3A_56 = tpu.memref_slice %arg12[%dma_start3A_52, %dma_start3A_54, %dma_start3A_55] : memref<2x64x128xi32, #tpu.memory_space<vmem>> -> memref<1x64x128xi32, #tpu.memory_space<vmem>>
    %dma_start3A_57 = tpu.memref_squeeze %dma_start3A_56 : memref<1x64x128xi32, #tpu.memory_space<vmem>> -> memref<64x128xi32, #tpu.memory_space<vmem>>
    %dma_start3A_58 = arith.constant 0 : i32
    %dma_start3A_59 = tpu.memref_slice %arg4[%select_n3A, %add3A_34, %dma_start3A_58] : memref<4x4096x128xi32, #tpu.memory_space<hbm>> -> memref<1x64x128xi32, #tpu.memory_space<hbm>>
    %dma_start3A_60 = tpu.memref_squeeze %dma_start3A_59 : memref<1x64x128xi32, #tpu.memory_space<hbm>> -> memref<64x128xi32, #tpu.memory_space<hbm>>
    %dma_start3A_61 = tpu.memref_slice %arg16[%dma_start3A_53] : memref<2x!tpu.dma_semaphore, #tpu.memory_space<semaphore_mem>> -> memref<1x!tpu.dma_semaphore, #tpu.memory_space<semaphore_mem>>
    %dma_start3A_62 = tpu.memref_squeeze %dma_start3A_61 : memref<1x!tpu.dma_semaphore, #tpu.memory_space<semaphore_mem>> -> memref<!tpu.dma_semaphore, #tpu.memory_space<semaphore_mem>>
    %dma_start3A_63 = arith.constant 0 : i32
    %dma_start3A_64 = arith.constant 0 : i32
    %dma_start3A_65 = tpu.memref_slice %arg12[%dma_start3A_52, %dma_start3A_63, %dma_start3A_64] : memref<2x64x128xi32, #tpu.memory_space<vmem>> -> memref<1x64x128xi32, #tpu.memory_space<vmem>>
    %dma_start3A_66 = tpu.memref_squeeze %dma_start3A_65 : memref<1x64x128xi32, #tpu.memory_space<vmem>> -> memref<64x128xi32, #tpu.memory_space<vmem>>
    %dma_start3A_67 = arith.constant 0 : i32
    %dma_start3A_68 = tpu.memref_slice %arg4[%select_n3A, %add3A_34, %dma_start3A_67] : memref<4x4096x128xi32, #tpu.memory_space<hbm>> -> memref<1x64x128xi32, #tpu.memory_space<hbm>>
    %dma_start3A_69 = tpu.memref_squeeze %dma_start3A_68 : memref<1x64x128xi32, #tpu.memory_space<hbm>> -> memref<64x128xi32, #tpu.memory_space<hbm>>
    tpu.enqueue_dma source(%dma_start3A_69 : memref<64x128xi32, #tpu.memory_space<hbm>>) target(%dma_start3A_66 : memref<64x128xi32, #tpu.memory_space<vmem>>) target_semaphore(%dma_start3A_62 : memref<!tpu.dma_semaphore, #tpu.memory_space<semaphore_mem>>)
    %add3A_70 = arith.constant 64 : i32
    %add3A_71 = arith.addi %mul3A_32, %add3A_70 : i32
    %dma_start3A_72 = arith.constant 1 : i32
    %dma_start3A_73 = arith.constant 1 : i32
    %dma_start3A_74 = arith.constant 0 : i32
    %dma_start3A_75 = arith.constant 0 : i32
    %dma_start3A_76 = tpu.memref_slice %arg11[%dma_start3A_72, %dma_start3A_74, %dma_start3A_75] : memref<2x64x128xi32, #tpu.memory_space<vmem>> -> memref<1x64x128xi32, #tpu.memory_space<vmem>>
    %dma_start3A_77 = tpu.memref_squeeze %dma_start3A_76 : memref<1x64x128xi32, #tpu.memory_space<vmem>> -> memref<64x128xi32, #tpu.memory_space<vmem>>
    %dma_start3A_78 = arith.constant 0 : i32
    %dma_start3A_79 = tpu.memref_slice %arg3[%select_n3A, %add3A_71, %dma_start3A_78] : memref<4x4096x128xi32, #tpu.memory_space<hbm>> -> memref<1x64x128xi32, #tpu.memory_space<hbm>>
    %dma_start3A_80 = tpu.memref_squeeze %dma_start3A_79 : memref<1x64x128xi32, #tpu.memory_space<hbm>> -> memref<64x128xi32, #tpu.memory_space<hbm>>
    %dma_start3A_81 = tpu.memref_slice %arg16[%dma_start3A_73] : memref<2x!tpu.dma_semaphore, #tpu.memory_space<semaphore_mem>> -> memref<1x!tpu.dma_semaphore, #tpu.memory_space<semaphore_mem>>
    %dma_start3A_82 = tpu.memref_squeeze %dma_start3A_81 : memref<1x!tpu.dma_semaphore, #tpu.memory_space<semaphore_mem>> -> memref<!tpu.dma_semaphore, #tpu.memory_space<semaphore_mem>>
    %dma_start3A_83 = arith.constant 0 : i32
    %dma_start3A_84 = arith.constant 0 : i32
    %dma_start3A_85 = tpu.memref_slice %arg11[%dma_start3A_72, %dma_start3A_83, %dma_start3A_84] : memref<2x64x128xi32, #tpu.memory_space<vmem>> -> memref<1x64x128xi32, #tpu.memory_space<vmem>>
    %dma_start3A_86 = tpu.memref_squeeze %dma_start3A_85 : memref<1x64x128xi32, #tpu.memory_space<vmem>> -> memref<64x128xi32, #tpu.memory_space<vmem>>
    %dma_start3A_87 = arith.constant 0 : i32
    %dma_start3A_88 = tpu.memref_slice %arg3[%select_n3A, %add3A_71, %dma_start3A_87] : memref<4x4096x128xi32, #tpu.memory_space<hbm>> -> memref<1x64x128xi32, #tpu.memory_space<hbm>>
    %dma_start3A_89 = tpu.memref_squeeze %dma_start3A_88 : memref<1x64x128xi32, #tpu.memory_space<hbm>> -> memref<64x128xi32, #tpu.memory_space<hbm>>
    tpu.enqueue_dma source(%dma_start3A_89 : memref<64x128xi32, #tpu.memory_space<hbm>>) target(%dma_start3A_86 : memref<64x128xi32, #tpu.memory_space<vmem>>) target_semaphore(%dma_start3A_82 : memref<!tpu.dma_semaphore, #tpu.memory_space<semaphore_mem>>)
    %dma_start3A_90 = arith.constant 1 : i32
    %dma_start3A_91 = arith.constant 1 : i32
    %dma_start3A_92 = arith.constant 0 : i32
    %dma_start3A_93 = arith.constant 0 : i32
    %dma_start3A_94 = tpu.memref_slice %arg12[%dma_start3A_90, %dma_start3A_92, %dma_start3A_93] : memref<2x64x128xi32, #tpu.memory_space<vmem>> -> memref<1x64x128xi32, #tpu.memory_space<vmem>>
    %dma_start3A_95 = tpu.memref_squeeze %dma_start3A_94 : memref<1x64x128xi32, #tpu.memory_space<vmem>> -> memref<64x128xi32, #tpu.memory_space<vmem>>
    %dma_start3A_96 = arith.constant 0 : i32
    %dma_start3A_97 = tpu.memref_slice %arg4[%select_n3A, %add3A_71, %dma_start3A_96] : memref<4x4096x128xi32, #tpu.memory_space<hbm>> -> memref<1x64x128xi32, #tpu.memory_space<hbm>>
    %dma_start3A_98 = tpu.memref_squeeze %dma_start3A_97 : memref<1x64x128xi32, #tpu.memory_space<hbm>> -> memref<64x128xi32, #tpu.memory_space<hbm>>
    %dma_start3A_99 = tpu.memref_slice %arg16[%dma_start3A_91] : memref<2x!tpu.dma_semaphore, #tpu.memory_space<semaphore_mem>> -> memref<1x!tpu.dma_semaphore, #tpu.memory_space<semaphore_mem>>
    %dma_start3A_100 = tpu.memref_squeeze %dma_start3A_99 : memref<1x!tpu.dma_semaphore, #tpu.memory_space<semaphore_mem>> -> memref<!tpu.dma_semaphore, #tpu.memory_space<semaphore_mem>>
    %dma_start3A_101 = arith.constant 0 : i32
    %dma_start3A_102 = arith.constant 0 : i32
    %dma_start3A_103 = tpu.memref_slice %arg12[%dma_start3A_90, %dma_start3A_101, %dma_start3A_102] : memref<2x64x128xi32, #tpu.memory_space<vmem>> -> memref<1x64x128xi32, #tpu.memory_space<vmem>>
    %dma_start3A_104 = tpu.memref_squeeze %dma_start3A_103 : memref<1x64x128xi32, #tpu.memory_space<vmem>> -> memref<64x128xi32, #tpu.memory_space<vmem>>
    %dma_start3A_105 = arith.constant 0 : i32
    %dma_start3A_106 = tpu.memref_slice %arg4[%select_n3A, %add3A_71, %dma_start3A_105] : memref<4x4096x128xi32, #tpu.memory_space<hbm>> -> memref<1x64x128xi32, #tpu.memory_space<hbm>>
    %dma_start3A_107 = tpu.memref_squeeze %dma_start3A_106 : memref<1x64x128xi32, #tpu.memory_space<hbm>> -> memref<64x128xi32, #tpu.memory_space<hbm>>
    tpu.enqueue_dma source(%dma_start3A_107 : memref<64x128xi32, #tpu.memory_space<hbm>>) target(%dma_start3A_104 : memref<64x128xi32, #tpu.memory_space<vmem>>) target_semaphore(%dma_start3A_100 : memref<!tpu.dma_semaphore, #tpu.memory_space<semaphore_mem>>)
    %scan3A = arith.constant 0 : i32
    %scan3A_108 = arith.constant 0 : i32
    %scan3A_109 = arith.constant 4 : i32
    %scan3A_110 = arith.addi %scan3A_108, %scan3A_109 : i32
    %scan3A_111 = arith.constant 1 : i32
    %scan3A_112 = scf.for %scan3A_225 = %scan3A_108 to %scan3A_110 step %scan3A_111 iter_args(%scan3A_226 = %scan3A) -> (i32)  : i32 {
      %mul3A_227 = arith.constant 2 : i32
      %mul3A_228 = arith.muli %mul3A_227, %scan3A_225 : i32
      %add3A_229 = arith.constant 0 : i32
      %add3A_230 = arith.addi %mul3A_228, %add3A_229 : i32
      %mul3A_231 = arith.constant 64 : i32
      %mul3A_232 = arith.muli %add3A_230, %mul3A_231 : i32
      %add3A_233 = arith.addi %mul3A_32, %mul3A_232 : i32
      %mul3A_234 = arith.constant 64 : i32
      %mul3A_235 = arith.muli %add3A_230, %mul3A_234 : i32
      %add3A_236 = arith.addi %mul3A_32, %mul3A_235 : i32
      %dma_wait3A_237 = arith.constant 0 : i32
      %dma_wait3A_238 = arith.constant 0 : i32
      %dma_wait3A_239 = arith.constant 0 : i32
      %dma_wait3A_240 = arith.constant 0 : i32
      %dma_wait3A_241 = tpu.memref_slice %arg11[%dma_wait3A_237, %dma_wait3A_239, %dma_wait3A_240] : memref<2x64x128xi32, #tpu.memory_space<vmem>> -> memref<1x64x128xi32, #tpu.memory_space<vmem>>
      %dma_wait3A_242 = tpu.memref_squeeze %dma_wait3A_241 : memref<1x64x128xi32, #tpu.memory_space<vmem>> -> memref<64x128xi32, #tpu.memory_space<vmem>>
      %dma_wait3A_243 = arith.constant 0 : i32
      %dma_wait3A_244 = tpu.memref_slice %arg3[%select_n3A, %add3A_236, %dma_wait3A_243] : memref<4x4096x128xi32, #tpu.memory_space<hbm>> -> memref<1x64x128xi32, #tpu.memory_space<hbm>>
      %dma_wait3A_245 = tpu.memref_squeeze %dma_wait3A_244 : memref<1x64x128xi32, #tpu.memory_space<hbm>> -> memref<64x128xi32, #tpu.memory_space<hbm>>
      %dma_wait3A_246 = tpu.memref_slice %arg16[%dma_wait3A_238] : memref<2x!tpu.dma_semaphore, #tpu.memory_space<semaphore_mem>> -> memref<1x!tpu.dma_semaphore, #tpu.memory_space<semaphore_mem>>
      %dma_wait3A_247 = tpu.memref_squeeze %dma_wait3A_246 : memref<1x!tpu.dma_semaphore, #tpu.memory_space<semaphore_mem>> -> memref<!tpu.dma_semaphore, #tpu.memory_space<semaphore_mem>>
      %dma_wait3A_248 = arith.constant 0 : i32
      %dma_wait3A_249 = arith.constant 0 : i32
      %dma_wait3A_250 = tpu.memref_slice %arg11[%dma_wait3A_237, %dma_wait3A_248, %dma_wait3A_249] : memref<2x64x128xi32, #tpu.memory_space<vmem>> -> memref<1x64x128xi32, #tpu.memory_space<vmem>>
      %dma_wait3A_251 = tpu.memref_squeeze %dma_wait3A_250 : memref<1x64x128xi32, #tpu.memory_space<vmem>> -> memref<64x128xi32, #tpu.memory_space<vmem>>
      %dma_wait3A_252 = arith.constant 0 : i32
      %dma_wait3A_253 = tpu.memref_slice %arg3[%select_n3A, %add3A_236, %dma_wait3A_252] : memref<4x4096x128xi32, #tpu.memory_space<hbm>> -> memref<1x64x128xi32, #tpu.memory_space<hbm>>
      %dma_wait3A_254 = tpu.memref_squeeze %dma_wait3A_253 : memref<1x64x128xi32, #tpu.memory_space<hbm>> -> memref<64x128xi32, #tpu.memory_space<hbm>>
      tpu.wait_dma2 semaphore(%dma_wait3A_247 : memref<!tpu.dma_semaphore, #tpu.memory_space<semaphore_mem>>) src(%dma_wait3A_254 : memref<64x128xi32, #tpu.memory_space<hbm>>) dst(%dma_wait3A_251 : memref<64x128xi32, #tpu.memory_space<vmem>>)
      %dma_wait3A_255 = arith.constant 0 : i32
      %dma_wait3A_256 = arith.constant 0 : i32
      %dma_wait3A_257 = arith.constant 0 : i32
      %dma_wait3A_258 = arith.constant 0 : i32
      %dma_wait3A_259 = tpu.memref_slice %arg12[%dma_wait3A_255, %dma_wait3A_257, %dma_wait3A_258] : memref<2x64x128xi32, #tpu.memory_space<vmem>> -> memref<1x64x128xi32, #tpu.memory_space<vmem>>
      %dma_wait3A_260 = tpu.memref_squeeze %dma_wait3A_259 : memref<1x64x128xi32, #tpu.memory_space<vmem>> -> memref<64x128xi32, #tpu.memory_space<vmem>>
      %dma_wait3A_261 = arith.constant 0 : i32
      %dma_wait3A_262 = tpu.memref_slice %arg4[%select_n3A, %add3A_236, %dma_wait3A_261] : memref<4x4096x128xi32, #tpu.memory_space<hbm>> -> memref<1x64x128xi32, #tpu.memory_space<hbm>>
      %dma_wait3A_263 = tpu.memref_squeeze %dma_wait3A_262 : memref<1x64x128xi32, #tpu.memory_space<hbm>> -> memref<64x128xi32, #tpu.memory_space<hbm>>
      %dma_wait3A_264 = tpu.memref_slice %arg16[%dma_wait3A_256] : memref<2x!tpu.dma_semaphore, #tpu.memory_space<semaphore_mem>> -> memref<1x!tpu.dma_semaphore, #tpu.memory_space<semaphore_mem>>
      %dma_wait3A_265 = tpu.memref_squeeze %dma_wait3A_264 : memref<1x!tpu.dma_semaphore, #tpu.memory_space<semaphore_mem>> -> memref<!tpu.dma_semaphore, #tpu.memory_space<semaphore_mem>>
      %dma_wait3A_266 = arith.constant 0 : i32
      %dma_wait3A_267 = arith.constant 0 : i32
      %dma_wait3A_268 = tpu.memref_slice %arg12[%dma_wait3A_255, %dma_wait3A_266, %dma_wait3A_267] : memref<2x64x128xi32, #tpu.memory_space<vmem>> -> memref<1x64x128xi32, #tpu.memory_space<vmem>>
      %dma_wait3A_269 = tpu.memref_squeeze %dma_wait3A_268 : memref<1x64x128xi32, #tpu.memory_space<vmem>> -> memref<64x128xi32, #tpu.memory_space<vmem>>
      %dma_wait3A_270 = arith.constant 0 : i32
      %dma_wait3A_271 = tpu.memref_slice %arg4[%select_n3A, %add3A_236, %dma_wait3A_270] : memref<4x4096x128xi32, #tpu.memory_space<hbm>> -> memref<1x64x128xi32, #tpu.memory_space<hbm>>
      %dma_wait3A_272 = tpu.memref_squeeze %dma_wait3A_271 : memref<1x64x128xi32, #tpu.memory_space<hbm>> -> memref<64x128xi32, #tpu.memory_space<hbm>>
      tpu.wait_dma2 semaphore(%dma_wait3A_265 : memref<!tpu.dma_semaphore, #tpu.memory_space<semaphore_mem>>) src(%dma_wait3A_272 : memref<64x128xi32, #tpu.memory_space<hbm>>) dst(%dma_wait3A_269 : memref<64x128xi32, #tpu.memory_space<vmem>>)
      %gt3A = arith.constant 0 : i32
      %gt3A_273 = arith.cmpi sgt, %scan3A_225, %gt3A : i32
      %convert_element_type3A = arith.extui %gt3A_273 : i1 to i32
      %cond3A = arith.constant 0 : i32
      %cond3A_274 = arith.cmpi ne, %convert_element_type3A, %cond3A : i32
      scf.if %cond3A_274 {
        %sub3A_460 = arith.constant 2 : i32
        %sub3A_461 = arith.subi %add3A_230, %sub3A_460 : i32
        %mul3A_462 = arith.constant 64 : i32
        %mul3A_463 = arith.muli %sub3A_461, %mul3A_462 : i32
        %add3A_464 = arith.addi %mul3A_32, %mul3A_463 : i32
        %dma_wait3A_465 = arith.constant 0 : i32
        %dma_wait3A_466 = arith.constant 0 : i32
        %dma_wait3A_467 = arith.constant 0 : i32
        %dma_wait3A_468 = arith.constant 0 : i32
        %dma_wait3A_469 = tpu.memref_slice %arg13[%dma_wait3A_465, %dma_wait3A_467, %dma_wait3A_468] : memref<2x64x128xf32, #tpu.memory_space<vmem>> -> memref<1x64x128xf32, #tpu.memory_space<vmem>>
        %dma_wait3A_470 = tpu.memref_squeeze %dma_wait3A_469 : memref<1x64x128xf32, #tpu.memory_space<vmem>> -> memref<64x128xf32, #tpu.memory_space<vmem>>
        %dma_wait3A_471 = arith.constant 0 : i32
        %dma_wait3A_472 = tpu.memref_slice %arg5[%select_n3A, %add3A_464, %dma_wait3A_471] : memref<4x4096x128xf32, #tpu.memory_space<hbm>> -> memref<1x64x128xf32, #tpu.memory_space<hbm>>
        %dma_wait3A_473 = tpu.memref_squeeze %dma_wait3A_472 : memref<1x64x128xf32, #tpu.memory_space<hbm>> -> memref<64x128xf32, #tpu.memory_space<hbm>>
        %dma_wait3A_474 = tpu.memref_slice %arg17[%dma_wait3A_466] : memref<2x!tpu.dma_semaphore, #tpu.memory_space<semaphore_mem>> -> memref<1x!tpu.dma_semaphore, #tpu.memory_space<semaphore_mem>>
        %dma_wait3A_475 = tpu.memref_squeeze %dma_wait3A_474 : memref<1x!tpu.dma_semaphore, #tpu.memory_space<semaphore_mem>> -> memref<!tpu.dma_semaphore, #tpu.memory_space<semaphore_mem>>
        %dma_wait3A_476 = arith.constant 0 : i32
        %dma_wait3A_477 = tpu.memref_slice %arg5[%select_n3A, %add3A_464, %dma_wait3A_476] : memref<4x4096x128xf32, #tpu.memory_space<hbm>> -> memref<1x64x128xf32, #tpu.memory_space<hbm>>
        %dma_wait3A_478 = tpu.memref_squeeze %dma_wait3A_477 : memref<1x64x128xf32, #tpu.memory_space<hbm>> -> memref<64x128xf32, #tpu.memory_space<hbm>>
        %dma_wait3A_479 = arith.constant 0 : i32
        %dma_wait3A_480 = arith.constant 0 : i32
        %dma_wait3A_481 = tpu.memref_slice %arg13[%dma_wait3A_465, %dma_wait3A_479, %dma_wait3A_480] : memref<2x64x128xf32, #tpu.memory_space<vmem>> -> memref<1x64x128xf32, #tpu.memory_space<vmem>>
        %dma_wait3A_482 = tpu.memref_squeeze %dma_wait3A_481 : memref<1x64x128xf32, #tpu.memory_space<vmem>> -> memref<64x128xf32, #tpu.memory_space<vmem>>
        tpu.wait_dma2 semaphore(%dma_wait3A_475 : memref<!tpu.dma_semaphore, #tpu.memory_space<semaphore_mem>>) src(%dma_wait3A_482 : memref<64x128xf32, #tpu.memory_space<vmem>>) dst(%dma_wait3A_478 : memref<64x128xf32, #tpu.memory_space<hbm>>)
        %dma_wait3A_483 = arith.constant 0 : i32
        %dma_wait3A_484 = arith.constant 0 : i32
        %dma_wait3A_485 = arith.constant 0 : i32
        %dma_wait3A_486 = arith.constant 0 : i32
        %dma_wait3A_487 = tpu.memref_slice %arg14[%dma_wait3A_483, %dma_wait3A_485, %dma_wait3A_486] : memref<2x64x128xf32, #tpu.memory_space<vmem>> -> memref<1x64x128xf32, #tpu.memory_space<vmem>>
        %dma_wait3A_488 = tpu.memref_squeeze %dma_wait3A_487 : memref<1x64x128xf32, #tpu.memory_space<vmem>> -> memref<64x128xf32, #tpu.memory_space<vmem>>
        %dma_wait3A_489 = arith.constant 0 : i32
        %dma_wait3A_490 = tpu.memref_slice %arg6[%select_n3A, %add3A_464, %dma_wait3A_489] : memref<4x4096x128xf32, #tpu.memory_space<hbm>> -> memref<1x64x128xf32, #tpu.memory_space<hbm>>
        %dma_wait3A_491 = tpu.memref_squeeze %dma_wait3A_490 : memref<1x64x128xf32, #tpu.memory_space<hbm>> -> memref<64x128xf32, #tpu.memory_space<hbm>>
        %dma_wait3A_492 = tpu.memref_slice %arg17[%dma_wait3A_484] : memref<2x!tpu.dma_semaphore, #tpu.memory_space<semaphore_mem>> -> memref<1x!tpu.dma_semaphore, #tpu.memory_space<semaphore_mem>>
        %dma_wait3A_493 = tpu.memref_squeeze %dma_wait3A_492 : memref<1x!tpu.dma_semaphore, #tpu.memory_space<semaphore_mem>> -> memref<!tpu.dma_semaphore, #tpu.memory_space<semaphore_mem>>
        %dma_wait3A_494 = arith.constant 0 : i32
        %dma_wait3A_495 = tpu.memref_slice %arg6[%select_n3A, %add3A_464, %dma_wait3A_494] : memref<4x4096x128xf32, #tpu.memory_space<hbm>> -> memref<1x64x128xf32, #tpu.memory_space<hbm>>
        %dma_wait3A_496 = tpu.memref_squeeze %dma_wait3A_495 : memref<1x64x128xf32, #tpu.memory_space<hbm>> -> memref<64x128xf32, #tpu.memory_space<hbm>>
        %dma_wait3A_497 = arith.constant 0 : i32
        %dma_wait3A_498 = arith.constant 0 : i32
        %dma_wait3A_499 = tpu.memref_slice %arg14[%dma_wait3A_483, %dma_wait3A_497, %dma_wait3A_498] : memref<2x64x128xf32, #tpu.memory_space<vmem>> -> memref<1x64x128xf32, #tpu.memory_space<vmem>>
        %dma_wait3A_500 = tpu.memref_squeeze %dma_wait3A_499 : memref<1x64x128xf32, #tpu.memory_space<vmem>> -> memref<64x128xf32, #tpu.memory_space<vmem>>
        tpu.wait_dma2 semaphore(%dma_wait3A_493 : memref<!tpu.dma_semaphore, #tpu.memory_space<semaphore_mem>>) src(%dma_wait3A_500 : memref<64x128xf32, #tpu.memory_space<vmem>>) dst(%dma_wait3A_496 : memref<64x128xf32, #tpu.memory_space<hbm>>)
        %dma_wait3A_501 = arith.constant 0 : i32
        %dma_wait3A_502 = arith.constant 0 : i32
        %dma_wait3A_503 = arith.constant 0 : i32
        %dma_wait3A_504 = arith.constant 0 : i32
        %dma_wait3A_505 = tpu.memref_slice %arg15[%dma_wait3A_501, %dma_wait3A_503, %dma_wait3A_504] : memref<2x64x128xf32, #tpu.memory_space<vmem>> -> memref<1x64x128xf32, #tpu.memory_space<vmem>>
        %dma_wait3A_506 = tpu.memref_squeeze %dma_wait3A_505 : memref<1x64x128xf32, #tpu.memory_space<vmem>> -> memref<64x128xf32, #tpu.memory_space<vmem>>
        %dma_wait3A_507 = arith.constant 0 : i32
        %dma_wait3A_508 = tpu.memref_slice %arg7[%select_n3A, %add3A_464, %dma_wait3A_507] : memref<4x4096x128xf32, #tpu.memory_space<hbm>> -> memref<1x64x128xf32, #tpu.memory_space<hbm>>
        %dma_wait3A_509 = tpu.memref_squeeze %dma_wait3A_508 : memref<1x64x128xf32, #tpu.memory_space<hbm>> -> memref<64x128xf32, #tpu.memory_space<hbm>>
        %dma_wait3A_510 = tpu.memref_slice %arg17[%dma_wait3A_502] : memref<2x!tpu.dma_semaphore, #tpu.memory_space<semaphore_mem>> -> memref<1x!tpu.dma_semaphore, #tpu.memory_space<semaphore_mem>>
        %dma_wait3A_511 = tpu.memref_squeeze %dma_wait3A_510 : memref<1x!tpu.dma_semaphore, #tpu.memory_space<semaphore_mem>> -> memref<!tpu.dma_semaphore, #tpu.memory_space<semaphore_mem>>
        %dma_wait3A_512 = arith.constant 0 : i32
        %dma_wait3A_513 = tpu.memref_slice %arg7[%select_n3A, %add3A_464, %dma_wait3A_512] : memref<4x4096x128xf32, #tpu.memory_space<hbm>> -> memref<1x64x128xf32, #tpu.memory_space<hbm>>
        %dma_wait3A_514 = tpu.memref_squeeze %dma_wait3A_513 : memref<1x64x128xf32, #tpu.memory_space<hbm>> -> memref<64x128xf32, #tpu.memory_space<hbm>>
        %dma_wait3A_515 = arith.constant 0 : i32
        %dma_wait3A_516 = arith.constant 0 : i32
        %dma_wait3A_517 = tpu.memref_slice %arg15[%dma_wait3A_501, %dma_wait3A_515, %dma_wait3A_516] : memref<2x64x128xf32, #tpu.memory_space<vmem>> -> memref<1x64x128xf32, #tpu.memory_space<vmem>>
        %dma_wait3A_518 = tpu.memref_squeeze %dma_wait3A_517 : memref<1x64x128xf32, #tpu.memory_space<vmem>> -> memref<64x128xf32, #tpu.memory_space<vmem>>
        tpu.wait_dma2 semaphore(%dma_wait3A_511 : memref<!tpu.dma_semaphore, #tpu.memory_space<semaphore_mem>>) src(%dma_wait3A_518 : memref<64x128xf32, #tpu.memory_space<vmem>>) dst(%dma_wait3A_514 : memref<64x128xf32, #tpu.memory_space<hbm>>)
      } else {
      }
      %parallel_loop3A = arith.constant 0 : i32
      %parallel_loop3A_275 = arith.constant 64 : i32
      %parallel_loop3A_276 = arith.constant 1 : i32
      scf.for %parallel_loop3A_460 = %parallel_loop3A to %parallel_loop3A_275 step %parallel_loop3A_276  : i32 {
        %parallel_loop3A_461 = arith.addi %add3A_233, %parallel_loop3A_460 : i32
        %parallel_loop3A_462 = vector.broadcast %parallel_loop3A_461 : i32 to vector<16xi32>
        %parallel_loop3A_463 = tpu.vector_load_idx %arg8[%parallel_loop3A_462] : memref<4096xf32, #tpu.memory_space<vmem>>[vector<16xi32>], vector<16xf32>,
        %parallel_loop3A_464 = tpu.vector_load_idx %arg9[%parallel_loop3A_462] : memref<4096xf32, #tpu.memory_space<vmem>>[vector<16xi32>], vector<16xf32>,
        %parallel_loop3A_465 = tpu.vector_load_idx %arg10[%parallel_loop3A_462] : memref<4096xf32, #tpu.memory_space<vmem>>[vector<16xi32>], vector<16xf32>,
        %parallel_loop3A_466 = arith.constant 0 : i32
        %parallel_loop3A_467 = arith.index_cast %parallel_loop3A_466 : i32 to index
        %parallel_loop3A_468 = arith.index_cast %parallel_loop3A_460 : i32 to index
        %parallel_loop3A_469 = arith.constant 0 : index
        %parallel_loop3A_470 = tpu.vector_load %arg11[%parallel_loop3A_467, %parallel_loop3A_468, %parallel_loop3A_469] {strides = array<i32>} : memref<2x64x128xi32, #tpu.memory_space<vmem>>, vector<16xi32>,
        %parallel_loop3A_471 = arith.constant 0 : i32
        %parallel_loop3A_472 = arith.index_cast %parallel_loop3A_471 : i32 to index
        %parallel_loop3A_473 = arith.index_cast %parallel_loop3A_460 : i32 to index
        %parallel_loop3A_474 = arith.constant 0 : index
        %parallel_loop3A_475 = tpu.vector_load %arg12[%parallel_loop3A_472, %parallel_loop3A_473, %parallel_loop3A_474] {strides = array<i32>} : memref<2x64x128xi32, #tpu.memory_space<vmem>>, vector<16xi32>,
        %parallel_loop3A_476 = tpu.vector_load_idx %arg8[%parallel_loop3A_470] : memref<4096xf32, #tpu.memory_space<vmem>>[vector<16xi32>], vector<16xf32>,
        %parallel_loop3A_477 = tpu.vector_load_idx %arg9[%parallel_loop3A_470] : memref<4096xf32, #tpu.memory_space<vmem>>[vector<16xi32>], vector<16xf32>,
        %parallel_loop3A_478 = tpu.vector_load_idx %arg10[%parallel_loop3A_470] : memref<4096xf32, #tpu.memory_space<vmem>>[vector<16xi32>], vector<16xf32>,
        %parallel_loop3A_479 = tpu.vector_load_idx %arg8[%parallel_loop3A_475] : memref<4096xf32, #tpu.memory_space<vmem>>[vector<16xi32>], vector<16xf32>,
        %parallel_loop3A_480 = tpu.vector_load_idx %arg9[%parallel_loop3A_475] : memref<4096xf32, #tpu.memory_space<vmem>>[vector<16xi32>], vector<16xf32>,
        %parallel_loop3A_481 = tpu.vector_load_idx %arg10[%parallel_loop3A_475] : memref<4096xf32, #tpu.memory_space<vmem>>[vector<16xi32>], vector<16xf32>,
        %parallel_loop3A_482 = arith.subf %parallel_loop3A_476, %parallel_loop3A_463 : vector<16xf32>
        %parallel_loop3A_483 = arith.subf %parallel_loop3A_477, %parallel_loop3A_464 : vector<16xf32>
        %parallel_loop3A_484 = arith.subf %parallel_loop3A_478, %parallel_loop3A_465 : vector<16xf32>
        %parallel_loop3A_485 = arith.mulf %parallel_loop3A_482, %parallel_loop3A_482 : vector<16xf32>
        %parallel_loop3A_486 = arith.mulf %parallel_loop3A_483, %parallel_loop3A_483 : vector<16xf32>
        %parallel_loop3A_487 = arith.addf %parallel_loop3A_485, %parallel_loop3A_486 : vector<16xf32>
        %parallel_loop3A_488 = arith.mulf %parallel_loop3A_484, %parallel_loop3A_484 : vector<16xf32>
        %parallel_loop3A_489 = arith.addf %parallel_loop3A_487, %parallel_loop3A_488 : vector<16xf32>
        %parallel_loop3A_490 = tpu.bitcast %parallel_loop3A_489 : vector<16xf32> -> vector<16xi32>
        %parallel_loop3A_491 = arith.constant 1 : i32
        %parallel_loop3A_492 = vector.broadcast %parallel_loop3A_491 : i32 to vector<16xi32>
        %parallel_loop3A_493 = arith.shrsi %parallel_loop3A_490, %parallel_loop3A_492 : vector<16xi32>
        %parallel_loop3A_494 = arith.constant 1594578154 : i32
        %parallel_loop3A_495 = vector.broadcast %parallel_loop3A_494 : i32 to vector<16xi32>
        %parallel_loop3A_496 = arith.subi %parallel_loop3A_495, %parallel_loop3A_493 : vector<16xi32>
        %parallel_loop3A_497 = tpu.bitcast %parallel_loop3A_496 : vector<16xi32> -> vector<16xf32>
        %parallel_loop3A_498 = arith.mulf %parallel_loop3A_489, %parallel_loop3A_497 : vector<16xf32>
        %parallel_loop3A_499 = arith.mulf %parallel_loop3A_498, %parallel_loop3A_497 : vector<16xf32>
        %parallel_loop3A_500 = arith.constant 1.891200e+00 : f32
        %parallel_loop3A_501 = vector.broadcast %parallel_loop3A_500 : f32 to vector<16xf32>
        %parallel_loop3A_502 = arith.subf %parallel_loop3A_501, %parallel_loop3A_499 : vector<16xf32>
        %parallel_loop3A_503 = arith.mulf %parallel_loop3A_497, %parallel_loop3A_502 : vector<16xf32>
        %parallel_loop3A_504 = arith.mulf %parallel_loop3A_489, %parallel_loop3A_503 : vector<16xf32>
        %parallel_loop3A_505 = arith.constant 0 : i32
        %parallel_loop3A_506 = arith.index_cast %parallel_loop3A_505 : i32 to index
        %parallel_loop3A_507 = arith.index_cast %parallel_loop3A_460 : i32 to index
        %parallel_loop3A_508 = arith.constant 0 : index
        %parallel_loop3A_509 = tpu.vector_load %arg13[%parallel_loop3A_506, %parallel_loop3A_507, %parallel_loop3A_508] {strides = array<i32>} : memref<2x64x128xf32, #tpu.memory_space<vmem>>, vector<16xf32>,
        tpu.vector_store %arg13[%parallel_loop3A_506, %parallel_loop3A_507, %parallel_loop3A_508], %parallel_loop3A_504 {strides = array<i32>} : memref<2x64x128xf32, #tpu.memory_space<vmem>>, vector<16xf32>,
        %parallel_loop3A_510 = arith.subf %parallel_loop3A_479, %parallel_loop3A_463 : vector<16xf32>
        %parallel_loop3A_511 = arith.subf %parallel_loop3A_480, %parallel_loop3A_464 : vector<16xf32>
        %parallel_loop3A_512 = arith.subf %parallel_loop3A_481, %parallel_loop3A_465 : vector<16xf32>
        %parallel_loop3A_513 = arith.mulf %parallel_loop3A_510, %parallel_loop3A_510 : vector<16xf32>
        %parallel_loop3A_514 = arith.mulf %parallel_loop3A_511, %parallel_loop3A_511 : vector<16xf32>
        %parallel_loop3A_515 = arith.addf %parallel_loop3A_513, %parallel_loop3A_514 : vector<16xf32>
        %parallel_loop3A_516 = arith.mulf %parallel_loop3A_512, %parallel_loop3A_512 : vector<16xf32>
        %parallel_loop3A_517 = arith.addf %parallel_loop3A_515, %parallel_loop3A_516 : vector<16xf32>
        %parallel_loop3A_518 = tpu.bitcast %parallel_loop3A_517 : vector<16xf32> -> vector<16xi32>
        %parallel_loop3A_519 = arith.constant 1 : i32
        %parallel_loop3A_520 = vector.broadcast %parallel_loop3A_519 : i32 to vector<16xi32>
        %parallel_loop3A_521 = arith.shrsi %parallel_loop3A_518, %parallel_loop3A_520 : vector<16xi32>
        %parallel_loop3A_522 = arith.constant 1594578154 : i32
        %parallel_loop3A_523 = vector.broadcast %parallel_loop3A_522 : i32 to vector<16xi32>
        %parallel_loop3A_524 = arith.subi %parallel_loop3A_523, %parallel_loop3A_521 : vector<16xi32>
        %parallel_loop3A_525 = tpu.bitcast %parallel_loop3A_524 : vector<16xi32> -> vector<16xf32>
        %parallel_loop3A_526 = arith.mulf %parallel_loop3A_517, %parallel_loop3A_525 : vector<16xf32>
        %parallel_loop3A_527 = arith.mulf %parallel_loop3A_526, %parallel_loop3A_525 : vector<16xf32>
        %parallel_loop3A_528 = arith.constant 1.891200e+00 : f32
        %parallel_loop3A_529 = vector.broadcast %parallel_loop3A_528 : f32 to vector<16xf32>
        %parallel_loop3A_530 = arith.subf %parallel_loop3A_529, %parallel_loop3A_527 : vector<16xf32>
        %parallel_loop3A_531 = arith.mulf %parallel_loop3A_525, %parallel_loop3A_530 : vector<16xf32>
        %parallel_loop3A_532 = arith.mulf %parallel_loop3A_517, %parallel_loop3A_531 : vector<16xf32>
        %parallel_loop3A_533 = arith.constant 0 : i32
        %parallel_loop3A_534 = arith.index_cast %parallel_loop3A_533 : i32 to index
        %parallel_loop3A_535 = arith.index_cast %parallel_loop3A_460 : i32 to index
        %parallel_loop3A_536 = arith.constant 0 : index
        %parallel_loop3A_537 = tpu.vector_load %arg14[%parallel_loop3A_534, %parallel_loop3A_535, %parallel_loop3A_536] {strides = array<i32>} : memref<2x64x128xf32, #tpu.memory_space<vmem>>, vector<16xf32>,
        tpu.vector_store %arg14[%parallel_loop3A_534, %parallel_loop3A_535, %parallel_loop3A_536], %parallel_loop3A_532 {strides = array<i32>} : memref<2x64x128xf32, #tpu.memory_space<vmem>>, vector<16xf32>,
        %parallel_loop3A_538 = arith.subf %parallel_loop3A_476, %parallel_loop3A_479 : vector<16xf32>
        %parallel_loop3A_539 = arith.subf %parallel_loop3A_477, %parallel_loop3A_480 : vector<16xf32>
        %parallel_loop3A_540 = arith.subf %parallel_loop3A_478, %parallel_loop3A_481 : vector<16xf32>
        %parallel_loop3A_541 = arith.mulf %parallel_loop3A_538, %parallel_loop3A_538 : vector<16xf32>
        %parallel_loop3A_542 = arith.mulf %parallel_loop3A_539, %parallel_loop3A_539 : vector<16xf32>
        %parallel_loop3A_543 = arith.addf %parallel_loop3A_541, %parallel_loop3A_542 : vector<16xf32>
        %parallel_loop3A_544 = arith.mulf %parallel_loop3A_540, %parallel_loop3A_540 : vector<16xf32>
        %parallel_loop3A_545 = arith.addf %parallel_loop3A_543, %parallel_loop3A_544 : vector<16xf32>
        %parallel_loop3A_546 = tpu.bitcast %parallel_loop3A_545 : vector<16xf32> -> vector<16xi32>
        %parallel_loop3A_547 = arith.constant 1 : i32
        %parallel_loop3A_548 = vector.broadcast %parallel_loop3A_547 : i32 to vector<16xi32>
        %parallel_loop3A_549 = arith.shrsi %parallel_loop3A_546, %parallel_loop3A_548 : vector<16xi32>
        %parallel_loop3A_550 = arith.constant 1594578154 : i32
        %parallel_loop3A_551 = vector.broadcast %parallel_loop3A_550 : i32 to vector<16xi32>
        %parallel_loop3A_552 = arith.subi %parallel_loop3A_551, %parallel_loop3A_549 : vector<16xi32>
        %parallel_loop3A_553 = tpu.bitcast %parallel_loop3A_552 : vector<16xi32> -> vector<16xf32>
        %parallel_loop3A_554 = arith.mulf %parallel_loop3A_545, %parallel_loop3A_553 : vector<16xf32>
        %parallel_loop3A_555 = arith.mulf %parallel_loop3A_554, %parallel_loop3A_553 : vector<16xf32>
        %parallel_loop3A_556 = arith.constant 1.891200e+00 : f32
        %parallel_loop3A_557 = vector.broadcast %parallel_loop3A_556 : f32 to vector<16xf32>
        %parallel_loop3A_558 = arith.subf %parallel_loop3A_557, %parallel_loop3A_555 : vector<16xf32>
        %parallel_loop3A_559 = arith.mulf %parallel_loop3A_553, %parallel_loop3A_558 : vector<16xf32>
        %parallel_loop3A_560 = arith.mulf %parallel_loop3A_545, %parallel_loop3A_559 : vector<16xf32>
        %parallel_loop3A_561 = arith.constant 0 : i32
        %parallel_loop3A_562 = arith.index_cast %parallel_loop3A_561 : i32 to index
        %parallel_loop3A_563 = arith.index_cast %parallel_loop3A_460 : i32 to index
        %parallel_loop3A_564 = arith.constant 0 : index
        %parallel_loop3A_565 = tpu.vector_load %arg15[%parallel_loop3A_562, %parallel_loop3A_563, %parallel_loop3A_564] {strides = array<i32>} : memref<2x64x128xf32, #tpu.memory_space<vmem>>, vector<16xf32>,
        tpu.vector_store %arg15[%parallel_loop3A_562, %parallel_loop3A_563, %parallel_loop3A_564], %parallel_loop3A_560 {strides = array<i32>} : memref<2x64x128xf32, #tpu.memory_space<vmem>>, vector<16xf32>,
        %parallel_loop3A_566 = arith.constant 0 : i32
        %parallel_loop3A_567 = arith.index_cast %parallel_loop3A_566 : i32 to index
        %parallel_loop3A_568 = arith.index_cast %parallel_loop3A_460 : i32 to index
        %parallel_loop3A_569 = arith.constant 16 : index
        %parallel_loop3A_570 = tpu.vector_load %arg11[%parallel_loop3A_567, %parallel_loop3A_568, %parallel_loop3A_569] {strides = array<i32>} : memref<2x64x128xi32, #tpu.memory_space<vmem>>, vector<16xi32>,
        %parallel_loop3A_571 = arith.constant 0 : i32
        %parallel_loop3A_572 = arith.index_cast %parallel_loop3A_571 : i32 to index
        %parallel_loop3A_573 = arith.index_cast %parallel_loop3A_460 : i32 to index
        %parallel_loop3A_574 = arith.constant 16 : index
        %parallel_loop3A_575 = tpu.vector_load %arg12[%parallel_loop3A_572, %parallel_loop3A_573, %parallel_loop3A_574] {strides = array<i32>} : memref<2x64x128xi32, #tpu.memory_space<vmem>>, vector<16xi32>,
        %parallel_loop3A_576 = tpu.vector_load_idx %arg8[%parallel_loop3A_570] : memref<4096xf32, #tpu.memory_space<vmem>>[vector<16xi32>], vector<16xf32>,
        %parallel_loop3A_577 = tpu.vector_load_idx %arg9[%parallel_loop3A_570] : memref<4096xf32, #tpu.memory_space<vmem>>[vector<16xi32>], vector<16xf32>,
        %parallel_loop3A_578 = tpu.vector_load_idx %arg10[%parallel_loop3A_570] : memref<4096xf32, #tpu.memory_space<vmem>>[vector<16xi32>], vector<16xf32>,
        %parallel_loop3A_579 = tpu.vector_load_idx %arg8[%parallel_loop3A_575] : memref<4096xf32, #tpu.memory_space<vmem>>[vector<16xi32>], vector<16xf32>,
        %parallel_loop3A_580 = tpu.vector_load_idx %arg9[%parallel_loop3A_575] : memref<4096xf32, #tpu.memory_space<vmem>>[vector<16xi32>], vector<16xf32>,
        %parallel_loop3A_581 = tpu.vector_load_idx %arg10[%parallel_loop3A_575] : memref<4096xf32, #tpu.memory_space<vmem>>[vector<16xi32>], vector<16xf32>,
        %parallel_loop3A_582 = arith.subf %parallel_loop3A_576, %parallel_loop3A_463 : vector<16xf32>
        %parallel_loop3A_583 = arith.subf %parallel_loop3A_577, %parallel_loop3A_464 : vector<16xf32>
        %parallel_loop3A_584 = arith.subf %parallel_loop3A_578, %parallel_loop3A_465 : vector<16xf32>
        %parallel_loop3A_585 = arith.mulf %parallel_loop3A_582, %parallel_loop3A_582 : vector<16xf32>
        %parallel_loop3A_586 = arith.mulf %parallel_loop3A_583, %parallel_loop3A_583 : vector<16xf32>
        %parallel_loop3A_587 = arith.addf %parallel_loop3A_585, %parallel_loop3A_586 : vector<16xf32>
        %parallel_loop3A_588 = arith.mulf %parallel_loop3A_584, %parallel_loop3A_584 : vector<16xf32>
        %parallel_loop3A_589 = arith.addf %parallel_loop3A_587, %parallel_loop3A_588 : vector<16xf32>
        %parallel_loop3A_590 = tpu.bitcast %parallel_loop3A_589 : vector<16xf32> -> vector<16xi32>
        %parallel_loop3A_591 = arith.constant 1 : i32
        %parallel_loop3A_592 = vector.broadcast %parallel_loop3A_591 : i32 to vector<16xi32>
        %parallel_loop3A_593 = arith.shrsi %parallel_loop3A_590, %parallel_loop3A_592 : vector<16xi32>
        %parallel_loop3A_594 = arith.constant 1594578154 : i32
        %parallel_loop3A_595 = vector.broadcast %parallel_loop3A_594 : i32 to vector<16xi32>
        %parallel_loop3A_596 = arith.subi %parallel_loop3A_595, %parallel_loop3A_593 : vector<16xi32>
        %parallel_loop3A_597 = tpu.bitcast %parallel_loop3A_596 : vector<16xi32> -> vector<16xf32>
        %parallel_loop3A_598 = arith.mulf %parallel_loop3A_589, %parallel_loop3A_597 : vector<16xf32>
        %parallel_loop3A_599 = arith.mulf %parallel_loop3A_598, %parallel_loop3A_597 : vector<16xf32>
        %parallel_loop3A_600 = arith.constant 1.891200e+00 : f32
        %parallel_loop3A_601 = vector.broadcast %parallel_loop3A_600 : f32 to vector<16xf32>
        %parallel_loop3A_602 = arith.subf %parallel_loop3A_601, %parallel_loop3A_599 : vector<16xf32>
        %parallel_loop3A_603 = arith.mulf %parallel_loop3A_597, %parallel_loop3A_602 : vector<16xf32>
        %parallel_loop3A_604 = arith.mulf %parallel_loop3A_589, %parallel_loop3A_603 : vector<16xf32>
        %parallel_loop3A_605 = arith.constant 0 : i32
        %parallel_loop3A_606 = arith.index_cast %parallel_loop3A_605 : i32 to index
        %parallel_loop3A_607 = arith.index_cast %parallel_loop3A_460 : i32 to index
        %parallel_loop3A_608 = arith.constant 16 : index
        %parallel_loop3A_609 = tpu.vector_load %arg13[%parallel_loop3A_606, %parallel_loop3A_607, %parallel_loop3A_608] {strides = array<i32>} : memref<2x64x128xf32, #tpu.memory_space<vmem>>, vector<16xf32>,
        tpu.vector_store %arg13[%parallel_loop3A_606, %parallel_loop3A_607, %parallel_loop3A_608], %parallel_loop3A_604 {strides = array<i32>} : memref<2x64x128xf32, #tpu.memory_space<vmem>>, vector<16xf32>,
        %parallel_loop3A_610 = arith.subf %parallel_loop3A_579, %parallel_loop3A_463 : vector<16xf32>
        %parallel_loop3A_611 = arith.subf %parallel_loop3A_580, %parallel_loop3A_464 : vector<16xf32>
        %parallel_loop3A_612 = arith.subf %parallel_loop3A_581, %parallel_loop3A_465 : vector<16xf32>
        %parallel_loop3A_613 = arith.mulf %parallel_loop3A_610, %parallel_loop3A_610 : vector<16xf32>
        %parallel_loop3A_614 = arith.mulf %parallel_loop3A_611, %parallel_loop3A_611 : vector<16xf32>
        %parallel_loop3A_615 = arith.addf %parallel_loop3A_613, %parallel_loop3A_614 : vector<16xf32>
        %parallel_loop3A_616 = arith.mulf %parallel_loop3A_612, %parallel_loop3A_612 : vector<16xf32>
        %parallel_loop3A_617 = arith.addf %parallel_loop3A_615, %parallel_loop3A_616 : vector<16xf32>
        %parallel_loop3A_618 = tpu.bitcast %parallel_loop3A_617 : vector<16xf32> -> vector<16xi32>
        %parallel_loop3A_619 = arith.constant 1 : i32
        %parallel_loop3A_620 = vector.broadcast %parallel_loop3A_619 : i32 to vector<16xi32>
        %parallel_loop3A_621 = arith.shrsi %parallel_loop3A_618, %parallel_loop3A_620 : vector<16xi32>
        %parallel_loop3A_622 = arith.constant 1594578154 : i32
        %parallel_loop3A_623 = vector.broadcast %parallel_loop3A_622 : i32 to vector<16xi32>
        %parallel_loop3A_624 = arith.subi %parallel_loop3A_623, %parallel_loop3A_621 : vector<16xi32>
        %parallel_loop3A_625 = tpu.bitcast %parallel_loop3A_624 : vector<16xi32> -> vector<16xf32>
        %parallel_loop3A_626 = arith.mulf %parallel_loop3A_617, %parallel_loop3A_625 : vector<16xf32>
        %parallel_loop3A_627 = arith.mulf %parallel_loop3A_626, %parallel_loop3A_625 : vector<16xf32>
        %parallel_loop3A_628 = arith.constant 1.891200e+00 : f32
        %parallel_loop3A_629 = vector.broadcast %parallel_loop3A_628 : f32 to vector<16xf32>
        %parallel_loop3A_630 = arith.subf %parallel_loop3A_629, %parallel_loop3A_627 : vector<16xf32>
        %parallel_loop3A_631 = arith.mulf %parallel_loop3A_625, %parallel_loop3A_630 : vector<16xf32>
        %parallel_loop3A_632 = arith.mulf %parallel_loop3A_617, %parallel_loop3A_631 : vector<16xf32>
        %parallel_loop3A_633 = arith.constant 0 : i32
        %parallel_loop3A_634 = arith.index_cast %parallel_loop3A_633 : i32 to index
        %parallel_loop3A_635 = arith.index_cast %parallel_loop3A_460 : i32 to index
        %parallel_loop3A_636 = arith.constant 16 : index
        %parallel_loop3A_637 = tpu.vector_load %arg14[%parallel_loop3A_634, %parallel_loop3A_635, %parallel_loop3A_636] {strides = array<i32>} : memref<2x64x128xf32, #tpu.memory_space<vmem>>, vector<16xf32>,
        tpu.vector_store %arg14[%parallel_loop3A_634, %parallel_loop3A_635, %parallel_loop3A_636], %parallel_loop3A_632 {strides = array<i32>} : memref<2x64x128xf32, #tpu.memory_space<vmem>>, vector<16xf32>,
        %parallel_loop3A_638 = arith.subf %parallel_loop3A_576, %parallel_loop3A_579 : vector<16xf32>
        %parallel_loop3A_639 = arith.subf %parallel_loop3A_577, %parallel_loop3A_580 : vector<16xf32>
        %parallel_loop3A_640 = arith.subf %parallel_loop3A_578, %parallel_loop3A_581 : vector<16xf32>
        %parallel_loop3A_641 = arith.mulf %parallel_loop3A_638, %parallel_loop3A_638 : vector<16xf32>
        %parallel_loop3A_642 = arith.mulf %parallel_loop3A_639, %parallel_loop3A_639 : vector<16xf32>
        %parallel_loop3A_643 = arith.addf %parallel_loop3A_641, %parallel_loop3A_642 : vector<16xf32>
        %parallel_loop3A_644 = arith.mulf %parallel_loop3A_640, %parallel_loop3A_640 : vector<16xf32>
        %parallel_loop3A_645 = arith.addf %parallel_loop3A_643, %parallel_loop3A_644 : vector<16xf32>
        %parallel_loop3A_646 = tpu.bitcast %parallel_loop3A_645 : vector<16xf32> -> vector<16xi32>
        %parallel_loop3A_647 = arith.constant 1 : i32
        %parallel_loop3A_648 = vector.broadcast %parallel_loop3A_647 : i32 to vector<16xi32>
        %parallel_loop3A_649 = arith.shrsi %parallel_loop3A_646, %parallel_loop3A_648 : vector<16xi32>
        %parallel_loop3A_650 = arith.constant 1594578154 : i32
        %parallel_loop3A_651 = vector.broadcast %parallel_loop3A_650 : i32 to vector<16xi32>
        %parallel_loop3A_652 = arith.subi %parallel_loop3A_651, %parallel_loop3A_649 : vector<16xi32>
        %parallel_loop3A_653 = tpu.bitcast %parallel_loop3A_652 : vector<16xi32> -> vector<16xf32>
        %parallel_loop3A_654 = arith.mulf %parallel_loop3A_645, %parallel_loop3A_653 : vector<16xf32>
        %parallel_loop3A_655 = arith.mulf %parallel_loop3A_654, %parallel_loop3A_653 : vector<16xf32>
        %parallel_loop3A_656 = arith.constant 1.891200e+00 : f32
        %parallel_loop3A_657 = vector.broadcast %parallel_loop3A_656 : f32 to vector<16xf32>
        %parallel_loop3A_658 = arith.subf %parallel_loop3A_657, %parallel_loop3A_655 : vector<16xf32>
        %parallel_loop3A_659 = arith.mulf %parallel_loop3A_653, %parallel_loop3A_658 : vector<16xf32>
        %parallel_loop3A_660 = arith.mulf %parallel_loop3A_645, %parallel_loop3A_659 : vector<16xf32>
        %parallel_loop3A_661 = arith.constant 0 : i32
        %parallel_loop3A_662 = arith.index_cast %parallel_loop3A_661 : i32 to index
        %parallel_loop3A_663 = arith.index_cast %parallel_loop3A_460 : i32 to index
        %parallel_loop3A_664 = arith.constant 16 : index
        %parallel_loop3A_665 = tpu.vector_load %arg15[%parallel_loop3A_662, %parallel_loop3A_663, %parallel_loop3A_664] {strides = array<i32>} : memref<2x64x128xf32, #tpu.memory_space<vmem>>, vector<16xf32>,
        tpu.vector_store %arg15[%parallel_loop3A_662, %parallel_loop3A_663, %parallel_loop3A_664], %parallel_loop3A_660 {strides = array<i32>} : memref<2x64x128xf32, #tpu.memory_space<vmem>>, vector<16xf32>,
        %parallel_loop3A_666 = arith.constant 0 : i32
        %parallel_loop3A_667 = arith.index_cast %parallel_loop3A_666 : i32 to index
        %parallel_loop3A_668 = arith.index_cast %parallel_loop3A_460 : i32 to index
        %parallel_loop3A_669 = arith.constant 32 : index
        %parallel_loop3A_670 = tpu.vector_load %arg11[%parallel_loop3A_667, %parallel_loop3A_668, %parallel_loop3A_669] {strides = array<i32>} : memref<2x64x128xi32, #tpu.memory_space<vmem>>, vector<16xi32>,
        %parallel_loop3A_671 = arith.constant 0 : i32
        %parallel_loop3A_672 = arith.index_cast %parallel_loop3A_671 : i32 to index
        %parallel_loop3A_673 = arith.index_cast %parallel_loop3A_460 : i32 to index
        %parallel_loop3A_674 = arith.constant 32 : index
        %parallel_loop3A_675 = tpu.vector_load %arg12[%parallel_loop3A_672, %parallel_loop3A_673, %parallel_loop3A_674] {strides = array<i32>} : memref<2x64x128xi32, #tpu.memory_space<vmem>>, vector<16xi32>,
        %parallel_loop3A_676 = tpu.vector_load_idx %arg8[%parallel_loop3A_670] : memref<4096xf32, #tpu.memory_space<vmem>>[vector<16xi32>], vector<16xf32>,
        %parallel_loop3A_677 = tpu.vector_load_idx %arg9[%parallel_loop3A_670] : memref<4096xf32, #tpu.memory_space<vmem>>[vector<16xi32>], vector<16xf32>,
        %parallel_loop3A_678 = tpu.vector_load_idx %arg10[%parallel_loop3A_670] : memref<4096xf32, #tpu.memory_space<vmem>>[vector<16xi32>], vector<16xf32>,
        %parallel_loop3A_679 = tpu.vector_load_idx %arg8[%parallel_loop3A_675] : memref<4096xf32, #tpu.memory_space<vmem>>[vector<16xi32>], vector<16xf32>,
        %parallel_loop3A_680 = tpu.vector_load_idx %arg9[%parallel_loop3A_675] : memref<4096xf32, #tpu.memory_space<vmem>>[vector<16xi32>], vector<16xf32>,
        %parallel_loop3A_681 = tpu.vector_load_idx %arg10[%parallel_loop3A_675] : memref<4096xf32, #tpu.memory_space<vmem>>[vector<16xi32>], vector<16xf32>,
        %parallel_loop3A_682 = arith.subf %parallel_loop3A_676, %parallel_loop3A_463 : vector<16xf32>
        %parallel_loop3A_683 = arith.subf %parallel_loop3A_677, %parallel_loop3A_464 : vector<16xf32>
        %parallel_loop3A_684 = arith.subf %parallel_loop3A_678, %parallel_loop3A_465 : vector<16xf32>
        %parallel_loop3A_685 = arith.mulf %parallel_loop3A_682, %parallel_loop3A_682 : vector<16xf32>
        %parallel_loop3A_686 = arith.mulf %parallel_loop3A_683, %parallel_loop3A_683 : vector<16xf32>
        %parallel_loop3A_687 = arith.addf %parallel_loop3A_685, %parallel_loop3A_686 : vector<16xf32>
        %parallel_loop3A_688 = arith.mulf %parallel_loop3A_684, %parallel_loop3A_684 : vector<16xf32>
        %parallel_loop3A_689 = arith.addf %parallel_loop3A_687, %parallel_loop3A_688 : vector<16xf32>
        %parallel_loop3A_690 = tpu.bitcast %parallel_loop3A_689 : vector<16xf32> -> vector<16xi32>
        %parallel_loop3A_691 = arith.constant 1 : i32
        %parallel_loop3A_692 = vector.broadcast %parallel_loop3A_691 : i32 to vector<16xi32>
        %parallel_loop3A_693 = arith.shrsi %parallel_loop3A_690, %parallel_loop3A_692 : vector<16xi32>
        %parallel_loop3A_694 = arith.constant 1594578154 : i32
        %parallel_loop3A_695 = vector.broadcast %parallel_loop3A_694 : i32 to vector<16xi32>
        %parallel_loop3A_696 = arith.subi %parallel_loop3A_695, %parallel_loop3A_693 : vector<16xi32>
        %parallel_loop3A_697 = tpu.bitcast %parallel_loop3A_696 : vector<16xi32> -> vector<16xf32>
        %parallel_loop3A_698 = arith.mulf %parallel_loop3A_689, %parallel_loop3A_697 : vector<16xf32>
        %parallel_loop3A_699 = arith.mulf %parallel_loop3A_698, %parallel_loop3A_697 : vector<16xf32>
        %parallel_loop3A_700 = arith.constant 1.891200e+00 : f32
        %parallel_loop3A_701 = vector.broadcast %parallel_loop3A_700 : f32 to vector<16xf32>
        %parallel_loop3A_702 = arith.subf %parallel_loop3A_701, %parallel_loop3A_699 : vector<16xf32>
        %parallel_loop3A_703 = arith.mulf %parallel_loop3A_697, %parallel_loop3A_702 : vector<16xf32>
        %parallel_loop3A_704 = arith.mulf %parallel_loop3A_689, %parallel_loop3A_703 : vector<16xf32>
        %parallel_loop3A_705 = arith.constant 0 : i32
        %parallel_loop3A_706 = arith.index_cast %parallel_loop3A_705 : i32 to index
        %parallel_loop3A_707 = arith.index_cast %parallel_loop3A_460 : i32 to index
        %parallel_loop3A_708 = arith.constant 32 : index
        %parallel_loop3A_709 = tpu.vector_load %arg13[%parallel_loop3A_706, %parallel_loop3A_707, %parallel_loop3A_708] {strides = array<i32>} : memref<2x64x128xf32, #tpu.memory_space<vmem>>, vector<16xf32>,
        tpu.vector_store %arg13[%parallel_loop3A_706, %parallel_loop3A_707, %parallel_loop3A_708], %parallel_loop3A_704 {strides = array<i32>} : memref<2x64x128xf32, #tpu.memory_space<vmem>>, vector<16xf32>,
        %parallel_loop3A_710 = arith.subf %parallel_loop3A_679, %parallel_loop3A_463 : vector<16xf32>
        %parallel_loop3A_711 = arith.subf %parallel_loop3A_680, %parallel_loop3A_464 : vector<16xf32>
        %parallel_loop3A_712 = arith.subf %parallel_loop3A_681, %parallel_loop3A_465 : vector<16xf32>
        %parallel_loop3A_713 = arith.mulf %parallel_loop3A_710, %parallel_loop3A_710 : vector<16xf32>
        %parallel_loop3A_714 = arith.mulf %parallel_loop3A_711, %parallel_loop3A_711 : vector<16xf32>
        %parallel_loop3A_715 = arith.addf %parallel_loop3A_713, %parallel_loop3A_714 : vector<16xf32>
        %parallel_loop3A_716 = arith.mulf %parallel_loop3A_712, %parallel_loop3A_712 : vector<16xf32>
        %parallel_loop3A_717 = arith.addf %parallel_loop3A_715, %parallel_loop3A_716 : vector<16xf32>
        %parallel_loop3A_718 = tpu.bitcast %parallel_loop3A_717 : vector<16xf32> -> vector<16xi32>
        %parallel_loop3A_719 = arith.constant 1 : i32
        %parallel_loop3A_720 = vector.broadcast %parallel_loop3A_719 : i32 to vector<16xi32>
        %parallel_loop3A_721 = arith.shrsi %parallel_loop3A_718, %parallel_loop3A_720 : vector<16xi32>
        %parallel_loop3A_722 = arith.constant 1594578154 : i32
        %parallel_loop3A_723 = vector.broadcast %parallel_loop3A_722 : i32 to vector<16xi32>
        %parallel_loop3A_724 = arith.subi %parallel_loop3A_723, %parallel_loop3A_721 : vector<16xi32>
        %parallel_loop3A_725 = tpu.bitcast %parallel_loop3A_724 : vector<16xi32> -> vector<16xf32>
        %parallel_loop3A_726 = arith.mulf %parallel_loop3A_717, %parallel_loop3A_725 : vector<16xf32>
        %parallel_loop3A_727 = arith.mulf %parallel_loop3A_726, %parallel_loop3A_725 : vector<16xf32>
        %parallel_loop3A_728 = arith.constant 1.891200e+00 : f32
        %parallel_loop3A_729 = vector.broadcast %parallel_loop3A_728 : f32 to vector<16xf32>
        %parallel_loop3A_730 = arith.subf %parallel_loop3A_729, %parallel_loop3A_727 : vector<16xf32>
        %parallel_loop3A_731 = arith.mulf %parallel_loop3A_725, %parallel_loop3A_730 : vector<16xf32>
        %parallel_loop3A_732 = arith.mulf %parallel_loop3A_717, %parallel_loop3A_731 : vector<16xf32>
        %parallel_loop3A_733 = arith.constant 0 : i32
        %parallel_loop3A_734 = arith.index_cast %parallel_loop3A_733 : i32 to index
        %parallel_loop3A_735 = arith.index_cast %parallel_loop3A_460 : i32 to index
        %parallel_loop3A_736 = arith.constant 32 : index
        %parallel_loop3A_737 = tpu.vector_load %arg14[%parallel_loop3A_734, %parallel_loop3A_735, %parallel_loop3A_736] {strides = array<i32>} : memref<2x64x128xf32, #tpu.memory_space<vmem>>, vector<16xf32>,
        tpu.vector_store %arg14[%parallel_loop3A_734, %parallel_loop3A_735, %parallel_loop3A_736], %parallel_loop3A_732 {strides = array<i32>} : memref<2x64x128xf32, #tpu.memory_space<vmem>>, vector<16xf32>,
        %parallel_loop3A_738 = arith.subf %parallel_loop3A_676, %parallel_loop3A_679 : vector<16xf32>
        %parallel_loop3A_739 = arith.subf %parallel_loop3A_677, %parallel_loop3A_680 : vector<16xf32>
        %parallel_loop3A_740 = arith.subf %parallel_loop3A_678, %parallel_loop3A_681 : vector<16xf32>
        %parallel_loop3A_741 = arith.mulf %parallel_loop3A_738, %parallel_loop3A_738 : vector<16xf32>
        %parallel_loop3A_742 = arith.mulf %parallel_loop3A_739, %parallel_loop3A_739 : vector<16xf32>
        %parallel_loop3A_743 = arith.addf %parallel_loop3A_741, %parallel_loop3A_742 : vector<16xf32>
        %parallel_loop3A_744 = arith.mulf %parallel_loop3A_740, %parallel_loop3A_740 : vector<16xf32>
        %parallel_loop3A_745 = arith.addf %parallel_loop3A_743, %parallel_loop3A_744 : vector<16xf32>
        %parallel_loop3A_746 = tpu.bitcast %parallel_loop3A_745 : vector<16xf32> -> vector<16xi32>
        %parallel_loop3A_747 = arith.constant 1 : i32
        %parallel_loop3A_748 = vector.broadcast %parallel_loop3A_747 : i32 to vector<16xi32>
        %parallel_loop3A_749 = arith.shrsi %parallel_loop3A_746, %parallel_loop3A_748 : vector<16xi32>
        %parallel_loop3A_750 = arith.constant 1594578154 : i32
        %parallel_loop3A_751 = vector.broadcast %parallel_loop3A_750 : i32 to vector<16xi32>
        %parallel_loop3A_752 = arith.subi %parallel_loop3A_751, %parallel_loop3A_749 : vector<16xi32>
        %parallel_loop3A_753 = tpu.bitcast %parallel_loop3A_752 : vector<16xi32> -> vector<16xf32>
        %parallel_loop3A_754 = arith.mulf %parallel_loop3A_745, %parallel_loop3A_753 : vector<16xf32>
        %parallel_loop3A_755 = arith.mulf %parallel_loop3A_754, %parallel_loop3A_753 : vector<16xf32>
        %parallel_loop3A_756 = arith.constant 1.891200e+00 : f32
        %parallel_loop3A_757 = vector.broadcast %parallel_loop3A_756 : f32 to vector<16xf32>
        %parallel_loop3A_758 = arith.subf %parallel_loop3A_757, %parallel_loop3A_755 : vector<16xf32>
        %parallel_loop3A_759 = arith.mulf %parallel_loop3A_753, %parallel_loop3A_758 : vector<16xf32>
        %parallel_loop3A_760 = arith.mulf %parallel_loop3A_745, %parallel_loop3A_759 : vector<16xf32>
        %parallel_loop3A_761 = arith.constant 0 : i32
        %parallel_loop3A_762 = arith.index_cast %parallel_loop3A_761 : i32 to index
        %parallel_loop3A_763 = arith.index_cast %parallel_loop3A_460 : i32 to index
        %parallel_loop3A_764 = arith.constant 32 : index
        %parallel_loop3A_765 = tpu.vector_load %arg15[%parallel_loop3A_762, %parallel_loop3A_763, %parallel_loop3A_764] {strides = array<i32>} : memref<2x64x128xf32, #tpu.memory_space<vmem>>, vector<16xf32>,
        tpu.vector_store %arg15[%parallel_loop3A_762, %parallel_loop3A_763, %parallel_loop3A_764], %parallel_loop3A_760 {strides = array<i32>} : memref<2x64x128xf32, #tpu.memory_space<vmem>>, vector<16xf32>,
        %parallel_loop3A_766 = arith.constant 0 : i32
        %parallel_loop3A_767 = arith.index_cast %parallel_loop3A_766 : i32 to index
        %parallel_loop3A_768 = arith.index_cast %parallel_loop3A_460 : i32 to index
        %parallel_loop3A_769 = arith.constant 48 : index
        %parallel_loop3A_770 = tpu.vector_load %arg11[%parallel_loop3A_767, %parallel_loop3A_768, %parallel_loop3A_769] {strides = array<i32>} : memref<2x64x128xi32, #tpu.memory_space<vmem>>, vector<16xi32>,
        %parallel_loop3A_771 = arith.constant 0 : i32
        %parallel_loop3A_772 = arith.index_cast %parallel_loop3A_771 : i32 to index
        %parallel_loop3A_773 = arith.index_cast %parallel_loop3A_460 : i32 to index
        %parallel_loop3A_774 = arith.constant 48 : index
        %parallel_loop3A_775 = tpu.vector_load %arg12[%parallel_loop3A_772, %parallel_loop3A_773, %parallel_loop3A_774] {strides = array<i32>} : memref<2x64x128xi32, #tpu.memory_space<vmem>>, vector<16xi32>,
        %parallel_loop3A_776 = tpu.vector_load_idx %arg8[%parallel_loop3A_770] : memref<4096xf32, #tpu.memory_space<vmem>>[vector<16xi32>], vector<16xf32>,
        %parallel_loop3A_777 = tpu.vector_load_idx %arg9[%parallel_loop3A_770] : memref<4096xf32, #tpu.memory_space<vmem>>[vector<16xi32>], vector<16xf32>,
        %parallel_loop3A_778 = tpu.vector_load_idx %arg10[%parallel_loop3A_770] : memref<4096xf32, #tpu.memory_space<vmem>>[vector<16xi32>], vector<16xf32>,
        %parallel_loop3A_779 = tpu.vector_load_idx %arg8[%parallel_loop3A_775] : memref<4096xf32, #tpu.memory_space<vmem>>[vector<16xi32>], vector<16xf32>,
        %parallel_loop3A_780 = tpu.vector_load_idx %arg9[%parallel_loop3A_775] : memref<4096xf32, #tpu.memory_space<vmem>>[vector<16xi32>], vector<16xf32>,
        %parallel_loop3A_781 = tpu.vector_load_idx %arg10[%parallel_loop3A_775] : memref<4096xf32, #tpu.memory_space<vmem>>[vector<16xi32>], vector<16xf32>,
        %parallel_loop3A_782 = arith.subf %parallel_loop3A_776, %parallel_loop3A_463 : vector<16xf32>
        %parallel_loop3A_783 = arith.subf %parallel_loop3A_777, %parallel_loop3A_464 : vector<16xf32>
        %parallel_loop3A_784 = arith.subf %parallel_loop3A_778, %parallel_loop3A_465 : vector<16xf32>
        %parallel_loop3A_785 = arith.mulf %parallel_loop3A_782, %parallel_loop3A_782 : vector<16xf32>
        %parallel_loop3A_786 = arith.mulf %parallel_loop3A_783, %parallel_loop3A_783 : vector<16xf32>
        %parallel_loop3A_787 = arith.addf %parallel_loop3A_785, %parallel_loop3A_786 : vector<16xf32>
        %parallel_loop3A_788 = arith.mulf %parallel_loop3A_784, %parallel_loop3A_784 : vector<16xf32>
        %parallel_loop3A_789 = arith.addf %parallel_loop3A_787, %parallel_loop3A_788 : vector<16xf32>
        %parallel_loop3A_790 = tpu.bitcast %parallel_loop3A_789 : vector<16xf32> -> vector<16xi32>
        %parallel_loop3A_791 = arith.constant 1 : i32
        %parallel_loop3A_792 = vector.broadcast %parallel_loop3A_791 : i32 to vector<16xi32>
        %parallel_loop3A_793 = arith.shrsi %parallel_loop3A_790, %parallel_loop3A_792 : vector<16xi32>
        %parallel_loop3A_794 = arith.constant 1594578154 : i32
        %parallel_loop3A_795 = vector.broadcast %parallel_loop3A_794 : i32 to vector<16xi32>
        %parallel_loop3A_796 = arith.subi %parallel_loop3A_795, %parallel_loop3A_793 : vector<16xi32>
        %parallel_loop3A_797 = tpu.bitcast %parallel_loop3A_796 : vector<16xi32> -> vector<16xf32>
        %parallel_loop3A_798 = arith.mulf %parallel_loop3A_789, %parallel_loop3A_797 : vector<16xf32>
        %parallel_loop3A_799 = arith.mulf %parallel_loop3A_798, %parallel_loop3A_797 : vector<16xf32>
        %parallel_loop3A_800 = arith.constant 1.891200e+00 : f32
        %parallel_loop3A_801 = vector.broadcast %parallel_loop3A_800 : f32 to vector<16xf32>
        %parallel_loop3A_802 = arith.subf %parallel_loop3A_801, %parallel_loop3A_799 : vector<16xf32>
        %parallel_loop3A_803 = arith.mulf %parallel_loop3A_797, %parallel_loop3A_802 : vector<16xf32>
        %parallel_loop3A_804 = arith.mulf %parallel_loop3A_789, %parallel_loop3A_803 : vector<16xf32>
        %parallel_loop3A_805 = arith.constant 0 : i32
        %parallel_loop3A_806 = arith.index_cast %parallel_loop3A_805 : i32 to index
        %parallel_loop3A_807 = arith.index_cast %parallel_loop3A_460 : i32 to index
        %parallel_loop3A_808 = arith.constant 48 : index
        %parallel_loop3A_809 = tpu.vector_load %arg13[%parallel_loop3A_806, %parallel_loop3A_807, %parallel_loop3A_808] {strides = array<i32>} : memref<2x64x128xf32, #tpu.memory_space<vmem>>, vector<16xf32>,
        tpu.vector_store %arg13[%parallel_loop3A_806, %parallel_loop3A_807, %parallel_loop3A_808], %parallel_loop3A_804 {strides = array<i32>} : memref<2x64x128xf32, #tpu.memory_space<vmem>>, vector<16xf32>,
        %parallel_loop3A_810 = arith.subf %parallel_loop3A_779, %parallel_loop3A_463 : vector<16xf32>
        %parallel_loop3A_811 = arith.subf %parallel_loop3A_780, %parallel_loop3A_464 : vector<16xf32>
        %parallel_loop3A_812 = arith.subf %parallel_loop3A_781, %parallel_loop3A_465 : vector<16xf32>
        %parallel_loop3A_813 = arith.mulf %parallel_loop3A_810, %parallel_loop3A_810 : vector<16xf32>
        %parallel_loop3A_814 = arith.mulf %parallel_loop3A_811, %parallel_loop3A_811 : vector<16xf32>
        %parallel_loop3A_815 = arith.addf %parallel_loop3A_813, %parallel_loop3A_814 : vector<16xf32>
        %parallel_loop3A_816 = arith.mulf %parallel_loop3A_812, %parallel_loop3A_812 : vector<16xf32>
        %parallel_loop3A_817 = arith.addf %parallel_loop3A_815, %parallel_loop3A_816 : vector<16xf32>
        %parallel_loop3A_818 = tpu.bitcast %parallel_loop3A_817 : vector<16xf32> -> vector<16xi32>
        %parallel_loop3A_819 = arith.constant 1 : i32
        %parallel_loop3A_820 = vector.broadcast %parallel_loop3A_819 : i32 to vector<16xi32>
        %parallel_loop3A_821 = arith.shrsi %parallel_loop3A_818, %parallel_loop3A_820 : vector<16xi32>
        %parallel_loop3A_822 = arith.constant 1594578154 : i32
        %parallel_loop3A_823 = vector.broadcast %parallel_loop3A_822 : i32 to vector<16xi32>
        %parallel_loop3A_824 = arith.subi %parallel_loop3A_823, %parallel_loop3A_821 : vector<16xi32>
        %parallel_loop3A_825 = tpu.bitcast %parallel_loop3A_824 : vector<16xi32> -> vector<16xf32>
        %parallel_loop3A_826 = arith.mulf %parallel_loop3A_817, %parallel_loop3A_825 : vector<16xf32>
        %parallel_loop3A_827 = arith.mulf %parallel_loop3A_826, %parallel_loop3A_825 : vector<16xf32>
        %parallel_loop3A_828 = arith.constant 1.891200e+00 : f32
        %parallel_loop3A_829 = vector.broadcast %parallel_loop3A_828 : f32 to vector<16xf32>
        %parallel_loop3A_830 = arith.subf %parallel_loop3A_829, %parallel_loop3A_827 : vector<16xf32>
        %parallel_loop3A_831 = arith.mulf %parallel_loop3A_825, %parallel_loop3A_830 : vector<16xf32>
        %parallel_loop3A_832 = arith.mulf %parallel_loop3A_817, %parallel_loop3A_831 : vector<16xf32>
        %parallel_loop3A_833 = arith.constant 0 : i32
        %parallel_loop3A_834 = arith.index_cast %parallel_loop3A_833 : i32 to index
        %parallel_loop3A_835 = arith.index_cast %parallel_loop3A_460 : i32 to index
        %parallel_loop3A_836 = arith.constant 48 : index
        %parallel_loop3A_837 = tpu.vector_load %arg14[%parallel_loop3A_834, %parallel_loop3A_835, %parallel_loop3A_836] {strides = array<i32>} : memref<2x64x128xf32, #tpu.memory_space<vmem>>, vector<16xf32>,
        tpu.vector_store %arg14[%parallel_loop3A_834, %parallel_loop3A_835, %parallel_loop3A_836], %parallel_loop3A_832 {strides = array<i32>} : memref<2x64x128xf32, #tpu.memory_space<vmem>>, vector<16xf32>,
        %parallel_loop3A_838 = arith.subf %parallel_loop3A_776, %parallel_loop3A_779 : vector<16xf32>
        %parallel_loop3A_839 = arith.subf %parallel_loop3A_777, %parallel_loop3A_780 : vector<16xf32>
        %parallel_loop3A_840 = arith.subf %parallel_loop3A_778, %parallel_loop3A_781 : vector<16xf32>
        %parallel_loop3A_841 = arith.mulf %parallel_loop3A_838, %parallel_loop3A_838 : vector<16xf32>
        %parallel_loop3A_842 = arith.mulf %parallel_loop3A_839, %parallel_loop3A_839 : vector<16xf32>
        %parallel_loop3A_843 = arith.addf %parallel_loop3A_841, %parallel_loop3A_842 : vector<16xf32>
        %parallel_loop3A_844 = arith.mulf %parallel_loop3A_840, %parallel_loop3A_840 : vector<16xf32>
        %parallel_loop3A_845 = arith.addf %parallel_loop3A_843, %parallel_loop3A_844 : vector<16xf32>
        %parallel_loop3A_846 = tpu.bitcast %parallel_loop3A_845 : vector<16xf32> -> vector<16xi32>
        %parallel_loop3A_847 = arith.constant 1 : i32
        %parallel_loop3A_848 = vector.broadcast %parallel_loop3A_847 : i32 to vector<16xi32>
        %parallel_loop3A_849 = arith.shrsi %parallel_loop3A_846, %parallel_loop3A_848 : vector<16xi32>
        %parallel_loop3A_850 = arith.constant 1594578154 : i32
        %parallel_loop3A_851 = vector.broadcast %parallel_loop3A_850 : i32 to vector<16xi32>
        %parallel_loop3A_852 = arith.subi %parallel_loop3A_851, %parallel_loop3A_849 : vector<16xi32>
        %parallel_loop3A_853 = tpu.bitcast %parallel_loop3A_852 : vector<16xi32> -> vector<16xf32>
        %parallel_loop3A_854 = arith.mulf %parallel_loop3A_845, %parallel_loop3A_853 : vector<16xf32>
        %parallel_loop3A_855 = arith.mulf %parallel_loop3A_854, %parallel_loop3A_853 : vector<16xf32>
        %parallel_loop3A_856 = arith.constant 1.891200e+00 : f32
        %parallel_loop3A_857 = vector.broadcast %parallel_loop3A_856 : f32 to vector<16xf32>
        %parallel_loop3A_858 = arith.subf %parallel_loop3A_857, %parallel_loop3A_855 : vector<16xf32>
        %parallel_loop3A_859 = arith.mulf %parallel_loop3A_853, %parallel_loop3A_858 : vector<16xf32>
        %parallel_loop3A_860 = arith.mulf %parallel_loop3A_845, %parallel_loop3A_859 : vector<16xf32>
        %parallel_loop3A_861 = arith.constant 0 : i32
        %parallel_loop3A_862 = arith.index_cast %parallel_loop3A_861 : i32 to index
        %parallel_loop3A_863 = arith.index_cast %parallel_loop3A_460 : i32 to index
        %parallel_loop3A_864 = arith.constant 48 : index
        %parallel_loop3A_865 = tpu.vector_load %arg15[%parallel_loop3A_862, %parallel_loop3A_863, %parallel_loop3A_864] {strides = array<i32>} : memref<2x64x128xf32, #tpu.memory_space<vmem>>, vector<16xf32>,
        tpu.vector_store %arg15[%parallel_loop3A_862, %parallel_loop3A_863, %parallel_loop3A_864], %parallel_loop3A_860 {strides = array<i32>} : memref<2x64x128xf32, #tpu.memory_space<vmem>>, vector<16xf32>,
        %parallel_loop3A_866 = arith.constant 0 : i32
        %parallel_loop3A_867 = arith.index_cast %parallel_loop3A_866 : i32 to index
        %parallel_loop3A_868 = arith.index_cast %parallel_loop3A_460 : i32 to index
        %parallel_loop3A_869 = arith.constant 64 : index
        %parallel_loop3A_870 = tpu.vector_load %arg11[%parallel_loop3A_867, %parallel_loop3A_868, %parallel_loop3A_869] {strides = array<i32>} : memref<2x64x128xi32, #tpu.memory_space<vmem>>, vector<16xi32>,
        %parallel_loop3A_871 = arith.constant 0 : i32
        %parallel_loop3A_872 = arith.index_cast %parallel_loop3A_871 : i32 to index
        %parallel_loop3A_873 = arith.index_cast %parallel_loop3A_460 : i32 to index
        %parallel_loop3A_874 = arith.constant 64 : index
        %parallel_loop3A_875 = tpu.vector_load %arg12[%parallel_loop3A_872, %parallel_loop3A_873, %parallel_loop3A_874] {strides = array<i32>} : memref<2x64x128xi32, #tpu.memory_space<vmem>>, vector<16xi32>,
        %parallel_loop3A_876 = tpu.vector_load_idx %arg8[%parallel_loop3A_870] : memref<4096xf32, #tpu.memory_space<vmem>>[vector<16xi32>], vector<16xf32>,
        %parallel_loop3A_877 = tpu.vector_load_idx %arg9[%parallel_loop3A_870] : memref<4096xf32, #tpu.memory_space<vmem>>[vector<16xi32>], vector<16xf32>,
        %parallel_loop3A_878 = tpu.vector_load_idx %arg10[%parallel_loop3A_870] : memref<4096xf32, #tpu.memory_space<vmem>>[vector<16xi32>], vector<16xf32>,
        %parallel_loop3A_879 = tpu.vector_load_idx %arg8[%parallel_loop3A_875] : memref<4096xf32, #tpu.memory_space<vmem>>[vector<16xi32>], vector<16xf32>,
        %parallel_loop3A_880 = tpu.vector_load_idx %arg9[%parallel_loop3A_875] : memref<4096xf32, #tpu.memory_space<vmem>>[vector<16xi32>], vector<16xf32>,
        %parallel_loop3A_881 = tpu.vector_load_idx %arg10[%parallel_loop3A_875] : memref<4096xf32, #tpu.memory_space<vmem>>[vector<16xi32>], vector<16xf32>,
        %parallel_loop3A_882 = arith.subf %parallel_loop3A_876, %parallel_loop3A_463 : vector<16xf32>
        %parallel_loop3A_883 = arith.subf %parallel_loop3A_877, %parallel_loop3A_464 : vector<16xf32>
        %parallel_loop3A_884 = arith.subf %parallel_loop3A_878, %parallel_loop3A_465 : vector<16xf32>
        %parallel_loop3A_885 = arith.mulf %parallel_loop3A_882, %parallel_loop3A_882 : vector<16xf32>
        %parallel_loop3A_886 = arith.mulf %parallel_loop3A_883, %parallel_loop3A_883 : vector<16xf32>
        %parallel_loop3A_887 = arith.addf %parallel_loop3A_885, %parallel_loop3A_886 : vector<16xf32>
        %parallel_loop3A_888 = arith.mulf %parallel_loop3A_884, %parallel_loop3A_884 : vector<16xf32>
        %parallel_loop3A_889 = arith.addf %parallel_loop3A_887, %parallel_loop3A_888 : vector<16xf32>
        %parallel_loop3A_890 = tpu.bitcast %parallel_loop3A_889 : vector<16xf32> -> vector<16xi32>
        %parallel_loop3A_891 = arith.constant 1 : i32
        %parallel_loop3A_892 = vector.broadcast %parallel_loop3A_891 : i32 to vector<16xi32>
        %parallel_loop3A_893 = arith.shrsi %parallel_loop3A_890, %parallel_loop3A_892 : vector<16xi32>
        %parallel_loop3A_894 = arith.constant 1594578154 : i32
        %parallel_loop3A_895 = vector.broadcast %parallel_loop3A_894 : i32 to vector<16xi32>
        %parallel_loop3A_896 = arith.subi %parallel_loop3A_895, %parallel_loop3A_893 : vector<16xi32>
        %parallel_loop3A_897 = tpu.bitcast %parallel_loop3A_896 : vector<16xi32> -> vector<16xf32>
        %parallel_loop3A_898 = arith.mulf %parallel_loop3A_889, %parallel_loop3A_897 : vector<16xf32>
        %parallel_loop3A_899 = arith.mulf %parallel_loop3A_898, %parallel_loop3A_897 : vector<16xf32>
        %parallel_loop3A_900 = arith.constant 1.891200e+00 : f32
        %parallel_loop3A_901 = vector.broadcast %parallel_loop3A_900 : f32 to vector<16xf32>
        %parallel_loop3A_902 = arith.subf %parallel_loop3A_901, %parallel_loop3A_899 : vector<16xf32>
        %parallel_loop3A_903 = arith.mulf %parallel_loop3A_897, %parallel_loop3A_902 : vector<16xf32>
        %parallel_loop3A_904 = arith.mulf %parallel_loop3A_889, %parallel_loop3A_903 : vector<16xf32>
        %parallel_loop3A_905 = arith.constant 0 : i32
        %parallel_loop3A_906 = arith.index_cast %parallel_loop3A_905 : i32 to index
        %parallel_loop3A_907 = arith.index_cast %parallel_loop3A_460 : i32 to index
        %parallel_loop3A_908 = arith.constant 64 : index
        %parallel_loop3A_909 = tpu.vector_load %arg13[%parallel_loop3A_906, %parallel_loop3A_907, %parallel_loop3A_908] {strides = array<i32>} : memref<2x64x128xf32, #tpu.memory_space<vmem>>, vector<16xf32>,
        tpu.vector_store %arg13[%parallel_loop3A_906, %parallel_loop3A_907, %parallel_loop3A_908], %parallel_loop3A_904 {strides = array<i32>} : memref<2x64x128xf32, #tpu.memory_space<vmem>>, vector<16xf32>,
        %parallel_loop3A_910 = arith.subf %parallel_loop3A_879, %parallel_loop3A_463 : vector<16xf32>
        %parallel_loop3A_911 = arith.subf %parallel_loop3A_880, %parallel_loop3A_464 : vector<16xf32>
        %parallel_loop3A_912 = arith.subf %parallel_loop3A_881, %parallel_loop3A_465 : vector<16xf32>
        %parallel_loop3A_913 = arith.mulf %parallel_loop3A_910, %parallel_loop3A_910 : vector<16xf32>
        %parallel_loop3A_914 = arith.mulf %parallel_loop3A_911, %parallel_loop3A_911 : vector<16xf32>
        %parallel_loop3A_915 = arith.addf %parallel_loop3A_913, %parallel_loop3A_914 : vector<16xf32>
        %parallel_loop3A_916 = arith.mulf %parallel_loop3A_912, %parallel_loop3A_912 : vector<16xf32>
        %parallel_loop3A_917 = arith.addf %parallel_loop3A_915, %parallel_loop3A_916 : vector<16xf32>
        %parallel_loop3A_918 = tpu.bitcast %parallel_loop3A_917 : vector<16xf32> -> vector<16xi32>
        %parallel_loop3A_919 = arith.constant 1 : i32
        %parallel_loop3A_920 = vector.broadcast %parallel_loop3A_919 : i32 to vector<16xi32>
        %parallel_loop3A_921 = arith.shrsi %parallel_loop3A_918, %parallel_loop3A_920 : vector<16xi32>
        %parallel_loop3A_922 = arith.constant 1594578154 : i32
        %parallel_loop3A_923 = vector.broadcast %parallel_loop3A_922 : i32 to vector<16xi32>
        %parallel_loop3A_924 = arith.subi %parallel_loop3A_923, %parallel_loop3A_921 : vector<16xi32>
        %parallel_loop3A_925 = tpu.bitcast %parallel_loop3A_924 : vector<16xi32> -> vector<16xf32>
        %parallel_loop3A_926 = arith.mulf %parallel_loop3A_917, %parallel_loop3A_925 : vector<16xf32>
        %parallel_loop3A_927 = arith.mulf %parallel_loop3A_926, %parallel_loop3A_925 : vector<16xf32>
        %parallel_loop3A_928 = arith.constant 1.891200e+00 : f32
        %parallel_loop3A_929 = vector.broadcast %parallel_loop3A_928 : f32 to vector<16xf32>
        %parallel_loop3A_930 = arith.subf %parallel_loop3A_929, %parallel_loop3A_927 : vector<16xf32>
        %parallel_loop3A_931 = arith.mulf %parallel_loop3A_925, %parallel_loop3A_930 : vector<16xf32>
        %parallel_loop3A_932 = arith.mulf %parallel_loop3A_917, %parallel_loop3A_931 : vector<16xf32>
        %parallel_loop3A_933 = arith.constant 0 : i32
        %parallel_loop3A_934 = arith.index_cast %parallel_loop3A_933 : i32 to index
        %parallel_loop3A_935 = arith.index_cast %parallel_loop3A_460 : i32 to index
        %parallel_loop3A_936 = arith.constant 64 : index
        %parallel_loop3A_937 = tpu.vector_load %arg14[%parallel_loop3A_934, %parallel_loop3A_935, %parallel_loop3A_936] {strides = array<i32>} : memref<2x64x128xf32, #tpu.memory_space<vmem>>, vector<16xf32>,
        tpu.vector_store %arg14[%parallel_loop3A_934, %parallel_loop3A_935, %parallel_loop3A_936], %parallel_loop3A_932 {strides = array<i32>} : memref<2x64x128xf32, #tpu.memory_space<vmem>>, vector<16xf32>,
        %parallel_loop3A_938 = arith.subf %parallel_loop3A_876, %parallel_loop3A_879 : vector<16xf32>
        %parallel_loop3A_939 = arith.subf %parallel_loop3A_877, %parallel_loop3A_880 : vector<16xf32>
        %parallel_loop3A_940 = arith.subf %parallel_loop3A_878, %parallel_loop3A_881 : vector<16xf32>
        %parallel_loop3A_941 = arith.mulf %parallel_loop3A_938, %parallel_loop3A_938 : vector<16xf32>
        %parallel_loop3A_942 = arith.mulf %parallel_loop3A_939, %parallel_loop3A_939 : vector<16xf32>
        %parallel_loop3A_943 = arith.addf %parallel_loop3A_941, %parallel_loop3A_942 : vector<16xf32>
        %parallel_loop3A_944 = arith.mulf %parallel_loop3A_940, %parallel_loop3A_940 : vector<16xf32>
        %parallel_loop3A_945 = arith.addf %parallel_loop3A_943, %parallel_loop3A_944 : vector<16xf32>
        %parallel_loop3A_946 = tpu.bitcast %parallel_loop3A_945 : vector<16xf32> -> vector<16xi32>
        %parallel_loop3A_947 = arith.constant 1 : i32
        %parallel_loop3A_948 = vector.broadcast %parallel_loop3A_947 : i32 to vector<16xi32>
        %parallel_loop3A_949 = arith.shrsi %parallel_loop3A_946, %parallel_loop3A_948 : vector<16xi32>
        %parallel_loop3A_950 = arith.constant 1594578154 : i32
        %parallel_loop3A_951 = vector.broadcast %parallel_loop3A_950 : i32 to vector<16xi32>
        %parallel_loop3A_952 = arith.subi %parallel_loop3A_951, %parallel_loop3A_949 : vector<16xi32>
        %parallel_loop3A_953 = tpu.bitcast %parallel_loop3A_952 : vector<16xi32> -> vector<16xf32>
        %parallel_loop3A_954 = arith.mulf %parallel_loop3A_945, %parallel_loop3A_953 : vector<16xf32>
        %parallel_loop3A_955 = arith.mulf %parallel_loop3A_954, %parallel_loop3A_953 : vector<16xf32>
        %parallel_loop3A_956 = arith.constant 1.891200e+00 : f32
        %parallel_loop3A_957 = vector.broadcast %parallel_loop3A_956 : f32 to vector<16xf32>
        %parallel_loop3A_958 = arith.subf %parallel_loop3A_957, %parallel_loop3A_955 : vector<16xf32>
        %parallel_loop3A_959 = arith.mulf %parallel_loop3A_953, %parallel_loop3A_958 : vector<16xf32>
        %parallel_loop3A_960 = arith.mulf %parallel_loop3A_945, %parallel_loop3A_959 : vector<16xf32>
        %parallel_loop3A_961 = arith.constant 0 : i32
        %parallel_loop3A_962 = arith.index_cast %parallel_loop3A_961 : i32 to index
        %parallel_loop3A_963 = arith.index_cast %parallel_loop3A_460 : i32 to index
        %parallel_loop3A_964 = arith.constant 64 : index
        %parallel_loop3A_965 = tpu.vector_load %arg15[%parallel_loop3A_962, %parallel_loop3A_963, %parallel_loop3A_964] {strides = array<i32>} : memref<2x64x128xf32, #tpu.memory_space<vmem>>, vector<16xf32>,
        tpu.vector_store %arg15[%parallel_loop3A_962, %parallel_loop3A_963, %parallel_loop3A_964], %parallel_loop3A_960 {strides = array<i32>} : memref<2x64x128xf32, #tpu.memory_space<vmem>>, vector<16xf32>,
        %parallel_loop3A_966 = arith.constant 0 : i32
        %parallel_loop3A_967 = arith.index_cast %parallel_loop3A_966 : i32 to index
        %parallel_loop3A_968 = arith.index_cast %parallel_loop3A_460 : i32 to index
        %parallel_loop3A_969 = arith.constant 80 : index
        %parallel_loop3A_970 = tpu.vector_load %arg11[%parallel_loop3A_967, %parallel_loop3A_968, %parallel_loop3A_969] {strides = array<i32>} : memref<2x64x128xi32, #tpu.memory_space<vmem>>, vector<16xi32>,
        %parallel_loop3A_971 = arith.constant 0 : i32
        %parallel_loop3A_972 = arith.index_cast %parallel_loop3A_971 : i32 to index
        %parallel_loop3A_973 = arith.index_cast %parallel_loop3A_460 : i32 to index
        %parallel_loop3A_974 = arith.constant 80 : index
        %parallel_loop3A_975 = tpu.vector_load %arg12[%parallel_loop3A_972, %parallel_loop3A_973, %parallel_loop3A_974] {strides = array<i32>} : memref<2x64x128xi32, #tpu.memory_space<vmem>>, vector<16xi32>,
        %parallel_loop3A_976 = tpu.vector_load_idx %arg8[%parallel_loop3A_970] : memref<4096xf32, #tpu.memory_space<vmem>>[vector<16xi32>], vector<16xf32>,
        %parallel_loop3A_977 = tpu.vector_load_idx %arg9[%parallel_loop3A_970] : memref<4096xf32, #tpu.memory_space<vmem>>[vector<16xi32>], vector<16xf32>,
        %parallel_loop3A_978 = tpu.vector_load_idx %arg10[%parallel_loop3A_970] : memref<4096xf32, #tpu.memory_space<vmem>>[vector<16xi32>], vector<16xf32>,
        %parallel_loop3A_979 = tpu.vector_load_idx %arg8[%parallel_loop3A_975] : memref<4096xf32, #tpu.memory_space<vmem>>[vector<16xi32>], vector<16xf32>,
        %parallel_loop3A_980 = tpu.vector_load_idx %arg9[%parallel_loop3A_975] : memref<4096xf32, #tpu.memory_space<vmem>>[vector<16xi32>], vector<16xf32>,
        %parallel_loop3A_981 = tpu.vector_load_idx %arg10[%parallel_loop3A_975] : memref<4096xf32, #tpu.memory_space<vmem>>[vector<16xi32>], vector<16xf32>,
        %parallel_loop3A_982 = arith.subf %parallel_loop3A_976, %parallel_loop3A_463 : vector<16xf32>
        %parallel_loop3A_983 = arith.subf %parallel_loop3A_977, %parallel_loop3A_464 : vector<16xf32>
        %parallel_loop3A_984 = arith.subf %parallel_loop3A_978, %parallel_loop3A_465 : vector<16xf32>
        %parallel_loop3A_985 = arith.mulf %parallel_loop3A_982, %parallel_loop3A_982 : vector<16xf32>
        %parallel_loop3A_986 = arith.mulf %parallel_loop3A_983, %parallel_loop3A_983 : vector<16xf32>
        %parallel_loop3A_987 = arith.addf %parallel_loop3A_985, %parallel_loop3A_986 : vector<16xf32>
        %parallel_loop3A_988 = arith.mulf %parallel_loop3A_984, %parallel_loop3A_984 : vector<16xf32>
        %parallel_loop3A_989 = arith.addf %parallel_loop3A_987, %parallel_loop3A_988 : vector<16xf32>
        %parallel_loop3A_990 = tpu.bitcast %parallel_loop3A_989 : vector<16xf32> -> vector<16xi32>
        %parallel_loop3A_991 = arith.constant 1 : i32
        %parallel_loop3A_992 = vector.broadcast %parallel_loop3A_991 : i32 to vector<16xi32>
        %parallel_loop3A_993 = arith.shrsi %parallel_loop3A_990, %parallel_loop3A_992 : vector<16xi32>
        %parallel_loop3A_994 = arith.constant 1594578154 : i32
        %parallel_loop3A_995 = vector.broadcast %parallel_loop3A_994 : i32 to vector<16xi32>
        %parallel_loop3A_996 = arith.subi %parallel_loop3A_995, %parallel_loop3A_993 : vector<16xi32>
        %parallel_loop3A_997 = tpu.bitcast %parallel_loop3A_996 : vector<16xi32> -> vector<16xf32>
        %parallel_loop3A_998 = arith.mulf %parallel_loop3A_989, %parallel_loop3A_997 : vector<16xf32>
        %parallel_loop3A_999 = arith.mulf %parallel_loop3A_998, %parallel_loop3A_997 : vector<16xf32>
        %parallel_loop3A_1000 = arith.constant 1.891200e+00 : f32
        %parallel_loop3A_1001 = vector.broadcast %parallel_loop3A_1000 : f32 to vector<16xf32>
        %parallel_loop3A_1002 = arith.subf %parallel_loop3A_1001, %parallel_loop3A_999 : vector<16xf32>
        %parallel_loop3A_1003 = arith.mulf %parallel_loop3A_997, %parallel_loop3A_1002 : vector<16xf32>
        %parallel_loop3A_1004 = arith.mulf %parallel_loop3A_989, %parallel_loop3A_1003 : vector<16xf32>
        %parallel_loop3A_1005 = arith.constant 0 : i32
        %parallel_loop3A_1006 = arith.index_cast %parallel_loop3A_1005 : i32 to index
        %parallel_loop3A_1007 = arith.index_cast %parallel_loop3A_460 : i32 to index
        %parallel_loop3A_1008 = arith.constant 80 : index
        %parallel_loop3A_1009 = tpu.vector_load %arg13[%parallel_loop3A_1006, %parallel_loop3A_1007, %parallel_loop3A_1008] {strides = array<i32>} : memref<2x64x128xf32, #tpu.memory_space<vmem>>, vector<16xf32>,
        tpu.vector_store %arg13[%parallel_loop3A_1006, %parallel_loop3A_1007, %parallel_loop3A_1008], %parallel_loop3A_1004 {strides = array<i32>} : memref<2x64x128xf32, #tpu.memory_space<vmem>>, vector<16xf32>,
        %parallel_loop3A_1010 = arith.subf %parallel_loop3A_979, %parallel_loop3A_463 : vector<16xf32>
        %parallel_loop3A_1011 = arith.subf %parallel_loop3A_980, %parallel_loop3A_464 : vector<16xf32>
        %parallel_loop3A_1012 = arith.subf %parallel_loop3A_981, %parallel_loop3A_465 : vector<16xf32>
        %parallel_loop3A_1013 = arith.mulf %parallel_loop3A_1010, %parallel_loop3A_1010 : vector<16xf32>
        %parallel_loop3A_1014 = arith.mulf %parallel_loop3A_1011, %parallel_loop3A_1011 : vector<16xf32>
        %parallel_loop3A_1015 = arith.addf %parallel_loop3A_1013, %parallel_loop3A_1014 : vector<16xf32>
        %parallel_loop3A_1016 = arith.mulf %parallel_loop3A_1012, %parallel_loop3A_1012 : vector<16xf32>
        %parallel_loop3A_1017 = arith.addf %parallel_loop3A_1015, %parallel_loop3A_1016 : vector<16xf32>
        %parallel_loop3A_1018 = tpu.bitcast %parallel_loop3A_1017 : vector<16xf32> -> vector<16xi32>
        %parallel_loop3A_1019 = arith.constant 1 : i32
        %parallel_loop3A_1020 = vector.broadcast %parallel_loop3A_1019 : i32 to vector<16xi32>
        %parallel_loop3A_1021 = arith.shrsi %parallel_loop3A_1018, %parallel_loop3A_1020 : vector<16xi32>
        %parallel_loop3A_1022 = arith.constant 1594578154 : i32
        %parallel_loop3A_1023 = vector.broadcast %parallel_loop3A_1022 : i32 to vector<16xi32>
        %parallel_loop3A_1024 = arith.subi %parallel_loop3A_1023, %parallel_loop3A_1021 : vector<16xi32>
        %parallel_loop3A_1025 = tpu.bitcast %parallel_loop3A_1024 : vector<16xi32> -> vector<16xf32>
        %parallel_loop3A_1026 = arith.mulf %parallel_loop3A_1017, %parallel_loop3A_1025 : vector<16xf32>
        %parallel_loop3A_1027 = arith.mulf %parallel_loop3A_1026, %parallel_loop3A_1025 : vector<16xf32>
        %parallel_loop3A_1028 = arith.constant 1.891200e+00 : f32
        %parallel_loop3A_1029 = vector.broadcast %parallel_loop3A_1028 : f32 to vector<16xf32>
        %parallel_loop3A_1030 = arith.subf %parallel_loop3A_1029, %parallel_loop3A_1027 : vector<16xf32>
        %parallel_loop3A_1031 = arith.mulf %parallel_loop3A_1025, %parallel_loop3A_1030 : vector<16xf32>
        %parallel_loop3A_1032 = arith.mulf %parallel_loop3A_1017, %parallel_loop3A_1031 : vector<16xf32>
        %parallel_loop3A_1033 = arith.constant 0 : i32
        %parallel_loop3A_1034 = arith.index_cast %parallel_loop3A_1033 : i32 to index
        %parallel_loop3A_1035 = arith.index_cast %parallel_loop3A_460 : i32 to index
        %parallel_loop3A_1036 = arith.constant 80 : index
        %parallel_loop3A_1037 = tpu.vector_load %arg14[%parallel_loop3A_1034, %parallel_loop3A_1035, %parallel_loop3A_1036] {strides = array<i32>} : memref<2x64x128xf32, #tpu.memory_space<vmem>>, vector<16xf32>,
        tpu.vector_store %arg14[%parallel_loop3A_1034, %parallel_loop3A_1035, %parallel_loop3A_1036], %parallel_loop3A_1032 {strides = array<i32>} : memref<2x64x128xf32, #tpu.memory_space<vmem>>, vector<16xf32>,
        %parallel_loop3A_1038 = arith.subf %parallel_loop3A_976, %parallel_loop3A_979 : vector<16xf32>
        %parallel_loop3A_1039 = arith.subf %parallel_loop3A_977, %parallel_loop3A_980 : vector<16xf32>
        %parallel_loop3A_1040 = arith.subf %parallel_loop3A_978, %parallel_loop3A_981 : vector<16xf32>
        %parallel_loop3A_1041 = arith.mulf %parallel_loop3A_1038, %parallel_loop3A_1038 : vector<16xf32>
        %parallel_loop3A_1042 = arith.mulf %parallel_loop3A_1039, %parallel_loop3A_1039 : vector<16xf32>
        %parallel_loop3A_1043 = arith.addf %parallel_loop3A_1041, %parallel_loop3A_1042 : vector<16xf32>
        %parallel_loop3A_1044 = arith.mulf %parallel_loop3A_1040, %parallel_loop3A_1040 : vector<16xf32>
        %parallel_loop3A_1045 = arith.addf %parallel_loop3A_1043, %parallel_loop3A_1044 : vector<16xf32>
        %parallel_loop3A_1046 = tpu.bitcast %parallel_loop3A_1045 : vector<16xf32> -> vector<16xi32>
        %parallel_loop3A_1047 = arith.constant 1 : i32
        %parallel_loop3A_1048 = vector.broadcast %parallel_loop3A_1047 : i32 to vector<16xi32>
        %parallel_loop3A_1049 = arith.shrsi %parallel_loop3A_1046, %parallel_loop3A_1048 : vector<16xi32>
        %parallel_loop3A_1050 = arith.constant 1594578154 : i32
        %parallel_loop3A_1051 = vector.broadcast %parallel_loop3A_1050 : i32 to vector<16xi32>
        %parallel_loop3A_1052 = arith.subi %parallel_loop3A_1051, %parallel_loop3A_1049 : vector<16xi32>
        %parallel_loop3A_1053 = tpu.bitcast %parallel_loop3A_1052 : vector<16xi32> -> vector<16xf32>
        %parallel_loop3A_1054 = arith.mulf %parallel_loop3A_1045, %parallel_loop3A_1053 : vector<16xf32>
        %parallel_loop3A_1055 = arith.mulf %parallel_loop3A_1054, %parallel_loop3A_1053 : vector<16xf32>
        %parallel_loop3A_1056 = arith.constant 1.891200e+00 : f32
        %parallel_loop3A_1057 = vector.broadcast %parallel_loop3A_1056 : f32 to vector<16xf32>
        %parallel_loop3A_1058 = arith.subf %parallel_loop3A_1057, %parallel_loop3A_1055 : vector<16xf32>
        %parallel_loop3A_1059 = arith.mulf %parallel_loop3A_1053, %parallel_loop3A_1058 : vector<16xf32>
        %parallel_loop3A_1060 = arith.mulf %parallel_loop3A_1045, %parallel_loop3A_1059 : vector<16xf32>
        %parallel_loop3A_1061 = arith.constant 0 : i32
        %parallel_loop3A_1062 = arith.index_cast %parallel_loop3A_1061 : i32 to index
        %parallel_loop3A_1063 = arith.index_cast %parallel_loop3A_460 : i32 to index
        %parallel_loop3A_1064 = arith.constant 80 : index
        %parallel_loop3A_1065 = tpu.vector_load %arg15[%parallel_loop3A_1062, %parallel_loop3A_1063, %parallel_loop3A_1064] {strides = array<i32>} : memref<2x64x128xf32, #tpu.memory_space<vmem>>, vector<16xf32>,
        tpu.vector_store %arg15[%parallel_loop3A_1062, %parallel_loop3A_1063, %parallel_loop3A_1064], %parallel_loop3A_1060 {strides = array<i32>} : memref<2x64x128xf32, #tpu.memory_space<vmem>>, vector<16xf32>,
        %parallel_loop3A_1066 = arith.constant 0 : i32
        %parallel_loop3A_1067 = arith.index_cast %parallel_loop3A_1066 : i32 to index
        %parallel_loop3A_1068 = arith.index_cast %parallel_loop3A_460 : i32 to index
        %parallel_loop3A_1069 = arith.constant 96 : index
        %parallel_loop3A_1070 = tpu.vector_load %arg11[%parallel_loop3A_1067, %parallel_loop3A_1068, %parallel_loop3A_1069] {strides = array<i32>} : memref<2x64x128xi32, #tpu.memory_space<vmem>>, vector<16xi32>,
        %parallel_loop3A_1071 = arith.constant 0 : i32
        %parallel_loop3A_1072 = arith.index_cast %parallel_loop3A_1071 : i32 to index
        %parallel_loop3A_1073 = arith.index_cast %parallel_loop3A_460 : i32 to index
        %parallel_loop3A_1074 = arith.constant 96 : index
        %parallel_loop3A_1075 = tpu.vector_load %arg12[%parallel_loop3A_1072, %parallel_loop3A_1073, %parallel_loop3A_1074] {strides = array<i32>} : memref<2x64x128xi32, #tpu.memory_space<vmem>>, vector<16xi32>,
        %parallel_loop3A_1076 = tpu.vector_load_idx %arg8[%parallel_loop3A_1070] : memref<4096xf32, #tpu.memory_space<vmem>>[vector<16xi32>], vector<16xf32>,
        %parallel_loop3A_1077 = tpu.vector_load_idx %arg9[%parallel_loop3A_1070] : memref<4096xf32, #tpu.memory_space<vmem>>[vector<16xi32>], vector<16xf32>,
        %parallel_loop3A_1078 = tpu.vector_load_idx %arg10[%parallel_loop3A_1070] : memref<4096xf32, #tpu.memory_space<vmem>>[vector<16xi32>], vector<16xf32>,
        %parallel_loop3A_1079 = tpu.vector_load_idx %arg8[%parallel_loop3A_1075] : memref<4096xf32, #tpu.memory_space<vmem>>[vector<16xi32>], vector<16xf32>,
        %parallel_loop3A_1080 = tpu.vector_load_idx %arg9[%parallel_loop3A_1075] : memref<4096xf32, #tpu.memory_space<vmem>>[vector<16xi32>], vector<16xf32>,
        %parallel_loop3A_1081 = tpu.vector_load_idx %arg10[%parallel_loop3A_1075] : memref<4096xf32, #tpu.memory_space<vmem>>[vector<16xi32>], vector<16xf32>,
        %parallel_loop3A_1082 = arith.subf %parallel_loop3A_1076, %parallel_loop3A_463 : vector<16xf32>
        %parallel_loop3A_1083 = arith.subf %parallel_loop3A_1077, %parallel_loop3A_464 : vector<16xf32>
        %parallel_loop3A_1084 = arith.subf %parallel_loop3A_1078, %parallel_loop3A_465 : vector<16xf32>
        %parallel_loop3A_1085 = arith.mulf %parallel_loop3A_1082, %parallel_loop3A_1082 : vector<16xf32>
        %parallel_loop3A_1086 = arith.mulf %parallel_loop3A_1083, %parallel_loop3A_1083 : vector<16xf32>
        %parallel_loop3A_1087 = arith.addf %parallel_loop3A_1085, %parallel_loop3A_1086 : vector<16xf32>
        %parallel_loop3A_1088 = arith.mulf %parallel_loop3A_1084, %parallel_loop3A_1084 : vector<16xf32>
        %parallel_loop3A_1089 = arith.addf %parallel_loop3A_1087, %parallel_loop3A_1088 : vector<16xf32>
        %parallel_loop3A_1090 = tpu.bitcast %parallel_loop3A_1089 : vector<16xf32> -> vector<16xi32>
        %parallel_loop3A_1091 = arith.constant 1 : i32
        %parallel_loop3A_1092 = vector.broadcast %parallel_loop3A_1091 : i32 to vector<16xi32>
        %parallel_loop3A_1093 = arith.shrsi %parallel_loop3A_1090, %parallel_loop3A_1092 : vector<16xi32>
        %parallel_loop3A_1094 = arith.constant 1594578154 : i32
        %parallel_loop3A_1095 = vector.broadcast %parallel_loop3A_1094 : i32 to vector<16xi32>
        %parallel_loop3A_1096 = arith.subi %parallel_loop3A_1095, %parallel_loop3A_1093 : vector<16xi32>
        %parallel_loop3A_1097 = tpu.bitcast %parallel_loop3A_1096 : vector<16xi32> -> vector<16xf32>
        %parallel_loop3A_1098 = arith.mulf %parallel_loop3A_1089, %parallel_loop3A_1097 : vector<16xf32>
        %parallel_loop3A_1099 = arith.mulf %parallel_loop3A_1098, %parallel_loop3A_1097 : vector<16xf32>
        %parallel_loop3A_1100 = arith.constant 1.891200e+00 : f32
        %parallel_loop3A_1101 = vector.broadcast %parallel_loop3A_1100 : f32 to vector<16xf32>
        %parallel_loop3A_1102 = arith.subf %parallel_loop3A_1101, %parallel_loop3A_1099 : vector<16xf32>
        %parallel_loop3A_1103 = arith.mulf %parallel_loop3A_1097, %parallel_loop3A_1102 : vector<16xf32>
        %parallel_loop3A_1104 = arith.mulf %parallel_loop3A_1089, %parallel_loop3A_1103 : vector<16xf32>
        %parallel_loop3A_1105 = arith.constant 0 : i32
        %parallel_loop3A_1106 = arith.index_cast %parallel_loop3A_1105 : i32 to index
        %parallel_loop3A_1107 = arith.index_cast %parallel_loop3A_460 : i32 to index
        %parallel_loop3A_1108 = arith.constant 96 : index
        %parallel_loop3A_1109 = tpu.vector_load %arg13[%parallel_loop3A_1106, %parallel_loop3A_1107, %parallel_loop3A_1108] {strides = array<i32>} : memref<2x64x128xf32, #tpu.memory_space<vmem>>, vector<16xf32>,
        tpu.vector_store %arg13[%parallel_loop3A_1106, %parallel_loop3A_1107, %parallel_loop3A_1108], %parallel_loop3A_1104 {strides = array<i32>} : memref<2x64x128xf32, #tpu.memory_space<vmem>>, vector<16xf32>,
        %parallel_loop3A_1110 = arith.subf %parallel_loop3A_1079, %parallel_loop3A_463 : vector<16xf32>
        %parallel_loop3A_1111 = arith.subf %parallel_loop3A_1080, %parallel_loop3A_464 : vector<16xf32>
        %parallel_loop3A_1112 = arith.subf %parallel_loop3A_1081, %parallel_loop3A_465 : vector<16xf32>
        %parallel_loop3A_1113 = arith.mulf %parallel_loop3A_1110, %parallel_loop3A_1110 : vector<16xf32>
        %parallel_loop3A_1114 = arith.mulf %parallel_loop3A_1111, %parallel_loop3A_1111 : vector<16xf32>
        %parallel_loop3A_1115 = arith.addf %parallel_loop3A_1113, %parallel_loop3A_1114 : vector<16xf32>
        %parallel_loop3A_1116 = arith.mulf %parallel_loop3A_1112, %parallel_loop3A_1112 : vector<16xf32>
        %parallel_loop3A_1117 = arith.addf %parallel_loop3A_1115, %parallel_loop3A_1116 : vector<16xf32>
        %parallel_loop3A_1118 = tpu.bitcast %parallel_loop3A_1117 : vector<16xf32> -> vector<16xi32>
        %parallel_loop3A_1119 = arith.constant 1 : i32
        %parallel_loop3A_1120 = vector.broadcast %parallel_loop3A_1119 : i32 to vector<16xi32>
        %parallel_loop3A_1121 = arith.shrsi %parallel_loop3A_1118, %parallel_loop3A_1120 : vector<16xi32>
        %parallel_loop3A_1122 = arith.constant 1594578154 : i32
        %parallel_loop3A_1123 = vector.broadcast %parallel_loop3A_1122 : i32 to vector<16xi32>
        %parallel_loop3A_1124 = arith.subi %parallel_loop3A_1123, %parallel_loop3A_1121 : vector<16xi32>
        %parallel_loop3A_1125 = tpu.bitcast %parallel_loop3A_1124 : vector<16xi32> -> vector<16xf32>
        %parallel_loop3A_1126 = arith.mulf %parallel_loop3A_1117, %parallel_loop3A_1125 : vector<16xf32>
        %parallel_loop3A_1127 = arith.mulf %parallel_loop3A_1126, %parallel_loop3A_1125 : vector<16xf32>
        %parallel_loop3A_1128 = arith.constant 1.891200e+00 : f32
        %parallel_loop3A_1129 = vector.broadcast %parallel_loop3A_1128 : f32 to vector<16xf32>
        %parallel_loop3A_1130 = arith.subf %parallel_loop3A_1129, %parallel_loop3A_1127 : vector<16xf32>
        %parallel_loop3A_1131 = arith.mulf %parallel_loop3A_1125, %parallel_loop3A_1130 : vector<16xf32>
        %parallel_loop3A_1132 = arith.mulf %parallel_loop3A_1117, %parallel_loop3A_1131 : vector<16xf32>
        %parallel_loop3A_1133 = arith.constant 0 : i32
        %parallel_loop3A_1134 = arith.index_cast %parallel_loop3A_1133 : i32 to index
        %parallel_loop3A_1135 = arith.index_cast %parallel_loop3A_460 : i32 to index
        %parallel_loop3A_1136 = arith.constant 96 : index
        %parallel_loop3A_1137 = tpu.vector_load %arg14[%parallel_loop3A_1134, %parallel_loop3A_1135, %parallel_loop3A_1136] {strides = array<i32>} : memref<2x64x128xf32, #tpu.memory_space<vmem>>, vector<16xf32>,
        tpu.vector_store %arg14[%parallel_loop3A_1134, %parallel_loop3A_1135, %parallel_loop3A_1136], %parallel_loop3A_1132 {strides = array<i32>} : memref<2x64x128xf32, #tpu.memory_space<vmem>>, vector<16xf32>,
        %parallel_loop3A_1138 = arith.subf %parallel_loop3A_1076, %parallel_loop3A_1079 : vector<16xf32>
        %parallel_loop3A_1139 = arith.subf %parallel_loop3A_1077, %parallel_loop3A_1080 : vector<16xf32>
        %parallel_loop3A_1140 = arith.subf %parallel_loop3A_1078, %parallel_loop3A_1081 : vector<16xf32>
        %parallel_loop3A_1141 = arith.mulf %parallel_loop3A_1138, %parallel_loop3A_1138 : vector<16xf32>
        %parallel_loop3A_1142 = arith.mulf %parallel_loop3A_1139, %parallel_loop3A_1139 : vector<16xf32>
        %parallel_loop3A_1143 = arith.addf %parallel_loop3A_1141, %parallel_loop3A_1142 : vector<16xf32>
        %parallel_loop3A_1144 = arith.mulf %parallel_loop3A_1140, %parallel_loop3A_1140 : vector<16xf32>
        %parallel_loop3A_1145 = arith.addf %parallel_loop3A_1143, %parallel_loop3A_1144 : vector<16xf32>
        %parallel_loop3A_1146 = tpu.bitcast %parallel_loop3A_1145 : vector<16xf32> -> vector<16xi32>
        %parallel_loop3A_1147 = arith.constant 1 : i32
        %parallel_loop3A_1148 = vector.broadcast %parallel_loop3A_1147 : i32 to vector<16xi32>
        %parallel_loop3A_1149 = arith.shrsi %parallel_loop3A_1146, %parallel_loop3A_1148 : vector<16xi32>
        %parallel_loop3A_1150 = arith.constant 1594578154 : i32
        %parallel_loop3A_1151 = vector.broadcast %parallel_loop3A_1150 : i32 to vector<16xi32>
        %parallel_loop3A_1152 = arith.subi %parallel_loop3A_1151, %parallel_loop3A_1149 : vector<16xi32>
        %parallel_loop3A_1153 = tpu.bitcast %parallel_loop3A_1152 : vector<16xi32> -> vector<16xf32>
        %parallel_loop3A_1154 = arith.mulf %parallel_loop3A_1145, %parallel_loop3A_1153 : vector<16xf32>
        %parallel_loop3A_1155 = arith.mulf %parallel_loop3A_1154, %parallel_loop3A_1153 : vector<16xf32>
        %parallel_loop3A_1156 = arith.constant 1.891200e+00 : f32
        %parallel_loop3A_1157 = vector.broadcast %parallel_loop3A_1156 : f32 to vector<16xf32>
        %parallel_loop3A_1158 = arith.subf %parallel_loop3A_1157, %parallel_loop3A_1155 : vector<16xf32>
        %parallel_loop3A_1159 = arith.mulf %parallel_loop3A_1153, %parallel_loop3A_1158 : vector<16xf32>
        %parallel_loop3A_1160 = arith.mulf %parallel_loop3A_1145, %parallel_loop3A_1159 : vector<16xf32>
        %parallel_loop3A_1161 = arith.constant 0 : i32
        %parallel_loop3A_1162 = arith.index_cast %parallel_loop3A_1161 : i32 to index
        %parallel_loop3A_1163 = arith.index_cast %parallel_loop3A_460 : i32 to index
        %parallel_loop3A_1164 = arith.constant 96 : index
        %parallel_loop3A_1165 = tpu.vector_load %arg15[%parallel_loop3A_1162, %parallel_loop3A_1163, %parallel_loop3A_1164] {strides = array<i32>} : memref<2x64x128xf32, #tpu.memory_space<vmem>>, vector<16xf32>,
        tpu.vector_store %arg15[%parallel_loop3A_1162, %parallel_loop3A_1163, %parallel_loop3A_1164], %parallel_loop3A_1160 {strides = array<i32>} : memref<2x64x128xf32, #tpu.memory_space<vmem>>, vector<16xf32>,
        %parallel_loop3A_1166 = arith.constant 0 : i32
        %parallel_loop3A_1167 = arith.index_cast %parallel_loop3A_1166 : i32 to index
        %parallel_loop3A_1168 = arith.index_cast %parallel_loop3A_460 : i32 to index
        %parallel_loop3A_1169 = arith.constant 112 : index
        %parallel_loop3A_1170 = tpu.vector_load %arg11[%parallel_loop3A_1167, %parallel_loop3A_1168, %parallel_loop3A_1169] {strides = array<i32>} : memref<2x64x128xi32, #tpu.memory_space<vmem>>, vector<16xi32>,
        %parallel_loop3A_1171 = arith.constant 0 : i32
        %parallel_loop3A_1172 = arith.index_cast %parallel_loop3A_1171 : i32 to index
        %parallel_loop3A_1173 = arith.index_cast %parallel_loop3A_460 : i32 to index
        %parallel_loop3A_1174 = arith.constant 112 : index
        %parallel_loop3A_1175 = tpu.vector_load %arg12[%parallel_loop3A_1172, %parallel_loop3A_1173, %parallel_loop3A_1174] {strides = array<i32>} : memref<2x64x128xi32, #tpu.memory_space<vmem>>, vector<16xi32>,
        %parallel_loop3A_1176 = tpu.vector_load_idx %arg8[%parallel_loop3A_1170] : memref<4096xf32, #tpu.memory_space<vmem>>[vector<16xi32>], vector<16xf32>,
        %parallel_loop3A_1177 = tpu.vector_load_idx %arg9[%parallel_loop3A_1170] : memref<4096xf32, #tpu.memory_space<vmem>>[vector<16xi32>], vector<16xf32>,
        %parallel_loop3A_1178 = tpu.vector_load_idx %arg10[%parallel_loop3A_1170] : memref<4096xf32, #tpu.memory_space<vmem>>[vector<16xi32>], vector<16xf32>,
        %parallel_loop3A_1179 = tpu.vector_load_idx %arg8[%parallel_loop3A_1175] : memref<4096xf32, #tpu.memory_space<vmem>>[vector<16xi32>], vector<16xf32>,
        %parallel_loop3A_1180 = tpu.vector_load_idx %arg9[%parallel_loop3A_1175] : memref<4096xf32, #tpu.memory_space<vmem>>[vector<16xi32>], vector<16xf32>,
        %parallel_loop3A_1181 = tpu.vector_load_idx %arg10[%parallel_loop3A_1175] : memref<4096xf32, #tpu.memory_space<vmem>>[vector<16xi32>], vector<16xf32>,
        %parallel_loop3A_1182 = arith.subf %parallel_loop3A_1176, %parallel_loop3A_463 : vector<16xf32>
        %parallel_loop3A_1183 = arith.subf %parallel_loop3A_1177, %parallel_loop3A_464 : vector<16xf32>
        %parallel_loop3A_1184 = arith.subf %parallel_loop3A_1178, %parallel_loop3A_465 : vector<16xf32>
        %parallel_loop3A_1185 = arith.mulf %parallel_loop3A_1182, %parallel_loop3A_1182 : vector<16xf32>
        %parallel_loop3A_1186 = arith.mulf %parallel_loop3A_1183, %parallel_loop3A_1183 : vector<16xf32>
        %parallel_loop3A_1187 = arith.addf %parallel_loop3A_1185, %parallel_loop3A_1186 : vector<16xf32>
        %parallel_loop3A_1188 = arith.mulf %parallel_loop3A_1184, %parallel_loop3A_1184 : vector<16xf32>
        %parallel_loop3A_1189 = arith.addf %parallel_loop3A_1187, %parallel_loop3A_1188 : vector<16xf32>
        %parallel_loop3A_1190 = tpu.bitcast %parallel_loop3A_1189 : vector<16xf32> -> vector<16xi32>
        %parallel_loop3A_1191 = arith.constant 1 : i32
        %parallel_loop3A_1192 = vector.broadcast %parallel_loop3A_1191 : i32 to vector<16xi32>
        %parallel_loop3A_1193 = arith.shrsi %parallel_loop3A_1190, %parallel_loop3A_1192 : vector<16xi32>
        %parallel_loop3A_1194 = arith.constant 1594578154 : i32
        %parallel_loop3A_1195 = vector.broadcast %parallel_loop3A_1194 : i32 to vector<16xi32>
        %parallel_loop3A_1196 = arith.subi %parallel_loop3A_1195, %parallel_loop3A_1193 : vector<16xi32>
        %parallel_loop3A_1197 = tpu.bitcast %parallel_loop3A_1196 : vector<16xi32> -> vector<16xf32>
        %parallel_loop3A_1198 = arith.mulf %parallel_loop3A_1189, %parallel_loop3A_1197 : vector<16xf32>
        %parallel_loop3A_1199 = arith.mulf %parallel_loop3A_1198, %parallel_loop3A_1197 : vector<16xf32>
        %parallel_loop3A_1200 = arith.constant 1.891200e+00 : f32
        %parallel_loop3A_1201 = vector.broadcast %parallel_loop3A_1200 : f32 to vector<16xf32>
        %parallel_loop3A_1202 = arith.subf %parallel_loop3A_1201, %parallel_loop3A_1199 : vector<16xf32>
        %parallel_loop3A_1203 = arith.mulf %parallel_loop3A_1197, %parallel_loop3A_1202 : vector<16xf32>
        %parallel_loop3A_1204 = arith.mulf %parallel_loop3A_1189, %parallel_loop3A_1203 : vector<16xf32>
        %parallel_loop3A_1205 = arith.constant 0 : i32
        %parallel_loop3A_1206 = arith.index_cast %parallel_loop3A_1205 : i32 to index
        %parallel_loop3A_1207 = arith.index_cast %parallel_loop3A_460 : i32 to index
        %parallel_loop3A_1208 = arith.constant 112 : index
        %parallel_loop3A_1209 = tpu.vector_load %arg13[%parallel_loop3A_1206, %parallel_loop3A_1207, %parallel_loop3A_1208] {strides = array<i32>} : memref<2x64x128xf32, #tpu.memory_space<vmem>>, vector<16xf32>,
        tpu.vector_store %arg13[%parallel_loop3A_1206, %parallel_loop3A_1207, %parallel_loop3A_1208], %parallel_loop3A_1204 {strides = array<i32>} : memref<2x64x128xf32, #tpu.memory_space<vmem>>, vector<16xf32>,
        %parallel_loop3A_1210 = arith.subf %parallel_loop3A_1179, %parallel_loop3A_463 : vector<16xf32>
        %parallel_loop3A_1211 = arith.subf %parallel_loop3A_1180, %parallel_loop3A_464 : vector<16xf32>
        %parallel_loop3A_1212 = arith.subf %parallel_loop3A_1181, %parallel_loop3A_465 : vector<16xf32>
        %parallel_loop3A_1213 = arith.mulf %parallel_loop3A_1210, %parallel_loop3A_1210 : vector<16xf32>
        %parallel_loop3A_1214 = arith.mulf %parallel_loop3A_1211, %parallel_loop3A_1211 : vector<16xf32>
        %parallel_loop3A_1215 = arith.addf %parallel_loop3A_1213, %parallel_loop3A_1214 : vector<16xf32>
        %parallel_loop3A_1216 = arith.mulf %parallel_loop3A_1212, %parallel_loop3A_1212 : vector<16xf32>
        %parallel_loop3A_1217 = arith.addf %parallel_loop3A_1215, %parallel_loop3A_1216 : vector<16xf32>
        %parallel_loop3A_1218 = tpu.bitcast %parallel_loop3A_1217 : vector<16xf32> -> vector<16xi32>
        %parallel_loop3A_1219 = arith.constant 1 : i32
        %parallel_loop3A_1220 = vector.broadcast %parallel_loop3A_1219 : i32 to vector<16xi32>
        %parallel_loop3A_1221 = arith.shrsi %parallel_loop3A_1218, %parallel_loop3A_1220 : vector<16xi32>
        %parallel_loop3A_1222 = arith.constant 1594578154 : i32
        %parallel_loop3A_1223 = vector.broadcast %parallel_loop3A_1222 : i32 to vector<16xi32>
        %parallel_loop3A_1224 = arith.subi %parallel_loop3A_1223, %parallel_loop3A_1221 : vector<16xi32>
        %parallel_loop3A_1225 = tpu.bitcast %parallel_loop3A_1224 : vector<16xi32> -> vector<16xf32>
        %parallel_loop3A_1226 = arith.mulf %parallel_loop3A_1217, %parallel_loop3A_1225 : vector<16xf32>
        %parallel_loop3A_1227 = arith.mulf %parallel_loop3A_1226, %parallel_loop3A_1225 : vector<16xf32>
        %parallel_loop3A_1228 = arith.constant 1.891200e+00 : f32
        %parallel_loop3A_1229 = vector.broadcast %parallel_loop3A_1228 : f32 to vector<16xf32>
        %parallel_loop3A_1230 = arith.subf %parallel_loop3A_1229, %parallel_loop3A_1227 : vector<16xf32>
        %parallel_loop3A_1231 = arith.mulf %parallel_loop3A_1225, %parallel_loop3A_1230 : vector<16xf32>
        %parallel_loop3A_1232 = arith.mulf %parallel_loop3A_1217, %parallel_loop3A_1231 : vector<16xf32>
        %parallel_loop3A_1233 = arith.constant 0 : i32
        %parallel_loop3A_1234 = arith.index_cast %parallel_loop3A_1233 : i32 to index
        %parallel_loop3A_1235 = arith.index_cast %parallel_loop3A_460 : i32 to index
        %parallel_loop3A_1236 = arith.constant 112 : index
        %parallel_loop3A_1237 = tpu.vector_load %arg14[%parallel_loop3A_1234, %parallel_loop3A_1235, %parallel_loop3A_1236] {strides = array<i32>} : memref<2x64x128xf32, #tpu.memory_space<vmem>>, vector<16xf32>,
        tpu.vector_store %arg14[%parallel_loop3A_1234, %parallel_loop3A_1235, %parallel_loop3A_1236], %parallel_loop3A_1232 {strides = array<i32>} : memref<2x64x128xf32, #tpu.memory_space<vmem>>, vector<16xf32>,
        %parallel_loop3A_1238 = arith.subf %parallel_loop3A_1176, %parallel_loop3A_1179 : vector<16xf32>
        %parallel_loop3A_1239 = arith.subf %parallel_loop3A_1177, %parallel_loop3A_1180 : vector<16xf32>
        %parallel_loop3A_1240 = arith.subf %parallel_loop3A_1178, %parallel_loop3A_1181 : vector<16xf32>
        %parallel_loop3A_1241 = arith.mulf %parallel_loop3A_1238, %parallel_loop3A_1238 : vector<16xf32>
        %parallel_loop3A_1242 = arith.mulf %parallel_loop3A_1239, %parallel_loop3A_1239 : vector<16xf32>
        %parallel_loop3A_1243 = arith.addf %parallel_loop3A_1241, %parallel_loop3A_1242 : vector<16xf32>
        %parallel_loop3A_1244 = arith.mulf %parallel_loop3A_1240, %parallel_loop3A_1240 : vector<16xf32>
        %parallel_loop3A_1245 = arith.addf %parallel_loop3A_1243, %parallel_loop3A_1244 : vector<16xf32>
        %parallel_loop3A_1246 = tpu.bitcast %parallel_loop3A_1245 : vector<16xf32> -> vector<16xi32>
        %parallel_loop3A_1247 = arith.constant 1 : i32
        %parallel_loop3A_1248 = vector.broadcast %parallel_loop3A_1247 : i32 to vector<16xi32>
        %parallel_loop3A_1249 = arith.shrsi %parallel_loop3A_1246, %parallel_loop3A_1248 : vector<16xi32>
        %parallel_loop3A_1250 = arith.constant 1594578154 : i32
        %parallel_loop3A_1251 = vector.broadcast %parallel_loop3A_1250 : i32 to vector<16xi32>
        %parallel_loop3A_1252 = arith.subi %parallel_loop3A_1251, %parallel_loop3A_1249 : vector<16xi32>
        %parallel_loop3A_1253 = tpu.bitcast %parallel_loop3A_1252 : vector<16xi32> -> vector<16xf32>
        %parallel_loop3A_1254 = arith.mulf %parallel_loop3A_1245, %parallel_loop3A_1253 : vector<16xf32>
        %parallel_loop3A_1255 = arith.mulf %parallel_loop3A_1254, %parallel_loop3A_1253 : vector<16xf32>
        %parallel_loop3A_1256 = arith.constant 1.891200e+00 : f32
        %parallel_loop3A_1257 = vector.broadcast %parallel_loop3A_1256 : f32 to vector<16xf32>
        %parallel_loop3A_1258 = arith.subf %parallel_loop3A_1257, %parallel_loop3A_1255 : vector<16xf32>
        %parallel_loop3A_1259 = arith.mulf %parallel_loop3A_1253, %parallel_loop3A_1258 : vector<16xf32>
        %parallel_loop3A_1260 = arith.mulf %parallel_loop3A_1245, %parallel_loop3A_1259 : vector<16xf32>
        %parallel_loop3A_1261 = arith.constant 0 : i32
        %parallel_loop3A_1262 = arith.index_cast %parallel_loop3A_1261 : i32 to index
        %parallel_loop3A_1263 = arith.index_cast %parallel_loop3A_460 : i32 to index
        %parallel_loop3A_1264 = arith.constant 112 : index
        %parallel_loop3A_1265 = tpu.vector_load %arg15[%parallel_loop3A_1262, %parallel_loop3A_1263, %parallel_loop3A_1264] {strides = array<i32>} : memref<2x64x128xf32, #tpu.memory_space<vmem>>, vector<16xf32>,
        tpu.vector_store %arg15[%parallel_loop3A_1262, %parallel_loop3A_1263, %parallel_loop3A_1264], %parallel_loop3A_1260 {strides = array<i32>} : memref<2x64x128xf32, #tpu.memory_space<vmem>>, vector<16xf32>,
      } {sc.loop_unroll_factor = 4 : i64, sc.parallel_access}
      %add3A_277 = arith.constant 2 : i32
      %add3A_278 = arith.addi %add3A_230, %add3A_277 : i32
      %lt3A_279 = arith.constant 8 : i32
      %lt3A_280 = arith.cmpi slt, %add3A_278, %lt3A_279 : i32
      %convert_element_type3A_281 = arith.extui %lt3A_280 : i1 to i32
      %cond3A_282 = arith.constant 0 : i32
      %cond3A_283 = arith.cmpi ne, %convert_element_type3A_281, %cond3A_282 : i32
      scf.if %cond3A_283 {
        %add3A_460 = arith.constant 2 : i32
        %add3A_461 = arith.addi %add3A_230, %add3A_460 : i32
        %mul3A_462 = arith.constant 64 : i32
        %mul3A_463 = arith.muli %add3A_461, %mul3A_462 : i32
        %add3A_464 = arith.addi %mul3A_32, %mul3A_463 : i32
        %dma_start3A_465 = arith.constant 0 : i32
        %dma_start3A_466 = arith.constant 0 : i32
        %dma_start3A_467 = arith.constant 0 : i32
        %dma_start3A_468 = arith.constant 0 : i32
        %dma_start3A_469 = tpu.memref_slice %arg11[%dma_start3A_465, %dma_start3A_467, %dma_start3A_468] : memref<2x64x128xi32, #tpu.memory_space<vmem>> -> memref<1x64x128xi32, #tpu.memory_space<vmem>>
        %dma_start3A_470 = tpu.memref_squeeze %dma_start3A_469 : memref<1x64x128xi32, #tpu.memory_space<vmem>> -> memref<64x128xi32, #tpu.memory_space<vmem>>
        %dma_start3A_471 = arith.constant 0 : i32
        %dma_start3A_472 = tpu.memref_slice %arg3[%select_n3A, %add3A_464, %dma_start3A_471] : memref<4x4096x128xi32, #tpu.memory_space<hbm>> -> memref<1x64x128xi32, #tpu.memory_space<hbm>>
        %dma_start3A_473 = tpu.memref_squeeze %dma_start3A_472 : memref<1x64x128xi32, #tpu.memory_space<hbm>> -> memref<64x128xi32, #tpu.memory_space<hbm>>
        %dma_start3A_474 = tpu.memref_slice %arg16[%dma_start3A_466] : memref<2x!tpu.dma_semaphore, #tpu.memory_space<semaphore_mem>> -> memref<1x!tpu.dma_semaphore, #tpu.memory_space<semaphore_mem>>
        %dma_start3A_475 = tpu.memref_squeeze %dma_start3A_474 : memref<1x!tpu.dma_semaphore, #tpu.memory_space<semaphore_mem>> -> memref<!tpu.dma_semaphore, #tpu.memory_space<semaphore_mem>>
        %dma_start3A_476 = arith.constant 0 : i32
        %dma_start3A_477 = arith.constant 0 : i32
        %dma_start3A_478 = tpu.memref_slice %arg11[%dma_start3A_465, %dma_start3A_476, %dma_start3A_477] : memref<2x64x128xi32, #tpu.memory_space<vmem>> -> memref<1x64x128xi32, #tpu.memory_space<vmem>>
        %dma_start3A_479 = tpu.memref_squeeze %dma_start3A_478 : memref<1x64x128xi32, #tpu.memory_space<vmem>> -> memref<64x128xi32, #tpu.memory_space<vmem>>
        %dma_start3A_480 = arith.constant 0 : i32
        %dma_start3A_481 = tpu.memref_slice %arg3[%select_n3A, %add3A_464, %dma_start3A_480] : memref<4x4096x128xi32, #tpu.memory_space<hbm>> -> memref<1x64x128xi32, #tpu.memory_space<hbm>>
        %dma_start3A_482 = tpu.memref_squeeze %dma_start3A_481 : memref<1x64x128xi32, #tpu.memory_space<hbm>> -> memref<64x128xi32, #tpu.memory_space<hbm>>
        tpu.enqueue_dma source(%dma_start3A_482 : memref<64x128xi32, #tpu.memory_space<hbm>>) target(%dma_start3A_479 : memref<64x128xi32, #tpu.memory_space<vmem>>) target_semaphore(%dma_start3A_475 : memref<!tpu.dma_semaphore, #tpu.memory_space<semaphore_mem>>)
        %dma_start3A_483 = arith.constant 0 : i32
        %dma_start3A_484 = arith.constant 0 : i32
        %dma_start3A_485 = arith.constant 0 : i32
        %dma_start3A_486 = arith.constant 0 : i32
        %dma_start3A_487 = tpu.memref_slice %arg12[%dma_start3A_483, %dma_start3A_485, %dma_start3A_486] : memref<2x64x128xi32, #tpu.memory_space<vmem>> -> memref<1x64x128xi32, #tpu.memory_space<vmem>>
        %dma_start3A_488 = tpu.memref_squeeze %dma_start3A_487 : memref<1x64x128xi32, #tpu.memory_space<vmem>> -> memref<64x128xi32, #tpu.memory_space<vmem>>
        %dma_start3A_489 = arith.constant 0 : i32
        %dma_start3A_490 = tpu.memref_slice %arg4[%select_n3A, %add3A_464, %dma_start3A_489] : memref<4x4096x128xi32, #tpu.memory_space<hbm>> -> memref<1x64x128xi32, #tpu.memory_space<hbm>>
        %dma_start3A_491 = tpu.memref_squeeze %dma_start3A_490 : memref<1x64x128xi32, #tpu.memory_space<hbm>> -> memref<64x128xi32, #tpu.memory_space<hbm>>
        %dma_start3A_492 = tpu.memref_slice %arg16[%dma_start3A_484] : memref<2x!tpu.dma_semaphore, #tpu.memory_space<semaphore_mem>> -> memref<1x!tpu.dma_semaphore, #tpu.memory_space<semaphore_mem>>
        %dma_start3A_493 = tpu.memref_squeeze %dma_start3A_492 : memref<1x!tpu.dma_semaphore, #tpu.memory_space<semaphore_mem>> -> memref<!tpu.dma_semaphore, #tpu.memory_space<semaphore_mem>>
        %dma_start3A_494 = arith.constant 0 : i32
        %dma_start3A_495 = arith.constant 0 : i32
        %dma_start3A_496 = tpu.memref_slice %arg12[%dma_start3A_483, %dma_start3A_494, %dma_start3A_495] : memref<2x64x128xi32, #tpu.memory_space<vmem>> -> memref<1x64x128xi32, #tpu.memory_space<vmem>>
        %dma_start3A_497 = tpu.memref_squeeze %dma_start3A_496 : memref<1x64x128xi32, #tpu.memory_space<vmem>> -> memref<64x128xi32, #tpu.memory_space<vmem>>
        %dma_start3A_498 = arith.constant 0 : i32
        %dma_start3A_499 = tpu.memref_slice %arg4[%select_n3A, %add3A_464, %dma_start3A_498] : memref<4x4096x128xi32, #tpu.memory_space<hbm>> -> memref<1x64x128xi32, #tpu.memory_space<hbm>>
        %dma_start3A_500 = tpu.memref_squeeze %dma_start3A_499 : memref<1x64x128xi32, #tpu.memory_space<hbm>> -> memref<64x128xi32, #tpu.memory_space<hbm>>
        tpu.enqueue_dma source(%dma_start3A_500 : memref<64x128xi32, #tpu.memory_space<hbm>>) target(%dma_start3A_497 : memref<64x128xi32, #tpu.memory_space<vmem>>) target_semaphore(%dma_start3A_493 : memref<!tpu.dma_semaphore, #tpu.memory_space<semaphore_mem>>)
      } else {
      }
      %mul3A_284 = arith.constant 64 : i32
      %mul3A_285 = arith.muli %add3A_230, %mul3A_284 : i32
      %add3A_286 = arith.addi %mul3A_32, %mul3A_285 : i32
      %dma_start3A_287 = arith.constant 0 : i32
      %dma_start3A_288 = arith.constant 0 : i32
      %dma_start3A_289 = arith.constant 0 : i32
      %dma_start3A_290 = arith.constant 0 : i32
      %dma_start3A_291 = tpu.memref_slice %arg13[%dma_start3A_287, %dma_start3A_289, %dma_start3A_290] : memref<2x64x128xf32, #tpu.memory_space<vmem>> -> memref<1x64x128xf32, #tpu.memory_space<vmem>>
      %dma_start3A_292 = tpu.memref_squeeze %dma_start3A_291 : memref<1x64x128xf32, #tpu.memory_space<vmem>> -> memref<64x128xf32, #tpu.memory_space<vmem>>
      %dma_start3A_293 = arith.constant 0 : i32
      %dma_start3A_294 = tpu.memref_slice %arg5[%select_n3A, %add3A_286, %dma_start3A_293] : memref<4x4096x128xf32, #tpu.memory_space<hbm>> -> memref<1x64x128xf32, #tpu.memory_space<hbm>>
      %dma_start3A_295 = tpu.memref_squeeze %dma_start3A_294 : memref<1x64x128xf32, #tpu.memory_space<hbm>> -> memref<64x128xf32, #tpu.memory_space<hbm>>
      %dma_start3A_296 = tpu.memref_slice %arg17[%dma_start3A_288] : memref<2x!tpu.dma_semaphore, #tpu.memory_space<semaphore_mem>> -> memref<1x!tpu.dma_semaphore, #tpu.memory_space<semaphore_mem>>
      %dma_start3A_297 = tpu.memref_squeeze %dma_start3A_296 : memref<1x!tpu.dma_semaphore, #tpu.memory_space<semaphore_mem>> -> memref<!tpu.dma_semaphore, #tpu.memory_space<semaphore_mem>>
      %dma_start3A_298 = arith.constant 0 : i32
      %dma_start3A_299 = tpu.memref_slice %arg5[%select_n3A, %add3A_286, %dma_start3A_298] : memref<4x4096x128xf32, #tpu.memory_space<hbm>> -> memref<1x64x128xf32, #tpu.memory_space<hbm>>
      %dma_start3A_300 = tpu.memref_squeeze %dma_start3A_299 : memref<1x64x128xf32, #tpu.memory_space<hbm>> -> memref<64x128xf32, #tpu.memory_space<hbm>>
      %dma_start3A_301 = arith.constant 0 : i32
      %dma_start3A_302 = arith.constant 0 : i32
      %dma_start3A_303 = tpu.memref_slice %arg13[%dma_start3A_287, %dma_start3A_301, %dma_start3A_302] : memref<2x64x128xf32, #tpu.memory_space<vmem>> -> memref<1x64x128xf32, #tpu.memory_space<vmem>>
      %dma_start3A_304 = tpu.memref_squeeze %dma_start3A_303 : memref<1x64x128xf32, #tpu.memory_space<vmem>> -> memref<64x128xf32, #tpu.memory_space<vmem>>
      tpu.enqueue_dma source(%dma_start3A_304 : memref<64x128xf32, #tpu.memory_space<vmem>>) target(%dma_start3A_300 : memref<64x128xf32, #tpu.memory_space<hbm>>) target_semaphore(%dma_start3A_297 : memref<!tpu.dma_semaphore, #tpu.memory_space<semaphore_mem>>)
      %dma_start3A_305 = arith.constant 0 : i32
      %dma_start3A_306 = arith.constant 0 : i32
      %dma_start3A_307 = arith.constant 0 : i32
      %dma_start3A_308 = arith.constant 0 : i32
      %dma_start3A_309 = tpu.memref_slice %arg14[%dma_start3A_305, %dma_start3A_307, %dma_start3A_308] : memref<2x64x128xf32, #tpu.memory_space<vmem>> -> memref<1x64x128xf32, #tpu.memory_space<vmem>>
      %dma_start3A_310 = tpu.memref_squeeze %dma_start3A_309 : memref<1x64x128xf32, #tpu.memory_space<vmem>> -> memref<64x128xf32, #tpu.memory_space<vmem>>
      %dma_start3A_311 = arith.constant 0 : i32
      %dma_start3A_312 = tpu.memref_slice %arg6[%select_n3A, %add3A_286, %dma_start3A_311] : memref<4x4096x128xf32, #tpu.memory_space<hbm>> -> memref<1x64x128xf32, #tpu.memory_space<hbm>>
      %dma_start3A_313 = tpu.memref_squeeze %dma_start3A_312 : memref<1x64x128xf32, #tpu.memory_space<hbm>> -> memref<64x128xf32, #tpu.memory_space<hbm>>
      %dma_start3A_314 = tpu.memref_slice %arg17[%dma_start3A_306] : memref<2x!tpu.dma_semaphore, #tpu.memory_space<semaphore_mem>> -> memref<1x!tpu.dma_semaphore, #tpu.memory_space<semaphore_mem>>
      %dma_start3A_315 = tpu.memref_squeeze %dma_start3A_314 : memref<1x!tpu.dma_semaphore, #tpu.memory_space<semaphore_mem>> -> memref<!tpu.dma_semaphore, #tpu.memory_space<semaphore_mem>>
      %dma_start3A_316 = arith.constant 0 : i32
      %dma_start3A_317 = tpu.memref_slice %arg6[%select_n3A, %add3A_286, %dma_start3A_316] : memref<4x4096x128xf32, #tpu.memory_space<hbm>> -> memref<1x64x128xf32, #tpu.memory_space<hbm>>
      %dma_start3A_318 = tpu.memref_squeeze %dma_start3A_317 : memref<1x64x128xf32, #tpu.memory_space<hbm>> -> memref<64x128xf32, #tpu.memory_space<hbm>>
      %dma_start3A_319 = arith.constant 0 : i32
      %dma_start3A_320 = arith.constant 0 : i32
      %dma_start3A_321 = tpu.memref_slice %arg14[%dma_start3A_305, %dma_start3A_319, %dma_start3A_320] : memref<2x64x128xf32, #tpu.memory_space<vmem>> -> memref<1x64x128xf32, #tpu.memory_space<vmem>>
      %dma_start3A_322 = tpu.memref_squeeze %dma_start3A_321 : memref<1x64x128xf32, #tpu.memory_space<vmem>> -> memref<64x128xf32, #tpu.memory_space<vmem>>
      tpu.enqueue_dma source(%dma_start3A_322 : memref<64x128xf32, #tpu.memory_space<vmem>>) target(%dma_start3A_318 : memref<64x128xf32, #tpu.memory_space<hbm>>) target_semaphore(%dma_start3A_315 : memref<!tpu.dma_semaphore, #tpu.memory_space<semaphore_mem>>)
      %dma_start3A_323 = arith.constant 0 : i32
      %dma_start3A_324 = arith.constant 0 : i32
      %dma_start3A_325 = arith.constant 0 : i32
      %dma_start3A_326 = arith.constant 0 : i32
      %dma_start3A_327 = tpu.memref_slice %arg15[%dma_start3A_323, %dma_start3A_325, %dma_start3A_326] : memref<2x64x128xf32, #tpu.memory_space<vmem>> -> memref<1x64x128xf32, #tpu.memory_space<vmem>>
      %dma_start3A_328 = tpu.memref_squeeze %dma_start3A_327 : memref<1x64x128xf32, #tpu.memory_space<vmem>> -> memref<64x128xf32, #tpu.memory_space<vmem>>
      %dma_start3A_329 = arith.constant 0 : i32
      %dma_start3A_330 = tpu.memref_slice %arg7[%select_n3A, %add3A_286, %dma_start3A_329] : memref<4x4096x128xf32, #tpu.memory_space<hbm>> -> memref<1x64x128xf32, #tpu.memory_space<hbm>>
      %dma_start3A_331 = tpu.memref_squeeze %dma_start3A_330 : memref<1x64x128xf32, #tpu.memory_space<hbm>> -> memref<64x128xf32, #tpu.memory_space<hbm>>
      %dma_start3A_332 = tpu.memref_slice %arg17[%dma_start3A_324] : memref<2x!tpu.dma_semaphore, #tpu.memory_space<semaphore_mem>> -> memref<1x!tpu.dma_semaphore, #tpu.memory_space<semaphore_mem>>
      %dma_start3A_333 = tpu.memref_squeeze %dma_start3A_332 : memref<1x!tpu.dma_semaphore, #tpu.memory_space<semaphore_mem>> -> memref<!tpu.dma_semaphore, #tpu.memory_space<semaphore_mem>>
      %dma_start3A_334 = arith.constant 0 : i32
      %dma_start3A_335 = tpu.memref_slice %arg7[%select_n3A, %add3A_286, %dma_start3A_334] : memref<4x4096x128xf32, #tpu.memory_space<hbm>> -> memref<1x64x128xf32, #tpu.memory_space<hbm>>
      %dma_start3A_336 = tpu.memref_squeeze %dma_start3A_335 : memref<1x64x128xf32, #tpu.memory_space<hbm>> -> memref<64x128xf32, #tpu.memory_space<hbm>>
      %dma_start3A_337 = arith.constant 0 : i32
      %dma_start3A_338 = arith.constant 0 : i32
      %dma_start3A_339 = tpu.memref_slice %arg15[%dma_start3A_323, %dma_start3A_337, %dma_start3A_338] : memref<2x64x128xf32, #tpu.memory_space<vmem>> -> memref<1x64x128xf32, #tpu.memory_space<vmem>>
      %dma_start3A_340 = tpu.memref_squeeze %dma_start3A_339 : memref<1x64x128xf32, #tpu.memory_space<vmem>> -> memref<64x128xf32, #tpu.memory_space<vmem>>
      tpu.enqueue_dma source(%dma_start3A_340 : memref<64x128xf32, #tpu.memory_space<vmem>>) target(%dma_start3A_336 : memref<64x128xf32, #tpu.memory_space<hbm>>) target_semaphore(%dma_start3A_333 : memref<!tpu.dma_semaphore, #tpu.memory_space<semaphore_mem>>)
      %mul3A_341 = arith.constant 2 : i32
      %mul3A_342 = arith.muli %mul3A_341, %scan3A_225 : i32
      %add3A_343 = arith.constant 1 : i32
      %add3A_344 = arith.addi %mul3A_342, %add3A_343 : i32
      %mul3A_345 = arith.constant 64 : i32
      %mul3A_346 = arith.muli %add3A_344, %mul3A_345 : i32
      %add3A_347 = arith.addi %mul3A_32, %mul3A_346 : i32
      %mul3A_348 = arith.constant 64 : i32
      %mul3A_349 = arith.muli %add3A_344, %mul3A_348 : i32
      %add3A_350 = arith.addi %mul3A_32, %mul3A_349 : i32
      %dma_wait3A_351 = arith.constant 1 : i32
      %dma_wait3A_352 = arith.constant 1 : i32
      %dma_wait3A_353 = arith.constant 0 : i32
      %dma_wait3A_354 = arith.constant 0 : i32
      %dma_wait3A_355 = tpu.memref_slice %arg11[%dma_wait3A_351, %dma_wait3A_353, %dma_wait3A_354] : memref<2x64x128xi32, #tpu.memory_space<vmem>> -> memref<1x64x128xi32, #tpu.memory_space<vmem>>
      %dma_wait3A_356 = tpu.memref_squeeze %dma_wait3A_355 : memref<1x64x128xi32, #tpu.memory_space<vmem>> -> memref<64x128xi32, #tpu.memory_space<vmem>>
      %dma_wait3A_357 = arith.constant 0 : i32
      %dma_wait3A_358 = tpu.memref_slice %arg3[%select_n3A, %add3A_350, %dma_wait3A_357] : memref<4x4096x128xi32, #tpu.memory_space<hbm>> -> memref<1x64x128xi32, #tpu.memory_space<hbm>>
      %dma_wait3A_359 = tpu.memref_squeeze %dma_wait3A_358 : memref<1x64x128xi32, #tpu.memory_space<hbm>> -> memref<64x128xi32, #tpu.memory_space<hbm>>
      %dma_wait3A_360 = tpu.memref_slice %arg16[%dma_wait3A_352] : memref<2x!tpu.dma_semaphore, #tpu.memory_space<semaphore_mem>> -> memref<1x!tpu.dma_semaphore, #tpu.memory_space<semaphore_mem>>
      %dma_wait3A_361 = tpu.memref_squeeze %dma_wait3A_360 : memref<1x!tpu.dma_semaphore, #tpu.memory_space<semaphore_mem>> -> memref<!tpu.dma_semaphore, #tpu.memory_space<semaphore_mem>>
      %dma_wait3A_362 = arith.constant 0 : i32
      %dma_wait3A_363 = arith.constant 0 : i32
      %dma_wait3A_364 = tpu.memref_slice %arg11[%dma_wait3A_351, %dma_wait3A_362, %dma_wait3A_363] : memref<2x64x128xi32, #tpu.memory_space<vmem>> -> memref<1x64x128xi32, #tpu.memory_space<vmem>>
      %dma_wait3A_365 = tpu.memref_squeeze %dma_wait3A_364 : memref<1x64x128xi32, #tpu.memory_space<vmem>> -> memref<64x128xi32, #tpu.memory_space<vmem>>
      %dma_wait3A_366 = arith.constant 0 : i32
      %dma_wait3A_367 = tpu.memref_slice %arg3[%select_n3A, %add3A_350, %dma_wait3A_366] : memref<4x4096x128xi32, #tpu.memory_space<hbm>> -> memref<1x64x128xi32, #tpu.memory_space<hbm>>
      %dma_wait3A_368 = tpu.memref_squeeze %dma_wait3A_367 : memref<1x64x128xi32, #tpu.memory_space<hbm>> -> memref<64x128xi32, #tpu.memory_space<hbm>>
      tpu.wait_dma2 semaphore(%dma_wait3A_361 : memref<!tpu.dma_semaphore, #tpu.memory_space<semaphore_mem>>) src(%dma_wait3A_368 : memref<64x128xi32, #tpu.memory_space<hbm>>) dst(%dma_wait3A_365 : memref<64x128xi32, #tpu.memory_space<vmem>>)
      %dma_wait3A_369 = arith.constant 1 : i32
      %dma_wait3A_370 = arith.constant 1 : i32
      %dma_wait3A_371 = arith.constant 0 : i32
      %dma_wait3A_372 = arith.constant 0 : i32
      %dma_wait3A_373 = tpu.memref_slice %arg12[%dma_wait3A_369, %dma_wait3A_371, %dma_wait3A_372] : memref<2x64x128xi32, #tpu.memory_space<vmem>> -> memref<1x64x128xi32, #tpu.memory_space<vmem>>
      %dma_wait3A_374 = tpu.memref_squeeze %dma_wait3A_373 : memref<1x64x128xi32, #tpu.memory_space<vmem>> -> memref<64x128xi32, #tpu.memory_space<vmem>>
      %dma_wait3A_375 = arith.constant 0 : i32
      %dma_wait3A_376 = tpu.memref_slice %arg4[%select_n3A, %add3A_350, %dma_wait3A_375] : memref<4x4096x128xi32, #tpu.memory_space<hbm>> -> memref<1x64x128xi32, #tpu.memory_space<hbm>>
      %dma_wait3A_377 = tpu.memref_squeeze %dma_wait3A_376 : memref<1x64x128xi32, #tpu.memory_space<hbm>> -> memref<64x128xi32, #tpu.memory_space<hbm>>
      %dma_wait3A_378 = tpu.memref_slice %arg16[%dma_wait3A_370] : memref<2x!tpu.dma_semaphore, #tpu.memory_space<semaphore_mem>> -> memref<1x!tpu.dma_semaphore, #tpu.memory_space<semaphore_mem>>
      %dma_wait3A_379 = tpu.memref_squeeze %dma_wait3A_378 : memref<1x!tpu.dma_semaphore, #tpu.memory_space<semaphore_mem>> -> memref<!tpu.dma_semaphore, #tpu.memory_space<semaphore_mem>>
      %dma_wait3A_380 = arith.constant 0 : i32
      %dma_wait3A_381 = arith.constant 0 : i32
      %dma_wait3A_382 = tpu.memref_slice %arg12[%dma_wait3A_369, %dma_wait3A_380, %dma_wait3A_381] : memref<2x64x128xi32, #tpu.memory_space<vmem>> -> memref<1x64x128xi32, #tpu.memory_space<vmem>>
      %dma_wait3A_383 = tpu.memref_squeeze %dma_wait3A_382 : memref<1x64x128xi32, #tpu.memory_space<vmem>> -> memref<64x128xi32, #tpu.memory_space<vmem>>
      %dma_wait3A_384 = arith.constant 0 : i32
      %dma_wait3A_385 = tpu.memref_slice %arg4[%select_n3A, %add3A_350, %dma_wait3A_384] : memref<4x4096x128xi32, #tpu.memory_space<hbm>> -> memref<1x64x128xi32, #tpu.memory_space<hbm>>
      %dma_wait3A_386 = tpu.memref_squeeze %dma_wait3A_385 : memref<1x64x128xi32, #tpu.memory_space<hbm>> -> memref<64x128xi32, #tpu.memory_space<hbm>>
      tpu.wait_dma2 semaphore(%dma_wait3A_379 : memref<!tpu.dma_semaphore, #tpu.memory_space<semaphore_mem>>) src(%dma_wait3A_386 : memref<64x128xi32, #tpu.memory_space<hbm>>) dst(%dma_wait3A_383 : memref<64x128xi32, #tpu.memory_space<vmem>>)
      %gt3A_387 = arith.constant 0 : i32
      %gt3A_388 = arith.cmpi sgt, %scan3A_225, %gt3A_387 : i32
      %convert_element_type3A_389 = arith.extui %gt3A_388 : i1 to i32
      %cond3A_390 = arith.constant 0 : i32
      %cond3A_391 = arith.cmpi ne, %convert_element_type3A_389, %cond3A_390 : i32
      scf.if %cond3A_391 {
        %sub3A_460 = arith.constant 2 : i32
        %sub3A_461 = arith.subi %add3A_344, %sub3A_460 : i32
        %mul3A_462 = arith.constant 64 : i32
        %mul3A_463 = arith.muli %sub3A_461, %mul3A_462 : i32
        %add3A_464 = arith.addi %mul3A_32, %mul3A_463 : i32
        %dma_wait3A_465 = arith.constant 1 : i32
        %dma_wait3A_466 = arith.constant 1 : i32
        %dma_wait3A_467 = arith.constant 0 : i32
        %dma_wait3A_468 = arith.constant 0 : i32
        %dma_wait3A_469 = tpu.memref_slice %arg13[%dma_wait3A_465, %dma_wait3A_467, %dma_wait3A_468] : memref<2x64x128xf32, #tpu.memory_space<vmem>> -> memref<1x64x128xf32, #tpu.memory_space<vmem>>
        %dma_wait3A_470 = tpu.memref_squeeze %dma_wait3A_469 : memref<1x64x128xf32, #tpu.memory_space<vmem>> -> memref<64x128xf32, #tpu.memory_space<vmem>>
        %dma_wait3A_471 = arith.constant 0 : i32
        %dma_wait3A_472 = tpu.memref_slice %arg5[%select_n3A, %add3A_464, %dma_wait3A_471] : memref<4x4096x128xf32, #tpu.memory_space<hbm>> -> memref<1x64x128xf32, #tpu.memory_space<hbm>>
        %dma_wait3A_473 = tpu.memref_squeeze %dma_wait3A_472 : memref<1x64x128xf32, #tpu.memory_space<hbm>> -> memref<64x128xf32, #tpu.memory_space<hbm>>
        %dma_wait3A_474 = tpu.memref_slice %arg17[%dma_wait3A_466] : memref<2x!tpu.dma_semaphore, #tpu.memory_space<semaphore_mem>> -> memref<1x!tpu.dma_semaphore, #tpu.memory_space<semaphore_mem>>
        %dma_wait3A_475 = tpu.memref_squeeze %dma_wait3A_474 : memref<1x!tpu.dma_semaphore, #tpu.memory_space<semaphore_mem>> -> memref<!tpu.dma_semaphore, #tpu.memory_space<semaphore_mem>>
        %dma_wait3A_476 = arith.constant 0 : i32
        %dma_wait3A_477 = tpu.memref_slice %arg5[%select_n3A, %add3A_464, %dma_wait3A_476] : memref<4x4096x128xf32, #tpu.memory_space<hbm>> -> memref<1x64x128xf32, #tpu.memory_space<hbm>>
        %dma_wait3A_478 = tpu.memref_squeeze %dma_wait3A_477 : memref<1x64x128xf32, #tpu.memory_space<hbm>> -> memref<64x128xf32, #tpu.memory_space<hbm>>
        %dma_wait3A_479 = arith.constant 0 : i32
        %dma_wait3A_480 = arith.constant 0 : i32
        %dma_wait3A_481 = tpu.memref_slice %arg13[%dma_wait3A_465, %dma_wait3A_479, %dma_wait3A_480] : memref<2x64x128xf32, #tpu.memory_space<vmem>> -> memref<1x64x128xf32, #tpu.memory_space<vmem>>
        %dma_wait3A_482 = tpu.memref_squeeze %dma_wait3A_481 : memref<1x64x128xf32, #tpu.memory_space<vmem>> -> memref<64x128xf32, #tpu.memory_space<vmem>>
        tpu.wait_dma2 semaphore(%dma_wait3A_475 : memref<!tpu.dma_semaphore, #tpu.memory_space<semaphore_mem>>) src(%dma_wait3A_482 : memref<64x128xf32, #tpu.memory_space<vmem>>) dst(%dma_wait3A_478 : memref<64x128xf32, #tpu.memory_space<hbm>>)
        %dma_wait3A_483 = arith.constant 1 : i32
        %dma_wait3A_484 = arith.constant 1 : i32
        %dma_wait3A_485 = arith.constant 0 : i32
        %dma_wait3A_486 = arith.constant 0 : i32
        %dma_wait3A_487 = tpu.memref_slice %arg14[%dma_wait3A_483, %dma_wait3A_485, %dma_wait3A_486] : memref<2x64x128xf32, #tpu.memory_space<vmem>> -> memref<1x64x128xf32, #tpu.memory_space<vmem>>
        %dma_wait3A_488 = tpu.memref_squeeze %dma_wait3A_487 : memref<1x64x128xf32, #tpu.memory_space<vmem>> -> memref<64x128xf32, #tpu.memory_space<vmem>>
        %dma_wait3A_489 = arith.constant 0 : i32
        %dma_wait3A_490 = tpu.memref_slice %arg6[%select_n3A, %add3A_464, %dma_wait3A_489] : memref<4x4096x128xf32, #tpu.memory_space<hbm>> -> memref<1x64x128xf32, #tpu.memory_space<hbm>>
        %dma_wait3A_491 = tpu.memref_squeeze %dma_wait3A_490 : memref<1x64x128xf32, #tpu.memory_space<hbm>> -> memref<64x128xf32, #tpu.memory_space<hbm>>
        %dma_wait3A_492 = tpu.memref_slice %arg17[%dma_wait3A_484] : memref<2x!tpu.dma_semaphore, #tpu.memory_space<semaphore_mem>> -> memref<1x!tpu.dma_semaphore, #tpu.memory_space<semaphore_mem>>
        %dma_wait3A_493 = tpu.memref_squeeze %dma_wait3A_492 : memref<1x!tpu.dma_semaphore, #tpu.memory_space<semaphore_mem>> -> memref<!tpu.dma_semaphore, #tpu.memory_space<semaphore_mem>>
        %dma_wait3A_494 = arith.constant 0 : i32
        %dma_wait3A_495 = tpu.memref_slice %arg6[%select_n3A, %add3A_464, %dma_wait3A_494] : memref<4x4096x128xf32, #tpu.memory_space<hbm>> -> memref<1x64x128xf32, #tpu.memory_space<hbm>>
        %dma_wait3A_496 = tpu.memref_squeeze %dma_wait3A_495 : memref<1x64x128xf32, #tpu.memory_space<hbm>> -> memref<64x128xf32, #tpu.memory_space<hbm>>
        %dma_wait3A_497 = arith.constant 0 : i32
        %dma_wait3A_498 = arith.constant 0 : i32
        %dma_wait3A_499 = tpu.memref_slice %arg14[%dma_wait3A_483, %dma_wait3A_497, %dma_wait3A_498] : memref<2x64x128xf32, #tpu.memory_space<vmem>> -> memref<1x64x128xf32, #tpu.memory_space<vmem>>
        %dma_wait3A_500 = tpu.memref_squeeze %dma_wait3A_499 : memref<1x64x128xf32, #tpu.memory_space<vmem>> -> memref<64x128xf32, #tpu.memory_space<vmem>>
        tpu.wait_dma2 semaphore(%dma_wait3A_493 : memref<!tpu.dma_semaphore, #tpu.memory_space<semaphore_mem>>) src(%dma_wait3A_500 : memref<64x128xf32, #tpu.memory_space<vmem>>) dst(%dma_wait3A_496 : memref<64x128xf32, #tpu.memory_space<hbm>>)
        %dma_wait3A_501 = arith.constant 1 : i32
        %dma_wait3A_502 = arith.constant 1 : i32
        %dma_wait3A_503 = arith.constant 0 : i32
        %dma_wait3A_504 = arith.constant 0 : i32
        %dma_wait3A_505 = tpu.memref_slice %arg15[%dma_wait3A_501, %dma_wait3A_503, %dma_wait3A_504] : memref<2x64x128xf32, #tpu.memory_space<vmem>> -> memref<1x64x128xf32, #tpu.memory_space<vmem>>
        %dma_wait3A_506 = tpu.memref_squeeze %dma_wait3A_505 : memref<1x64x128xf32, #tpu.memory_space<vmem>> -> memref<64x128xf32, #tpu.memory_space<vmem>>
        %dma_wait3A_507 = arith.constant 0 : i32
        %dma_wait3A_508 = tpu.memref_slice %arg7[%select_n3A, %add3A_464, %dma_wait3A_507] : memref<4x4096x128xf32, #tpu.memory_space<hbm>> -> memref<1x64x128xf32, #tpu.memory_space<hbm>>
        %dma_wait3A_509 = tpu.memref_squeeze %dma_wait3A_508 : memref<1x64x128xf32, #tpu.memory_space<hbm>> -> memref<64x128xf32, #tpu.memory_space<hbm>>
        %dma_wait3A_510 = tpu.memref_slice %arg17[%dma_wait3A_502] : memref<2x!tpu.dma_semaphore, #tpu.memory_space<semaphore_mem>> -> memref<1x!tpu.dma_semaphore, #tpu.memory_space<semaphore_mem>>
        %dma_wait3A_511 = tpu.memref_squeeze %dma_wait3A_510 : memref<1x!tpu.dma_semaphore, #tpu.memory_space<semaphore_mem>> -> memref<!tpu.dma_semaphore, #tpu.memory_space<semaphore_mem>>
        %dma_wait3A_512 = arith.constant 0 : i32
        %dma_wait3A_513 = tpu.memref_slice %arg7[%select_n3A, %add3A_464, %dma_wait3A_512] : memref<4x4096x128xf32, #tpu.memory_space<hbm>> -> memref<1x64x128xf32, #tpu.memory_space<hbm>>
        %dma_wait3A_514 = tpu.memref_squeeze %dma_wait3A_513 : memref<1x64x128xf32, #tpu.memory_space<hbm>> -> memref<64x128xf32, #tpu.memory_space<hbm>>
        %dma_wait3A_515 = arith.constant 0 : i32
        %dma_wait3A_516 = arith.constant 0 : i32
        %dma_wait3A_517 = tpu.memref_slice %arg15[%dma_wait3A_501, %dma_wait3A_515, %dma_wait3A_516] : memref<2x64x128xf32, #tpu.memory_space<vmem>> -> memref<1x64x128xf32, #tpu.memory_space<vmem>>
        %dma_wait3A_518 = tpu.memref_squeeze %dma_wait3A_517 : memref<1x64x128xf32, #tpu.memory_space<vmem>> -> memref<64x128xf32, #tpu.memory_space<vmem>>
        tpu.wait_dma2 semaphore(%dma_wait3A_511 : memref<!tpu.dma_semaphore, #tpu.memory_space<semaphore_mem>>) src(%dma_wait3A_518 : memref<64x128xf32, #tpu.memory_space<vmem>>) dst(%dma_wait3A_514 : memref<64x128xf32, #tpu.memory_space<hbm>>)
      } else {
      }
      %parallel_loop3A_392 = arith.constant 0 : i32
      %parallel_loop3A_393 = arith.constant 64 : i32
      %parallel_loop3A_394 = arith.constant 1 : i32
      scf.for %parallel_loop3A_460 = %parallel_loop3A_392 to %parallel_loop3A_393 step %parallel_loop3A_394  : i32 {
        %parallel_loop3A_461 = arith.addi %add3A_347, %parallel_loop3A_460 : i32
        %parallel_loop3A_462 = vector.broadcast %parallel_loop3A_461 : i32 to vector<16xi32>
        %parallel_loop3A_463 = tpu.vector_load_idx %arg8[%parallel_loop3A_462] : memref<4096xf32, #tpu.memory_space<vmem>>[vector<16xi32>], vector<16xf32>,
        %parallel_loop3A_464 = tpu.vector_load_idx %arg9[%parallel_loop3A_462] : memref<4096xf32, #tpu.memory_space<vmem>>[vector<16xi32>], vector<16xf32>,
        %parallel_loop3A_465 = tpu.vector_load_idx %arg10[%parallel_loop3A_462] : memref<4096xf32, #tpu.memory_space<vmem>>[vector<16xi32>], vector<16xf32>,
        %parallel_loop3A_466 = arith.constant 1 : i32
        %parallel_loop3A_467 = arith.index_cast %parallel_loop3A_466 : i32 to index
        %parallel_loop3A_468 = arith.index_cast %parallel_loop3A_460 : i32 to index
        %parallel_loop3A_469 = arith.constant 0 : index
        %parallel_loop3A_470 = tpu.vector_load %arg11[%parallel_loop3A_467, %parallel_loop3A_468, %parallel_loop3A_469] {strides = array<i32>} : memref<2x64x128xi32, #tpu.memory_space<vmem>>, vector<16xi32>,
        %parallel_loop3A_471 = arith.constant 1 : i32
        %parallel_loop3A_472 = arith.index_cast %parallel_loop3A_471 : i32 to index
        %parallel_loop3A_473 = arith.index_cast %parallel_loop3A_460 : i32 to index
        %parallel_loop3A_474 = arith.constant 0 : index
        %parallel_loop3A_475 = tpu.vector_load %arg12[%parallel_loop3A_472, %parallel_loop3A_473, %parallel_loop3A_474] {strides = array<i32>} : memref<2x64x128xi32, #tpu.memory_space<vmem>>, vector<16xi32>,
        %parallel_loop3A_476 = tpu.vector_load_idx %arg8[%parallel_loop3A_470] : memref<4096xf32, #tpu.memory_space<vmem>>[vector<16xi32>], vector<16xf32>,
        %parallel_loop3A_477 = tpu.vector_load_idx %arg9[%parallel_loop3A_470] : memref<4096xf32, #tpu.memory_space<vmem>>[vector<16xi32>], vector<16xf32>,
        %parallel_loop3A_478 = tpu.vector_load_idx %arg10[%parallel_loop3A_470] : memref<4096xf32, #tpu.memory_space<vmem>>[vector<16xi32>], vector<16xf32>,
        %parallel_loop3A_479 = tpu.vector_load_idx %arg8[%parallel_loop3A_475] : memref<4096xf32, #tpu.memory_space<vmem>>[vector<16xi32>], vector<16xf32>,
        %parallel_loop3A_480 = tpu.vector_load_idx %arg9[%parallel_loop3A_475] : memref<4096xf32, #tpu.memory_space<vmem>>[vector<16xi32>], vector<16xf32>,
        %parallel_loop3A_481 = tpu.vector_load_idx %arg10[%parallel_loop3A_475] : memref<4096xf32, #tpu.memory_space<vmem>>[vector<16xi32>], vector<16xf32>,
        %parallel_loop3A_482 = arith.subf %parallel_loop3A_476, %parallel_loop3A_463 : vector<16xf32>
        %parallel_loop3A_483 = arith.subf %parallel_loop3A_477, %parallel_loop3A_464 : vector<16xf32>
        %parallel_loop3A_484 = arith.subf %parallel_loop3A_478, %parallel_loop3A_465 : vector<16xf32>
        %parallel_loop3A_485 = arith.mulf %parallel_loop3A_482, %parallel_loop3A_482 : vector<16xf32>
        %parallel_loop3A_486 = arith.mulf %parallel_loop3A_483, %parallel_loop3A_483 : vector<16xf32>
        %parallel_loop3A_487 = arith.addf %parallel_loop3A_485, %parallel_loop3A_486 : vector<16xf32>
        %parallel_loop3A_488 = arith.mulf %parallel_loop3A_484, %parallel_loop3A_484 : vector<16xf32>
        %parallel_loop3A_489 = arith.addf %parallel_loop3A_487, %parallel_loop3A_488 : vector<16xf32>
        %parallel_loop3A_490 = tpu.bitcast %parallel_loop3A_489 : vector<16xf32> -> vector<16xi32>
        %parallel_loop3A_491 = arith.constant 1 : i32
        %parallel_loop3A_492 = vector.broadcast %parallel_loop3A_491 : i32 to vector<16xi32>
        %parallel_loop3A_493 = arith.shrsi %parallel_loop3A_490, %parallel_loop3A_492 : vector<16xi32>
        %parallel_loop3A_494 = arith.constant 1594578154 : i32
        %parallel_loop3A_495 = vector.broadcast %parallel_loop3A_494 : i32 to vector<16xi32>
        %parallel_loop3A_496 = arith.subi %parallel_loop3A_495, %parallel_loop3A_493 : vector<16xi32>
        %parallel_loop3A_497 = tpu.bitcast %parallel_loop3A_496 : vector<16xi32> -> vector<16xf32>
        %parallel_loop3A_498 = arith.mulf %parallel_loop3A_489, %parallel_loop3A_497 : vector<16xf32>
        %parallel_loop3A_499 = arith.mulf %parallel_loop3A_498, %parallel_loop3A_497 : vector<16xf32>
        %parallel_loop3A_500 = arith.constant 1.891200e+00 : f32
        %parallel_loop3A_501 = vector.broadcast %parallel_loop3A_500 : f32 to vector<16xf32>
        %parallel_loop3A_502 = arith.subf %parallel_loop3A_501, %parallel_loop3A_499 : vector<16xf32>
        %parallel_loop3A_503 = arith.mulf %parallel_loop3A_497, %parallel_loop3A_502 : vector<16xf32>
        %parallel_loop3A_504 = arith.mulf %parallel_loop3A_489, %parallel_loop3A_503 : vector<16xf32>
        %parallel_loop3A_505 = arith.constant 1 : i32
        %parallel_loop3A_506 = arith.index_cast %parallel_loop3A_505 : i32 to index
        %parallel_loop3A_507 = arith.index_cast %parallel_loop3A_460 : i32 to index
        %parallel_loop3A_508 = arith.constant 0 : index
        %parallel_loop3A_509 = tpu.vector_load %arg13[%parallel_loop3A_506, %parallel_loop3A_507, %parallel_loop3A_508] {strides = array<i32>} : memref<2x64x128xf32, #tpu.memory_space<vmem>>, vector<16xf32>,
        tpu.vector_store %arg13[%parallel_loop3A_506, %parallel_loop3A_507, %parallel_loop3A_508], %parallel_loop3A_504 {strides = array<i32>} : memref<2x64x128xf32, #tpu.memory_space<vmem>>, vector<16xf32>,
        %parallel_loop3A_510 = arith.subf %parallel_loop3A_479, %parallel_loop3A_463 : vector<16xf32>
        %parallel_loop3A_511 = arith.subf %parallel_loop3A_480, %parallel_loop3A_464 : vector<16xf32>
        %parallel_loop3A_512 = arith.subf %parallel_loop3A_481, %parallel_loop3A_465 : vector<16xf32>
        %parallel_loop3A_513 = arith.mulf %parallel_loop3A_510, %parallel_loop3A_510 : vector<16xf32>
        %parallel_loop3A_514 = arith.mulf %parallel_loop3A_511, %parallel_loop3A_511 : vector<16xf32>
        %parallel_loop3A_515 = arith.addf %parallel_loop3A_513, %parallel_loop3A_514 : vector<16xf32>
        %parallel_loop3A_516 = arith.mulf %parallel_loop3A_512, %parallel_loop3A_512 : vector<16xf32>
        %parallel_loop3A_517 = arith.addf %parallel_loop3A_515, %parallel_loop3A_516 : vector<16xf32>
        %parallel_loop3A_518 = tpu.bitcast %parallel_loop3A_517 : vector<16xf32> -> vector<16xi32>
        %parallel_loop3A_519 = arith.constant 1 : i32
        %parallel_loop3A_520 = vector.broadcast %parallel_loop3A_519 : i32 to vector<16xi32>
        %parallel_loop3A_521 = arith.shrsi %parallel_loop3A_518, %parallel_loop3A_520 : vector<16xi32>
        %parallel_loop3A_522 = arith.constant 1594578154 : i32
        %parallel_loop3A_523 = vector.broadcast %parallel_loop3A_522 : i32 to vector<16xi32>
        %parallel_loop3A_524 = arith.subi %parallel_loop3A_523, %parallel_loop3A_521 : vector<16xi32>
        %parallel_loop3A_525 = tpu.bitcast %parallel_loop3A_524 : vector<16xi32> -> vector<16xf32>
        %parallel_loop3A_526 = arith.mulf %parallel_loop3A_517, %parallel_loop3A_525 : vector<16xf32>
        %parallel_loop3A_527 = arith.mulf %parallel_loop3A_526, %parallel_loop3A_525 : vector<16xf32>
        %parallel_loop3A_528 = arith.constant 1.891200e+00 : f32
        %parallel_loop3A_529 = vector.broadcast %parallel_loop3A_528 : f32 to vector<16xf32>
        %parallel_loop3A_530 = arith.subf %parallel_loop3A_529, %parallel_loop3A_527 : vector<16xf32>
        %parallel_loop3A_531 = arith.mulf %parallel_loop3A_525, %parallel_loop3A_530 : vector<16xf32>
        %parallel_loop3A_532 = arith.mulf %parallel_loop3A_517, %parallel_loop3A_531 : vector<16xf32>
        %parallel_loop3A_533 = arith.constant 1 : i32
        %parallel_loop3A_534 = arith.index_cast %parallel_loop3A_533 : i32 to index
        %parallel_loop3A_535 = arith.index_cast %parallel_loop3A_460 : i32 to index
        %parallel_loop3A_536 = arith.constant 0 : index
        %parallel_loop3A_537 = tpu.vector_load %arg14[%parallel_loop3A_534, %parallel_loop3A_535, %parallel_loop3A_536] {strides = array<i32>} : memref<2x64x128xf32, #tpu.memory_space<vmem>>, vector<16xf32>,
        tpu.vector_store %arg14[%parallel_loop3A_534, %parallel_loop3A_535, %parallel_loop3A_536], %parallel_loop3A_532 {strides = array<i32>} : memref<2x64x128xf32, #tpu.memory_space<vmem>>, vector<16xf32>,
        %parallel_loop3A_538 = arith.subf %parallel_loop3A_476, %parallel_loop3A_479 : vector<16xf32>
        %parallel_loop3A_539 = arith.subf %parallel_loop3A_477, %parallel_loop3A_480 : vector<16xf32>
        %parallel_loop3A_540 = arith.subf %parallel_loop3A_478, %parallel_loop3A_481 : vector<16xf32>
        %parallel_loop3A_541 = arith.mulf %parallel_loop3A_538, %parallel_loop3A_538 : vector<16xf32>
        %parallel_loop3A_542 = arith.mulf %parallel_loop3A_539, %parallel_loop3A_539 : vector<16xf32>
        %parallel_loop3A_543 = arith.addf %parallel_loop3A_541, %parallel_loop3A_542 : vector<16xf32>
        %parallel_loop3A_544 = arith.mulf %parallel_loop3A_540, %parallel_loop3A_540 : vector<16xf32>
        %parallel_loop3A_545 = arith.addf %parallel_loop3A_543, %parallel_loop3A_544 : vector<16xf32>
        %parallel_loop3A_546 = tpu.bitcast %parallel_loop3A_545 : vector<16xf32> -> vector<16xi32>
        %parallel_loop3A_547 = arith.constant 1 : i32
        %parallel_loop3A_548 = vector.broadcast %parallel_loop3A_547 : i32 to vector<16xi32>
        %parallel_loop3A_549 = arith.shrsi %parallel_loop3A_546, %parallel_loop3A_548 : vector<16xi32>
        %parallel_loop3A_550 = arith.constant 1594578154 : i32
        %parallel_loop3A_551 = vector.broadcast %parallel_loop3A_550 : i32 to vector<16xi32>
        %parallel_loop3A_552 = arith.subi %parallel_loop3A_551, %parallel_loop3A_549 : vector<16xi32>
        %parallel_loop3A_553 = tpu.bitcast %parallel_loop3A_552 : vector<16xi32> -> vector<16xf32>
        %parallel_loop3A_554 = arith.mulf %parallel_loop3A_545, %parallel_loop3A_553 : vector<16xf32>
        %parallel_loop3A_555 = arith.mulf %parallel_loop3A_554, %parallel_loop3A_553 : vector<16xf32>
        %parallel_loop3A_556 = arith.constant 1.891200e+00 : f32
        %parallel_loop3A_557 = vector.broadcast %parallel_loop3A_556 : f32 to vector<16xf32>
        %parallel_loop3A_558 = arith.subf %parallel_loop3A_557, %parallel_loop3A_555 : vector<16xf32>
        %parallel_loop3A_559 = arith.mulf %parallel_loop3A_553, %parallel_loop3A_558 : vector<16xf32>
        %parallel_loop3A_560 = arith.mulf %parallel_loop3A_545, %parallel_loop3A_559 : vector<16xf32>
        %parallel_loop3A_561 = arith.constant 1 : i32
        %parallel_loop3A_562 = arith.index_cast %parallel_loop3A_561 : i32 to index
        %parallel_loop3A_563 = arith.index_cast %parallel_loop3A_460 : i32 to index
        %parallel_loop3A_564 = arith.constant 0 : index
        %parallel_loop3A_565 = tpu.vector_load %arg15[%parallel_loop3A_562, %parallel_loop3A_563, %parallel_loop3A_564] {strides = array<i32>} : memref<2x64x128xf32, #tpu.memory_space<vmem>>, vector<16xf32>,
        tpu.vector_store %arg15[%parallel_loop3A_562, %parallel_loop3A_563, %parallel_loop3A_564], %parallel_loop3A_560 {strides = array<i32>} : memref<2x64x128xf32, #tpu.memory_space<vmem>>, vector<16xf32>,
        %parallel_loop3A_566 = arith.constant 1 : i32
        %parallel_loop3A_567 = arith.index_cast %parallel_loop3A_566 : i32 to index
        %parallel_loop3A_568 = arith.index_cast %parallel_loop3A_460 : i32 to index
        %parallel_loop3A_569 = arith.constant 16 : index
        %parallel_loop3A_570 = tpu.vector_load %arg11[%parallel_loop3A_567, %parallel_loop3A_568, %parallel_loop3A_569] {strides = array<i32>} : memref<2x64x128xi32, #tpu.memory_space<vmem>>, vector<16xi32>,
        %parallel_loop3A_571 = arith.constant 1 : i32
        %parallel_loop3A_572 = arith.index_cast %parallel_loop3A_571 : i32 to index
        %parallel_loop3A_573 = arith.index_cast %parallel_loop3A_460 : i32 to index
        %parallel_loop3A_574 = arith.constant 16 : index
        %parallel_loop3A_575 = tpu.vector_load %arg12[%parallel_loop3A_572, %parallel_loop3A_573, %parallel_loop3A_574] {strides = array<i32>} : memref<2x64x128xi32, #tpu.memory_space<vmem>>, vector<16xi32>,
        %parallel_loop3A_576 = tpu.vector_load_idx %arg8[%parallel_loop3A_570] : memref<4096xf32, #tpu.memory_space<vmem>>[vector<16xi32>], vector<16xf32>,
        %parallel_loop3A_577 = tpu.vector_load_idx %arg9[%parallel_loop3A_570] : memref<4096xf32, #tpu.memory_space<vmem>>[vector<16xi32>], vector<16xf32>,
        %parallel_loop3A_578 = tpu.vector_load_idx %arg10[%parallel_loop3A_570] : memref<4096xf32, #tpu.memory_space<vmem>>[vector<16xi32>], vector<16xf32>,
        %parallel_loop3A_579 = tpu.vector_load_idx %arg8[%parallel_loop3A_575] : memref<4096xf32, #tpu.memory_space<vmem>>[vector<16xi32>], vector<16xf32>,
        %parallel_loop3A_580 = tpu.vector_load_idx %arg9[%parallel_loop3A_575] : memref<4096xf32, #tpu.memory_space<vmem>>[vector<16xi32>], vector<16xf32>,
        %parallel_loop3A_581 = tpu.vector_load_idx %arg10[%parallel_loop3A_575] : memref<4096xf32, #tpu.memory_space<vmem>>[vector<16xi32>], vector<16xf32>,
        %parallel_loop3A_582 = arith.subf %parallel_loop3A_576, %parallel_loop3A_463 : vector<16xf32>
        %parallel_loop3A_583 = arith.subf %parallel_loop3A_577, %parallel_loop3A_464 : vector<16xf32>
        %parallel_loop3A_584 = arith.subf %parallel_loop3A_578, %parallel_loop3A_465 : vector<16xf32>
        %parallel_loop3A_585 = arith.mulf %parallel_loop3A_582, %parallel_loop3A_582 : vector<16xf32>
        %parallel_loop3A_586 = arith.mulf %parallel_loop3A_583, %parallel_loop3A_583 : vector<16xf32>
        %parallel_loop3A_587 = arith.addf %parallel_loop3A_585, %parallel_loop3A_586 : vector<16xf32>
        %parallel_loop3A_588 = arith.mulf %parallel_loop3A_584, %parallel_loop3A_584 : vector<16xf32>
        %parallel_loop3A_589 = arith.addf %parallel_loop3A_587, %parallel_loop3A_588 : vector<16xf32>
        %parallel_loop3A_590 = tpu.bitcast %parallel_loop3A_589 : vector<16xf32> -> vector<16xi32>
        %parallel_loop3A_591 = arith.constant 1 : i32
        %parallel_loop3A_592 = vector.broadcast %parallel_loop3A_591 : i32 to vector<16xi32>
        %parallel_loop3A_593 = arith.shrsi %parallel_loop3A_590, %parallel_loop3A_592 : vector<16xi32>
        %parallel_loop3A_594 = arith.constant 1594578154 : i32
        %parallel_loop3A_595 = vector.broadcast %parallel_loop3A_594 : i32 to vector<16xi32>
        %parallel_loop3A_596 = arith.subi %parallel_loop3A_595, %parallel_loop3A_593 : vector<16xi32>
        %parallel_loop3A_597 = tpu.bitcast %parallel_loop3A_596 : vector<16xi32> -> vector<16xf32>
        %parallel_loop3A_598 = arith.mulf %parallel_loop3A_589, %parallel_loop3A_597 : vector<16xf32>
        %parallel_loop3A_599 = arith.mulf %parallel_loop3A_598, %parallel_loop3A_597 : vector<16xf32>
        %parallel_loop3A_600 = arith.constant 1.891200e+00 : f32
        %parallel_loop3A_601 = vector.broadcast %parallel_loop3A_600 : f32 to vector<16xf32>
        %parallel_loop3A_602 = arith.subf %parallel_loop3A_601, %parallel_loop3A_599 : vector<16xf32>
        %parallel_loop3A_603 = arith.mulf %parallel_loop3A_597, %parallel_loop3A_602 : vector<16xf32>
        %parallel_loop3A_604 = arith.mulf %parallel_loop3A_589, %parallel_loop3A_603 : vector<16xf32>
        %parallel_loop3A_605 = arith.constant 1 : i32
        %parallel_loop3A_606 = arith.index_cast %parallel_loop3A_605 : i32 to index
        %parallel_loop3A_607 = arith.index_cast %parallel_loop3A_460 : i32 to index
        %parallel_loop3A_608 = arith.constant 16 : index
        %parallel_loop3A_609 = tpu.vector_load %arg13[%parallel_loop3A_606, %parallel_loop3A_607, %parallel_loop3A_608] {strides = array<i32>} : memref<2x64x128xf32, #tpu.memory_space<vmem>>, vector<16xf32>,
        tpu.vector_store %arg13[%parallel_loop3A_606, %parallel_loop3A_607, %parallel_loop3A_608], %parallel_loop3A_604 {strides = array<i32>} : memref<2x64x128xf32, #tpu.memory_space<vmem>>, vector<16xf32>,
        %parallel_loop3A_610 = arith.subf %parallel_loop3A_579, %parallel_loop3A_463 : vector<16xf32>
        %parallel_loop3A_611 = arith.subf %parallel_loop3A_580, %parallel_loop3A_464 : vector<16xf32>
        %parallel_loop3A_612 = arith.subf %parallel_loop3A_581, %parallel_loop3A_465 : vector<16xf32>
        %parallel_loop3A_613 = arith.mulf %parallel_loop3A_610, %parallel_loop3A_610 : vector<16xf32>
        %parallel_loop3A_614 = arith.mulf %parallel_loop3A_611, %parallel_loop3A_611 : vector<16xf32>
        %parallel_loop3A_615 = arith.addf %parallel_loop3A_613, %parallel_loop3A_614 : vector<16xf32>
        %parallel_loop3A_616 = arith.mulf %parallel_loop3A_612, %parallel_loop3A_612 : vector<16xf32>
        %parallel_loop3A_617 = arith.addf %parallel_loop3A_615, %parallel_loop3A_616 : vector<16xf32>
        %parallel_loop3A_618 = tpu.bitcast %parallel_loop3A_617 : vector<16xf32> -> vector<16xi32>
        %parallel_loop3A_619 = arith.constant 1 : i32
        %parallel_loop3A_620 = vector.broadcast %parallel_loop3A_619 : i32 to vector<16xi32>
        %parallel_loop3A_621 = arith.shrsi %parallel_loop3A_618, %parallel_loop3A_620 : vector<16xi32>
        %parallel_loop3A_622 = arith.constant 1594578154 : i32
        %parallel_loop3A_623 = vector.broadcast %parallel_loop3A_622 : i32 to vector<16xi32>
        %parallel_loop3A_624 = arith.subi %parallel_loop3A_623, %parallel_loop3A_621 : vector<16xi32>
        %parallel_loop3A_625 = tpu.bitcast %parallel_loop3A_624 : vector<16xi32> -> vector<16xf32>
        %parallel_loop3A_626 = arith.mulf %parallel_loop3A_617, %parallel_loop3A_625 : vector<16xf32>
        %parallel_loop3A_627 = arith.mulf %parallel_loop3A_626, %parallel_loop3A_625 : vector<16xf32>
        %parallel_loop3A_628 = arith.constant 1.891200e+00 : f32
        %parallel_loop3A_629 = vector.broadcast %parallel_loop3A_628 : f32 to vector<16xf32>
        %parallel_loop3A_630 = arith.subf %parallel_loop3A_629, %parallel_loop3A_627 : vector<16xf32>
        %parallel_loop3A_631 = arith.mulf %parallel_loop3A_625, %parallel_loop3A_630 : vector<16xf32>
        %parallel_loop3A_632 = arith.mulf %parallel_loop3A_617, %parallel_loop3A_631 : vector<16xf32>
        %parallel_loop3A_633 = arith.constant 1 : i32
        %parallel_loop3A_634 = arith.index_cast %parallel_loop3A_633 : i32 to index
        %parallel_loop3A_635 = arith.index_cast %parallel_loop3A_460 : i32 to index
        %parallel_loop3A_636 = arith.constant 16 : index
        %parallel_loop3A_637 = tpu.vector_load %arg14[%parallel_loop3A_634, %parallel_loop3A_635, %parallel_loop3A_636] {strides = array<i32>} : memref<2x64x128xf32, #tpu.memory_space<vmem>>, vector<16xf32>,
        tpu.vector_store %arg14[%parallel_loop3A_634, %parallel_loop3A_635, %parallel_loop3A_636], %parallel_loop3A_632 {strides = array<i32>} : memref<2x64x128xf32, #tpu.memory_space<vmem>>, vector<16xf32>,
        %parallel_loop3A_638 = arith.subf %parallel_loop3A_576, %parallel_loop3A_579 : vector<16xf32>
        %parallel_loop3A_639 = arith.subf %parallel_loop3A_577, %parallel_loop3A_580 : vector<16xf32>
        %parallel_loop3A_640 = arith.subf %parallel_loop3A_578, %parallel_loop3A_581 : vector<16xf32>
        %parallel_loop3A_641 = arith.mulf %parallel_loop3A_638, %parallel_loop3A_638 : vector<16xf32>
        %parallel_loop3A_642 = arith.mulf %parallel_loop3A_639, %parallel_loop3A_639 : vector<16xf32>
        %parallel_loop3A_643 = arith.addf %parallel_loop3A_641, %parallel_loop3A_642 : vector<16xf32>
        %parallel_loop3A_644 = arith.mulf %parallel_loop3A_640, %parallel_loop3A_640 : vector<16xf32>
        %parallel_loop3A_645 = arith.addf %parallel_loop3A_643, %parallel_loop3A_644 : vector<16xf32>
        %parallel_loop3A_646 = tpu.bitcast %parallel_loop3A_645 : vector<16xf32> -> vector<16xi32>
        %parallel_loop3A_647 = arith.constant 1 : i32
        %parallel_loop3A_648 = vector.broadcast %parallel_loop3A_647 : i32 to vector<16xi32>
        %parallel_loop3A_649 = arith.shrsi %parallel_loop3A_646, %parallel_loop3A_648 : vector<16xi32>
        %parallel_loop3A_650 = arith.constant 1594578154 : i32
        %parallel_loop3A_651 = vector.broadcast %parallel_loop3A_650 : i32 to vector<16xi32>
        %parallel_loop3A_652 = arith.subi %parallel_loop3A_651, %parallel_loop3A_649 : vector<16xi32>
        %parallel_loop3A_653 = tpu.bitcast %parallel_loop3A_652 : vector<16xi32> -> vector<16xf32>
        %parallel_loop3A_654 = arith.mulf %parallel_loop3A_645, %parallel_loop3A_653 : vector<16xf32>
        %parallel_loop3A_655 = arith.mulf %parallel_loop3A_654, %parallel_loop3A_653 : vector<16xf32>
        %parallel_loop3A_656 = arith.constant 1.891200e+00 : f32
        %parallel_loop3A_657 = vector.broadcast %parallel_loop3A_656 : f32 to vector<16xf32>
        %parallel_loop3A_658 = arith.subf %parallel_loop3A_657, %parallel_loop3A_655 : vector<16xf32>
        %parallel_loop3A_659 = arith.mulf %parallel_loop3A_653, %parallel_loop3A_658 : vector<16xf32>
        %parallel_loop3A_660 = arith.mulf %parallel_loop3A_645, %parallel_loop3A_659 : vector<16xf32>
        %parallel_loop3A_661 = arith.constant 1 : i32
        %parallel_loop3A_662 = arith.index_cast %parallel_loop3A_661 : i32 to index
        %parallel_loop3A_663 = arith.index_cast %parallel_loop3A_460 : i32 to index
        %parallel_loop3A_664 = arith.constant 16 : index
        %parallel_loop3A_665 = tpu.vector_load %arg15[%parallel_loop3A_662, %parallel_loop3A_663, %parallel_loop3A_664] {strides = array<i32>} : memref<2x64x128xf32, #tpu.memory_space<vmem>>, vector<16xf32>,
        tpu.vector_store %arg15[%parallel_loop3A_662, %parallel_loop3A_663, %parallel_loop3A_664], %parallel_loop3A_660 {strides = array<i32>} : memref<2x64x128xf32, #tpu.memory_space<vmem>>, vector<16xf32>,
        %parallel_loop3A_666 = arith.constant 1 : i32
        %parallel_loop3A_667 = arith.index_cast %parallel_loop3A_666 : i32 to index
        %parallel_loop3A_668 = arith.index_cast %parallel_loop3A_460 : i32 to index
        %parallel_loop3A_669 = arith.constant 32 : index
        %parallel_loop3A_670 = tpu.vector_load %arg11[%parallel_loop3A_667, %parallel_loop3A_668, %parallel_loop3A_669] {strides = array<i32>} : memref<2x64x128xi32, #tpu.memory_space<vmem>>, vector<16xi32>,
        %parallel_loop3A_671 = arith.constant 1 : i32
        %parallel_loop3A_672 = arith.index_cast %parallel_loop3A_671 : i32 to index
        %parallel_loop3A_673 = arith.index_cast %parallel_loop3A_460 : i32 to index
        %parallel_loop3A_674 = arith.constant 32 : index
        %parallel_loop3A_675 = tpu.vector_load %arg12[%parallel_loop3A_672, %parallel_loop3A_673, %parallel_loop3A_674] {strides = array<i32>} : memref<2x64x128xi32, #tpu.memory_space<vmem>>, vector<16xi32>,
        %parallel_loop3A_676 = tpu.vector_load_idx %arg8[%parallel_loop3A_670] : memref<4096xf32, #tpu.memory_space<vmem>>[vector<16xi32>], vector<16xf32>,
        %parallel_loop3A_677 = tpu.vector_load_idx %arg9[%parallel_loop3A_670] : memref<4096xf32, #tpu.memory_space<vmem>>[vector<16xi32>], vector<16xf32>,
        %parallel_loop3A_678 = tpu.vector_load_idx %arg10[%parallel_loop3A_670] : memref<4096xf32, #tpu.memory_space<vmem>>[vector<16xi32>], vector<16xf32>,
        %parallel_loop3A_679 = tpu.vector_load_idx %arg8[%parallel_loop3A_675] : memref<4096xf32, #tpu.memory_space<vmem>>[vector<16xi32>], vector<16xf32>,
        %parallel_loop3A_680 = tpu.vector_load_idx %arg9[%parallel_loop3A_675] : memref<4096xf32, #tpu.memory_space<vmem>>[vector<16xi32>], vector<16xf32>,
        %parallel_loop3A_681 = tpu.vector_load_idx %arg10[%parallel_loop3A_675] : memref<4096xf32, #tpu.memory_space<vmem>>[vector<16xi32>], vector<16xf32>,
        %parallel_loop3A_682 = arith.subf %parallel_loop3A_676, %parallel_loop3A_463 : vector<16xf32>
        %parallel_loop3A_683 = arith.subf %parallel_loop3A_677, %parallel_loop3A_464 : vector<16xf32>
        %parallel_loop3A_684 = arith.subf %parallel_loop3A_678, %parallel_loop3A_465 : vector<16xf32>
        %parallel_loop3A_685 = arith.mulf %parallel_loop3A_682, %parallel_loop3A_682 : vector<16xf32>
        %parallel_loop3A_686 = arith.mulf %parallel_loop3A_683, %parallel_loop3A_683 : vector<16xf32>
        %parallel_loop3A_687 = arith.addf %parallel_loop3A_685, %parallel_loop3A_686 : vector<16xf32>
        %parallel_loop3A_688 = arith.mulf %parallel_loop3A_684, %parallel_loop3A_684 : vector<16xf32>
        %parallel_loop3A_689 = arith.addf %parallel_loop3A_687, %parallel_loop3A_688 : vector<16xf32>
        %parallel_loop3A_690 = tpu.bitcast %parallel_loop3A_689 : vector<16xf32> -> vector<16xi32>
        %parallel_loop3A_691 = arith.constant 1 : i32
        %parallel_loop3A_692 = vector.broadcast %parallel_loop3A_691 : i32 to vector<16xi32>
        %parallel_loop3A_693 = arith.shrsi %parallel_loop3A_690, %parallel_loop3A_692 : vector<16xi32>
        %parallel_loop3A_694 = arith.constant 1594578154 : i32
        %parallel_loop3A_695 = vector.broadcast %parallel_loop3A_694 : i32 to vector<16xi32>
        %parallel_loop3A_696 = arith.subi %parallel_loop3A_695, %parallel_loop3A_693 : vector<16xi32>
        %parallel_loop3A_697 = tpu.bitcast %parallel_loop3A_696 : vector<16xi32> -> vector<16xf32>
        %parallel_loop3A_698 = arith.mulf %parallel_loop3A_689, %parallel_loop3A_697 : vector<16xf32>
        %parallel_loop3A_699 = arith.mulf %parallel_loop3A_698, %parallel_loop3A_697 : vector<16xf32>
        %parallel_loop3A_700 = arith.constant 1.891200e+00 : f32
        %parallel_loop3A_701 = vector.broadcast %parallel_loop3A_700 : f32 to vector<16xf32>
        %parallel_loop3A_702 = arith.subf %parallel_loop3A_701, %parallel_loop3A_699 : vector<16xf32>
        %parallel_loop3A_703 = arith.mulf %parallel_loop3A_697, %parallel_loop3A_702 : vector<16xf32>
        %parallel_loop3A_704 = arith.mulf %parallel_loop3A_689, %parallel_loop3A_703 : vector<16xf32>
        %parallel_loop3A_705 = arith.constant 1 : i32
        %parallel_loop3A_706 = arith.index_cast %parallel_loop3A_705 : i32 to index
        %parallel_loop3A_707 = arith.index_cast %parallel_loop3A_460 : i32 to index
        %parallel_loop3A_708 = arith.constant 32 : index
        %parallel_loop3A_709 = tpu.vector_load %arg13[%parallel_loop3A_706, %parallel_loop3A_707, %parallel_loop3A_708] {strides = array<i32>} : memref<2x64x128xf32, #tpu.memory_space<vmem>>, vector<16xf32>,
        tpu.vector_store %arg13[%parallel_loop3A_706, %parallel_loop3A_707, %parallel_loop3A_708], %parallel_loop3A_704 {strides = array<i32>} : memref<2x64x128xf32, #tpu.memory_space<vmem>>, vector<16xf32>,
        %parallel_loop3A_710 = arith.subf %parallel_loop3A_679, %parallel_loop3A_463 : vector<16xf32>
        %parallel_loop3A_711 = arith.subf %parallel_loop3A_680, %parallel_loop3A_464 : vector<16xf32>
        %parallel_loop3A_712 = arith.subf %parallel_loop3A_681, %parallel_loop3A_465 : vector<16xf32>
        %parallel_loop3A_713 = arith.mulf %parallel_loop3A_710, %parallel_loop3A_710 : vector<16xf32>
        %parallel_loop3A_714 = arith.mulf %parallel_loop3A_711, %parallel_loop3A_711 : vector<16xf32>
        %parallel_loop3A_715 = arith.addf %parallel_loop3A_713, %parallel_loop3A_714 : vector<16xf32>
        %parallel_loop3A_716 = arith.mulf %parallel_loop3A_712, %parallel_loop3A_712 : vector<16xf32>
        %parallel_loop3A_717 = arith.addf %parallel_loop3A_715, %parallel_loop3A_716 : vector<16xf32>
        %parallel_loop3A_718 = tpu.bitcast %parallel_loop3A_717 : vector<16xf32> -> vector<16xi32>
        %parallel_loop3A_719 = arith.constant 1 : i32
        %parallel_loop3A_720 = vector.broadcast %parallel_loop3A_719 : i32 to vector<16xi32>
        %parallel_loop3A_721 = arith.shrsi %parallel_loop3A_718, %parallel_loop3A_720 : vector<16xi32>
        %parallel_loop3A_722 = arith.constant 1594578154 : i32
        %parallel_loop3A_723 = vector.broadcast %parallel_loop3A_722 : i32 to vector<16xi32>
        %parallel_loop3A_724 = arith.subi %parallel_loop3A_723, %parallel_loop3A_721 : vector<16xi32>
        %parallel_loop3A_725 = tpu.bitcast %parallel_loop3A_724 : vector<16xi32> -> vector<16xf32>
        %parallel_loop3A_726 = arith.mulf %parallel_loop3A_717, %parallel_loop3A_725 : vector<16xf32>
        %parallel_loop3A_727 = arith.mulf %parallel_loop3A_726, %parallel_loop3A_725 : vector<16xf32>
        %parallel_loop3A_728 = arith.constant 1.891200e+00 : f32
        %parallel_loop3A_729 = vector.broadcast %parallel_loop3A_728 : f32 to vector<16xf32>
        %parallel_loop3A_730 = arith.subf %parallel_loop3A_729, %parallel_loop3A_727 : vector<16xf32>
        %parallel_loop3A_731 = arith.mulf %parallel_loop3A_725, %parallel_loop3A_730 : vector<16xf32>
        %parallel_loop3A_732 = arith.mulf %parallel_loop3A_717, %parallel_loop3A_731 : vector<16xf32>
        %parallel_loop3A_733 = arith.constant 1 : i32
        %parallel_loop3A_734 = arith.index_cast %parallel_loop3A_733 : i32 to index
        %parallel_loop3A_735 = arith.index_cast %parallel_loop3A_460 : i32 to index
        %parallel_loop3A_736 = arith.constant 32 : index
        %parallel_loop3A_737 = tpu.vector_load %arg14[%parallel_loop3A_734, %parallel_loop3A_735, %parallel_loop3A_736] {strides = array<i32>} : memref<2x64x128xf32, #tpu.memory_space<vmem>>, vector<16xf32>,
        tpu.vector_store %arg14[%parallel_loop3A_734, %parallel_loop3A_735, %parallel_loop3A_736], %parallel_loop3A_732 {strides = array<i32>} : memref<2x64x128xf32, #tpu.memory_space<vmem>>, vector<16xf32>,
        %parallel_loop3A_738 = arith.subf %parallel_loop3A_676, %parallel_loop3A_679 : vector<16xf32>
        %parallel_loop3A_739 = arith.subf %parallel_loop3A_677, %parallel_loop3A_680 : vector<16xf32>
        %parallel_loop3A_740 = arith.subf %parallel_loop3A_678, %parallel_loop3A_681 : vector<16xf32>
        %parallel_loop3A_741 = arith.mulf %parallel_loop3A_738, %parallel_loop3A_738 : vector<16xf32>
        %parallel_loop3A_742 = arith.mulf %parallel_loop3A_739, %parallel_loop3A_739 : vector<16xf32>
        %parallel_loop3A_743 = arith.addf %parallel_loop3A_741, %parallel_loop3A_742 : vector<16xf32>
        %parallel_loop3A_744 = arith.mulf %parallel_loop3A_740, %parallel_loop3A_740 : vector<16xf32>
        %parallel_loop3A_745 = arith.addf %parallel_loop3A_743, %parallel_loop3A_744 : vector<16xf32>
        %parallel_loop3A_746 = tpu.bitcast %parallel_loop3A_745 : vector<16xf32> -> vector<16xi32>
        %parallel_loop3A_747 = arith.constant 1 : i32
        %parallel_loop3A_748 = vector.broadcast %parallel_loop3A_747 : i32 to vector<16xi32>
        %parallel_loop3A_749 = arith.shrsi %parallel_loop3A_746, %parallel_loop3A_748 : vector<16xi32>
        %parallel_loop3A_750 = arith.constant 1594578154 : i32
        %parallel_loop3A_751 = vector.broadcast %parallel_loop3A_750 : i32 to vector<16xi32>
        %parallel_loop3A_752 = arith.subi %parallel_loop3A_751, %parallel_loop3A_749 : vector<16xi32>
        %parallel_loop3A_753 = tpu.bitcast %parallel_loop3A_752 : vector<16xi32> -> vector<16xf32>
        %parallel_loop3A_754 = arith.mulf %parallel_loop3A_745, %parallel_loop3A_753 : vector<16xf32>
        %parallel_loop3A_755 = arith.mulf %parallel_loop3A_754, %parallel_loop3A_753 : vector<16xf32>
        %parallel_loop3A_756 = arith.constant 1.891200e+00 : f32
        %parallel_loop3A_757 = vector.broadcast %parallel_loop3A_756 : f32 to vector<16xf32>
        %parallel_loop3A_758 = arith.subf %parallel_loop3A_757, %parallel_loop3A_755 : vector<16xf32>
        %parallel_loop3A_759 = arith.mulf %parallel_loop3A_753, %parallel_loop3A_758 : vector<16xf32>
        %parallel_loop3A_760 = arith.mulf %parallel_loop3A_745, %parallel_loop3A_759 : vector<16xf32>
        %parallel_loop3A_761 = arith.constant 1 : i32
        %parallel_loop3A_762 = arith.index_cast %parallel_loop3A_761 : i32 to index
        %parallel_loop3A_763 = arith.index_cast %parallel_loop3A_460 : i32 to index
        %parallel_loop3A_764 = arith.constant 32 : index
        %parallel_loop3A_765 = tpu.vector_load %arg15[%parallel_loop3A_762, %parallel_loop3A_763, %parallel_loop3A_764] {strides = array<i32>} : memref<2x64x128xf32, #tpu.memory_space<vmem>>, vector<16xf32>,
        tpu.vector_store %arg15[%parallel_loop3A_762, %parallel_loop3A_763, %parallel_loop3A_764], %parallel_loop3A_760 {strides = array<i32>} : memref<2x64x128xf32, #tpu.memory_space<vmem>>, vector<16xf32>,
        %parallel_loop3A_766 = arith.constant 1 : i32
        %parallel_loop3A_767 = arith.index_cast %parallel_loop3A_766 : i32 to index
        %parallel_loop3A_768 = arith.index_cast %parallel_loop3A_460 : i32 to index
        %parallel_loop3A_769 = arith.constant 48 : index
        %parallel_loop3A_770 = tpu.vector_load %arg11[%parallel_loop3A_767, %parallel_loop3A_768, %parallel_loop3A_769] {strides = array<i32>} : memref<2x64x128xi32, #tpu.memory_space<vmem>>, vector<16xi32>,
        %parallel_loop3A_771 = arith.constant 1 : i32
        %parallel_loop3A_772 = arith.index_cast %parallel_loop3A_771 : i32 to index
        %parallel_loop3A_773 = arith.index_cast %parallel_loop3A_460 : i32 to index
        %parallel_loop3A_774 = arith.constant 48 : index
        %parallel_loop3A_775 = tpu.vector_load %arg12[%parallel_loop3A_772, %parallel_loop3A_773, %parallel_loop3A_774] {strides = array<i32>} : memref<2x64x128xi32, #tpu.memory_space<vmem>>, vector<16xi32>,
        %parallel_loop3A_776 = tpu.vector_load_idx %arg8[%parallel_loop3A_770] : memref<4096xf32, #tpu.memory_space<vmem>>[vector<16xi32>], vector<16xf32>,
        %parallel_loop3A_777 = tpu.vector_load_idx %arg9[%parallel_loop3A_770] : memref<4096xf32, #tpu.memory_space<vmem>>[vector<16xi32>], vector<16xf32>,
        %parallel_loop3A_778 = tpu.vector_load_idx %arg10[%parallel_loop3A_770] : memref<4096xf32, #tpu.memory_space<vmem>>[vector<16xi32>], vector<16xf32>,
        %parallel_loop3A_779 = tpu.vector_load_idx %arg8[%parallel_loop3A_775] : memref<4096xf32, #tpu.memory_space<vmem>>[vector<16xi32>], vector<16xf32>,
        %parallel_loop3A_780 = tpu.vector_load_idx %arg9[%parallel_loop3A_775] : memref<4096xf32, #tpu.memory_space<vmem>>[vector<16xi32>], vector<16xf32>,
        %parallel_loop3A_781 = tpu.vector_load_idx %arg10[%parallel_loop3A_775] : memref<4096xf32, #tpu.memory_space<vmem>>[vector<16xi32>], vector<16xf32>,
        %parallel_loop3A_782 = arith.subf %parallel_loop3A_776, %parallel_loop3A_463 : vector<16xf32>
        %parallel_loop3A_783 = arith.subf %parallel_loop3A_777, %parallel_loop3A_464 : vector<16xf32>
        %parallel_loop3A_784 = arith.subf %parallel_loop3A_778, %parallel_loop3A_465 : vector<16xf32>
        %parallel_loop3A_785 = arith.mulf %parallel_loop3A_782, %parallel_loop3A_782 : vector<16xf32>
        %parallel_loop3A_786 = arith.mulf %parallel_loop3A_783, %parallel_loop3A_783 : vector<16xf32>
        %parallel_loop3A_787 = arith.addf %parallel_loop3A_785, %parallel_loop3A_786 : vector<16xf32>
        %parallel_loop3A_788 = arith.mulf %parallel_loop3A_784, %parallel_loop3A_784 : vector<16xf32>
        %parallel_loop3A_789 = arith.addf %parallel_loop3A_787, %parallel_loop3A_788 : vector<16xf32>
        %parallel_loop3A_790 = tpu.bitcast %parallel_loop3A_789 : vector<16xf32> -> vector<16xi32>
        %parallel_loop3A_791 = arith.constant 1 : i32
        %parallel_loop3A_792 = vector.broadcast %parallel_loop3A_791 : i32 to vector<16xi32>
        %parallel_loop3A_793 = arith.shrsi %parallel_loop3A_790, %parallel_loop3A_792 : vector<16xi32>
        %parallel_loop3A_794 = arith.constant 1594578154 : i32
        %parallel_loop3A_795 = vector.broadcast %parallel_loop3A_794 : i32 to vector<16xi32>
        %parallel_loop3A_796 = arith.subi %parallel_loop3A_795, %parallel_loop3A_793 : vector<16xi32>
        %parallel_loop3A_797 = tpu.bitcast %parallel_loop3A_796 : vector<16xi32> -> vector<16xf32>
        %parallel_loop3A_798 = arith.mulf %parallel_loop3A_789, %parallel_loop3A_797 : vector<16xf32>
        %parallel_loop3A_799 = arith.mulf %parallel_loop3A_798, %parallel_loop3A_797 : vector<16xf32>
        %parallel_loop3A_800 = arith.constant 1.891200e+00 : f32
        %parallel_loop3A_801 = vector.broadcast %parallel_loop3A_800 : f32 to vector<16xf32>
        %parallel_loop3A_802 = arith.subf %parallel_loop3A_801, %parallel_loop3A_799 : vector<16xf32>
        %parallel_loop3A_803 = arith.mulf %parallel_loop3A_797, %parallel_loop3A_802 : vector<16xf32>
        %parallel_loop3A_804 = arith.mulf %parallel_loop3A_789, %parallel_loop3A_803 : vector<16xf32>
        %parallel_loop3A_805 = arith.constant 1 : i32
        %parallel_loop3A_806 = arith.index_cast %parallel_loop3A_805 : i32 to index
        %parallel_loop3A_807 = arith.index_cast %parallel_loop3A_460 : i32 to index
        %parallel_loop3A_808 = arith.constant 48 : index
        %parallel_loop3A_809 = tpu.vector_load %arg13[%parallel_loop3A_806, %parallel_loop3A_807, %parallel_loop3A_808] {strides = array<i32>} : memref<2x64x128xf32, #tpu.memory_space<vmem>>, vector<16xf32>,
        tpu.vector_store %arg13[%parallel_loop3A_806, %parallel_loop3A_807, %parallel_loop3A_808], %parallel_loop3A_804 {strides = array<i32>} : memref<2x64x128xf32, #tpu.memory_space<vmem>>, vector<16xf32>,
        %parallel_loop3A_810 = arith.subf %parallel_loop3A_779, %parallel_loop3A_463 : vector<16xf32>
        %parallel_loop3A_811 = arith.subf %parallel_loop3A_780, %parallel_loop3A_464 : vector<16xf32>
        %parallel_loop3A_812 = arith.subf %parallel_loop3A_781, %parallel_loop3A_465 : vector<16xf32>
        %parallel_loop3A_813 = arith.mulf %parallel_loop3A_810, %parallel_loop3A_810 : vector<16xf32>
        %parallel_loop3A_814 = arith.mulf %parallel_loop3A_811, %parallel_loop3A_811 : vector<16xf32>
        %parallel_loop3A_815 = arith.addf %parallel_loop3A_813, %parallel_loop3A_814 : vector<16xf32>
        %parallel_loop3A_816 = arith.mulf %parallel_loop3A_812, %parallel_loop3A_812 : vector<16xf32>
        %parallel_loop3A_817 = arith.addf %parallel_loop3A_815, %parallel_loop3A_816 : vector<16xf32>
        %parallel_loop3A_818 = tpu.bitcast %parallel_loop3A_817 : vector<16xf32> -> vector<16xi32>
        %parallel_loop3A_819 = arith.constant 1 : i32
        %parallel_loop3A_820 = vector.broadcast %parallel_loop3A_819 : i32 to vector<16xi32>
        %parallel_loop3A_821 = arith.shrsi %parallel_loop3A_818, %parallel_loop3A_820 : vector<16xi32>
        %parallel_loop3A_822 = arith.constant 1594578154 : i32
        %parallel_loop3A_823 = vector.broadcast %parallel_loop3A_822 : i32 to vector<16xi32>
        %parallel_loop3A_824 = arith.subi %parallel_loop3A_823, %parallel_loop3A_821 : vector<16xi32>
        %parallel_loop3A_825 = tpu.bitcast %parallel_loop3A_824 : vector<16xi32> -> vector<16xf32>
        %parallel_loop3A_826 = arith.mulf %parallel_loop3A_817, %parallel_loop3A_825 : vector<16xf32>
        %parallel_loop3A_827 = arith.mulf %parallel_loop3A_826, %parallel_loop3A_825 : vector<16xf32>
        %parallel_loop3A_828 = arith.constant 1.891200e+00 : f32
        %parallel_loop3A_829 = vector.broadcast %parallel_loop3A_828 : f32 to vector<16xf32>
        %parallel_loop3A_830 = arith.subf %parallel_loop3A_829, %parallel_loop3A_827 : vector<16xf32>
        %parallel_loop3A_831 = arith.mulf %parallel_loop3A_825, %parallel_loop3A_830 : vector<16xf32>
        %parallel_loop3A_832 = arith.mulf %parallel_loop3A_817, %parallel_loop3A_831 : vector<16xf32>
        %parallel_loop3A_833 = arith.constant 1 : i32
        %parallel_loop3A_834 = arith.index_cast %parallel_loop3A_833 : i32 to index
        %parallel_loop3A_835 = arith.index_cast %parallel_loop3A_460 : i32 to index
        %parallel_loop3A_836 = arith.constant 48 : index
        %parallel_loop3A_837 = tpu.vector_load %arg14[%parallel_loop3A_834, %parallel_loop3A_835, %parallel_loop3A_836] {strides = array<i32>} : memref<2x64x128xf32, #tpu.memory_space<vmem>>, vector<16xf32>,
        tpu.vector_store %arg14[%parallel_loop3A_834, %parallel_loop3A_835, %parallel_loop3A_836], %parallel_loop3A_832 {strides = array<i32>} : memref<2x64x128xf32, #tpu.memory_space<vmem>>, vector<16xf32>,
        %parallel_loop3A_838 = arith.subf %parallel_loop3A_776, %parallel_loop3A_779 : vector<16xf32>
        %parallel_loop3A_839 = arith.subf %parallel_loop3A_777, %parallel_loop3A_780 : vector<16xf32>
        %parallel_loop3A_840 = arith.subf %parallel_loop3A_778, %parallel_loop3A_781 : vector<16xf32>
        %parallel_loop3A_841 = arith.mulf %parallel_loop3A_838, %parallel_loop3A_838 : vector<16xf32>
        %parallel_loop3A_842 = arith.mulf %parallel_loop3A_839, %parallel_loop3A_839 : vector<16xf32>
        %parallel_loop3A_843 = arith.addf %parallel_loop3A_841, %parallel_loop3A_842 : vector<16xf32>
        %parallel_loop3A_844 = arith.mulf %parallel_loop3A_840, %parallel_loop3A_840 : vector<16xf32>
        %parallel_loop3A_845 = arith.addf %parallel_loop3A_843, %parallel_loop3A_844 : vector<16xf32>
        %parallel_loop3A_846 = tpu.bitcast %parallel_loop3A_845 : vector<16xf32> -> vector<16xi32>
        %parallel_loop3A_847 = arith.constant 1 : i32
        %parallel_loop3A_848 = vector.broadcast %parallel_loop3A_847 : i32 to vector<16xi32>
        %parallel_loop3A_849 = arith.shrsi %parallel_loop3A_846, %parallel_loop3A_848 : vector<16xi32>
        %parallel_loop3A_850 = arith.constant 1594578154 : i32
        %parallel_loop3A_851 = vector.broadcast %parallel_loop3A_850 : i32 to vector<16xi32>
        %parallel_loop3A_852 = arith.subi %parallel_loop3A_851, %parallel_loop3A_849 : vector<16xi32>
        %parallel_loop3A_853 = tpu.bitcast %parallel_loop3A_852 : vector<16xi32> -> vector<16xf32>
        %parallel_loop3A_854 = arith.mulf %parallel_loop3A_845, %parallel_loop3A_853 : vector<16xf32>
        %parallel_loop3A_855 = arith.mulf %parallel_loop3A_854, %parallel_loop3A_853 : vector<16xf32>
        %parallel_loop3A_856 = arith.constant 1.891200e+00 : f32
        %parallel_loop3A_857 = vector.broadcast %parallel_loop3A_856 : f32 to vector<16xf32>
        %parallel_loop3A_858 = arith.subf %parallel_loop3A_857, %parallel_loop3A_855 : vector<16xf32>
        %parallel_loop3A_859 = arith.mulf %parallel_loop3A_853, %parallel_loop3A_858 : vector<16xf32>
        %parallel_loop3A_860 = arith.mulf %parallel_loop3A_845, %parallel_loop3A_859 : vector<16xf32>
        %parallel_loop3A_861 = arith.constant 1 : i32
        %parallel_loop3A_862 = arith.index_cast %parallel_loop3A_861 : i32 to index
        %parallel_loop3A_863 = arith.index_cast %parallel_loop3A_460 : i32 to index
        %parallel_loop3A_864 = arith.constant 48 : index
        %parallel_loop3A_865 = tpu.vector_load %arg15[%parallel_loop3A_862, %parallel_loop3A_863, %parallel_loop3A_864] {strides = array<i32>} : memref<2x64x128xf32, #tpu.memory_space<vmem>>, vector<16xf32>,
        tpu.vector_store %arg15[%parallel_loop3A_862, %parallel_loop3A_863, %parallel_loop3A_864], %parallel_loop3A_860 {strides = array<i32>} : memref<2x64x128xf32, #tpu.memory_space<vmem>>, vector<16xf32>,
        %parallel_loop3A_866 = arith.constant 1 : i32
        %parallel_loop3A_867 = arith.index_cast %parallel_loop3A_866 : i32 to index
        %parallel_loop3A_868 = arith.index_cast %parallel_loop3A_460 : i32 to index
        %parallel_loop3A_869 = arith.constant 64 : index
        %parallel_loop3A_870 = tpu.vector_load %arg11[%parallel_loop3A_867, %parallel_loop3A_868, %parallel_loop3A_869] {strides = array<i32>} : memref<2x64x128xi32, #tpu.memory_space<vmem>>, vector<16xi32>,
        %parallel_loop3A_871 = arith.constant 1 : i32
        %parallel_loop3A_872 = arith.index_cast %parallel_loop3A_871 : i32 to index
        %parallel_loop3A_873 = arith.index_cast %parallel_loop3A_460 : i32 to index
        %parallel_loop3A_874 = arith.constant 64 : index
        %parallel_loop3A_875 = tpu.vector_load %arg12[%parallel_loop3A_872, %parallel_loop3A_873, %parallel_loop3A_874] {strides = array<i32>} : memref<2x64x128xi32, #tpu.memory_space<vmem>>, vector<16xi32>,
        %parallel_loop3A_876 = tpu.vector_load_idx %arg8[%parallel_loop3A_870] : memref<4096xf32, #tpu.memory_space<vmem>>[vector<16xi32>], vector<16xf32>,
        %parallel_loop3A_877 = tpu.vector_load_idx %arg9[%parallel_loop3A_870] : memref<4096xf32, #tpu.memory_space<vmem>>[vector<16xi32>], vector<16xf32>,
        %parallel_loop3A_878 = tpu.vector_load_idx %arg10[%parallel_loop3A_870] : memref<4096xf32, #tpu.memory_space<vmem>>[vector<16xi32>], vector<16xf32>,
        %parallel_loop3A_879 = tpu.vector_load_idx %arg8[%parallel_loop3A_875] : memref<4096xf32, #tpu.memory_space<vmem>>[vector<16xi32>], vector<16xf32>,
        %parallel_loop3A_880 = tpu.vector_load_idx %arg9[%parallel_loop3A_875] : memref<4096xf32, #tpu.memory_space<vmem>>[vector<16xi32>], vector<16xf32>,
        %parallel_loop3A_881 = tpu.vector_load_idx %arg10[%parallel_loop3A_875] : memref<4096xf32, #tpu.memory_space<vmem>>[vector<16xi32>], vector<16xf32>,
        %parallel_loop3A_882 = arith.subf %parallel_loop3A_876, %parallel_loop3A_463 : vector<16xf32>
        %parallel_loop3A_883 = arith.subf %parallel_loop3A_877, %parallel_loop3A_464 : vector<16xf32>
        %parallel_loop3A_884 = arith.subf %parallel_loop3A_878, %parallel_loop3A_465 : vector<16xf32>
        %parallel_loop3A_885 = arith.mulf %parallel_loop3A_882, %parallel_loop3A_882 : vector<16xf32>
        %parallel_loop3A_886 = arith.mulf %parallel_loop3A_883, %parallel_loop3A_883 : vector<16xf32>
        %parallel_loop3A_887 = arith.addf %parallel_loop3A_885, %parallel_loop3A_886 : vector<16xf32>
        %parallel_loop3A_888 = arith.mulf %parallel_loop3A_884, %parallel_loop3A_884 : vector<16xf32>
        %parallel_loop3A_889 = arith.addf %parallel_loop3A_887, %parallel_loop3A_888 : vector<16xf32>
        %parallel_loop3A_890 = tpu.bitcast %parallel_loop3A_889 : vector<16xf32> -> vector<16xi32>
        %parallel_loop3A_891 = arith.constant 1 : i32
        %parallel_loop3A_892 = vector.broadcast %parallel_loop3A_891 : i32 to vector<16xi32>
        %parallel_loop3A_893 = arith.shrsi %parallel_loop3A_890, %parallel_loop3A_892 : vector<16xi32>
        %parallel_loop3A_894 = arith.constant 1594578154 : i32
        %parallel_loop3A_895 = vector.broadcast %parallel_loop3A_894 : i32 to vector<16xi32>
        %parallel_loop3A_896 = arith.subi %parallel_loop3A_895, %parallel_loop3A_893 : vector<16xi32>
        %parallel_loop3A_897 = tpu.bitcast %parallel_loop3A_896 : vector<16xi32> -> vector<16xf32>
        %parallel_loop3A_898 = arith.mulf %parallel_loop3A_889, %parallel_loop3A_897 : vector<16xf32>
        %parallel_loop3A_899 = arith.mulf %parallel_loop3A_898, %parallel_loop3A_897 : vector<16xf32>
        %parallel_loop3A_900 = arith.constant 1.891200e+00 : f32
        %parallel_loop3A_901 = vector.broadcast %parallel_loop3A_900 : f32 to vector<16xf32>
        %parallel_loop3A_902 = arith.subf %parallel_loop3A_901, %parallel_loop3A_899 : vector<16xf32>
        %parallel_loop3A_903 = arith.mulf %parallel_loop3A_897, %parallel_loop3A_902 : vector<16xf32>
        %parallel_loop3A_904 = arith.mulf %parallel_loop3A_889, %parallel_loop3A_903 : vector<16xf32>
        %parallel_loop3A_905 = arith.constant 1 : i32
        %parallel_loop3A_906 = arith.index_cast %parallel_loop3A_905 : i32 to index
        %parallel_loop3A_907 = arith.index_cast %parallel_loop3A_460 : i32 to index
        %parallel_loop3A_908 = arith.constant 64 : index
        %parallel_loop3A_909 = tpu.vector_load %arg13[%parallel_loop3A_906, %parallel_loop3A_907, %parallel_loop3A_908] {strides = array<i32>} : memref<2x64x128xf32, #tpu.memory_space<vmem>>, vector<16xf32>,
        tpu.vector_store %arg13[%parallel_loop3A_906, %parallel_loop3A_907, %parallel_loop3A_908], %parallel_loop3A_904 {strides = array<i32>} : memref<2x64x128xf32, #tpu.memory_space<vmem>>, vector<16xf32>,
        %parallel_loop3A_910 = arith.subf %parallel_loop3A_879, %parallel_loop3A_463 : vector<16xf32>
        %parallel_loop3A_911 = arith.subf %parallel_loop3A_880, %parallel_loop3A_464 : vector<16xf32>
        %parallel_loop3A_912 = arith.subf %parallel_loop3A_881, %parallel_loop3A_465 : vector<16xf32>
        %parallel_loop3A_913 = arith.mulf %parallel_loop3A_910, %parallel_loop3A_910 : vector<16xf32>
        %parallel_loop3A_914 = arith.mulf %parallel_loop3A_911, %parallel_loop3A_911 : vector<16xf32>
        %parallel_loop3A_915 = arith.addf %parallel_loop3A_913, %parallel_loop3A_914 : vector<16xf32>
        %parallel_loop3A_916 = arith.mulf %parallel_loop3A_912, %parallel_loop3A_912 : vector<16xf32>
        %parallel_loop3A_917 = arith.addf %parallel_loop3A_915, %parallel_loop3A_916 : vector<16xf32>
        %parallel_loop3A_918 = tpu.bitcast %parallel_loop3A_917 : vector<16xf32> -> vector<16xi32>
        %parallel_loop3A_919 = arith.constant 1 : i32
        %parallel_loop3A_920 = vector.broadcast %parallel_loop3A_919 : i32 to vector<16xi32>
        %parallel_loop3A_921 = arith.shrsi %parallel_loop3A_918, %parallel_loop3A_920 : vector<16xi32>
        %parallel_loop3A_922 = arith.constant 1594578154 : i32
        %parallel_loop3A_923 = vector.broadcast %parallel_loop3A_922 : i32 to vector<16xi32>
        %parallel_loop3A_924 = arith.subi %parallel_loop3A_923, %parallel_loop3A_921 : vector<16xi32>
        %parallel_loop3A_925 = tpu.bitcast %parallel_loop3A_924 : vector<16xi32> -> vector<16xf32>
        %parallel_loop3A_926 = arith.mulf %parallel_loop3A_917, %parallel_loop3A_925 : vector<16xf32>
        %parallel_loop3A_927 = arith.mulf %parallel_loop3A_926, %parallel_loop3A_925 : vector<16xf32>
        %parallel_loop3A_928 = arith.constant 1.891200e+00 : f32
        %parallel_loop3A_929 = vector.broadcast %parallel_loop3A_928 : f32 to vector<16xf32>
        %parallel_loop3A_930 = arith.subf %parallel_loop3A_929, %parallel_loop3A_927 : vector<16xf32>
        %parallel_loop3A_931 = arith.mulf %parallel_loop3A_925, %parallel_loop3A_930 : vector<16xf32>
        %parallel_loop3A_932 = arith.mulf %parallel_loop3A_917, %parallel_loop3A_931 : vector<16xf32>
        %parallel_loop3A_933 = arith.constant 1 : i32
        %parallel_loop3A_934 = arith.index_cast %parallel_loop3A_933 : i32 to index
        %parallel_loop3A_935 = arith.index_cast %parallel_loop3A_460 : i32 to index
        %parallel_loop3A_936 = arith.constant 64 : index
        %parallel_loop3A_937 = tpu.vector_load %arg14[%parallel_loop3A_934, %parallel_loop3A_935, %parallel_loop3A_936] {strides = array<i32>} : memref<2x64x128xf32, #tpu.memory_space<vmem>>, vector<16xf32>,
        tpu.vector_store %arg14[%parallel_loop3A_934, %parallel_loop3A_935, %parallel_loop3A_936], %parallel_loop3A_932 {strides = array<i32>} : memref<2x64x128xf32, #tpu.memory_space<vmem>>, vector<16xf32>,
        %parallel_loop3A_938 = arith.subf %parallel_loop3A_876, %parallel_loop3A_879 : vector<16xf32>
        %parallel_loop3A_939 = arith.subf %parallel_loop3A_877, %parallel_loop3A_880 : vector<16xf32>
        %parallel_loop3A_940 = arith.subf %parallel_loop3A_878, %parallel_loop3A_881 : vector<16xf32>
        %parallel_loop3A_941 = arith.mulf %parallel_loop3A_938, %parallel_loop3A_938 : vector<16xf32>
        %parallel_loop3A_942 = arith.mulf %parallel_loop3A_939, %parallel_loop3A_939 : vector<16xf32>
        %parallel_loop3A_943 = arith.addf %parallel_loop3A_941, %parallel_loop3A_942 : vector<16xf32>
        %parallel_loop3A_944 = arith.mulf %parallel_loop3A_940, %parallel_loop3A_940 : vector<16xf32>
        %parallel_loop3A_945 = arith.addf %parallel_loop3A_943, %parallel_loop3A_944 : vector<16xf32>
        %parallel_loop3A_946 = tpu.bitcast %parallel_loop3A_945 : vector<16xf32> -> vector<16xi32>
        %parallel_loop3A_947 = arith.constant 1 : i32
        %parallel_loop3A_948 = vector.broadcast %parallel_loop3A_947 : i32 to vector<16xi32>
        %parallel_loop3A_949 = arith.shrsi %parallel_loop3A_946, %parallel_loop3A_948 : vector<16xi32>
        %parallel_loop3A_950 = arith.constant 1594578154 : i32
        %parallel_loop3A_951 = vector.broadcast %parallel_loop3A_950 : i32 to vector<16xi32>
        %parallel_loop3A_952 = arith.subi %parallel_loop3A_951, %parallel_loop3A_949 : vector<16xi32>
        %parallel_loop3A_953 = tpu.bitcast %parallel_loop3A_952 : vector<16xi32> -> vector<16xf32>
        %parallel_loop3A_954 = arith.mulf %parallel_loop3A_945, %parallel_loop3A_953 : vector<16xf32>
        %parallel_loop3A_955 = arith.mulf %parallel_loop3A_954, %parallel_loop3A_953 : vector<16xf32>
        %parallel_loop3A_956 = arith.constant 1.891200e+00 : f32
        %parallel_loop3A_957 = vector.broadcast %parallel_loop3A_956 : f32 to vector<16xf32>
        %parallel_loop3A_958 = arith.subf %parallel_loop3A_957, %parallel_loop3A_955 : vector<16xf32>
        %parallel_loop3A_959 = arith.mulf %parallel_loop3A_953, %parallel_loop3A_958 : vector<16xf32>
        %parallel_loop3A_960 = arith.mulf %parallel_loop3A_945, %parallel_loop3A_959 : vector<16xf32>
        %parallel_loop3A_961 = arith.constant 1 : i32
        %parallel_loop3A_962 = arith.index_cast %parallel_loop3A_961 : i32 to index
        %parallel_loop3A_963 = arith.index_cast %parallel_loop3A_460 : i32 to index
        %parallel_loop3A_964 = arith.constant 64 : index
        %parallel_loop3A_965 = tpu.vector_load %arg15[%parallel_loop3A_962, %parallel_loop3A_963, %parallel_loop3A_964] {strides = array<i32>} : memref<2x64x128xf32, #tpu.memory_space<vmem>>, vector<16xf32>,
        tpu.vector_store %arg15[%parallel_loop3A_962, %parallel_loop3A_963, %parallel_loop3A_964], %parallel_loop3A_960 {strides = array<i32>} : memref<2x64x128xf32, #tpu.memory_space<vmem>>, vector<16xf32>,
        %parallel_loop3A_966 = arith.constant 1 : i32
        %parallel_loop3A_967 = arith.index_cast %parallel_loop3A_966 : i32 to index
        %parallel_loop3A_968 = arith.index_cast %parallel_loop3A_460 : i32 to index
        %parallel_loop3A_969 = arith.constant 80 : index
        %parallel_loop3A_970 = tpu.vector_load %arg11[%parallel_loop3A_967, %parallel_loop3A_968, %parallel_loop3A_969] {strides = array<i32>} : memref<2x64x128xi32, #tpu.memory_space<vmem>>, vector<16xi32>,
        %parallel_loop3A_971 = arith.constant 1 : i32
        %parallel_loop3A_972 = arith.index_cast %parallel_loop3A_971 : i32 to index
        %parallel_loop3A_973 = arith.index_cast %parallel_loop3A_460 : i32 to index
        %parallel_loop3A_974 = arith.constant 80 : index
        %parallel_loop3A_975 = tpu.vector_load %arg12[%parallel_loop3A_972, %parallel_loop3A_973, %parallel_loop3A_974] {strides = array<i32>} : memref<2x64x128xi32, #tpu.memory_space<vmem>>, vector<16xi32>,
        %parallel_loop3A_976 = tpu.vector_load_idx %arg8[%parallel_loop3A_970] : memref<4096xf32, #tpu.memory_space<vmem>>[vector<16xi32>], vector<16xf32>,
        %parallel_loop3A_977 = tpu.vector_load_idx %arg9[%parallel_loop3A_970] : memref<4096xf32, #tpu.memory_space<vmem>>[vector<16xi32>], vector<16xf32>,
        %parallel_loop3A_978 = tpu.vector_load_idx %arg10[%parallel_loop3A_970] : memref<4096xf32, #tpu.memory_space<vmem>>[vector<16xi32>], vector<16xf32>,
        %parallel_loop3A_979 = tpu.vector_load_idx %arg8[%parallel_loop3A_975] : memref<4096xf32, #tpu.memory_space<vmem>>[vector<16xi32>], vector<16xf32>,
        %parallel_loop3A_980 = tpu.vector_load_idx %arg9[%parallel_loop3A_975] : memref<4096xf32, #tpu.memory_space<vmem>>[vector<16xi32>], vector<16xf32>,
        %parallel_loop3A_981 = tpu.vector_load_idx %arg10[%parallel_loop3A_975] : memref<4096xf32, #tpu.memory_space<vmem>>[vector<16xi32>], vector<16xf32>,
        %parallel_loop3A_982 = arith.subf %parallel_loop3A_976, %parallel_loop3A_463 : vector<16xf32>
        %parallel_loop3A_983 = arith.subf %parallel_loop3A_977, %parallel_loop3A_464 : vector<16xf32>
        %parallel_loop3A_984 = arith.subf %parallel_loop3A_978, %parallel_loop3A_465 : vector<16xf32>
        %parallel_loop3A_985 = arith.mulf %parallel_loop3A_982, %parallel_loop3A_982 : vector<16xf32>
        %parallel_loop3A_986 = arith.mulf %parallel_loop3A_983, %parallel_loop3A_983 : vector<16xf32>
        %parallel_loop3A_987 = arith.addf %parallel_loop3A_985, %parallel_loop3A_986 : vector<16xf32>
        %parallel_loop3A_988 = arith.mulf %parallel_loop3A_984, %parallel_loop3A_984 : vector<16xf32>
        %parallel_loop3A_989 = arith.addf %parallel_loop3A_987, %parallel_loop3A_988 : vector<16xf32>
        %parallel_loop3A_990 = tpu.bitcast %parallel_loop3A_989 : vector<16xf32> -> vector<16xi32>
        %parallel_loop3A_991 = arith.constant 1 : i32
        %parallel_loop3A_992 = vector.broadcast %parallel_loop3A_991 : i32 to vector<16xi32>
        %parallel_loop3A_993 = arith.shrsi %parallel_loop3A_990, %parallel_loop3A_992 : vector<16xi32>
        %parallel_loop3A_994 = arith.constant 1594578154 : i32
        %parallel_loop3A_995 = vector.broadcast %parallel_loop3A_994 : i32 to vector<16xi32>
        %parallel_loop3A_996 = arith.subi %parallel_loop3A_995, %parallel_loop3A_993 : vector<16xi32>
        %parallel_loop3A_997 = tpu.bitcast %parallel_loop3A_996 : vector<16xi32> -> vector<16xf32>
        %parallel_loop3A_998 = arith.mulf %parallel_loop3A_989, %parallel_loop3A_997 : vector<16xf32>
        %parallel_loop3A_999 = arith.mulf %parallel_loop3A_998, %parallel_loop3A_997 : vector<16xf32>
        %parallel_loop3A_1000 = arith.constant 1.891200e+00 : f32
        %parallel_loop3A_1001 = vector.broadcast %parallel_loop3A_1000 : f32 to vector<16xf32>
        %parallel_loop3A_1002 = arith.subf %parallel_loop3A_1001, %parallel_loop3A_999 : vector<16xf32>
        %parallel_loop3A_1003 = arith.mulf %parallel_loop3A_997, %parallel_loop3A_1002 : vector<16xf32>
        %parallel_loop3A_1004 = arith.mulf %parallel_loop3A_989, %parallel_loop3A_1003 : vector<16xf32>
        %parallel_loop3A_1005 = arith.constant 1 : i32
        %parallel_loop3A_1006 = arith.index_cast %parallel_loop3A_1005 : i32 to index
        %parallel_loop3A_1007 = arith.index_cast %parallel_loop3A_460 : i32 to index
        %parallel_loop3A_1008 = arith.constant 80 : index
        %parallel_loop3A_1009 = tpu.vector_load %arg13[%parallel_loop3A_1006, %parallel_loop3A_1007, %parallel_loop3A_1008] {strides = array<i32>} : memref<2x64x128xf32, #tpu.memory_space<vmem>>, vector<16xf32>,
        tpu.vector_store %arg13[%parallel_loop3A_1006, %parallel_loop3A_1007, %parallel_loop3A_1008], %parallel_loop3A_1004 {strides = array<i32>} : memref<2x64x128xf32, #tpu.memory_space<vmem>>, vector<16xf32>,
        %parallel_loop3A_1010 = arith.subf %parallel_loop3A_979, %parallel_loop3A_463 : vector<16xf32>
        %parallel_loop3A_1011 = arith.subf %parallel_loop3A_980, %parallel_loop3A_464 : vector<16xf32>
        %parallel_loop3A_1012 = arith.subf %parallel_loop3A_981, %parallel_loop3A_465 : vector<16xf32>
        %parallel_loop3A_1013 = arith.mulf %parallel_loop3A_1010, %parallel_loop3A_1010 : vector<16xf32>
        %parallel_loop3A_1014 = arith.mulf %parallel_loop3A_1011, %parallel_loop3A_1011 : vector<16xf32>
        %parallel_loop3A_1015 = arith.addf %parallel_loop3A_1013, %parallel_loop3A_1014 : vector<16xf32>
        %parallel_loop3A_1016 = arith.mulf %parallel_loop3A_1012, %parallel_loop3A_1012 : vector<16xf32>
        %parallel_loop3A_1017 = arith.addf %parallel_loop3A_1015, %parallel_loop3A_1016 : vector<16xf32>
        %parallel_loop3A_1018 = tpu.bitcast %parallel_loop3A_1017 : vector<16xf32> -> vector<16xi32>
        %parallel_loop3A_1019 = arith.constant 1 : i32
        %parallel_loop3A_1020 = vector.broadcast %parallel_loop3A_1019 : i32 to vector<16xi32>
        %parallel_loop3A_1021 = arith.shrsi %parallel_loop3A_1018, %parallel_loop3A_1020 : vector<16xi32>
        %parallel_loop3A_1022 = arith.constant 1594578154 : i32
        %parallel_loop3A_1023 = vector.broadcast %parallel_loop3A_1022 : i32 to vector<16xi32>
        %parallel_loop3A_1024 = arith.subi %parallel_loop3A_1023, %parallel_loop3A_1021 : vector<16xi32>
        %parallel_loop3A_1025 = tpu.bitcast %parallel_loop3A_1024 : vector<16xi32> -> vector<16xf32>
        %parallel_loop3A_1026 = arith.mulf %parallel_loop3A_1017, %parallel_loop3A_1025 : vector<16xf32>
        %parallel_loop3A_1027 = arith.mulf %parallel_loop3A_1026, %parallel_loop3A_1025 : vector<16xf32>
        %parallel_loop3A_1028 = arith.constant 1.891200e+00 : f32
        %parallel_loop3A_1029 = vector.broadcast %parallel_loop3A_1028 : f32 to vector<16xf32>
        %parallel_loop3A_1030 = arith.subf %parallel_loop3A_1029, %parallel_loop3A_1027 : vector<16xf32>
        %parallel_loop3A_1031 = arith.mulf %parallel_loop3A_1025, %parallel_loop3A_1030 : vector<16xf32>
        %parallel_loop3A_1032 = arith.mulf %parallel_loop3A_1017, %parallel_loop3A_1031 : vector<16xf32>
        %parallel_loop3A_1033 = arith.constant 1 : i32
        %parallel_loop3A_1034 = arith.index_cast %parallel_loop3A_1033 : i32 to index
        %parallel_loop3A_1035 = arith.index_cast %parallel_loop3A_460 : i32 to index
        %parallel_loop3A_1036 = arith.constant 80 : index
        %parallel_loop3A_1037 = tpu.vector_load %arg14[%parallel_loop3A_1034, %parallel_loop3A_1035, %parallel_loop3A_1036] {strides = array<i32>} : memref<2x64x128xf32, #tpu.memory_space<vmem>>, vector<16xf32>,
        tpu.vector_store %arg14[%parallel_loop3A_1034, %parallel_loop3A_1035, %parallel_loop3A_1036], %parallel_loop3A_1032 {strides = array<i32>} : memref<2x64x128xf32, #tpu.memory_space<vmem>>, vector<16xf32>,
        %parallel_loop3A_1038 = arith.subf %parallel_loop3A_976, %parallel_loop3A_979 : vector<16xf32>
        %parallel_loop3A_1039 = arith.subf %parallel_loop3A_977, %parallel_loop3A_980 : vector<16xf32>
        %parallel_loop3A_1040 = arith.subf %parallel_loop3A_978, %parallel_loop3A_981 : vector<16xf32>
        %parallel_loop3A_1041 = arith.mulf %parallel_loop3A_1038, %parallel_loop3A_1038 : vector<16xf32>
        %parallel_loop3A_1042 = arith.mulf %parallel_loop3A_1039, %parallel_loop3A_1039 : vector<16xf32>
        %parallel_loop3A_1043 = arith.addf %parallel_loop3A_1041, %parallel_loop3A_1042 : vector<16xf32>
        %parallel_loop3A_1044 = arith.mulf %parallel_loop3A_1040, %parallel_loop3A_1040 : vector<16xf32>
        %parallel_loop3A_1045 = arith.addf %parallel_loop3A_1043, %parallel_loop3A_1044 : vector<16xf32>
        %parallel_loop3A_1046 = tpu.bitcast %parallel_loop3A_1045 : vector<16xf32> -> vector<16xi32>
        %parallel_loop3A_1047 = arith.constant 1 : i32
        %parallel_loop3A_1048 = vector.broadcast %parallel_loop3A_1047 : i32 to vector<16xi32>
        %parallel_loop3A_1049 = arith.shrsi %parallel_loop3A_1046, %parallel_loop3A_1048 : vector<16xi32>
        %parallel_loop3A_1050 = arith.constant 1594578154 : i32
        %parallel_loop3A_1051 = vector.broadcast %parallel_loop3A_1050 : i32 to vector<16xi32>
        %parallel_loop3A_1052 = arith.subi %parallel_loop3A_1051, %parallel_loop3A_1049 : vector<16xi32>
        %parallel_loop3A_1053 = tpu.bitcast %parallel_loop3A_1052 : vector<16xi32> -> vector<16xf32>
        %parallel_loop3A_1054 = arith.mulf %parallel_loop3A_1045, %parallel_loop3A_1053 : vector<16xf32>
        %parallel_loop3A_1055 = arith.mulf %parallel_loop3A_1054, %parallel_loop3A_1053 : vector<16xf32>
        %parallel_loop3A_1056 = arith.constant 1.891200e+00 : f32
        %parallel_loop3A_1057 = vector.broadcast %parallel_loop3A_1056 : f32 to vector<16xf32>
        %parallel_loop3A_1058 = arith.subf %parallel_loop3A_1057, %parallel_loop3A_1055 : vector<16xf32>
        %parallel_loop3A_1059 = arith.mulf %parallel_loop3A_1053, %parallel_loop3A_1058 : vector<16xf32>
        %parallel_loop3A_1060 = arith.mulf %parallel_loop3A_1045, %parallel_loop3A_1059 : vector<16xf32>
        %parallel_loop3A_1061 = arith.constant 1 : i32
        %parallel_loop3A_1062 = arith.index_cast %parallel_loop3A_1061 : i32 to index
        %parallel_loop3A_1063 = arith.index_cast %parallel_loop3A_460 : i32 to index
        %parallel_loop3A_1064 = arith.constant 80 : index
        %parallel_loop3A_1065 = tpu.vector_load %arg15[%parallel_loop3A_1062, %parallel_loop3A_1063, %parallel_loop3A_1064] {strides = array<i32>} : memref<2x64x128xf32, #tpu.memory_space<vmem>>, vector<16xf32>,
        tpu.vector_store %arg15[%parallel_loop3A_1062, %parallel_loop3A_1063, %parallel_loop3A_1064], %parallel_loop3A_1060 {strides = array<i32>} : memref<2x64x128xf32, #tpu.memory_space<vmem>>, vector<16xf32>,
        %parallel_loop3A_1066 = arith.constant 1 : i32
        %parallel_loop3A_1067 = arith.index_cast %parallel_loop3A_1066 : i32 to index
        %parallel_loop3A_1068 = arith.index_cast %parallel_loop3A_460 : i32 to index
        %parallel_loop3A_1069 = arith.constant 96 : index
        %parallel_loop3A_1070 = tpu.vector_load %arg11[%parallel_loop3A_1067, %parallel_loop3A_1068, %parallel_loop3A_1069] {strides = array<i32>} : memref<2x64x128xi32, #tpu.memory_space<vmem>>, vector<16xi32>,
        %parallel_loop3A_1071 = arith.constant 1 : i32
        %parallel_loop3A_1072 = arith.index_cast %parallel_loop3A_1071 : i32 to index
        %parallel_loop3A_1073 = arith.index_cast %parallel_loop3A_460 : i32 to index
        %parallel_loop3A_1074 = arith.constant 96 : index
        %parallel_loop3A_1075 = tpu.vector_load %arg12[%parallel_loop3A_1072, %parallel_loop3A_1073, %parallel_loop3A_1074] {strides = array<i32>} : memref<2x64x128xi32, #tpu.memory_space<vmem>>, vector<16xi32>,
        %parallel_loop3A_1076 = tpu.vector_load_idx %arg8[%parallel_loop3A_1070] : memref<4096xf32, #tpu.memory_space<vmem>>[vector<16xi32>], vector<16xf32>,
        %parallel_loop3A_1077 = tpu.vector_load_idx %arg9[%parallel_loop3A_1070] : memref<4096xf32, #tpu.memory_space<vmem>>[vector<16xi32>], vector<16xf32>,
        %parallel_loop3A_1078 = tpu.vector_load_idx %arg10[%parallel_loop3A_1070] : memref<4096xf32, #tpu.memory_space<vmem>>[vector<16xi32>], vector<16xf32>,
        %parallel_loop3A_1079 = tpu.vector_load_idx %arg8[%parallel_loop3A_1075] : memref<4096xf32, #tpu.memory_space<vmem>>[vector<16xi32>], vector<16xf32>,
        %parallel_loop3A_1080 = tpu.vector_load_idx %arg9[%parallel_loop3A_1075] : memref<4096xf32, #tpu.memory_space<vmem>>[vector<16xi32>], vector<16xf32>,
        %parallel_loop3A_1081 = tpu.vector_load_idx %arg10[%parallel_loop3A_1075] : memref<4096xf32, #tpu.memory_space<vmem>>[vector<16xi32>], vector<16xf32>,
        %parallel_loop3A_1082 = arith.subf %parallel_loop3A_1076, %parallel_loop3A_463 : vector<16xf32>
        %parallel_loop3A_1083 = arith.subf %parallel_loop3A_1077, %parallel_loop3A_464 : vector<16xf32>
        %parallel_loop3A_1084 = arith.subf %parallel_loop3A_1078, %parallel_loop3A_465 : vector<16xf32>
        %parallel_loop3A_1085 = arith.mulf %parallel_loop3A_1082, %parallel_loop3A_1082 : vector<16xf32>
        %parallel_loop3A_1086 = arith.mulf %parallel_loop3A_1083, %parallel_loop3A_1083 : vector<16xf32>
        %parallel_loop3A_1087 = arith.addf %parallel_loop3A_1085, %parallel_loop3A_1086 : vector<16xf32>
        %parallel_loop3A_1088 = arith.mulf %parallel_loop3A_1084, %parallel_loop3A_1084 : vector<16xf32>
        %parallel_loop3A_1089 = arith.addf %parallel_loop3A_1087, %parallel_loop3A_1088 : vector<16xf32>
        %parallel_loop3A_1090 = tpu.bitcast %parallel_loop3A_1089 : vector<16xf32> -> vector<16xi32>
        %parallel_loop3A_1091 = arith.constant 1 : i32
        %parallel_loop3A_1092 = vector.broadcast %parallel_loop3A_1091 : i32 to vector<16xi32>
        %parallel_loop3A_1093 = arith.shrsi %parallel_loop3A_1090, %parallel_loop3A_1092 : vector<16xi32>
        %parallel_loop3A_1094 = arith.constant 1594578154 : i32
        %parallel_loop3A_1095 = vector.broadcast %parallel_loop3A_1094 : i32 to vector<16xi32>
        %parallel_loop3A_1096 = arith.subi %parallel_loop3A_1095, %parallel_loop3A_1093 : vector<16xi32>
        %parallel_loop3A_1097 = tpu.bitcast %parallel_loop3A_1096 : vector<16xi32> -> vector<16xf32>
        %parallel_loop3A_1098 = arith.mulf %parallel_loop3A_1089, %parallel_loop3A_1097 : vector<16xf32>
        %parallel_loop3A_1099 = arith.mulf %parallel_loop3A_1098, %parallel_loop3A_1097 : vector<16xf32>
        %parallel_loop3A_1100 = arith.constant 1.891200e+00 : f32
        %parallel_loop3A_1101 = vector.broadcast %parallel_loop3A_1100 : f32 to vector<16xf32>
        %parallel_loop3A_1102 = arith.subf %parallel_loop3A_1101, %parallel_loop3A_1099 : vector<16xf32>
        %parallel_loop3A_1103 = arith.mulf %parallel_loop3A_1097, %parallel_loop3A_1102 : vector<16xf32>
        %parallel_loop3A_1104 = arith.mulf %parallel_loop3A_1089, %parallel_loop3A_1103 : vector<16xf32>
        %parallel_loop3A_1105 = arith.constant 1 : i32
        %parallel_loop3A_1106 = arith.index_cast %parallel_loop3A_1105 : i32 to index
        %parallel_loop3A_1107 = arith.index_cast %parallel_loop3A_460 : i32 to index
        %parallel_loop3A_1108 = arith.constant 96 : index
        %parallel_loop3A_1109 = tpu.vector_load %arg13[%parallel_loop3A_1106, %parallel_loop3A_1107, %parallel_loop3A_1108] {strides = array<i32>} : memref<2x64x128xf32, #tpu.memory_space<vmem>>, vector<16xf32>,
        tpu.vector_store %arg13[%parallel_loop3A_1106, %parallel_loop3A_1107, %parallel_loop3A_1108], %parallel_loop3A_1104 {strides = array<i32>} : memref<2x64x128xf32, #tpu.memory_space<vmem>>, vector<16xf32>,
        %parallel_loop3A_1110 = arith.subf %parallel_loop3A_1079, %parallel_loop3A_463 : vector<16xf32>
        %parallel_loop3A_1111 = arith.subf %parallel_loop3A_1080, %parallel_loop3A_464 : vector<16xf32>
        %parallel_loop3A_1112 = arith.subf %parallel_loop3A_1081, %parallel_loop3A_465 : vector<16xf32>
        %parallel_loop3A_1113 = arith.mulf %parallel_loop3A_1110, %parallel_loop3A_1110 : vector<16xf32>
        %parallel_loop3A_1114 = arith.mulf %parallel_loop3A_1111, %parallel_loop3A_1111 : vector<16xf32>
        %parallel_loop3A_1115 = arith.addf %parallel_loop3A_1113, %parallel_loop3A_1114 : vector<16xf32>
        %parallel_loop3A_1116 = arith.mulf %parallel_loop3A_1112, %parallel_loop3A_1112 : vector<16xf32>
        %parallel_loop3A_1117 = arith.addf %parallel_loop3A_1115, %parallel_loop3A_1116 : vector<16xf32>
        %parallel_loop3A_1118 = tpu.bitcast %parallel_loop3A_1117 : vector<16xf32> -> vector<16xi32>
        %parallel_loop3A_1119 = arith.constant 1 : i32
        %parallel_loop3A_1120 = vector.broadcast %parallel_loop3A_1119 : i32 to vector<16xi32>
        %parallel_loop3A_1121 = arith.shrsi %parallel_loop3A_1118, %parallel_loop3A_1120 : vector<16xi32>
        %parallel_loop3A_1122 = arith.constant 1594578154 : i32
        %parallel_loop3A_1123 = vector.broadcast %parallel_loop3A_1122 : i32 to vector<16xi32>
        %parallel_loop3A_1124 = arith.subi %parallel_loop3A_1123, %parallel_loop3A_1121 : vector<16xi32>
        %parallel_loop3A_1125 = tpu.bitcast %parallel_loop3A_1124 : vector<16xi32> -> vector<16xf32>
        %parallel_loop3A_1126 = arith.mulf %parallel_loop3A_1117, %parallel_loop3A_1125 : vector<16xf32>
        %parallel_loop3A_1127 = arith.mulf %parallel_loop3A_1126, %parallel_loop3A_1125 : vector<16xf32>
        %parallel_loop3A_1128 = arith.constant 1.891200e+00 : f32
        %parallel_loop3A_1129 = vector.broadcast %parallel_loop3A_1128 : f32 to vector<16xf32>
        %parallel_loop3A_1130 = arith.subf %parallel_loop3A_1129, %parallel_loop3A_1127 : vector<16xf32>
        %parallel_loop3A_1131 = arith.mulf %parallel_loop3A_1125, %parallel_loop3A_1130 : vector<16xf32>
        %parallel_loop3A_1132 = arith.mulf %parallel_loop3A_1117, %parallel_loop3A_1131 : vector<16xf32>
        %parallel_loop3A_1133 = arith.constant 1 : i32
        %parallel_loop3A_1134 = arith.index_cast %parallel_loop3A_1133 : i32 to index
        %parallel_loop3A_1135 = arith.index_cast %parallel_loop3A_460 : i32 to index
        %parallel_loop3A_1136 = arith.constant 96 : index
        %parallel_loop3A_1137 = tpu.vector_load %arg14[%parallel_loop3A_1134, %parallel_loop3A_1135, %parallel_loop3A_1136] {strides = array<i32>} : memref<2x64x128xf32, #tpu.memory_space<vmem>>, vector<16xf32>,
        tpu.vector_store %arg14[%parallel_loop3A_1134, %parallel_loop3A_1135, %parallel_loop3A_1136], %parallel_loop3A_1132 {strides = array<i32>} : memref<2x64x128xf32, #tpu.memory_space<vmem>>, vector<16xf32>,
        %parallel_loop3A_1138 = arith.subf %parallel_loop3A_1076, %parallel_loop3A_1079 : vector<16xf32>
        %parallel_loop3A_1139 = arith.subf %parallel_loop3A_1077, %parallel_loop3A_1080 : vector<16xf32>
        %parallel_loop3A_1140 = arith.subf %parallel_loop3A_1078, %parallel_loop3A_1081 : vector<16xf32>
        %parallel_loop3A_1141 = arith.mulf %parallel_loop3A_1138, %parallel_loop3A_1138 : vector<16xf32>
        %parallel_loop3A_1142 = arith.mulf %parallel_loop3A_1139, %parallel_loop3A_1139 : vector<16xf32>
        %parallel_loop3A_1143 = arith.addf %parallel_loop3A_1141, %parallel_loop3A_1142 : vector<16xf32>
        %parallel_loop3A_1144 = arith.mulf %parallel_loop3A_1140, %parallel_loop3A_1140 : vector<16xf32>
        %parallel_loop3A_1145 = arith.addf %parallel_loop3A_1143, %parallel_loop3A_1144 : vector<16xf32>
        %parallel_loop3A_1146 = tpu.bitcast %parallel_loop3A_1145 : vector<16xf32> -> vector<16xi32>
        %parallel_loop3A_1147 = arith.constant 1 : i32
        %parallel_loop3A_1148 = vector.broadcast %parallel_loop3A_1147 : i32 to vector<16xi32>
        %parallel_loop3A_1149 = arith.shrsi %parallel_loop3A_1146, %parallel_loop3A_1148 : vector<16xi32>
        %parallel_loop3A_1150 = arith.constant 1594578154 : i32
        %parallel_loop3A_1151 = vector.broadcast %parallel_loop3A_1150 : i32 to vector<16xi32>
        %parallel_loop3A_1152 = arith.subi %parallel_loop3A_1151, %parallel_loop3A_1149 : vector<16xi32>
        %parallel_loop3A_1153 = tpu.bitcast %parallel_loop3A_1152 : vector<16xi32> -> vector<16xf32>
        %parallel_loop3A_1154 = arith.mulf %parallel_loop3A_1145, %parallel_loop3A_1153 : vector<16xf32>
        %parallel_loop3A_1155 = arith.mulf %parallel_loop3A_1154, %parallel_loop3A_1153 : vector<16xf32>
        %parallel_loop3A_1156 = arith.constant 1.891200e+00 : f32
        %parallel_loop3A_1157 = vector.broadcast %parallel_loop3A_1156 : f32 to vector<16xf32>
        %parallel_loop3A_1158 = arith.subf %parallel_loop3A_1157, %parallel_loop3A_1155 : vector<16xf32>
        %parallel_loop3A_1159 = arith.mulf %parallel_loop3A_1153, %parallel_loop3A_1158 : vector<16xf32>
        %parallel_loop3A_1160 = arith.mulf %parallel_loop3A_1145, %parallel_loop3A_1159 : vector<16xf32>
        %parallel_loop3A_1161 = arith.constant 1 : i32
        %parallel_loop3A_1162 = arith.index_cast %parallel_loop3A_1161 : i32 to index
        %parallel_loop3A_1163 = arith.index_cast %parallel_loop3A_460 : i32 to index
        %parallel_loop3A_1164 = arith.constant 96 : index
        %parallel_loop3A_1165 = tpu.vector_load %arg15[%parallel_loop3A_1162, %parallel_loop3A_1163, %parallel_loop3A_1164] {strides = array<i32>} : memref<2x64x128xf32, #tpu.memory_space<vmem>>, vector<16xf32>,
        tpu.vector_store %arg15[%parallel_loop3A_1162, %parallel_loop3A_1163, %parallel_loop3A_1164], %parallel_loop3A_1160 {strides = array<i32>} : memref<2x64x128xf32, #tpu.memory_space<vmem>>, vector<16xf32>,
        %parallel_loop3A_1166 = arith.constant 1 : i32
        %parallel_loop3A_1167 = arith.index_cast %parallel_loop3A_1166 : i32 to index
        %parallel_loop3A_1168 = arith.index_cast %parallel_loop3A_460 : i32 to index
        %parallel_loop3A_1169 = arith.constant 112 : index
        %parallel_loop3A_1170 = tpu.vector_load %arg11[%parallel_loop3A_1167, %parallel_loop3A_1168, %parallel_loop3A_1169] {strides = array<i32>} : memref<2x64x128xi32, #tpu.memory_space<vmem>>, vector<16xi32>,
        %parallel_loop3A_1171 = arith.constant 1 : i32
        %parallel_loop3A_1172 = arith.index_cast %parallel_loop3A_1171 : i32 to index
        %parallel_loop3A_1173 = arith.index_cast %parallel_loop3A_460 : i32 to index
        %parallel_loop3A_1174 = arith.constant 112 : index
        %parallel_loop3A_1175 = tpu.vector_load %arg12[%parallel_loop3A_1172, %parallel_loop3A_1173, %parallel_loop3A_1174] {strides = array<i32>} : memref<2x64x128xi32, #tpu.memory_space<vmem>>, vector<16xi32>,
        %parallel_loop3A_1176 = tpu.vector_load_idx %arg8[%parallel_loop3A_1170] : memref<4096xf32, #tpu.memory_space<vmem>>[vector<16xi32>], vector<16xf32>,
        %parallel_loop3A_1177 = tpu.vector_load_idx %arg9[%parallel_loop3A_1170] : memref<4096xf32, #tpu.memory_space<vmem>>[vector<16xi32>], vector<16xf32>,
        %parallel_loop3A_1178 = tpu.vector_load_idx %arg10[%parallel_loop3A_1170] : memref<4096xf32, #tpu.memory_space<vmem>>[vector<16xi32>], vector<16xf32>,
        %parallel_loop3A_1179 = tpu.vector_load_idx %arg8[%parallel_loop3A_1175] : memref<4096xf32, #tpu.memory_space<vmem>>[vector<16xi32>], vector<16xf32>,
        %parallel_loop3A_1180 = tpu.vector_load_idx %arg9[%parallel_loop3A_1175] : memref<4096xf32, #tpu.memory_space<vmem>>[vector<16xi32>], vector<16xf32>,
        %parallel_loop3A_1181 = tpu.vector_load_idx %arg10[%parallel_loop3A_1175] : memref<4096xf32, #tpu.memory_space<vmem>>[vector<16xi32>], vector<16xf32>,
        %parallel_loop3A_1182 = arith.subf %parallel_loop3A_1176, %parallel_loop3A_463 : vector<16xf32>
        %parallel_loop3A_1183 = arith.subf %parallel_loop3A_1177, %parallel_loop3A_464 : vector<16xf32>
        %parallel_loop3A_1184 = arith.subf %parallel_loop3A_1178, %parallel_loop3A_465 : vector<16xf32>
        %parallel_loop3A_1185 = arith.mulf %parallel_loop3A_1182, %parallel_loop3A_1182 : vector<16xf32>
        %parallel_loop3A_1186 = arith.mulf %parallel_loop3A_1183, %parallel_loop3A_1183 : vector<16xf32>
        %parallel_loop3A_1187 = arith.addf %parallel_loop3A_1185, %parallel_loop3A_1186 : vector<16xf32>
        %parallel_loop3A_1188 = arith.mulf %parallel_loop3A_1184, %parallel_loop3A_1184 : vector<16xf32>
        %parallel_loop3A_1189 = arith.addf %parallel_loop3A_1187, %parallel_loop3A_1188 : vector<16xf32>
        %parallel_loop3A_1190 = tpu.bitcast %parallel_loop3A_1189 : vector<16xf32> -> vector<16xi32>
        %parallel_loop3A_1191 = arith.constant 1 : i32
        %parallel_loop3A_1192 = vector.broadcast %parallel_loop3A_1191 : i32 to vector<16xi32>
        %parallel_loop3A_1193 = arith.shrsi %parallel_loop3A_1190, %parallel_loop3A_1192 : vector<16xi32>
        %parallel_loop3A_1194 = arith.constant 1594578154 : i32
        %parallel_loop3A_1195 = vector.broadcast %parallel_loop3A_1194 : i32 to vector<16xi32>
        %parallel_loop3A_1196 = arith.subi %parallel_loop3A_1195, %parallel_loop3A_1193 : vector<16xi32>
        %parallel_loop3A_1197 = tpu.bitcast %parallel_loop3A_1196 : vector<16xi32> -> vector<16xf32>
        %parallel_loop3A_1198 = arith.mulf %parallel_loop3A_1189, %parallel_loop3A_1197 : vector<16xf32>
        %parallel_loop3A_1199 = arith.mulf %parallel_loop3A_1198, %parallel_loop3A_1197 : vector<16xf32>
        %parallel_loop3A_1200 = arith.constant 1.891200e+00 : f32
        %parallel_loop3A_1201 = vector.broadcast %parallel_loop3A_1200 : f32 to vector<16xf32>
        %parallel_loop3A_1202 = arith.subf %parallel_loop3A_1201, %parallel_loop3A_1199 : vector<16xf32>
        %parallel_loop3A_1203 = arith.mulf %parallel_loop3A_1197, %parallel_loop3A_1202 : vector<16xf32>
        %parallel_loop3A_1204 = arith.mulf %parallel_loop3A_1189, %parallel_loop3A_1203 : vector<16xf32>
        %parallel_loop3A_1205 = arith.constant 1 : i32
        %parallel_loop3A_1206 = arith.index_cast %parallel_loop3A_1205 : i32 to index
        %parallel_loop3A_1207 = arith.index_cast %parallel_loop3A_460 : i32 to index
        %parallel_loop3A_1208 = arith.constant 112 : index
        %parallel_loop3A_1209 = tpu.vector_load %arg13[%parallel_loop3A_1206, %parallel_loop3A_1207, %parallel_loop3A_1208] {strides = array<i32>} : memref<2x64x128xf32, #tpu.memory_space<vmem>>, vector<16xf32>,
        tpu.vector_store %arg13[%parallel_loop3A_1206, %parallel_loop3A_1207, %parallel_loop3A_1208], %parallel_loop3A_1204 {strides = array<i32>} : memref<2x64x128xf32, #tpu.memory_space<vmem>>, vector<16xf32>,
        %parallel_loop3A_1210 = arith.subf %parallel_loop3A_1179, %parallel_loop3A_463 : vector<16xf32>
        %parallel_loop3A_1211 = arith.subf %parallel_loop3A_1180, %parallel_loop3A_464 : vector<16xf32>
        %parallel_loop3A_1212 = arith.subf %parallel_loop3A_1181, %parallel_loop3A_465 : vector<16xf32>
        %parallel_loop3A_1213 = arith.mulf %parallel_loop3A_1210, %parallel_loop3A_1210 : vector<16xf32>
        %parallel_loop3A_1214 = arith.mulf %parallel_loop3A_1211, %parallel_loop3A_1211 : vector<16xf32>
        %parallel_loop3A_1215 = arith.addf %parallel_loop3A_1213, %parallel_loop3A_1214 : vector<16xf32>
        %parallel_loop3A_1216 = arith.mulf %parallel_loop3A_1212, %parallel_loop3A_1212 : vector<16xf32>
        %parallel_loop3A_1217 = arith.addf %parallel_loop3A_1215, %parallel_loop3A_1216 : vector<16xf32>
        %parallel_loop3A_1218 = tpu.bitcast %parallel_loop3A_1217 : vector<16xf32> -> vector<16xi32>
        %parallel_loop3A_1219 = arith.constant 1 : i32
        %parallel_loop3A_1220 = vector.broadcast %parallel_loop3A_1219 : i32 to vector<16xi32>
        %parallel_loop3A_1221 = arith.shrsi %parallel_loop3A_1218, %parallel_loop3A_1220 : vector<16xi32>
        %parallel_loop3A_1222 = arith.constant 1594578154 : i32
        %parallel_loop3A_1223 = vector.broadcast %parallel_loop3A_1222 : i32 to vector<16xi32>
        %parallel_loop3A_1224 = arith.subi %parallel_loop3A_1223, %parallel_loop3A_1221 : vector<16xi32>
        %parallel_loop3A_1225 = tpu.bitcast %parallel_loop3A_1224 : vector<16xi32> -> vector<16xf32>
        %parallel_loop3A_1226 = arith.mulf %parallel_loop3A_1217, %parallel_loop3A_1225 : vector<16xf32>
        %parallel_loop3A_1227 = arith.mulf %parallel_loop3A_1226, %parallel_loop3A_1225 : vector<16xf32>
        %parallel_loop3A_1228 = arith.constant 1.891200e+00 : f32
        %parallel_loop3A_1229 = vector.broadcast %parallel_loop3A_1228 : f32 to vector<16xf32>
        %parallel_loop3A_1230 = arith.subf %parallel_loop3A_1229, %parallel_loop3A_1227 : vector<16xf32>
        %parallel_loop3A_1231 = arith.mulf %parallel_loop3A_1225, %parallel_loop3A_1230 : vector<16xf32>
        %parallel_loop3A_1232 = arith.mulf %parallel_loop3A_1217, %parallel_loop3A_1231 : vector<16xf32>
        %parallel_loop3A_1233 = arith.constant 1 : i32
        %parallel_loop3A_1234 = arith.index_cast %parallel_loop3A_1233 : i32 to index
        %parallel_loop3A_1235 = arith.index_cast %parallel_loop3A_460 : i32 to index
        %parallel_loop3A_1236 = arith.constant 112 : index
        %parallel_loop3A_1237 = tpu.vector_load %arg14[%parallel_loop3A_1234, %parallel_loop3A_1235, %parallel_loop3A_1236] {strides = array<i32>} : memref<2x64x128xf32, #tpu.memory_space<vmem>>, vector<16xf32>,
        tpu.vector_store %arg14[%parallel_loop3A_1234, %parallel_loop3A_1235, %parallel_loop3A_1236], %parallel_loop3A_1232 {strides = array<i32>} : memref<2x64x128xf32, #tpu.memory_space<vmem>>, vector<16xf32>,
        %parallel_loop3A_1238 = arith.subf %parallel_loop3A_1176, %parallel_loop3A_1179 : vector<16xf32>
        %parallel_loop3A_1239 = arith.subf %parallel_loop3A_1177, %parallel_loop3A_1180 : vector<16xf32>
        %parallel_loop3A_1240 = arith.subf %parallel_loop3A_1178, %parallel_loop3A_1181 : vector<16xf32>
        %parallel_loop3A_1241 = arith.mulf %parallel_loop3A_1238, %parallel_loop3A_1238 : vector<16xf32>
        %parallel_loop3A_1242 = arith.mulf %parallel_loop3A_1239, %parallel_loop3A_1239 : vector<16xf32>
        %parallel_loop3A_1243 = arith.addf %parallel_loop3A_1241, %parallel_loop3A_1242 : vector<16xf32>
        %parallel_loop3A_1244 = arith.mulf %parallel_loop3A_1240, %parallel_loop3A_1240 : vector<16xf32>
        %parallel_loop3A_1245 = arith.addf %parallel_loop3A_1243, %parallel_loop3A_1244 : vector<16xf32>
        %parallel_loop3A_1246 = tpu.bitcast %parallel_loop3A_1245 : vector<16xf32> -> vector<16xi32>
        %parallel_loop3A_1247 = arith.constant 1 : i32
        %parallel_loop3A_1248 = vector.broadcast %parallel_loop3A_1247 : i32 to vector<16xi32>
        %parallel_loop3A_1249 = arith.shrsi %parallel_loop3A_1246, %parallel_loop3A_1248 : vector<16xi32>
        %parallel_loop3A_1250 = arith.constant 1594578154 : i32
        %parallel_loop3A_1251 = vector.broadcast %parallel_loop3A_1250 : i32 to vector<16xi32>
        %parallel_loop3A_1252 = arith.subi %parallel_loop3A_1251, %parallel_loop3A_1249 : vector<16xi32>
        %parallel_loop3A_1253 = tpu.bitcast %parallel_loop3A_1252 : vector<16xi32> -> vector<16xf32>
        %parallel_loop3A_1254 = arith.mulf %parallel_loop3A_1245, %parallel_loop3A_1253 : vector<16xf32>
        %parallel_loop3A_1255 = arith.mulf %parallel_loop3A_1254, %parallel_loop3A_1253 : vector<16xf32>
        %parallel_loop3A_1256 = arith.constant 1.891200e+00 : f32
        %parallel_loop3A_1257 = vector.broadcast %parallel_loop3A_1256 : f32 to vector<16xf32>
        %parallel_loop3A_1258 = arith.subf %parallel_loop3A_1257, %parallel_loop3A_1255 : vector<16xf32>
        %parallel_loop3A_1259 = arith.mulf %parallel_loop3A_1253, %parallel_loop3A_1258 : vector<16xf32>
        %parallel_loop3A_1260 = arith.mulf %parallel_loop3A_1245, %parallel_loop3A_1259 : vector<16xf32>
        %parallel_loop3A_1261 = arith.constant 1 : i32
        %parallel_loop3A_1262 = arith.index_cast %parallel_loop3A_1261 : i32 to index
        %parallel_loop3A_1263 = arith.index_cast %parallel_loop3A_460 : i32 to index
        %parallel_loop3A_1264 = arith.constant 112 : index
        %parallel_loop3A_1265 = tpu.vector_load %arg15[%parallel_loop3A_1262, %parallel_loop3A_1263, %parallel_loop3A_1264] {strides = array<i32>} : memref<2x64x128xf32, #tpu.memory_space<vmem>>, vector<16xf32>,
        tpu.vector_store %arg15[%parallel_loop3A_1262, %parallel_loop3A_1263, %parallel_loop3A_1264], %parallel_loop3A_1260 {strides = array<i32>} : memref<2x64x128xf32, #tpu.memory_space<vmem>>, vector<16xf32>,
      } {sc.loop_unroll_factor = 4 : i64, sc.parallel_access}
      %add3A_395 = arith.constant 2 : i32
      %add3A_396 = arith.addi %add3A_344, %add3A_395 : i32
      %lt3A_397 = arith.constant 8 : i32
      %lt3A_398 = arith.cmpi slt, %add3A_396, %lt3A_397 : i32
      %convert_element_type3A_399 = arith.extui %lt3A_398 : i1 to i32
      %cond3A_400 = arith.constant 0 : i32
      %cond3A_401 = arith.cmpi ne, %convert_element_type3A_399, %cond3A_400 : i32
      scf.if %cond3A_401 {
        %add3A_460 = arith.constant 2 : i32
        %add3A_461 = arith.addi %add3A_344, %add3A_460 : i32
        %mul3A_462 = arith.constant 64 : i32
        %mul3A_463 = arith.muli %add3A_461, %mul3A_462 : i32
        %add3A_464 = arith.addi %mul3A_32, %mul3A_463 : i32
        %dma_start3A_465 = arith.constant 1 : i32
        %dma_start3A_466 = arith.constant 1 : i32
        %dma_start3A_467 = arith.constant 0 : i32
        %dma_start3A_468 = arith.constant 0 : i32
        %dma_start3A_469 = tpu.memref_slice %arg11[%dma_start3A_465, %dma_start3A_467, %dma_start3A_468] : memref<2x64x128xi32, #tpu.memory_space<vmem>> -> memref<1x64x128xi32, #tpu.memory_space<vmem>>
        %dma_start3A_470 = tpu.memref_squeeze %dma_start3A_469 : memref<1x64x128xi32, #tpu.memory_space<vmem>> -> memref<64x128xi32, #tpu.memory_space<vmem>>
        %dma_start3A_471 = arith.constant 0 : i32
        %dma_start3A_472 = tpu.memref_slice %arg3[%select_n3A, %add3A_464, %dma_start3A_471] : memref<4x4096x128xi32, #tpu.memory_space<hbm>> -> memref<1x64x128xi32, #tpu.memory_space<hbm>>
        %dma_start3A_473 = tpu.memref_squeeze %dma_start3A_472 : memref<1x64x128xi32, #tpu.memory_space<hbm>> -> memref<64x128xi32, #tpu.memory_space<hbm>>
        %dma_start3A_474 = tpu.memref_slice %arg16[%dma_start3A_466] : memref<2x!tpu.dma_semaphore, #tpu.memory_space<semaphore_mem>> -> memref<1x!tpu.dma_semaphore, #tpu.memory_space<semaphore_mem>>
        %dma_start3A_475 = tpu.memref_squeeze %dma_start3A_474 : memref<1x!tpu.dma_semaphore, #tpu.memory_space<semaphore_mem>> -> memref<!tpu.dma_semaphore, #tpu.memory_space<semaphore_mem>>
        %dma_start3A_476 = arith.constant 0 : i32
        %dma_start3A_477 = arith.constant 0 : i32
        %dma_start3A_478 = tpu.memref_slice %arg11[%dma_start3A_465, %dma_start3A_476, %dma_start3A_477] : memref<2x64x128xi32, #tpu.memory_space<vmem>> -> memref<1x64x128xi32, #tpu.memory_space<vmem>>
        %dma_start3A_479 = tpu.memref_squeeze %dma_start3A_478 : memref<1x64x128xi32, #tpu.memory_space<vmem>> -> memref<64x128xi32, #tpu.memory_space<vmem>>
        %dma_start3A_480 = arith.constant 0 : i32
        %dma_start3A_481 = tpu.memref_slice %arg3[%select_n3A, %add3A_464, %dma_start3A_480] : memref<4x4096x128xi32, #tpu.memory_space<hbm>> -> memref<1x64x128xi32, #tpu.memory_space<hbm>>
        %dma_start3A_482 = tpu.memref_squeeze %dma_start3A_481 : memref<1x64x128xi32, #tpu.memory_space<hbm>> -> memref<64x128xi32, #tpu.memory_space<hbm>>
        tpu.enqueue_dma source(%dma_start3A_482 : memref<64x128xi32, #tpu.memory_space<hbm>>) target(%dma_start3A_479 : memref<64x128xi32, #tpu.memory_space<vmem>>) target_semaphore(%dma_start3A_475 : memref<!tpu.dma_semaphore, #tpu.memory_space<semaphore_mem>>)
        %dma_start3A_483 = arith.constant 1 : i32
        %dma_start3A_484 = arith.constant 1 : i32
        %dma_start3A_485 = arith.constant 0 : i32
        %dma_start3A_486 = arith.constant 0 : i32
        %dma_start3A_487 = tpu.memref_slice %arg12[%dma_start3A_483, %dma_start3A_485, %dma_start3A_486] : memref<2x64x128xi32, #tpu.memory_space<vmem>> -> memref<1x64x128xi32, #tpu.memory_space<vmem>>
        %dma_start3A_488 = tpu.memref_squeeze %dma_start3A_487 : memref<1x64x128xi32, #tpu.memory_space<vmem>> -> memref<64x128xi32, #tpu.memory_space<vmem>>
        %dma_start3A_489 = arith.constant 0 : i32
        %dma_start3A_490 = tpu.memref_slice %arg4[%select_n3A, %add3A_464, %dma_start3A_489] : memref<4x4096x128xi32, #tpu.memory_space<hbm>> -> memref<1x64x128xi32, #tpu.memory_space<hbm>>
        %dma_start3A_491 = tpu.memref_squeeze %dma_start3A_490 : memref<1x64x128xi32, #tpu.memory_space<hbm>> -> memref<64x128xi32, #tpu.memory_space<hbm>>
        %dma_start3A_492 = tpu.memref_slice %arg16[%dma_start3A_484] : memref<2x!tpu.dma_semaphore, #tpu.memory_space<semaphore_mem>> -> memref<1x!tpu.dma_semaphore, #tpu.memory_space<semaphore_mem>>
        %dma_start3A_493 = tpu.memref_squeeze %dma_start3A_492 : memref<1x!tpu.dma_semaphore, #tpu.memory_space<semaphore_mem>> -> memref<!tpu.dma_semaphore, #tpu.memory_space<semaphore_mem>>
        %dma_start3A_494 = arith.constant 0 : i32
        %dma_start3A_495 = arith.constant 0 : i32
        %dma_start3A_496 = tpu.memref_slice %arg12[%dma_start3A_483, %dma_start3A_494, %dma_start3A_495] : memref<2x64x128xi32, #tpu.memory_space<vmem>> -> memref<1x64x128xi32, #tpu.memory_space<vmem>>
        %dma_start3A_497 = tpu.memref_squeeze %dma_start3A_496 : memref<1x64x128xi32, #tpu.memory_space<vmem>> -> memref<64x128xi32, #tpu.memory_space<vmem>>
        %dma_start3A_498 = arith.constant 0 : i32
        %dma_start3A_499 = tpu.memref_slice %arg4[%select_n3A, %add3A_464, %dma_start3A_498] : memref<4x4096x128xi32, #tpu.memory_space<hbm>> -> memref<1x64x128xi32, #tpu.memory_space<hbm>>
        %dma_start3A_500 = tpu.memref_squeeze %dma_start3A_499 : memref<1x64x128xi32, #tpu.memory_space<hbm>> -> memref<64x128xi32, #tpu.memory_space<hbm>>
        tpu.enqueue_dma source(%dma_start3A_500 : memref<64x128xi32, #tpu.memory_space<hbm>>) target(%dma_start3A_497 : memref<64x128xi32, #tpu.memory_space<vmem>>) target_semaphore(%dma_start3A_493 : memref<!tpu.dma_semaphore, #tpu.memory_space<semaphore_mem>>)
      } else {
      }
      %mul3A_402 = arith.constant 64 : i32
      %mul3A_403 = arith.muli %add3A_344, %mul3A_402 : i32
      %add3A_404 = arith.addi %mul3A_32, %mul3A_403 : i32
      %dma_start3A_405 = arith.constant 1 : i32
      %dma_start3A_406 = arith.constant 1 : i32
      %dma_start3A_407 = arith.constant 0 : i32
      %dma_start3A_408 = arith.constant 0 : i32
      %dma_start3A_409 = tpu.memref_slice %arg13[%dma_start3A_405, %dma_start3A_407, %dma_start3A_408] : memref<2x64x128xf32, #tpu.memory_space<vmem>> -> memref<1x64x128xf32, #tpu.memory_space<vmem>>
      %dma_start3A_410 = tpu.memref_squeeze %dma_start3A_409 : memref<1x64x128xf32, #tpu.memory_space<vmem>> -> memref<64x128xf32, #tpu.memory_space<vmem>>
      %dma_start3A_411 = arith.constant 0 : i32
      %dma_start3A_412 = tpu.memref_slice %arg5[%select_n3A, %add3A_404, %dma_start3A_411] : memref<4x4096x128xf32, #tpu.memory_space<hbm>> -> memref<1x64x128xf32, #tpu.memory_space<hbm>>
      %dma_start3A_413 = tpu.memref_squeeze %dma_start3A_412 : memref<1x64x128xf32, #tpu.memory_space<hbm>> -> memref<64x128xf32, #tpu.memory_space<hbm>>
      %dma_start3A_414 = tpu.memref_slice %arg17[%dma_start3A_406] : memref<2x!tpu.dma_semaphore, #tpu.memory_space<semaphore_mem>> -> memref<1x!tpu.dma_semaphore, #tpu.memory_space<semaphore_mem>>
      %dma_start3A_415 = tpu.memref_squeeze %dma_start3A_414 : memref<1x!tpu.dma_semaphore, #tpu.memory_space<semaphore_mem>> -> memref<!tpu.dma_semaphore, #tpu.memory_space<semaphore_mem>>
      %dma_start3A_416 = arith.constant 0 : i32
      %dma_start3A_417 = tpu.memref_slice %arg5[%select_n3A, %add3A_404, %dma_start3A_416] : memref<4x4096x128xf32, #tpu.memory_space<hbm>> -> memref<1x64x128xf32, #tpu.memory_space<hbm>>
      %dma_start3A_418 = tpu.memref_squeeze %dma_start3A_417 : memref<1x64x128xf32, #tpu.memory_space<hbm>> -> memref<64x128xf32, #tpu.memory_space<hbm>>
      %dma_start3A_419 = arith.constant 0 : i32
      %dma_start3A_420 = arith.constant 0 : i32
      %dma_start3A_421 = tpu.memref_slice %arg13[%dma_start3A_405, %dma_start3A_419, %dma_start3A_420] : memref<2x64x128xf32, #tpu.memory_space<vmem>> -> memref<1x64x128xf32, #tpu.memory_space<vmem>>
      %dma_start3A_422 = tpu.memref_squeeze %dma_start3A_421 : memref<1x64x128xf32, #tpu.memory_space<vmem>> -> memref<64x128xf32, #tpu.memory_space<vmem>>
      tpu.enqueue_dma source(%dma_start3A_422 : memref<64x128xf32, #tpu.memory_space<vmem>>) target(%dma_start3A_418 : memref<64x128xf32, #tpu.memory_space<hbm>>) target_semaphore(%dma_start3A_415 : memref<!tpu.dma_semaphore, #tpu.memory_space<semaphore_mem>>)
      %dma_start3A_423 = arith.constant 1 : i32
      %dma_start3A_424 = arith.constant 1 : i32
      %dma_start3A_425 = arith.constant 0 : i32
      %dma_start3A_426 = arith.constant 0 : i32
      %dma_start3A_427 = tpu.memref_slice %arg14[%dma_start3A_423, %dma_start3A_425, %dma_start3A_426] : memref<2x64x128xf32, #tpu.memory_space<vmem>> -> memref<1x64x128xf32, #tpu.memory_space<vmem>>
      %dma_start3A_428 = tpu.memref_squeeze %dma_start3A_427 : memref<1x64x128xf32, #tpu.memory_space<vmem>> -> memref<64x128xf32, #tpu.memory_space<vmem>>
      %dma_start3A_429 = arith.constant 0 : i32
      %dma_start3A_430 = tpu.memref_slice %arg6[%select_n3A, %add3A_404, %dma_start3A_429] : memref<4x4096x128xf32, #tpu.memory_space<hbm>> -> memref<1x64x128xf32, #tpu.memory_space<hbm>>
      %dma_start3A_431 = tpu.memref_squeeze %dma_start3A_430 : memref<1x64x128xf32, #tpu.memory_space<hbm>> -> memref<64x128xf32, #tpu.memory_space<hbm>>
      %dma_start3A_432 = tpu.memref_slice %arg17[%dma_start3A_424] : memref<2x!tpu.dma_semaphore, #tpu.memory_space<semaphore_mem>> -> memref<1x!tpu.dma_semaphore, #tpu.memory_space<semaphore_mem>>
      %dma_start3A_433 = tpu.memref_squeeze %dma_start3A_432 : memref<1x!tpu.dma_semaphore, #tpu.memory_space<semaphore_mem>> -> memref<!tpu.dma_semaphore, #tpu.memory_space<semaphore_mem>>
      %dma_start3A_434 = arith.constant 0 : i32
      %dma_start3A_435 = tpu.memref_slice %arg6[%select_n3A, %add3A_404, %dma_start3A_434] : memref<4x4096x128xf32, #tpu.memory_space<hbm>> -> memref<1x64x128xf32, #tpu.memory_space<hbm>>
      %dma_start3A_436 = tpu.memref_squeeze %dma_start3A_435 : memref<1x64x128xf32, #tpu.memory_space<hbm>> -> memref<64x128xf32, #tpu.memory_space<hbm>>
      %dma_start3A_437 = arith.constant 0 : i32
      %dma_start3A_438 = arith.constant 0 : i32
      %dma_start3A_439 = tpu.memref_slice %arg14[%dma_start3A_423, %dma_start3A_437, %dma_start3A_438] : memref<2x64x128xf32, #tpu.memory_space<vmem>> -> memref<1x64x128xf32, #tpu.memory_space<vmem>>
      %dma_start3A_440 = tpu.memref_squeeze %dma_start3A_439 : memref<1x64x128xf32, #tpu.memory_space<vmem>> -> memref<64x128xf32, #tpu.memory_space<vmem>>
      tpu.enqueue_dma source(%dma_start3A_440 : memref<64x128xf32, #tpu.memory_space<vmem>>) target(%dma_start3A_436 : memref<64x128xf32, #tpu.memory_space<hbm>>) target_semaphore(%dma_start3A_433 : memref<!tpu.dma_semaphore, #tpu.memory_space<semaphore_mem>>)
      %dma_start3A_441 = arith.constant 1 : i32
      %dma_start3A_442 = arith.constant 1 : i32
      %dma_start3A_443 = arith.constant 0 : i32
      %dma_start3A_444 = arith.constant 0 : i32
      %dma_start3A_445 = tpu.memref_slice %arg15[%dma_start3A_441, %dma_start3A_443, %dma_start3A_444] : memref<2x64x128xf32, #tpu.memory_space<vmem>> -> memref<1x64x128xf32, #tpu.memory_space<vmem>>
      %dma_start3A_446 = tpu.memref_squeeze %dma_start3A_445 : memref<1x64x128xf32, #tpu.memory_space<vmem>> -> memref<64x128xf32, #tpu.memory_space<vmem>>
      %dma_start3A_447 = arith.constant 0 : i32
      %dma_start3A_448 = tpu.memref_slice %arg7[%select_n3A, %add3A_404, %dma_start3A_447] : memref<4x4096x128xf32, #tpu.memory_space<hbm>> -> memref<1x64x128xf32, #tpu.memory_space<hbm>>
      %dma_start3A_449 = tpu.memref_squeeze %dma_start3A_448 : memref<1x64x128xf32, #tpu.memory_space<hbm>> -> memref<64x128xf32, #tpu.memory_space<hbm>>
      %dma_start3A_450 = tpu.memref_slice %arg17[%dma_start3A_442] : memref<2x!tpu.dma_semaphore, #tpu.memory_space<semaphore_mem>> -> memref<1x!tpu.dma_semaphore, #tpu.memory_space<semaphore_mem>>
      %dma_start3A_451 = tpu.memref_squeeze %dma_start3A_450 : memref<1x!tpu.dma_semaphore, #tpu.memory_space<semaphore_mem>> -> memref<!tpu.dma_semaphore, #tpu.memory_space<semaphore_mem>>
      %dma_start3A_452 = arith.constant 0 : i32
      %dma_start3A_453 = tpu.memref_slice %arg7[%select_n3A, %add3A_404, %dma_start3A_452] : memref<4x4096x128xf32, #tpu.memory_space<hbm>> -> memref<1x64x128xf32, #tpu.memory_space<hbm>>
      %dma_start3A_454 = tpu.memref_squeeze %dma_start3A_453 : memref<1x64x128xf32, #tpu.memory_space<hbm>> -> memref<64x128xf32, #tpu.memory_space<hbm>>
      %dma_start3A_455 = arith.constant 0 : i32
      %dma_start3A_456 = arith.constant 0 : i32
      %dma_start3A_457 = tpu.memref_slice %arg15[%dma_start3A_441, %dma_start3A_455, %dma_start3A_456] : memref<2x64x128xf32, #tpu.memory_space<vmem>> -> memref<1x64x128xf32, #tpu.memory_space<vmem>>
      %dma_start3A_458 = tpu.memref_squeeze %dma_start3A_457 : memref<1x64x128xf32, #tpu.memory_space<vmem>> -> memref<64x128xf32, #tpu.memory_space<vmem>>
      tpu.enqueue_dma source(%dma_start3A_458 : memref<64x128xf32, #tpu.memory_space<vmem>>) target(%dma_start3A_454 : memref<64x128xf32, #tpu.memory_space<hbm>>) target_semaphore(%dma_start3A_451 : memref<!tpu.dma_semaphore, #tpu.memory_space<semaphore_mem>>)
      %scan3A_459 = arith.constant 0 : i32
      scf.yield %scan3A_459 : i32
    }
    %scan3A_113 = arith.constant 4 : i32
    %add3A_114 = arith.constant 384 : i32
    %add3A_115 = arith.addi %mul3A_32, %add3A_114 : i32
    %dma_wait3A = arith.constant 0 : i32
    %dma_wait3A_116 = arith.constant 0 : i32
    %dma_wait3A_117 = arith.constant 0 : i32
    %dma_wait3A_118 = arith.constant 0 : i32
    %dma_wait3A_119 = tpu.memref_slice %arg13[%dma_wait3A, %dma_wait3A_117, %dma_wait3A_118] : memref<2x64x128xf32, #tpu.memory_space<vmem>> -> memref<1x64x128xf32, #tpu.memory_space<vmem>>
    %dma_wait3A_120 = tpu.memref_squeeze %dma_wait3A_119 : memref<1x64x128xf32, #tpu.memory_space<vmem>> -> memref<64x128xf32, #tpu.memory_space<vmem>>
    %dma_wait3A_121 = arith.constant 0 : i32
    %dma_wait3A_122 = tpu.memref_slice %arg5[%select_n3A, %add3A_115, %dma_wait3A_121] : memref<4x4096x128xf32, #tpu.memory_space<hbm>> -> memref<1x64x128xf32, #tpu.memory_space<hbm>>
    %dma_wait3A_123 = tpu.memref_squeeze %dma_wait3A_122 : memref<1x64x128xf32, #tpu.memory_space<hbm>> -> memref<64x128xf32, #tpu.memory_space<hbm>>
    %dma_wait3A_124 = tpu.memref_slice %arg17[%dma_wait3A_116] : memref<2x!tpu.dma_semaphore, #tpu.memory_space<semaphore_mem>> -> memref<1x!tpu.dma_semaphore, #tpu.memory_space<semaphore_mem>>
    %dma_wait3A_125 = tpu.memref_squeeze %dma_wait3A_124 : memref<1x!tpu.dma_semaphore, #tpu.memory_space<semaphore_mem>> -> memref<!tpu.dma_semaphore, #tpu.memory_space<semaphore_mem>>
    %dma_wait3A_126 = arith.constant 0 : i32
    %dma_wait3A_127 = tpu.memref_slice %arg5[%select_n3A, %add3A_115, %dma_wait3A_126] : memref<4x4096x128xf32, #tpu.memory_space<hbm>> -> memref<1x64x128xf32, #tpu.memory_space<hbm>>
    %dma_wait3A_128 = tpu.memref_squeeze %dma_wait3A_127 : memref<1x64x128xf32, #tpu.memory_space<hbm>> -> memref<64x128xf32, #tpu.memory_space<hbm>>
    %dma_wait3A_129 = arith.constant 0 : i32
    %dma_wait3A_130 = arith.constant 0 : i32
    %dma_wait3A_131 = tpu.memref_slice %arg13[%dma_wait3A, %dma_wait3A_129, %dma_wait3A_130] : memref<2x64x128xf32, #tpu.memory_space<vmem>> -> memref<1x64x128xf32, #tpu.memory_space<vmem>>
    %dma_wait3A_132 = tpu.memref_squeeze %dma_wait3A_131 : memref<1x64x128xf32, #tpu.memory_space<vmem>> -> memref<64x128xf32, #tpu.memory_space<vmem>>
    tpu.wait_dma2 semaphore(%dma_wait3A_125 : memref<!tpu.dma_semaphore, #tpu.memory_space<semaphore_mem>>) src(%dma_wait3A_132 : memref<64x128xf32, #tpu.memory_space<vmem>>) dst(%dma_wait3A_128 : memref<64x128xf32, #tpu.memory_space<hbm>>)
    %dma_wait3A_133 = arith.constant 0 : i32
    %dma_wait3A_134 = arith.constant 0 : i32
    %dma_wait3A_135 = arith.constant 0 : i32
    %dma_wait3A_136 = arith.constant 0 : i32
    %dma_wait3A_137 = tpu.memref_slice %arg14[%dma_wait3A_133, %dma_wait3A_135, %dma_wait3A_136] : memref<2x64x128xf32, #tpu.memory_space<vmem>> -> memref<1x64x128xf32, #tpu.memory_space<vmem>>
    %dma_wait3A_138 = tpu.memref_squeeze %dma_wait3A_137 : memref<1x64x128xf32, #tpu.memory_space<vmem>> -> memref<64x128xf32, #tpu.memory_space<vmem>>
    %dma_wait3A_139 = arith.constant 0 : i32
    %dma_wait3A_140 = tpu.memref_slice %arg6[%select_n3A, %add3A_115, %dma_wait3A_139] : memref<4x4096x128xf32, #tpu.memory_space<hbm>> -> memref<1x64x128xf32, #tpu.memory_space<hbm>>
    %dma_wait3A_141 = tpu.memref_squeeze %dma_wait3A_140 : memref<1x64x128xf32, #tpu.memory_space<hbm>> -> memref<64x128xf32, #tpu.memory_space<hbm>>
    %dma_wait3A_142 = tpu.memref_slice %arg17[%dma_wait3A_134] : memref<2x!tpu.dma_semaphore, #tpu.memory_space<semaphore_mem>> -> memref<1x!tpu.dma_semaphore, #tpu.memory_space<semaphore_mem>>
    %dma_wait3A_143 = tpu.memref_squeeze %dma_wait3A_142 : memref<1x!tpu.dma_semaphore, #tpu.memory_space<semaphore_mem>> -> memref<!tpu.dma_semaphore, #tpu.memory_space<semaphore_mem>>
    %dma_wait3A_144 = arith.constant 0 : i32
    %dma_wait3A_145 = tpu.memref_slice %arg6[%select_n3A, %add3A_115, %dma_wait3A_144] : memref<4x4096x128xf32, #tpu.memory_space<hbm>> -> memref<1x64x128xf32, #tpu.memory_space<hbm>>
    %dma_wait3A_146 = tpu.memref_squeeze %dma_wait3A_145 : memref<1x64x128xf32, #tpu.memory_space<hbm>> -> memref<64x128xf32, #tpu.memory_space<hbm>>
    %dma_wait3A_147 = arith.constant 0 : i32
    %dma_wait3A_148 = arith.constant 0 : i32
    %dma_wait3A_149 = tpu.memref_slice %arg14[%dma_wait3A_133, %dma_wait3A_147, %dma_wait3A_148] : memref<2x64x128xf32, #tpu.memory_space<vmem>> -> memref<1x64x128xf32, #tpu.memory_space<vmem>>
    %dma_wait3A_150 = tpu.memref_squeeze %dma_wait3A_149 : memref<1x64x128xf32, #tpu.memory_space<vmem>> -> memref<64x128xf32, #tpu.memory_space<vmem>>
    tpu.wait_dma2 semaphore(%dma_wait3A_143 : memref<!tpu.dma_semaphore, #tpu.memory_space<semaphore_mem>>) src(%dma_wait3A_150 : memref<64x128xf32, #tpu.memory_space<vmem>>) dst(%dma_wait3A_146 : memref<64x128xf32, #tpu.memory_space<hbm>>)
    %dma_wait3A_151 = arith.constant 0 : i32
    %dma_wait3A_152 = arith.constant 0 : i32
    %dma_wait3A_153 = arith.constant 0 : i32
    %dma_wait3A_154 = arith.constant 0 : i32
    %dma_wait3A_155 = tpu.memref_slice %arg15[%dma_wait3A_151, %dma_wait3A_153, %dma_wait3A_154] : memref<2x64x128xf32, #tpu.memory_space<vmem>> -> memref<1x64x128xf32, #tpu.memory_space<vmem>>
    %dma_wait3A_156 = tpu.memref_squeeze %dma_wait3A_155 : memref<1x64x128xf32, #tpu.memory_space<vmem>> -> memref<64x128xf32, #tpu.memory_space<vmem>>
    %dma_wait3A_157 = arith.constant 0 : i32
    %dma_wait3A_158 = tpu.memref_slice %arg7[%select_n3A, %add3A_115, %dma_wait3A_157] : memref<4x4096x128xf32, #tpu.memory_space<hbm>> -> memref<1x64x128xf32, #tpu.memory_space<hbm>>
    %dma_wait3A_159 = tpu.memref_squeeze %dma_wait3A_158 : memref<1x64x128xf32, #tpu.memory_space<hbm>> -> memref<64x128xf32, #tpu.memory_space<hbm>>
    %dma_wait3A_160 = tpu.memref_slice %arg17[%dma_wait3A_152] : memref<2x!tpu.dma_semaphore, #tpu.memory_space<semaphore_mem>> -> memref<1x!tpu.dma_semaphore, #tpu.memory_space<semaphore_mem>>
    %dma_wait3A_161 = tpu.memref_squeeze %dma_wait3A_160 : memref<1x!tpu.dma_semaphore, #tpu.memory_space<semaphore_mem>> -> memref<!tpu.dma_semaphore, #tpu.memory_space<semaphore_mem>>
    %dma_wait3A_162 = arith.constant 0 : i32
    %dma_wait3A_163 = tpu.memref_slice %arg7[%select_n3A, %add3A_115, %dma_wait3A_162] : memref<4x4096x128xf32, #tpu.memory_space<hbm>> -> memref<1x64x128xf32, #tpu.memory_space<hbm>>
    %dma_wait3A_164 = tpu.memref_squeeze %dma_wait3A_163 : memref<1x64x128xf32, #tpu.memory_space<hbm>> -> memref<64x128xf32, #tpu.memory_space<hbm>>
    %dma_wait3A_165 = arith.constant 0 : i32
    %dma_wait3A_166 = arith.constant 0 : i32
    %dma_wait3A_167 = tpu.memref_slice %arg15[%dma_wait3A_151, %dma_wait3A_165, %dma_wait3A_166] : memref<2x64x128xf32, #tpu.memory_space<vmem>> -> memref<1x64x128xf32, #tpu.memory_space<vmem>>
    %dma_wait3A_168 = tpu.memref_squeeze %dma_wait3A_167 : memref<1x64x128xf32, #tpu.memory_space<vmem>> -> memref<64x128xf32, #tpu.memory_space<vmem>>
    tpu.wait_dma2 semaphore(%dma_wait3A_161 : memref<!tpu.dma_semaphore, #tpu.memory_space<semaphore_mem>>) src(%dma_wait3A_168 : memref<64x128xf32, #tpu.memory_space<vmem>>) dst(%dma_wait3A_164 : memref<64x128xf32, #tpu.memory_space<hbm>>)
    %add3A_169 = arith.constant 448 : i32
    %add3A_170 = arith.addi %mul3A_32, %add3A_169 : i32
    %dma_wait3A_171 = arith.constant 1 : i32
    %dma_wait3A_172 = arith.constant 1 : i32
    %dma_wait3A_173 = arith.constant 0 : i32
    %dma_wait3A_174 = arith.constant 0 : i32
    %dma_wait3A_175 = tpu.memref_slice %arg13[%dma_wait3A_171, %dma_wait3A_173, %dma_wait3A_174] : memref<2x64x128xf32, #tpu.memory_space<vmem>> -> memref<1x64x128xf32, #tpu.memory_space<vmem>>
    %dma_wait3A_176 = tpu.memref_squeeze %dma_wait3A_175 : memref<1x64x128xf32, #tpu.memory_space<vmem>> -> memref<64x128xf32, #tpu.memory_space<vmem>>
    %dma_wait3A_177 = arith.constant 0 : i32
    %dma_wait3A_178 = tpu.memref_slice %arg5[%select_n3A, %add3A_170, %dma_wait3A_177] : memref<4x4096x128xf32, #tpu.memory_space<hbm>> -> memref<1x64x128xf32, #tpu.memory_space<hbm>>
    %dma_wait3A_179 = tpu.memref_squeeze %dma_wait3A_178 : memref<1x64x128xf32, #tpu.memory_space<hbm>> -> memref<64x128xf32, #tpu.memory_space<hbm>>
    %dma_wait3A_180 = tpu.memref_slice %arg17[%dma_wait3A_172] : memref<2x!tpu.dma_semaphore, #tpu.memory_space<semaphore_mem>> -> memref<1x!tpu.dma_semaphore, #tpu.memory_space<semaphore_mem>>
    %dma_wait3A_181 = tpu.memref_squeeze %dma_wait3A_180 : memref<1x!tpu.dma_semaphore, #tpu.memory_space<semaphore_mem>> -> memref<!tpu.dma_semaphore, #tpu.memory_space<semaphore_mem>>
    %dma_wait3A_182 = arith.constant 0 : i32
    %dma_wait3A_183 = tpu.memref_slice %arg5[%select_n3A, %add3A_170, %dma_wait3A_182] : memref<4x4096x128xf32, #tpu.memory_space<hbm>> -> memref<1x64x128xf32, #tpu.memory_space<hbm>>
    %dma_wait3A_184 = tpu.memref_squeeze %dma_wait3A_183 : memref<1x64x128xf32, #tpu.memory_space<hbm>> -> memref<64x128xf32, #tpu.memory_space<hbm>>
    %dma_wait3A_185 = arith.constant 0 : i32
    %dma_wait3A_186 = arith.constant 0 : i32
    %dma_wait3A_187 = tpu.memref_slice %arg13[%dma_wait3A_171, %dma_wait3A_185, %dma_wait3A_186] : memref<2x64x128xf32, #tpu.memory_space<vmem>> -> memref<1x64x128xf32, #tpu.memory_space<vmem>>
    %dma_wait3A_188 = tpu.memref_squeeze %dma_wait3A_187 : memref<1x64x128xf32, #tpu.memory_space<vmem>> -> memref<64x128xf32, #tpu.memory_space<vmem>>
    tpu.wait_dma2 semaphore(%dma_wait3A_181 : memref<!tpu.dma_semaphore, #tpu.memory_space<semaphore_mem>>) src(%dma_wait3A_188 : memref<64x128xf32, #tpu.memory_space<vmem>>) dst(%dma_wait3A_184 : memref<64x128xf32, #tpu.memory_space<hbm>>)
    %dma_wait3A_189 = arith.constant 1 : i32
    %dma_wait3A_190 = arith.constant 1 : i32
    %dma_wait3A_191 = arith.constant 0 : i32
    %dma_wait3A_192 = arith.constant 0 : i32
    %dma_wait3A_193 = tpu.memref_slice %arg14[%dma_wait3A_189, %dma_wait3A_191, %dma_wait3A_192] : memref<2x64x128xf32, #tpu.memory_space<vmem>> -> memref<1x64x128xf32, #tpu.memory_space<vmem>>
    %dma_wait3A_194 = tpu.memref_squeeze %dma_wait3A_193 : memref<1x64x128xf32, #tpu.memory_space<vmem>> -> memref<64x128xf32, #tpu.memory_space<vmem>>
    %dma_wait3A_195 = arith.constant 0 : i32
    %dma_wait3A_196 = tpu.memref_slice %arg6[%select_n3A, %add3A_170, %dma_wait3A_195] : memref<4x4096x128xf32, #tpu.memory_space<hbm>> -> memref<1x64x128xf32, #tpu.memory_space<hbm>>
    %dma_wait3A_197 = tpu.memref_squeeze %dma_wait3A_196 : memref<1x64x128xf32, #tpu.memory_space<hbm>> -> memref<64x128xf32, #tpu.memory_space<hbm>>
    %dma_wait3A_198 = tpu.memref_slice %arg17[%dma_wait3A_190] : memref<2x!tpu.dma_semaphore, #tpu.memory_space<semaphore_mem>> -> memref<1x!tpu.dma_semaphore, #tpu.memory_space<semaphore_mem>>
    %dma_wait3A_199 = tpu.memref_squeeze %dma_wait3A_198 : memref<1x!tpu.dma_semaphore, #tpu.memory_space<semaphore_mem>> -> memref<!tpu.dma_semaphore, #tpu.memory_space<semaphore_mem>>
    %dma_wait3A_200 = arith.constant 0 : i32
    %dma_wait3A_201 = tpu.memref_slice %arg6[%select_n3A, %add3A_170, %dma_wait3A_200] : memref<4x4096x128xf32, #tpu.memory_space<hbm>> -> memref<1x64x128xf32, #tpu.memory_space<hbm>>
    %dma_wait3A_202 = tpu.memref_squeeze %dma_wait3A_201 : memref<1x64x128xf32, #tpu.memory_space<hbm>> -> memref<64x128xf32, #tpu.memory_space<hbm>>
    %dma_wait3A_203 = arith.constant 0 : i32
    %dma_wait3A_204 = arith.constant 0 : i32
    %dma_wait3A_205 = tpu.memref_slice %arg14[%dma_wait3A_189, %dma_wait3A_203, %dma_wait3A_204] : memref<2x64x128xf32, #tpu.memory_space<vmem>> -> memref<1x64x128xf32, #tpu.memory_space<vmem>>
    %dma_wait3A_206 = tpu.memref_squeeze %dma_wait3A_205 : memref<1x64x128xf32, #tpu.memory_space<vmem>> -> memref<64x128xf32, #tpu.memory_space<vmem>>
    tpu.wait_dma2 semaphore(%dma_wait3A_199 : memref<!tpu.dma_semaphore, #tpu.memory_space<semaphore_mem>>) src(%dma_wait3A_206 : memref<64x128xf32, #tpu.memory_space<vmem>>) dst(%dma_wait3A_202 : memref<64x128xf32, #tpu.memory_space<hbm>>)
    %dma_wait3A_207 = arith.constant 1 : i32
    %dma_wait3A_208 = arith.constant 1 : i32
    %dma_wait3A_209 = arith.constant 0 : i32
    %dma_wait3A_210 = arith.constant 0 : i32
    %dma_wait3A_211 = tpu.memref_slice %arg15[%dma_wait3A_207, %dma_wait3A_209, %dma_wait3A_210] : memref<2x64x128xf32, #tpu.memory_space<vmem>> -> memref<1x64x128xf32, #tpu.memory_space<vmem>>
    %dma_wait3A_212 = tpu.memref_squeeze %dma_wait3A_211 : memref<1x64x128xf32, #tpu.memory_space<vmem>> -> memref<64x128xf32, #tpu.memory_space<vmem>>
    %dma_wait3A_213 = arith.constant 0 : i32
    %dma_wait3A_214 = tpu.memref_slice %arg7[%select_n3A, %add3A_170, %dma_wait3A_213] : memref<4x4096x128xf32, #tpu.memory_space<hbm>> -> memref<1x64x128xf32, #tpu.memory_space<hbm>>
    %dma_wait3A_215 = tpu.memref_squeeze %dma_wait3A_214 : memref<1x64x128xf32, #tpu.memory_space<hbm>> -> memref<64x128xf32, #tpu.memory_space<hbm>>
    %dma_wait3A_216 = tpu.memref_slice %arg17[%dma_wait3A_208] : memref<2x!tpu.dma_semaphore, #tpu.memory_space<semaphore_mem>> -> memref<1x!tpu.dma_semaphore, #tpu.memory_space<semaphore_mem>>
    %dma_wait3A_217 = tpu.memref_squeeze %dma_wait3A_216 : memref<1x!tpu.dma_semaphore, #tpu.memory_space<semaphore_mem>> -> memref<!tpu.dma_semaphore, #tpu.memory_space<semaphore_mem>>
    %dma_wait3A_218 = arith.constant 0 : i32
    %dma_wait3A_219 = tpu.memref_slice %arg7[%select_n3A, %add3A_170, %dma_wait3A_218] : memref<4x4096x128xf32, #tpu.memory_space<hbm>> -> memref<1x64x128xf32, #tpu.memory_space<hbm>>
    %dma_wait3A_220 = tpu.memref_squeeze %dma_wait3A_219 : memref<1x64x128xf32, #tpu.memory_space<hbm>> -> memref<64x128xf32, #tpu.memory_space<hbm>>
    %dma_wait3A_221 = arith.constant 0 : i32
    %dma_wait3A_222 = arith.constant 0 : i32
    %dma_wait3A_223 = tpu.memref_slice %arg15[%dma_wait3A_207, %dma_wait3A_221, %dma_wait3A_222] : memref<2x64x128xf32, #tpu.memory_space<vmem>> -> memref<1x64x128xf32, #tpu.memory_space<vmem>>
    %dma_wait3A_224 = tpu.memref_squeeze %dma_wait3A_223 : memref<1x64x128xf32, #tpu.memory_space<vmem>> -> memref<64x128xf32, #tpu.memory_space<vmem>>
    tpu.wait_dma2 semaphore(%dma_wait3A_217 : memref<!tpu.dma_semaphore, #tpu.memory_space<semaphore_mem>>) src(%dma_wait3A_224 : memref<64x128xf32, #tpu.memory_space<vmem>>) dst(%dma_wait3A_220 : memref<64x128xf32, #tpu.memory_space<hbm>>)
    return
  }
}

</mosaic_0001>

<sc_bundles>
// kernel: kernel.3.cloned.1.call-start
scs
__scs_entry_jumppad:
0x0: {  	(pc) =	sbr.rel $0x88, $3  }
0x1: {  	(tag) =	ssettag $0x0;
	lr =	simm.s32 $0x1  }
0x2: {  	[smem:$0x3F9E] =	sst lr;
	_ =	strace $0xD0000000  }
0x3: {  	_ = 	snop  }
0x4: {  	_ = 	snop  }
0x5: {  	_ = 	snop  }
0x6: {  	_ = 	snop  }
0x7: {  	_ = 	snop  }
__scs_overlays_trampoline_lowered:
0x8: {  	[smem:$0x3FAD] =	sst s0  }
0x9: {  	[smem:$0x3FAE] =	sst s1  }
0xa: {  	[smem:$0x3FAF] =	sst s2  }
0xb: {  	[smem:$0x3FB0] =	sst s3  }
0xc: {  	[smem:$0x3FB1] =	sst s4  }
0xd: {  	[smem:$0x3FB2] =	sst s5  }
0xe: {  	[smem:$0x3FB3] =	sst s6  }
0xf: {  	[smem:$0x3FB4] =	sst s7  }
0x10: {  	[smem:$0x3FB5] =	sst s8  }
0x11: {  	[smem:$0x3FB6] =	sst s9;
	s0 =	simm.s32 @!p0 $0x0  }
0x12: {  	s1 =	sld [smem:$0x3F9C];
	s0 =	simm.s32 @p0 $0x1  }
0x13: {  	[smem:$0x3FB7] =	sst s0;
	s0 =	simm.s32 @!p1 $0x0  }
0x14: {  	s2 =	sld [smem:$0x3F9B];
	s0 =	simm.s32 @p1 $0x1  }
0x15: {  	[smem:$0x3FB8] =	sst s0;
	s0 =	simm.s32 @!p2 $0x0  }
0x16: {  	s3 =	sld [smem:$0x3FDB];
	s0 =	simm.s32 @p2 $0x1  }
0x17: {  	s4 =	simm.s32 $0x1BF5;
	[smem:$0x3FBA] =	sst s0  }
0x18: {  	s0 =	sld [smem:$0x3F9D];
	_ =	swait.ge [sflag:s4], $0x0  }
0x19: {  	s7 =	sld [smem:$0x3F9E]  }
0x1a: {  	s8 =	sadd.s32 $0xFFFFE003, lr  }
0x1b: {  	s9 =	sadd.s32 $0xFFFFFEF7, lr;
	s5 =	simm.s32 $0xFFFFFFFF;
	p2 =	slt.u32 s8, $0xFFFFF086  }
0x1c: {  	p1 =	slt.u32 s9, $0xF7A;
	s5 =	simm.s32 @!p2 $0x0  }
0x1d: {  	s5 =	simm.s32 @p1 $0x1;
	p0 =	seq.s32 s7, s2  }
0x1e: {  	s7 =	smul.u32 @!p0 $0xF7A, s2;
	p2 =	seq.s32 @!p0 s5, $0x0  }
0x1f: {  	s9 =	smul.u32 $0xF7A, s1;
	s8 =	simm.s32 @!p0 $0x1BF5;
	p2 =	por !p2, p0  }
0x20: {  	[sflag:s8] =	ssyncset.s32 @!p0 $0xFFFFF086;
	s6 =	sadd.s32 @!p0 s3, s7;
	s7 =	simm.s32 @!p0 $0x108  }
0x21: {  	s3 =	sadd.s32 s3, s9;
	s6 =	sadd.s32 @!p0 $0x88, s6;
	s7 =	simm.s32 @p2 $0x1082  }
0x22: {  	[simem:s7], [sflag:s8] =	dma.local @!p0 [hbm:s6], $0xF7A  }
0x23: {  	s9 =	sor.u32 $0xD0000000, s2;
	s6 =	simm.s32 $0x108;
	_ =	swait.ge @!p0 [sflag:s8], $0x0  }
0x24: {  	s3 =	sadd.s32 $0x88, s3;
	s6 =	simm.s32 @!p1 $0x1082;
	[sflag:s4] =	ssyncset.s32 $0xFFFFF086  }
0x25: {  	[simem:s6], [sflag:s4] =	dma.local [hbm:s3], $0xF7A  }
0x26: {  	[smem:$0x3F9E] =	sst s1;
	(tag) =	ssettag s2;
	_ =	strace s9  }
0x27: {  	s1 =	sld [smem:$0x3FAE]  }
0x28: {  	s2 =	sld [smem:$0x3FAF]  }
0x29: {  	s4 =	sld [smem:$0x3FB1]  }
0x2a: {  	p0 =	seq.s32 s5, $0x0;
	s5 =	sld [smem:$0x3FB2]  }
0x2b: {  	s6 =	sld [smem:$0x3FB3]  }
0x2c: {  	s7 =	sld [smem:$0x3FB4]  }
0x2d: {  	s3 =	simm.s32 $0x108;
	s8 =	sld [smem:$0x3FB5]  }
0x2e: {  	s3 =	simm.s32 @!p0 $0x1082;
	s9 =	sld [smem:$0x3FB6]  }
0x2f: {  	lr =	sadd.s32 s0, s3;
	s0 =	sld [smem:$0x3FAD]  }
0x30: {  	s3 =	sld [smem:$0x3FB0]  }
0x31: {  	[smem:$0x3FB9] =	sst s10  }
0x32: {  	s10 =	sld [smem:$0x3FB7];
	_ =	sdelay $0x3  }
0x33: {  	p0 =	seq.s32 s10, $0x1;
	s10 =	sld [smem:$0x3FB9];
	_ =	sdelay $0x3  }
0x34: {  	[smem:$0x3FB9] =	sst s10  }
0x35: {  	s10 =	sld [smem:$0x3FB8];
	_ =	sdelay $0x3  }
0x36: {  	p1 =	seq.s32 s10, $0x1;
	s10 =	sld [smem:$0x3FB9];
	_ =	sdelay $0x3  }
0x37: {  	[smem:$0x3FB9] =	sst s10  }
0x38: {  	s10 =	sld [smem:$0x3FBA]  }
0x39: {  	_ = 	snop;
	(pc) =	sbr.ind lr, $3  }
0x3a: {  	_ = 	snop  }
0x3b: {  	_ = 	snop  }
0x3c: {  	p2 =	seq.s32 s10, $0x1;
	s10 =	sld [smem:$0x3FB9]  }
0x3d: {  	_ =	shalt  }
0x3e: {  	_ =	shalt  }
0x3f: {  	_ =	shalt  }
0x40: {  	_ =	shalt  }
0x41: {  	_ =	shalt  }
0x42: {  	_ =	shalt  }
0x43: {  	_ =	shalt  }
0x44: {  	_ =	shalt  }
0x45: {  	_ =	shalt  }
0x46: {  	_ =	shalt  }
0x47: {  	_ =	shalt  }
0x48: {  	_ =	shalt  }
0x49: {  	_ =	shalt  }
0x4a: {  	_ =	shalt  }
0x4b: {  	_ =	shalt  }
0x4c: {  	_ =	shalt  }
0x4d: {  	_ =	shalt  }
0x4e: {  	_ =	shalt  }
0x4f: {  	_ =	shalt  }
0x50: {  	_ =	shalt  }
0x51: {  	_ =	shalt  }
0x52: {  	_ =	shalt  }
0x53: {  	_ =	shalt  }
0x54: {  	_ =	shalt  }
0x55: {  	_ =	shalt  }
0x56: {  	_ =	shalt  }
0x57: {  	_ =	shalt  }
0x58: {  	_ =	shalt  }
0x59: {  	_ =	shalt  }
0x5a: {  	_ =	shalt  }
0x5b: {  	_ =	shalt  }
0x5c: {  	_ =	shalt  }
0x5d: {  	_ =	shalt  }
0x5e: {  	_ =	shalt  }
0x5f: {  	_ =	shalt  }
0x60: {  	_ =	shalt  }
0x61: {  	_ =	shalt  }
0x62: {  	_ =	shalt  }
0x63: {  	_ =	shalt  }
0x64: {  	_ =	shalt  }
0x65: {  	_ =	shalt  }
0x66: {  	_ =	shalt  }
0x67: {  	_ =	shalt  }
0x68: {  	_ =	shalt  }
0x69: {  	_ =	shalt  }
0x6a: {  	_ =	shalt  }
0x6b: {  	_ =	shalt  }
0x6c: {  	_ =	shalt  }
0x6d: {  	_ =	shalt  }
0x6e: {  	_ =	shalt  }
0x6f: {  	_ =	shalt  }
0x70: {  	_ =	shalt  }
0x71: {  	_ =	shalt  }
0x72: {  	_ =	shalt  }
0x73: {  	_ =	shalt  }
0x74: {  	_ =	shalt  }
0x75: {  	_ =	shalt  }
0x76: {  	_ =	shalt  }
0x77: {  	_ =	shalt  }
0x78: {  	_ =	shalt  }
0x79: {  	_ =	shalt  }
0x7a: {  	_ =	shalt  }
0x7b: {  	_ =	shalt  }
0x7c: {  	_ =	shalt  }
0x7d: {  	_ =	shalt  }
0x7e: {  	_ =	shalt  }
0x7f: {  	_ =	shalt  }
0x80: {  	_ =	shalt  }
0x81: {  	_ =	shalt  }
0x82: {  	_ =	shalt  }
0x83: {  	_ =	shalt  }
0x84: {  	_ =	shalt  }
0x85: {  	_ =	shalt  }
0x86: {  	_ =	shalt  }
0x87: {  	_ =	shalt  }
.Lfunc_end0:
.L_simem_size_0:
called_computation_lowered:
.L_overlay_start_0:
0x88: {  	s2 =	sld [smem:$0x3FD9]  }
0x89: {  	s3 =	sld [smem:$0x3FFE];
	_ =	sdelay $0x1  }
0x8a: {  	s1 =	srdreg.scid  }
0x8b: {  	s0 =	sand.u32 $0x1, s1  }
0x8c: {  	s15 =	sshll.u32 s0, $0xA;
	s2 =	sadd.s32 s3, s2  }
0x8d: {  	s2 =	sadd.s32 s2, s15  }
0x8e: {  	[smem:$0x3FC5] =	sst s2  }
0x8f: {  	_ = 	snop  }
0x90: {  	s2 =	sld [smem:$0x3FD0]  }
0x91: {  	s16 =	sld [smem:$0x3FC9]  }
0x92: {  	s4 =	sld [smem:$0x3FC8]  }
0x93: {  	s6 =	simm.s32 $0xA;
	s7 =	simm.s32 $0x10;
	s5 =	sld [smem:$0x3FC7]  }
0x94: {  	[smem:s7], [sflag:s6] =	dma.local [hbm:s2], $0x1  }
0x95: {  	_ =	swait.eq [sflag:s6], $0x1  }
0x96: {  	s17 =	sld [smem:$0x10];
	[sflag:s6] =	ssyncset.done $0x0  }
0x97: {  	s18 =	sld [smem:$0x11];
	[sflag:s6] =	ssyncadd.s32 $0xFFFFFFFF  }
0x98: {  	s19 =	sld [smem:$0x12];
	(tm) =	ssettm $0x1  }
0x99: {  	s8 =	sld [smem:$0x3FFB];
	_ =	sdelay $0x3  }
0x9a: {  	_ =	strace s8  }
0x9b: {  	s8 =	sld [smem:$0x3FFC];
	_ =	sdelay $0x3  }
0x9c: {  	_ =	strace s8  }
0x9d: {  	s8 =	sld [smem:$0x3FFD];
	_ =	sdelay $0x3  }
0x9e: {  	_ =	strace s8  }
0x9f: {  	_ =	strace $0x8FFFFFFF  }
0xa0: {  	s20 =	sld [smem:$0x3FDB];
	_ =	sdelay $0x1  }
0xa1: {  	s9 =	simm.s32 $_scs_section_size  }
0xa2: {  	s10 =	simm.s32 $_size__tile_overlayer_lowered;
	s11 =	simm.s32 $_tile_overlayer_lowered  }
0xa3: {  	s23 =	simm.s32 $0x1BFF;
	s22 =	sshll.u32 s11, $0x1;
	s8 =	sadd.s32 s9, s20  }
0xa4: {  	s12 =	simm.s32 $0x0;
	s21 =	sshll.u32 s10, $0x1;
	s10 =	sadd.s32 s22, s8  }
0xa5: {  	[timem:s12], [sflag:s23] =	dma.local [hbm:s10], s21  }
0xa6: {  	_ =	swait.ge [sflag:s23], s21  }
0xa7: {  	s9 =	ssub.s32 $0x0, s21;
	[sflag:s23] =	ssyncset.done $0x0  }
0xa8: {  	[sflag:s23] =	ssyncadd.s32 s9;
	_ =	sdelay $0x1  }
0xa9: {  	s24 =	simm.s32 $0x1B8B  }
0xaa: {  	_ =	swait.ge [sflag:s24], $0x1  }
0xab: {  	[sflag:s24] =	ssyncset.done $0x0  }
0xac: {  	s25 =	simm.s32 $0x1B8E;
	[sflag:s24] =	ssyncadd.s32 $0xFFFFFFFF  }
0xad: {  	s26 =	simm.s32 $execute0_lowered;
	[smem:$0x3FD2] =	sst s25  }
0xae: {  	s9 =	sshll.u32 s26, $0x1;
	_ =	strace $0x80000046;
	[dreg:$0x1] =	wrdreg $0xFFFFFFFF  }
0xaf: {  	s28 =	simm.s32 $_size_execute0_lowered;
	s8 =	sadd.s32 s8, s9;
	[dreg:$0x0] =	wrdreg $0x0  }
0xb0: {  	s9 =	sshll.u32 s28, $0x1;
	[dreg:$0x2] =	wrdreg s8  }
0xb1: {  	[dreg:$0x3] =	wrdreg s9  }
0xb2: {  	[dreg:$0x4] =	wrdreg $0xC0  }
0xb3: {  	_ =	task [dreg:s12], $0x5FFFF  }
0xb4: {  	[dreg:$0x1] =	wrdreg $0xFFFFFFFF  }
0xb5: {  	[dreg:$0x0] =	wrdreg $0x60  }
0xb6: {  	[dreg:$0x2] =	wrdreg s16  }
0xb7: {  	[dreg:$0x3] =	wrdreg s4  }
0xb8: {  	[dreg:$0x4] =	wrdreg s5  }
0xb9: {  	[dreg:$0x5] =	wrdreg s17  }
0xba: {  	[dreg:$0x6] =	wrdreg s18  }
0xbb: {  	[dreg:$0x7] =	wrdreg s19  }
0xbc: {  	[dreg:$0x8] =	wrdreg $0x9  }
0xbd: {  	_ =	task.clear_ibuf [dreg:s12], $0x9FFFF;
	_ =	strace $0x90000046  }
0xbe: {  	s29 =	simm.s32 $0x9;
	_ =	strace $0x80000048  }
0xbf: {  	_ =	swait.ge [sflag:s29], $0x1  }
0xc0: {  	[sflag:s29] =	ssyncadd.s32 $0xFFFFFFFF  }
0xc1: {  	_ =	strace $0x90000048  }
0xc2: {  	_ =	sfence  }
0xc3: {  	s30 =	sld [smem:$0x0];
	_ =	sdelay $0x2  }
0xc4: {  	s31 =	sshll.u32 s1, $0xD;
	s1 =	sshrl.u32 s1, $0x2  }
0xc5: {  	s3 =	sand.u32 $0x4000, s31;
	s1 =	sadd.s32 s1, s30  }
0xc6: {  	s0 =	sor.u32 s3, s0;
	s1 =	sshll.u32 s1, $0x11  }
0xc7: {  	s0 =	sor.u32 s1, s0  }
0xc8: {  	s0 =	sadd.s32 $0x8F2B, s0  }
0xc9: {  	[sflag:s0] =	ssyncadd.remote.s32 $0x1  }
0xca: {  	_ =	sfence.sel $0xFFFF  }
0xcb: {  	[dreg:$0x0] =	wrdreg $0xFFFFFFFF;
	(pc) =	sbr.abs _section_cstart, $3  }
0xcc: {  	[dreg:$0x1] =	wrdreg $0xFFFFFFFF  }
0xcd: {  	_ =	task.clear_ibuf [dreg:s12], $0x2FFFF;
	_ =	strace $0x9FFFFFFF  }
0xce: {  	(tm) =	ssettm $0x7FFFFFFF  }
0xcf: {  	_ =	shalt  }
tec
execute0_lowered:
.L_overlay_start_1:
0x0: {  	(tag) =	ssettag $0x1  }
0x1: {  	s0 =	rddreg [dreg:$0x0]  }
0x2: {  	s1 =	rddreg [dreg:$0x1]  }
0x3: {  	s2 =	rddreg [dreg:$0x2]  }
0x4: {  	s3 =	rddreg [dreg:$0x3]  }
0x5: {  	s4 =	rddreg [dreg:$0x4]  }
0x6: {  	s6 =	rddreg [dreg:$0x5];
	s7 =	simm.s32 $0x0;
	s5 =	srdreg.scid  }
0x7: {  	s14 =	stileid.u32;
	s31 =	simm.s32 $0x1;
	s28 =	simm.s32 $0x2  }
0x8: {  	s29 =	simm.s32 $0xD000;
	s30 =	simm.s32 $0x11000;
	[smem:$0x7FF] =	sst s7  }
0x9: {  	s5 =	sand.u32 $0x1, s5;
	s8 =	sshll.u32 s14, $0x1;
	s11 =	sshrl.u32 s14, $0x2  }
0xa: {  	s26 =	sand.u32 $0x3, s14;
	_ =	strace $0x80000047;
	s9 =	ssub.s32 $0x2, s5  }
0xb: {  	s8 =	sand.u32 $0x6, s8;
	s13 =	sshll.u32 s11, $0x4;
	s10 =	sshrl.u32 s9, $0x1  }
0xc: {  	s12 =	sor.u32 s5, s8;
	s8 =	sshll.u32 s11, $0x13;
	s13 =	sadd.s32 s0, s13  }
0xd: {  	s0 =	sshll.u32 s26, $0xA;
	s5 =	sshll.u32 s5, $0x9;
	s26 =	simm.s32 $0x13000  }
0xe: {  	s17 =	sshll.u32 s12, $0x10;
	s9 =	ssub.s32 s9, s10;
	s10 =	sshll.u32 s12, $0x9  }
0xf: {  	s19 =	sadd.s32 $0x800, s13;
	[dreg:$0x7] =	wrdreg s13;
	s21 =	sadd.s32 $0x1000, s13  }
0x10: {  	s0 =	sor.u32 s5, s0;
	s5 =	simm.s32 $0xF000;
	[dreg:$0x8] =	wrdreg s19  }
0x11: {  	s12 =	simm.s32 $0x0;
	s18 =	sor.u32 s8, s17;
	[dreg:$0x9] =	wrdreg s21  }
0x12: {  	s9 =	smax.u32 s9, $0x1;
	[dreg:$0xf] =	wrdreg s0;
	s20 =	sshrl.u32 s18, $0x3  }
0x13: {  	s17 =	sor.u32 $0x4000, s18;
	[dreg:$0xe] =	wrdreg s9;
	s22 =	sadd.s32 s1, s20  }
0x14: {  	s23 =	sor.u32 $0x400, s20;
	s11 =	sadd.s32 s2, s20;
	[dreg:$0xa] =	wrdreg s22  }
0x15: {  	s18 =	sor.u32 $0x6000, s18;
	[dreg:$0xb] =	wrdreg s11;
	s24 =	sadd.s32 s1, s23  }
0x16: {  	s25 =	sadd.s32 s2, s23;
	s11 =	simm.s32 $0x15000;
	[dreg:$0xc] =	wrdreg s24  }
0x17: {  	[dreg:$0xd] =	wrdreg s25;
	s24 =	simm.s32 $0x1000;
	s25 =	simm.s32 $0x2000  }
.LBB2_1:
0x18: {  	[dreg:$0x10] =	wrdreg s12  }
0x19: {  	s0 =	rddreg [dreg:$0x7]  }
0x1a: {  	s9 =	simm.s32 $0x80;
	s21 =	simm.s32 $0x200;
	s13 =	simm.s32 $0x5  }
0x1b: {  	[tilespmem:s7], [sflag:$0x5] =	stream.strided.gather [hbm4b:s0+s9], $0x1000, s21, s9, $0x38;
	[tilespmem:$0x17000] =	vst v63  }
0x1c: {  	_ =	swait.ge [sflag:s13], $0x1000  }
0x1d: {  	[sflag:s13] =	ssyncset.done $0x0  }
0x1e: {  	s22 =	rddreg [dreg:$0x8];
	[sflag:s13] =	ssyncadd.s32 $0xFFFFF000  }
0x1f: {  	[tilespmem:s24], [sflag:$0x5] =	stream.strided.gather [hbm4b:s22+s9], $0x1000, s21, s9, $0x38;
	[tilespmem:$0x17000] =	vst v63  }
0x20: {  	_ =	swait.ge [sflag:s13], $0x1000  }
0x21: {  	[sflag:s13] =	ssyncset.done $0x0  }
0x22: {  	s23 =	rddreg [dreg:$0x9];
	[sflag:s13] =	ssyncadd.s32 $0xFFFFF000  }
0x23: {  	[tilespmem:s25], [sflag:$0x5] =	stream.strided.gather [hbm4b:s23+s9], $0x1000, s21, s9, $0x38;
	[tilespmem:$0x17000] =	vst v63  }
0x24: {  	_ =	swait.ge [sflag:s13], $0x1000  }
0x25: {  	[sflag:s13] =	ssyncset.done $0x0;
	s14 =	rddreg [dreg:$0xa]  }
0x26: {  	s15 =	simm.s32 $0x3000;
	s16 =	rddreg [dreg:$0xb];
	[sflag:s13] =	ssyncadd.s32 $0xFFFFF000  }
0x27: {  	[tilespmem:s15], [sflag:$0x1] =	stream.linear.gather [hbm4b:s14+s7], $0x2000, $0x38;
	[tilespmem:$0x17000] =	vst v63  }
0x28: {  	s19 =	simm.s32 $0x7000;
	s20 =	rddreg [dreg:$0xc]  }
0x29: {  	[tilespmem:s19], [sflag:$0x1] =	stream.linear.gather [hbm4b:s16+s7], $0x2000, $0x38;
	[tilespmem:$0x17000] =	vst v63  }
0x2a: {  	s21 =	simm.s32 $0x5000;
	s22 =	rddreg [dreg:$0xd]  }
0x2b: {  	[tilespmem:s21], [sflag:$0x2] =	stream.linear.gather [hbm4b:s20+s7], $0x2000, $0x38;
	[tilespmem:$0x17000] =	vst v63  }
0x2c: {  	s23 =	simm.s32 $0x9000;
	s16 =	simm.s32 $0x0;
	s20 =	rddreg [dreg:$0xf]  }
0x2d: {  	[tilespmem:s23], [sflag:$0x2] =	stream.linear.gather [hbm4b:s22+s7], $0x2000, $0x38;
	[tilespmem:$0x17000] =	vst v63  }
.LBB2_2:
0x2e: {  	_ =	swait.ge [sflag:s31], $0x2000  }
0x2f: {  	[sflag:s31] =	ssyncset.done $0x0  }
0x30: {  	[sflag:s31] =	ssyncadd.s32 $0xFFFFE000  }
0x31: {  	_ =	swait.ge [sflag:s31], $0x2000  }
0x32: {  	p0 =	seq.s32 s16, $0x0;
	[sflag:s31] =	ssyncset.done $0x0  }
0x33: {  	s9 =	simm.s32 @!p0 $0x3;
	[sflag:s31] =	ssyncadd.s32 $0xFFFFE000  }
0x34: {  	_ =	swait.ge @!p0 [sflag:s9], $0x2000  }
0x35: {  	[sflag:s9] =	ssyncset.done @!p0 $0x0  }
0x36: {  	[sflag:s9] =	ssyncadd.s32 @!p0 $0xFFFFE000  }
0x37: {  	_ =	swait.ge @!p0 [sflag:s9], $0x2000  }
0x38: {  	s12 =	sshll.u32 s16, $0x7;
	[sflag:s9] =	ssyncset.done @!p0 $0x0  }
0x39: {  	s19 =	sshll.u32 s16, $0xE;
	s21 =	simm.s32 $0xB100;
	[sflag:s9] =	ssyncadd.s32 @!p0 $0xFFFFE000  }
0x3a: {  	s22 =	simm.s32 $0xF100;
	s23 =	simm.s32 $0x13100;
	_ =	swait.ge @!p0 [sflag:s9], $0x2000  }
0x3b: {  	s13 =	simm.s32 $0x3100;
	s15 =	sor.u32 s10, s12;
	[sflag:s9] =	ssyncset.done @!p0 $0x0  }
0x3c: {  	s12 =	simm.s32 $0x7100;
	[sflag:s9] =	ssyncadd.s32 @!p0 $0xFFFFE000;
	s9 =	simm.s32 $0xFFFFFFFC  }
.LBB2_3:
0x3d: {  	v1 =	vld [tilespmem:s13+$0xFFFFFF00];
	_ =	sdelay $0x2  }
0x3e: {  	v2 =	vld [tilespmem:s12+$0xFFFFFF00]  }
0x3f: {  	s14 =	sadd.s32 s9, s20  }
0x40: {  	s0 =	sadd.s32 $0x4, s14  }
0x41: {  	v0 =	vmov s0  }
0x42: {  	v0 =	vand.u32 $0xFFFFFFFC, v0  }
0x43: {  	v0 =	vbroadcast v0, $0x0;
	v6 =	vld.idx.msk [tilespmem:v1+s7+$0x0], $0xffff  }
0x44: {  	v7 =	vld.idx.msk [tilespmem:v1+s24+$0x0], $0xffff  }
0x45: {  	v42 =	vld.idx.msk [tilespmem:v1+s25+$0x0], $0xffff  }
0x46: {  	v43 =	vld.idx.msk [tilespmem:v2+s7+$0x0], $0xffff  }
0x47: {  	v8 =	vld.idx.msk [tilespmem:v2+s24+$0x0], $0xffff  }
0x48: {  	v2 =	vld.idx.msk [tilespmem:v2+s25+$0x0], $0xffff  }
0x49: {  	v5 =	vld.idx.msk [tilespmem:v0+s7+$0x0], $0xffff  }
0x4a: {  	v4 =	vld.idx.msk [tilespmem:v0+s24+$0x0], $0xffff;
	_ =	sdelay $0x1  }
0x4b: {  	v3 =	vld.idx.msk [tilespmem:v0+s25+$0x0], $0xffff  }
0x4c: {  	v1 =	vsub.f32 v6, v43  }
0x4d: {  	v45 =	vsub.f32 v7, v8;
	v0 =	vsub.f32 v42, v2  }
0x4e: {  	v9 =	vsub.f32 v6, v5;
	v10 =	vsub.f32 v7, v4  }
0x4f: {  	v44 =	vsub.f32 v43, v5;
	v12 =	vsub.f32 v8, v4;
	v1 =	vmul.f32 v1, v1  }
0x50: {  	v11 =	vsub.f32 v42, v3;
	v9 =	vmul.f32 v9, v9;
	v10 =	vmul.f32 v10, v10  }
0x51: {  	v46 =	vsub.f32 v2, v3;
	v47 =	vmul.f32 v44, v44;
	v48 =	vmul.f32 v12, v12  }
0x52: {  	v49 =	vmul.f32 v45, v45;
	v11 =	vmul.f32 v11, v11;
	v9 =	vadd.f32 v10, v9  }
0x53: {  	v7 =	vmul.f32 v46, v46;
	v50 =	vadd.f32 v48, v47  }
0x54: {  	v0 =	vmul.f32 v0, v0;
	v1 =	vadd.f32 v49, v1;
	v51 =	vadd.f32 v11, v9  }
0x55: {  	v52 =	vadd.f32 v7, v50  }
0x56: {  	v0 =	vadd.f32 v0, v1;
	v53 =	vshra.s32 v51, $0x1  }
0x57: {  	v55 =	vshra.s32 v52, $0x1;
	v54 =	vsub.s32 $0x5F0B54EA, v53  }
0x58: {  	v57 =	vshra.s32 v0, $0x1;
	v6 =	vsub.s32 $0x5F0B54EA, v55;
	v56 =	vmul.f32 v54, v51  }
0x59: {  	v9 =	vsub.s32 $0x5F0B54EA, v57;
	v58 =	vmul.f32 v6, v52  }
0x5a: {  	v59 =	vmul.f32 v9, v0;
	v7 =	vmul.f32 v54, v56  }
0x5b: {  	v10 =	vmul.f32 v6, v58  }
0x5c: {  	v11 =	vmul.f32 v9, v59;
	v7 =	vsub.f32 $1.891199950e+00, v7  }
0x5d: {  	v10 =	vsub.f32 $1.891199950e+00, v10  }
0x5e: {  	v60 =	vsub.f32 $1.891199950e+00, v11;
	v1 =	vmul.f32 v54, v7  }
0x5f: {  	v6 =	vmul.f32 v6, v10  }
0x60: {  	v7 =	vmul.f32 v9, v60;
	v1 =	vmul.f32 v1, v51  }
0x61: {  	v2 =	vmul.f32 v6, v52  }
0x62: {  	v0 =	vmul.f32 v7, v0;
	[tilespmem:s21+$0xFFFFFF00] =	vst v1  }
0x63: {  	[tilespmem:s22+$0xFFFFFF00] =	vst v2  }
0x64: {  	[tilespmem:s23+$0xFFFFFF00] =	vst v0  }
0x65: {  	v0 =	vld [tilespmem:s13+$0xFFFFFF10];
	_ =	sdelay $0x2  }
0x66: {  	v1 =	vld [tilespmem:s12+$0xFFFFFF10];
	_ =	sdelay $0x4  }
0x67: {  	v2 =	vld.idx.msk [tilespmem:v0+s7+$0x0], $0xffff  }
0x68: {  	v61 =	vld.idx.msk [tilespmem:v0+s24+$0x0], $0xffff  }
0x69: {  	v0 =	vld.idx.msk [tilespmem:v0+s25+$0x0], $0xffff  }
0x6a: {  	v62 =	vld.idx.msk [tilespmem:v1+s7+$0x0], $0xffff  }
0x6b: {  	v63 =	vld.idx.msk [tilespmem:v1+s24+$0x0], $0xffff;
	_ =	sdelay $0x1  }
0x6c: {  	v1 =	vld.idx.msk [tilespmem:v1+s25+$0x0], $0xffff  }
0x6d: {  	v15 =	vsub.f32 v2, v5  }
0x6e: {  	v16 =	vsub.f32 v61, v4;
	v17 =	vsub.f32 v0, v3  }
0x6f: {  	v18 =	vsub.f32 v62, v5;
	v19 =	vsub.f32 v63, v4  }
0x70: {  	v2 =	vsub.f32 v2, v62;
	v6 =	vsub.f32 v61, v63;
	v9 =	vmul.f32 v15, v15  }
0x71: {  	v20 =	vsub.f32 v1, v3;
	v10 =	vmul.f32 v16, v16;
	v11 =	vmul.f32 v17, v17  }
0x72: {  	v0 =	vsub.f32 v0, v1;
	v21 =	vmul.f32 v18, v18;
	v22 =	vmul.f32 v19, v19  }
0x73: {  	v23 =	vmul.f32 v2, v2;
	v24 =	vmul.f32 v6, v6;
	v9 =	vadd.f32 v10, v9  }
0x74: {  	v7 =	vmul.f32 v20, v20;
	v25 =	vadd.f32 v22, v21  }
0x75: {  	v0 =	vmul.f32 v0, v0;
	v1 =	vadd.f32 v24, v23;
	v26 =	vadd.f32 v11, v9  }
0x76: {  	v27 =	vadd.f32 v7, v25  }
0x77: {  	v0 =	vadd.f32 v0, v1;
	v28 =	vshra.s32 v26, $0x1  }
0x78: {  	v30 =	vshra.s32 v27, $0x1;
	v29 =	vsub.s32 $0x5F0B54EA, v28  }
0x79: {  	v32 =	vshra.s32 v0, $0x1;
	v6 =	vsub.s32 $0x5F0B54EA, v30;
	v31 =	vmul.f32 v29, v26  }
0x7a: {  	v9 =	vsub.s32 $0x5F0B54EA, v32;
	v33 =	vmul.f32 v6, v27  }
0x7b: {  	v34 =	vmul.f32 v9, v0;
	v7 =	vmul.f32 v29, v31  }
0x7c: {  	v10 =	vmul.f32 v6, v33  }
0x7d: {  	v11 =	vmul.f32 v9, v34;
	v7 =	vsub.f32 $1.891199950e+00, v7  }
0x7e: {  	v10 =	vsub.f32 $1.891199950e+00, v10  }
0x7f: {  	v35 =	vsub.f32 $1.891199950e+00, v11;
	v1 =	vmul.f32 v29, v7  }
0x80: {  	v6 =	vmul.f32 v6, v10  }
0x81: {  	v7 =	vmul.f32 v9, v35;
	v1 =	vmul.f32 v1, v26  }
0x82: {  	v2 =	vmul.f32 v6, v27  }
0x83: {  	v0 =	vmul.f32 v7, v0;
	[tilespmem:s21+$0xFFFFFF10] =	vst v1  }
0x84: {  	[tilespmem:s22+$0xFFFFFF10] =	vst v2  }
0x85: {  	[tilespmem:s23+$0xFFFFFF10] =	vst v0  }
0x86: {  	v0 =	vld [tilespmem:s13+$0xFFFFFF20];
	_ =	sdelay $0x2  }
0x87: {  	v1 =	vld [tilespmem:s12+$0xFFFFFF20];
	_ =	sdelay $0x4  }
0x88: {  	v2 =	vld.idx.msk [tilespmem:v0+s7+$0x0], $0xffff  }
0x89: {  	v36 =	vld.idx.msk [tilespmem:v0+s24+$0x0], $0xffff  }
0x8a: {  	v0 =	vld.idx.msk [tilespmem:v0+s25+$0x0], $0xffff  }
0x8b: {  	v37 =	vld.idx.msk [tilespmem:v1+s7+$0x0], $0xffff  }
0x8c: {  	v38 =	vld.idx.msk [tilespmem:v1+s24+$0x0], $0xffff  }
0x8d: {  	v1 =	vld.idx.msk [tilespmem:v1+s25+$0x0], $0xffff  }
0x8e: {  	s0 =	sadd.s32 $0x5, s14  }
0x8f: {  	v14 =	vmov s0;
	v53 =	vld [tilespmem:s12+$0xFFFFFF80];
	v39 =	vsub.f32 v2, v5  }
0x90: {  	v44 =	vand.u32 $0xFFFFFFFD, v14;
	v15 =	vld [tilespmem:s13+$0xFFFFFF80];
	v40 =	vsub.f32 v36, v4;
	v41 =	vsub.f32 v37, v5  }
0x91: {  	v11 =	vbroadcast v44, $0x0;
	v42 =	vsub.f32 v0, v3;
	v13 =	vsub.f32 v38, v4  }
0x92: {  	v45 =	vsub.f32 v1, v3;
	v2 =	vsub.f32 v2, v37;
	v9 =	vmul.f32 v39, v39  }
0x93: {  	v6 =	vsub.f32 v36, v38;
	v10 =	vmul.f32 v40, v40;
	v43 =	vmul.f32 v41, v41  }
0x94: {  	v0 =	vsub.f32 v0, v1;
	v13 =	vmul.f32 v13, v13;
	v46 =	vmul.f32 v42, v42  }
0x95: {  	v49 =	vmul.f32 v2, v2;
	v50 =	vmul.f32 v6, v6;
	v9 =	vadd.f32 v10, v9  }
0x96: {  	v48 =	vmul.f32 v45, v45;
	v47 =	vadd.f32 v13, v43  }
0x97: {  	v20 =	vld.idx.msk [tilespmem:v53+s24+$0x0], $0xffff;
	v0 =	vmul.f32 v0, v0;
	v1 =	vadd.f32 v50, v49;
	v51 =	vadd.f32 v46, v9  }
0x98: {  	v56 =	vld.idx.msk [tilespmem:v15+s7+$0x0], $0xffff;
	v52 =	vadd.f32 v48, v47  }
0x99: {  	v17 =	vld.idx.msk [tilespmem:v15+s24+$0x0], $0xffff;
	v54 =	vadd.f32 v0, v1;
	v9 =	vshra.s32 v51, $0x1  }
0x9a: {  	v2 =	vld.idx.msk [tilespmem:v11+s7+$0x0], $0xffff;
	v10 =	vshra.s32 v52, $0x1;
	v9 =	vsub.s32 $0x5F0B54EA, v9  }
0x9b: {  	v0 =	vld.idx.msk [tilespmem:v11+s24+$0x0], $0xffff;
	v16 =	vshra.s32 v54, $0x1;
	v10 =	vsub.s32 $0x5F0B54EA, v10;
	v55 =	vmul.f32 v9, v51  }
0x9c: {  	v16 =	vsub.s32 $0x5F0B54EA, v16;
	v57 =	vmul.f32 v10, v52  }
0x9d: {  	v8 =	vld.idx.msk [tilespmem:v53+s25+$0x0], $0xffff;
	v19 =	vmul.f32 v16, v54;
	v18 =	vmul.f32 v9, v55  }
0x9e: {  	v61 =	vld.idx.msk [tilespmem:v53+s7+$0x0], $0xffff;
	v30 =	vsub.f32 v17, v20;
	v14 =	vmul.f32 v10, v57  }
0x9f: {  	v58 =	vld.idx.msk [tilespmem:v15+s25+$0x0], $0xffff;
	v21 =	vsub.f32 v56, v2;
	v60 =	vmul.f32 v16, v19;
	v59 =	vsub.f32 $1.891199950e+00, v18  }
0xa0: {  	v33 =	vmul.f32 v30, v30;
	v1 =	vld.idx.msk [tilespmem:v11+s25+$0x0], $0xffff;
	v22 =	vsub.f32 v17, v0;
	v14 =	vsub.f32 $1.891199950e+00, v14  }
0xa1: {  	v63 =	vmul.f32 v21, v21;
	v62 =	vsub.f32 $1.891199950e+00, v60;
	v9 =	vmul.f32 v9, v59  }
0xa2: {  	v21 =	vmul.f32 v22, v22;
	v10 =	vmul.f32 v10, v14  }
0xa3: {  	v29 =	vsub.f32 v56, v61;
	v22 =	vmul.f32 v16, v62;
	v6 =	vmul.f32 v9, v51  }
0xa4: {  	v26 =	vsub.f32 v61, v2;
	v27 =	vsub.f32 v20, v0;
	v7 =	vmul.f32 v10, v52  }
0xa5: {  	v23 =	vsub.f32 v58, v1;
	v31 =	vsub.f32 v8, v1;
	v25 =	vmul.f32 v22, v54;
	[tilespmem:s21+$0xFFFFFF20] =	vst v6  }
0xa6: {  	v8 =	vsub.f32 v58, v8;
	v12 =	vmul.f32 v27, v27;
	v9 =	vmul.f32 v26, v26;
	[tilespmem:s22+$0xFFFFFF20] =	vst v7  }
0xa7: {  	v28 =	vmul.f32 v23, v23;
	v24 =	vadd.f32 v21, v63;
	v10 =	vmul.f32 v29, v29;
	[tilespmem:s23+$0xFFFFFF20] =	vst v25  }
0xa8: {  	v9 =	vadd.f32 v12, v9;
	v6 =	vmul.f32 v31, v31;
	v32 =	vld [tilespmem:s13+$0xFFFFFF30]  }
0xa9: {  	v8 =	vmul.f32 v8, v8;
	v10 =	vadd.f32 v33, v10;
	v7 =	vadd.f32 v28, v24  }
0xaa: {  	v6 =	vadd.f32 v6, v9;
	v34 =	vld [tilespmem:s12+$0xFFFFFF30]  }
0xab: {  	v8 =	vadd.f32 v8, v10;
	v35 =	vshra.s32 v7, $0x1  }
0xac: {  	v9 =	vsub.s32 $0x5F0B54EA, v35;
	v36 =	vshra.s32 v6, $0x1  }
0xad: {  	v38 =	vshra.s32 v8, $0x1;
	v37 =	vmul.f32 v9, v7;
	v10 =	vsub.s32 $0x5F0B54EA, v36  }
0xae: {  	v13 =	vsub.s32 $0x5F0B54EA, v38;
	v39 =	vmul.f32 v10, v6  }
0xaf: {  	v41 =	vmul.f32 v13, v8;
	v12 =	vmul.f32 v9, v37  }
0xb0: {  	v14 =	vmul.f32 v10, v39;
	v40 =	vld.idx.msk [tilespmem:v32+s7+$0x0], $0xffff  }
0xb1: {  	v17 =	vmul.f32 v13, v41;
	v12 =	vsub.f32 $1.891199950e+00, v12;
	v42 =	vld.idx.msk [tilespmem:v32+s24+$0x0], $0xffff  }
0xb2: {  	v14 =	vsub.f32 $1.891199950e+00, v14;
	v43 =	vld.idx.msk [tilespmem:v34+s7+$0x0], $0xffff  }
0xb3: {  	v45 =	vsub.f32 $1.891199950e+00, v17;
	v44 =	vld.idx.msk [tilespmem:v34+s24+$0x0], $0xffff;
	v9 =	vmul.f32 v9, v12  }
0xb4: {  	v15 =	vld.idx.msk [tilespmem:v32+s25+$0x0], $0xffff;
	v10 =	vmul.f32 v10, v14  }
0xb5: {  	v48 =	vmul.f32 v13, v45;
	v7 =	vmul.f32 v9, v7  }
0xb6: {  	v11 =	vld.idx.msk [tilespmem:v34+s25+$0x0], $0xffff;
	v6 =	vmul.f32 v10, v6  }
0xb7: {  	v51 =	vmul.f32 v48, v8;
	[tilespmem:s21+$0xFFFFFF80] =	vst v7;
	v46 =	vsub.f32 v40, v5;
	v47 =	vsub.f32 v42, v4  }
0xb8: {  	v52 =	vsub.f32 v43, v5;
	v53 =	vsub.f32 v44, v4;
	[tilespmem:s22+$0xFFFFFF80] =	vst v6  }
0xb9: {  	v54 =	vsub.f32 v15, v3;
	v57 =	vsub.f32 v40, v43;
	[tilespmem:s23+$0xFFFFFF80] =	vst v51  }
0xba: {  	v58 =	vsub.f32 v42, v44;
	v49 =	vmul.f32 v46, v46;
	v50 =	vmul.f32 v47, v47;
	v56 =	vld [tilespmem:s13+$0xFFFFFF90]  }
0xbb: {  	v55 =	vsub.f32 v11, v3;
	v8 =	vmul.f32 v52, v52;
	v9 =	vmul.f32 v53, v53  }
0xbc: {  	v59 =	vsub.f32 v15, v11;
	v60 =	vmul.f32 v57, v57;
	v61 =	vmul.f32 v58, v58  }
0xbd: {  	v6 =	vmul.f32 v54, v54;
	v7 =	vmul.f32 v55, v55;
	v63 =	vld [tilespmem:s12+$0xFFFFFF90];
	v10 =	vadd.f32 v50, v49  }
0xbe: {  	v8 =	vadd.f32 v9, v8;
	v62 =	vadd.f32 v61, v60;
	v9 =	vmul.f32 v59, v59  }
0xbf: {  	v6 =	vadd.f32 v6, v10  }
0xc0: {  	v7 =	vadd.f32 v7, v8;
	v8 =	vadd.f32 v9, v62  }
0xc1: {  	v24 =	vshra.s32 v6, $0x1  }
0xc2: {  	v25 =	vshra.s32 v7, $0x1;
	v29 =	vshra.s32 v8, $0x1;
	v11 =	vsub.s32 $0x5F0B54EA, v24;
	v27 =	vld.idx.msk [tilespmem:v56+s7+$0x0], $0xffff  }
0xc3: {  	v13 =	vsub.s32 $0x5F0B54EA, v25;
	v16 =	vsub.s32 $0x5F0B54EA, v29;
	v26 =	vmul.f32 v11, v6;
	v30 =	vld.idx.msk [tilespmem:v56+s24+$0x0], $0xffff  }
0xc4: {  	v28 =	vmul.f32 v13, v7;
	v31 =	vmul.f32 v16, v8;
	v12 =	vld.idx.msk [tilespmem:v56+s25+$0x0], $0xffff  }
0xc5: {  	v32 =	vld.idx.msk [tilespmem:v63+s7+$0x0], $0xffff;
	v9 =	vmul.f32 v11, v26  }
0xc6: {  	v33 =	vld.idx.msk [tilespmem:v63+s24+$0x0], $0xffff;
	v15 =	vmul.f32 v13, v28;
	v18 =	vmul.f32 v16, v31  }
0xc7: {  	v9 =	vsub.f32 $1.891199950e+00, v9  }
0xc8: {  	v15 =	vsub.f32 $1.891199950e+00, v15;
	v37 =	vsub.f32 $1.891199950e+00, v18  }
0xc9: {  	v10 =	vld.idx.msk [tilespmem:v63+s25+$0x0], $0xffff;
	v34 =	vsub.f32 v27, v2;
	v35 =	vsub.f32 v30, v0  }
0xca: {  	v41 =	vsub.f32 v12, v1;
	v44 =	vsub.f32 v32, v2;
	v9 =	vmul.f32 v11, v9  }
0xcb: {  	v45 =	vsub.f32 v33, v0;
	v36 =	vmul.f32 v13, v15;
	v40 =	vmul.f32 v16, v37  }
0xcc: {  	v47 =	vsub.f32 v27, v32;
	v38 =	vmul.f32 v34, v34;
	v6 =	vmul.f32 v9, v6  }
0xcd: {  	v48 =	vsub.f32 v30, v33;
	v39 =	vmul.f32 v35, v35;
	v7 =	vmul.f32 v36, v7  }
0xce: {  	v49 =	vsub.f32 v10, v1;
	v46 =	vmul.f32 v41, v41;
	v43 =	vmul.f32 v40, v8;
	[tilespmem:s21+$0xFFFFFF30] =	vst v6  }
0xcf: {  	v10 =	vsub.f32 v12, v10;
	v8 =	vmul.f32 v44, v44;
	v9 =	vmul.f32 v45, v45;
	[tilespmem:s22+$0xFFFFFF30] =	vst v7  }
0xd0: {  	v11 =	vmul.f32 v47, v47;
	v51 =	vmul.f32 v48, v48;
	v42 =	vadd.f32 v39, v38;
	[tilespmem:s23+$0xFFFFFF30] =	vst v43  }
0xd1: {  	v8 =	vadd.f32 v9, v8;
	v6 =	vmul.f32 v49, v49;
	v50 =	vld [tilespmem:s13+$0xFFFFFF40]  }
0xd2: {  	v10 =	vmul.f32 v10, v10;
	v52 =	vadd.f32 v51, v11;
	v7 =	vadd.f32 v46, v42  }
0xd3: {  	v6 =	vadd.f32 v6, v8;
	v53 =	vld [tilespmem:s12+$0xFFFFFF40]  }
0xd4: {  	v9 =	vadd.f32 v10, v52;
	v54 =	vshra.s32 v7, $0x1  }
0xd5: {  	v8 =	vsub.s32 $0x5F0B54EA, v54;
	v55 =	vshra.s32 v6, $0x1  }
0xd6: {  	v57 =	vshra.s32 v9, $0x1;
	v56 =	vmul.f32 v8, v7;
	v10 =	vsub.s32 $0x5F0B54EA, v55  }
0xd7: {  	v13 =	vsub.s32 $0x5F0B54EA, v57;
	v58 =	vmul.f32 v10, v6  }
0xd8: {  	v60 =	vmul.f32 v13, v9;
	v12 =	vmul.f32 v8, v56  }
0xd9: {  	v14 =	vmul.f32 v10, v58;
	v59 =	vld.idx.msk [tilespmem:v50+s7+$0x0], $0xffff  }
0xda: {  	v17 =	vmul.f32 v13, v60;
	v12 =	vsub.f32 $1.891199950e+00, v12;
	v61 =	vld.idx.msk [tilespmem:v50+s24+$0x0], $0xffff  }
0xdb: {  	v14 =	vsub.f32 $1.891199950e+00, v14;
	v62 =	vld.idx.msk [tilespmem:v53+s7+$0x0], $0xffff  }
0xdc: {  	v22 =	vsub.f32 $1.891199950e+00, v17;
	v63 =	vld.idx.msk [tilespmem:v53+s24+$0x0], $0xffff;
	v8 =	vmul.f32 v8, v12  }
0xdd: {  	v15 =	vld.idx.msk [tilespmem:v50+s25+$0x0], $0xffff;
	v10 =	vmul.f32 v10, v14  }
0xde: {  	v25 =	vmul.f32 v13, v22;
	v7 =	vmul.f32 v8, v7  }
0xdf: {  	v11 =	vld.idx.msk [tilespmem:v53+s25+$0x0], $0xffff;
	v6 =	vmul.f32 v10, v6  }
0xe0: {  	v28 =	vmul.f32 v25, v9;
	[tilespmem:s21+$0xFFFFFF90] =	vst v7;
	v23 =	vsub.f32 v59, v5;
	v24 =	vsub.f32 v61, v4  }
0xe1: {  	v29 =	vsub.f32 v62, v5;
	v30 =	vsub.f32 v63, v4;
	[tilespmem:s22+$0xFFFFFF90] =	vst v6  }
0xe2: {  	v31 =	vsub.f32 v15, v3;
	v34 =	vsub.f32 v59, v62;
	[tilespmem:s23+$0xFFFFFF90] =	vst v28  }
0xe3: {  	v35 =	vsub.f32 v61, v63;
	v26 =	vmul.f32 v23, v23;
	v27 =	vmul.f32 v24, v24;
	v33 =	vld [tilespmem:s13+$0xFFFFFFA0]  }
0xe4: {  	v32 =	vsub.f32 v11, v3;
	v8 =	vmul.f32 v29, v29;
	v9 =	vmul.f32 v30, v30  }
0xe5: {  	v36 =	vsub.f32 v15, v11;
	v37 =	vmul.f32 v34, v34;
	v38 =	vmul.f32 v35, v35  }
0xe6: {  	v6 =	vmul.f32 v31, v31;
	v7 =	vmul.f32 v32, v32;
	v40 =	vld [tilespmem:s12+$0xFFFFFFA0];
	v10 =	vadd.f32 v27, v26  }
0xe7: {  	v8 =	vadd.f32 v9, v8;
	v39 =	vadd.f32 v38, v37;
	v9 =	vmul.f32 v36, v36  }
0xe8: {  	v6 =	vadd.f32 v6, v10  }
0xe9: {  	v7 =	vadd.f32 v7, v8;
	v8 =	vadd.f32 v9, v39  }
0xea: {  	v41 =	vshra.s32 v6, $0x1  }
0xeb: {  	v42 =	vshra.s32 v7, $0x1;
	v46 =	vshra.s32 v8, $0x1;
	v11 =	vsub.s32 $0x5F0B54EA, v41;
	v44 =	vld.idx.msk [tilespmem:v33+s7+$0x0], $0xffff  }
0xec: {  	v13 =	vsub.s32 $0x5F0B54EA, v42;
	v16 =	vsub.s32 $0x5F0B54EA, v46;
	v43 =	vmul.f32 v11, v6;
	v47 =	vld.idx.msk [tilespmem:v33+s24+$0x0], $0xffff  }
0xed: {  	v45 =	vmul.f32 v13, v7;
	v48 =	vmul.f32 v16, v8;
	v12 =	vld.idx.msk [tilespmem:v33+s25+$0x0], $0xffff  }
0xee: {  	v49 =	vld.idx.msk [tilespmem:v40+s7+$0x0], $0xffff;
	v9 =	vmul.f32 v11, v43  }
0xef: {  	v50 =	vld.idx.msk [tilespmem:v40+s24+$0x0], $0xffff;
	v15 =	vmul.f32 v13, v45;
	v18 =	vmul.f32 v16, v48  }
0xf0: {  	v9 =	vsub.f32 $1.891199950e+00, v9  }
0xf1: {  	v15 =	vsub.f32 $1.891199950e+00, v15;
	v54 =	vsub.f32 $1.891199950e+00, v18  }
0xf2: {  	v10 =	vld.idx.msk [tilespmem:v40+s25+$0x0], $0xffff;
	v51 =	vsub.f32 v44, v2;
	v52 =	vsub.f32 v47, v0  }
0xf3: {  	v58 =	vsub.f32 v12, v1;
	v60 =	vsub.f32 v49, v2  }
0xf4: {  	v61 =	vsub.f32 v50, v0;
	v9 =	vmul.f32 v11, v9;
	v53 =	vmul.f32 v13, v15  }
0xf5: {  	v14 =	vsub.f32 v44, v49;
	v57 =	vmul.f32 v16, v54;
	v55 =	vmul.f32 v51, v51  }
0xf6: {  	v62 =	vsub.f32 v47, v50;
	v56 =	vmul.f32 v52, v52;
	v11 =	vmul.f32 v58, v58  }
0xf7: {  	v63 =	vsub.f32 v10, v1;
	v15 =	vmul.f32 v61, v61;
	v21 =	vmul.f32 v14, v14  }
0xf8: {  	v20 =	vsub.f32 v12, v10;
	v6 =	vmul.f32 v9, v6;
	v9 =	vmul.f32 v60, v60  }
0xf9: {  	v22 =	vmul.f32 v62, v62;
	v7 =	vmul.f32 v53, v7;
	v59 =	vadd.f32 v56, v55  }
0xfa: {  	v24 =	vmul.f32 v63, v63;
	v8 =	vmul.f32 v57, v8;
	[tilespmem:s21+$0xFFFFFF40] =	vst v6;
	v23 =	vadd.f32 v15, v9  }
0xfb: {  	v10 =	vadd.f32 v22, v21;
	v6 =	vmul.f32 v20, v20;
	[tilespmem:s22+$0xFFFFFF40] =	vst v7;
	v25 =	vadd.f32 v11, v59  }
0xfc: {  	[tilespmem:s23+$0xFFFFFF40] =	vst v8;
	v7 =	vadd.f32 v24, v23  }
0xfd: {  	v6 =	vadd.f32 v6, v10;
	v26 =	vld [tilespmem:s13+$0xFFFFFF50];
	v27 =	vshra.s32 v25, $0x1  }
0xfe: {  	v9 =	vsub.s32 $0x5F0B54EA, v27;
	v29 =	vshra.s32 v7, $0x1  }
0xff: {  	v28 =	vld [tilespmem:s12+$0xFFFFFF50];
	v30 =	vshra.s32 v6, $0x1;
	v13 =	vmul.f32 v9, v25;
	v12 =	vsub.s32 $0x5F0B54EA, v29  }
0x100: {  	v14 =	vsub.s32 $0x5F0B54EA, v30;
	v31 =	vmul.f32 v12, v7  }
0x101: {  	v32 =	vmul.f32 v14, v6;
	v13 =	vmul.f32 v9, v13  }
0x102: {  	v15 =	vmul.f32 v12, v31  }
0x103: {  	v16 =	vmul.f32 v14, v32;
	v13 =	vsub.f32 $1.891199950e+00, v13  }
0x104: {  	v15 =	vsub.f32 $1.891199950e+00, v15  }
0x105: {  	v35 =	vsub.f32 $1.891199950e+00, v16;
	v33 =	vld.idx.msk [tilespmem:v26+s7+$0x0], $0xffff;
	v9 =	vmul.f32 v9, v13  }
0x106: {  	v34 =	vld.idx.msk [tilespmem:v26+s24+$0x0], $0xffff;
	v12 =	vmul.f32 v12, v15  }
0x107: {  	v36 =	vld.idx.msk [tilespmem:v28+s7+$0x0], $0xffff;
	v38 =	vmul.f32 v14, v35;
	v8 =	vmul.f32 v9, v25  }
0x108: {  	v37 =	vld.idx.msk [tilespmem:v28+s24+$0x0], $0xffff;
	v7 =	vmul.f32 v12, v7  }
0x109: {  	v11 =	vld.idx.msk [tilespmem:v26+s25+$0x0], $0xffff;
	v6 =	vmul.f32 v38, v6;
	[tilespmem:s21+$0xFFFFFFA0] =	vst v8  }
0x10a: {  	v10 =	vld.idx.msk [tilespmem:v28+s25+$0x0], $0xffff;
	[tilespmem:s22+$0xFFFFFFA0] =	vst v7  }
0x10b: {  	[tilespmem:s23+$0xFFFFFFA0] =	vst v6  }
0x10c: {  	v39 =	vsub.f32 v33, v5;
	v40 =	vsub.f32 v34, v4;
	v43 =	vld [tilespmem:s13+$0xFFFFFFB0]  }
0x10d: {  	v41 =	vsub.f32 v36, v5;
	v42 =	vsub.f32 v37, v4  }
0x10e: {  	v44 =	vsub.f32 v11, v3;
	v7 =	vmul.f32 v39, v39;
	v8 =	vmul.f32 v40, v40  }
0x10f: {  	v45 =	vsub.f32 v10, v3;
	v6 =	vmul.f32 v41, v41;
	v9 =	vmul.f32 v42, v42;
	v48 =	vld [tilespmem:s12+$0xFFFFFFB0]  }
0x110: {  	v46 =	vmul.f32 v44, v44;
	v7 =	vadd.f32 v8, v7  }
0x111: {  	v50 =	vsub.f32 v33, v36;
	v47 =	vmul.f32 v45, v45;
	v6 =	vadd.f32 v9, v6  }
0x112: {  	v51 =	vsub.f32 v34, v37;
	v7 =	vadd.f32 v46, v7  }
0x113: {  	v10 =	vsub.f32 v11, v10;
	v6 =	vadd.f32 v47, v6  }
0x114: {  	v54 =	vmul.f32 v50, v50;
	v55 =	vmul.f32 v51, v51;
	v49 =	vshra.s32 v7, $0x1;
	v53 =	vld.idx.msk [tilespmem:v43+s7+$0x0], $0xffff  }
0x115: {  	v10 =	vmul.f32 v10, v10;
	v52 =	vshra.s32 v6, $0x1;
	v9 =	vsub.s32 $0x5F0B54EA, v49;
	v56 =	vld.idx.msk [tilespmem:v43+s24+$0x0], $0xffff  }
0x116: {  	v11 =	vadd.f32 v55, v54;
	v15 =	vsub.s32 $0x5F0B54EA, v52;
	v57 =	vmul.f32 v9, v7;
	v12 =	vld.idx.msk [tilespmem:v43+s25+$0x0], $0xffff  }
0x117: {  	v58 =	vmul.f32 v15, v6;
	v61 =	vld.idx.msk [tilespmem:v48+s7+$0x0], $0xffff  }
0x118: {  	v10 =	vadd.f32 v10, v11;
	v62 =	vld.idx.msk [tilespmem:v48+s24+$0x0], $0xffff;
	v59 =	vmul.f32 v9, v57  }
0x119: {  	v60 =	vmul.f32 v15, v58  }
0x11a: {  	v25 =	vshra.s32 v10, $0x1;
	v13 =	vsub.f32 $1.891199950e+00, v59  }
0x11b: {  	v21 =	vsub.s32 $0x5F0B54EA, v25;
	v8 =	vld.idx.msk [tilespmem:v48+s25+$0x0], $0xffff;
	v17 =	vsub.f32 $1.891199950e+00, v60;
	v63 =	vsub.f32 v53, v2  }
0x11c: {  	v26 =	vmul.f32 v21, v10;
	v24 =	vsub.f32 v56, v0;
	v27 =	vsub.f32 v12, v1  }
0x11d: {  	v28 =	vsub.f32 v61, v2;
	v29 =	vsub.f32 v62, v0;
	v9 =	vmul.f32 v9, v13  }
0x11e: {  	v11 =	vsub.f32 v53, v61;
	v15 =	vmul.f32 v15, v17;
	v13 =	vmul.f32 v21, v26  }
0x11f: {  	v14 =	vsub.f32 v56, v62;
	v19 =	vmul.f32 v63, v63;
	v20 =	vmul.f32 v24, v24  }
0x120: {  	v30 =	vsub.f32 v8, v1;
	v17 =	vmul.f32 v27, v27;
	v31 =	vmul.f32 v28, v28  }
0x121: {  	v32 =	vmul.f32 v29, v29;
	v11 =	vmul.f32 v11, v11;
	v13 =	vsub.f32 $1.891199950e+00, v13  }
0x122: {  	v8 =	vsub.f32 v12, v8;
	v33 =	vmul.f32 v14, v14;
	v16 =	vmul.f32 v30, v30  }
0x123: {  	v7 =	vmul.f32 v9, v7;
	v19 =	vadd.f32 v20, v19;
	v35 =	vmul.f32 v21, v13  }
0x124: {  	v8 =	vmul.f32 v8, v8;
	v6 =	vmul.f32 v15, v6;
	v34 =	vadd.f32 v32, v31  }
0x125: {  	v11 =	vadd.f32 v33, v11;
	[tilespmem:s21+$0xFFFFFF50] =	vst v7;
	v17 =	vadd.f32 v17, v19;
	v9 =	vmul.f32 v35, v10  }
0x126: {  	v36 =	vadd.f32 v16, v34;
	[tilespmem:s22+$0xFFFFFF50] =	vst v6  }
0x127: {  	v8 =	vadd.f32 v8, v11;
	v37 =	vshra.s32 v17, $0x1;
	[tilespmem:s23+$0xFFFFFF50] =	vst v9  }
0x128: {  	v39 =	vshra.s32 v36, $0x1;
	v38 =	vsub.s32 $0x5F0B54EA, v37;
	v44 =	vld [tilespmem:s13+$0xFFFFFF60]  }
0x129: {  	v41 =	vshra.s32 v8, $0x1;
	v11 =	vsub.s32 $0x5F0B54EA, v39;
	v40 =	vmul.f32 v38, v17  }
0x12a: {  	v52 =	vld [tilespmem:s13+$0x0];
	v13 =	vsub.s32 $0x5F0B54EA, v41;
	v42 =	vmul.f32 v11, v36  }
0x12b: {  	v43 =	vmul.f32 v13, v8;
	v7 =	vmul.f32 v38, v40  }
0x12c: {  	v6 =	vmul.f32 v11, v42  }
0x12d: {  	v45 =	vld [tilespmem:s12+$0xFFFFFF60];
	v9 =	vmul.f32 v13, v43;
	v7 =	vsub.f32 $1.891199950e+00, v7  }
0x12e: {  	v6 =	vsub.f32 $1.891199950e+00, v6  }
0x12f: {  	v53 =	vld [tilespmem:s12+$0x0];
	v9 =	vsub.f32 $1.891199950e+00, v9;
	v7 =	vmul.f32 v38, v7  }
0x130: {  	v6 =	vmul.f32 v11, v6;
	v19 =	vld.idx.msk [tilespmem:v44+s7+$0x0], $0xffff  }
0x131: {  	v9 =	vmul.f32 v13, v9;
	v7 =	vmul.f32 v7, v17;
	v16 =	vld.idx.msk [tilespmem:v44+s24+$0x0], $0xffff  }
0x132: {  	v56 =	vld.idx.msk [tilespmem:v52+s7+$0x0], $0xffff;
	v6 =	vmul.f32 v6, v36  }
0x133: {  	s0 =	sadd.s32 $0x6, s14;
	v46 =	vmul.f32 v9, v8;
	v15 =	vld.idx.msk [tilespmem:v44+s25+$0x0], $0xffff;
	[tilespmem:s21+$0xFFFFFFB0] =	vst v7  }
0x134: {  	v47 =	vmov s0;
	v26 =	vld.idx.msk [tilespmem:v52+s24+$0x0], $0xffff;
	[tilespmem:s22+$0xFFFFFFB0] =	vst v6  }
0x135: {  	v20 =	vld.idx.msk [tilespmem:v45+s7+$0x0], $0xffff;
	v7 =	vand.u32 $0xFFFFFFFE, v47;
	[tilespmem:s23+$0xFFFFFFB0] =	vst v46  }
0x136: {  	v50 =	vbroadcast v7, $0x0;
	v6 =	vld [tilespmem:s13+$0xFFFFFFC0];
	v48 =	vsub.f32 v19, v5;
	v49 =	vsub.f32 v16, v4  }
0x137: {  	v18 =	vld.idx.msk [tilespmem:v45+s24+$0x0], $0xffff  }
0x138: {  	v27 =	vld.idx.msk [tilespmem:v53+s7+$0x0], $0xffff;
	v51 =	vsub.f32 v15, v3;
	v8 =	vmul.f32 v48, v48;
	v9 =	vmul.f32 v49, v49  }
0x139: {  	v17 =	vld.idx.msk [tilespmem:v45+s25+$0x0], $0xffff  }
0x13a: {  	v29 =	vld.idx.msk [tilespmem:v53+s24+$0x0], $0xffff;
	v7 =	vmul.f32 v51, v51;
	v8 =	vadd.f32 v9, v8  }
0x13b: {  	v11 =	vld.idx.msk [tilespmem:v52+s25+$0x0], $0xffff;
	v57 =	vsub.f32 v20, v5  }
0x13c: {  	v58 =	vsub.f32 v18, v4;
	v12 =	vadd.f32 v7, v8;
	v7 =	vld.idx.msk [tilespmem:v50+s7+$0x0], $0xffff  }
0x13d: {  	v8 =	vld.idx.msk [tilespmem:v50+s24+$0x0], $0xffff  }
0x13e: {  	v59 =	vsub.f32 v17, v3;
	v21 =	vmul.f32 v57, v57;
	v22 =	vmul.f32 v58, v58;
	v24 =	vld.idx.msk [tilespmem:v6+s7+$0x0], $0xffff  }
0x13f: {  	v13 =	vsub.f32 v56, v27;
	v25 =	vld.idx.msk [tilespmem:v6+s24+$0x0], $0xffff  }
0x140: {  	v47 =	vmul.f32 v59, v59;
	v21 =	vadd.f32 v22, v21;
	v23 =	vld.idx.msk [tilespmem:v6+s25+$0x0], $0xffff  }
0x141: {  	v42 =	vmul.f32 v13, v13;
	v6 =	vld.idx.msk [tilespmem:v50+s25+$0x0], $0xffff  }
0x142: {  	v9 =	vld.idx.msk [tilespmem:v53+s25+$0x0], $0xffff;
	v13 =	vadd.f32 v47, v21;
	v54 =	vshra.s32 v12, $0x1;
	v30 =	vsub.f32 v56, v7  }
0x143: {  	v14 =	vsub.s32 $0x5F0B54EA, v54;
	v31 =	vsub.f32 v26, v8;
	v35 =	vsub.f32 v27, v7  }
0x144: {  	s14 =	sadd.s32 $0x7, s14;
	v38 =	vld [tilespmem:s13+$0x80];
	v55 =	vmul.f32 v14, v12;
	v36 =	vsub.f32 v29, v8;
	v26 =	vsub.f32 v26, v29  }
0x145: {  	v37 =	vmov s14;
	v60 =	vsub.f32 v24, v2;
	v32 =	vsub.f32 v25, v0  }
0x146: {  	v10 =	vmul.f32 v14, v55;
	v33 =	vsub.f32 v23, v1;
	v34 =	vsub.f32 v11, v6  }
0x147: {  	v30 =	vmul.f32 v30, v30;
	v31 =	vmul.f32 v31, v31;
	v62 =	vsub.f32 v9, v6  }
0x148: {  	v35 =	vmul.f32 v35, v35;
	v36 =	vmul.f32 v36, v36;
	v9 =	vsub.f32 v11, v9  }
0x149: {  	v43 =	vmul.f32 v26, v26;
	v30 =	vadd.f32 v31, v30;
	v61 =	vmul.f32 v34, v34  }
0x14a: {  	v28 =	vsub.f32 $1.891199950e+00, v10;
	v22 =	vmul.f32 v60, v60;
	v32 =	vmul.f32 v32, v32  }
0x14b: {  	v40 =	vadd.f32 v36, v35;
	v41 =	vmul.f32 v62, v62;
	v31 =	vld [tilespmem:s12+$0xFFFFFFC0];
	v63 =	vadd.f32 v61, v30  }
0x14c: {  	v39 =	vld.idx.msk [tilespmem:v38+s24+$0x0], $0xffff;
	v44 =	vmul.f32 v33, v33;
	v11 =	vadd.f32 v43, v42;
	v46 =	vmul.f32 v9, v9  }
0x14d: {  	v53 =	vld.idx.msk [tilespmem:v38+s7+$0x0], $0xffff;
	v14 =	vmul.f32 v14, v28;
	v29 =	vadd.f32 v41, v40;
	v45 =	vshra.s32 v63, $0x1  }
0x14e: {  	v10 =	vld.idx.msk [tilespmem:v37+s24+$0x0], $0xffff;
	v22 =	vadd.f32 v32, v22;
	v35 =	vadd.f32 v46, v11;
	v48 =	vsub.s32 $0x5F0B54EA, v45  }
0x14f: {  	v32 =	vld [tilespmem:s12+$0x80];
	v40 =	vshra.s32 v13, $0x1;
	v50 =	vshra.s32 v29, $0x1;
	v49 =	vmul.f32 v48, v63  }
0x150: {  	v38 =	vld.idx.msk [tilespmem:v38+s25+$0x0], $0xffff;
	v26 =	vadd.f32 v44, v22;
	v56 =	vshra.s32 v35, $0x1;
	v52 =	vsub.s32 $0x5F0B54EA, v50  }
0x151: {  	v9 =	vld.idx.msk [tilespmem:v37+s7+$0x0], $0xffff;
	v36 =	vsub.s32 $0x5F0B54EA, v56;
	v55 =	vmul.f32 v52, v29;
	v54 =	vmul.f32 v48, v49  }
0x152: {  	v11 =	vld.idx.msk [tilespmem:v37+s25+$0x0], $0xffff;
	v21 =	vsub.s32 $0x5F0B54EA, v40;
	v51 =	vshra.s32 v26, $0x1;
	v44 =	vmul.f32 v36, v35  }
0x153: {  	v41 =	vsub.s32 $0x5F0B54EA, v51;
	v42 =	vld.idx.msk [tilespmem:v31+s7+$0x0], $0xffff;
	v33 =	vmul.f32 v52, v55;
	v43 =	vsub.f32 $1.891199950e+00, v54  }
0x154: {  	v61 =	vsub.f32 v39, v10;
	v51 =	vmul.f32 v21, v13;
	v57 =	vmul.f32 v41, v26;
	v49 =	vld.idx.msk [tilespmem:v31+s24+$0x0], $0xffff  }
0x155: {  	v58 =	vmul.f32 v36, v44;
	v31 =	vld.idx.msk [tilespmem:v31+s25+$0x0], $0xffff;
	v33 =	vsub.f32 $1.891199950e+00, v33;
	v22 =	vmul.f32 v48, v43  }
0x156: {  	v60 =	vsub.f32 v53, v9;
	v44 =	vmul.f32 v61, v61;
	v28 =	vmul.f32 v41, v57  }
0x157: {  	v59 =	vld.idx.msk [tilespmem:v32+s7+$0x0], $0xffff;
	v62 =	vmul.f32 v52, v33;
	v22 =	vmul.f32 v22, v63;
	v63 =	vsub.f32 $1.891199950e+00, v58  }
0x158: {  	v48 =	vld.idx.msk [tilespmem:v32+s24+$0x0], $0xffff;
	v28 =	vsub.f32 $1.891199950e+00, v28;
	v43 =	vmul.f32 v60, v60;
	v52 =	vsub.f32 v38, v11  }
0x159: {  	v50 =	vsub.f32 v42, v2;
	v55 =	vsub.f32 v49, v0;
	v30 =	vmul.f32 v36, v63  }
0x15a: {  	v32 =	vld.idx.msk [tilespmem:v32+s25+$0x0], $0xffff;
	v60 =	vsub.f32 v31, v1;
	v24 =	vsub.f32 v24, v42;
	v27 =	vmul.f32 v62, v29  }
0x15b: {  	v25 =	vsub.f32 v25, v49;
	v23 =	vsub.f32 v23, v31;
	[tilespmem:s21+$0x0] =	vst v22;
	v30 =	vmul.f32 v30, v35  }
0x15c: {  	v43 =	vadd.f32 v44, v43;
	v56 =	vmul.f32 v52, v52;
	v34 =	vsub.f32 v53, v59;
	[tilespmem:s22+$0x0] =	vst v27  }
0x15d: {  	v28 =	vmul.f32 v41, v28;
	v53 =	vsub.f32 v59, v9;
	v33 =	vsub.f32 v48, v10;
	[tilespmem:s23+$0x0] =	vst v30  }
0x15e: {  	v29 =	vmul.f32 v50, v50;
	v24 =	vmul.f32 v24, v24;
	v54 =	vsub.f32 v39, v48;
	v58 =	vld [tilespmem:s13+$0x10]  }
0x15f: {  	v57 =	vsub.f32 v32, v11;
	v35 =	vmul.f32 v53, v53;
	v33 =	vmul.f32 v33, v33  }
0x160: {  	v32 =	vsub.f32 v38, v32;
	v34 =	vmul.f32 v34, v34;
	v36 =	vmul.f32 v54, v54;
	v61 =	vld [tilespmem:s12+$0x10]  }
0x161: {  	v59 =	vadd.f32 v56, v43;
	v30 =	vmul.f32 v57, v57;
	v33 =	vadd.f32 v33, v35  }
0x162: {  	v27 =	vmul.f32 v55, v55;
	v32 =	vmul.f32 v32, v32;
	v34 =	vadd.f32 v36, v34  }
0x163: {  	v25 =	vmul.f32 v25, v25;
	v62 =	vshra.s32 v59, $0x1;
	v30 =	vadd.f32 v30, v33  }
0x164: {  	v27 =	vadd.f32 v27, v29;
	v29 =	vsub.s32 $0x5F0B54EA, v62;
	v32 =	vadd.f32 v32, v34  }
0x165: {  	v23 =	vmul.f32 v23, v23;
	v44 =	vmul.f32 v29, v59;
	v43 =	vshra.s32 v30, $0x1  }
0x166: {  	v63 =	vmul.f32 v60, v60;
	v45 =	vshra.s32 v32, $0x1;
	v34 =	vsub.s32 $0x5F0B54EA, v43;
	v37 =	vld.idx.msk [tilespmem:v58+s7+$0x0], $0xffff  }
0x167: {  	v36 =	vmul.f32 v29, v44;
	v40 =	vsub.s32 $0x5F0B54EA, v45;
	v46 =	vmul.f32 v34, v30;
	v33 =	vld.idx.msk [tilespmem:v58+s24+$0x0], $0xffff  }
0x168: {  	v22 =	vmul.f32 v21, v51;
	v27 =	vadd.f32 v63, v27;
	v47 =	vmul.f32 v40, v32;
	v48 =	vld.idx.msk [tilespmem:v61+s7+$0x0], $0xffff  }
0x169: {  	v26 =	vmul.f32 v28, v26;
	v36 =	vsub.f32 $1.891199950e+00, v36;
	v41 =	vmul.f32 v34, v46;
	v50 =	vld.idx.msk [tilespmem:v61+s24+$0x0], $0xffff  }
0x16a: {  	v24 =	vadd.f32 v25, v24;
	v56 =	vshra.s32 v27, $0x1;
	v42 =	vmul.f32 v40, v47;
	v38 =	vld.idx.msk [tilespmem:v58+s25+$0x0], $0xffff  }
0x16b: {  	v60 =	vsub.s32 $0x5F0B54EA, v56;
	v29 =	vmul.f32 v29, v36;
	v53 =	vld.idx.msk [tilespmem:v61+s25+$0x0], $0xffff;
	v49 =	vsub.f32 $1.891199950e+00, v41  }
0x16c: {  	v23 =	vadd.f32 v23, v24;
	v63 =	vmul.f32 v60, v27;
	v51 =	vsub.f32 $1.891199950e+00, v42  }
0x16d: {  	v29 =	vmul.f32 v29, v59;
	v31 =	vmul.f32 v34, v49;
	v52 =	vsub.f32 v37, v7  }
0x16e: {  	v55 =	vmul.f32 v40, v51;
	v54 =	vsub.f32 v33, v8;
	v61 =	vsub.f32 v48, v7  }
0x16f: {  	v47 =	vshra.s32 v23, $0x1;
	v62 =	vsub.f32 v50, v8;
	v44 =	vsub.f32 v38, v6  }
0x170: {  	v45 =	vsub.f32 v53, v6;
	v30 =	vmul.f32 v31, v30;
	v59 =	vmul.f32 v55, v32  }
0x171: {  	v28 =	vsub.f32 v37, v48;
	v57 =	vmul.f32 v52, v52;
	v58 =	vmul.f32 v54, v54  }
0x172: {  	[tilespmem:s21+$0x80] =	vst v29;
	v25 =	vsub.f32 v33, v50;
	v32 =	vmul.f32 v61, v61;
	v35 =	vmul.f32 v62, v62  }
0x173: {  	v49 =	vsub.s32 $0x5F0B54EA, v47;
	v48 =	vmul.f32 v44, v44;
	v29 =	vmul.f32 v45, v45;
	[tilespmem:s22+$0x80] =	vst v30  }
0x174: {  	v34 =	vsub.f32 v38, v53;
	v28 =	vmul.f32 v28, v28;
	v25 =	vmul.f32 v25, v25;
	[tilespmem:s23+$0x80] =	vst v59  }
0x175: {  	v52 =	vmul.f32 v49, v23;
	v30 =	vmul.f32 v60, v63;
	v46 =	vld [tilespmem:s13+$0x90]  }
0x176: {  	v50 =	vmul.f32 v34, v34;
	v24 =	vadd.f32 v58, v57;
	v32 =	vadd.f32 v35, v32;
	v51 =	vld [tilespmem:s12+$0x90]  }
0x177: {  	v25 =	vadd.f32 v25, v28;
	v55 =	vmul.f32 v49, v52;
	v30 =	vsub.f32 $1.891199950e+00, v30  }
0x178: {  	v24 =	vadd.f32 v48, v24;
	v29 =	vadd.f32 v29, v32  }
0x179: {  	v25 =	vadd.f32 v50, v25;
	v28 =	vsub.f32 $1.891199950e+00, v55  }
0x17a: {  	v30 =	vmul.f32 v60, v30;
	v53 =	vshra.s32 v24, $0x1;
	v54 =	vshra.s32 v29, $0x1  }
0x17b: {  	v58 =	vshra.s32 v25, $0x1;
	v28 =	vmul.f32 v49, v28;
	v34 =	vsub.s32 $0x5F0B54EA, v53  }
0x17c: {  	v36 =	vsub.s32 $0x5F0B54EA, v54;
	v38 =	vsub.s32 $0x5F0B54EA, v58;
	v56 =	vmul.f32 v34, v24  }
0x17d: {  	v57 =	vmul.f32 v36, v29;
	v59 =	vmul.f32 v38, v25;
	v37 =	vld.idx.msk [tilespmem:v46+s7+$0x0], $0xffff  }
0x17e: {  	v27 =	vmul.f32 v30, v27;
	v33 =	vmul.f32 v34, v56;
	v62 =	vld.idx.msk [tilespmem:v51+s7+$0x0], $0xffff  }
0x17f: {  	v31 =	vmul.f32 v36, v57;
	v61 =	vmul.f32 v38, v59;
	v63 =	vld.idx.msk [tilespmem:v51+s24+$0x0], $0xffff  }
0x180: {  	[tilespmem:s21+$0xFFFFFFC0] =	vst v26;
	v23 =	vmul.f32 v28, v23;
	v40 =	vld.idx.msk [tilespmem:v46+s24+$0x0], $0xffff;
	v60 =	vsub.f32 $1.891199950e+00, v33  }
0x181: {  	[tilespmem:s22+$0xFFFFFFC0] =	vst v27;
	v30 =	vld.idx.msk [tilespmem:v46+s25+$0x0], $0xffff;
	v31 =	vsub.f32 $1.891199950e+00, v31;
	v47 =	vsub.f32 $1.891199950e+00, v61  }
0x182: {  	v19 =	vsub.f32 v19, v20;
	[tilespmem:s23+$0xFFFFFFC0] =	vst v23;
	v48 =	vld.idx.msk [tilespmem:v51+s25+$0x0], $0xffff;
	v26 =	vmul.f32 v34, v60  }
0x183: {  	v16 =	vsub.f32 v16, v18;
	v51 =	vld [tilespmem:s13+$0xFFFFFFD0];
	v46 =	vmul.f32 v36, v31;
	v52 =	vmul.f32 v38, v47  }
0x184: {  	v24 =	vmul.f32 v26, v24;
	v56 =	vsub.f32 v62, v9;
	v57 =	vsub.f32 v63, v10  }
0x185: {  	v44 =	vsub.f32 v37, v9;
	v27 =	vmul.f32 v46, v29;
	v55 =	vmul.f32 v52, v25  }
0x186: {  	v45 =	vsub.f32 v40, v10;
	v25 =	vmul.f32 v56, v56;
	v26 =	vmul.f32 v57, v57  }
0x187: {  	v53 =	vsub.f32 v30, v11;
	v59 =	vsub.f32 v37, v62;
	[tilespmem:s21+$0x10] =	vst v24  }
0x188: {  	v28 =	vsub.f32 v40, v63;
	[tilespmem:s22+$0x10] =	vst v27;
	v62 =	vadd.f32 v26, v25;
	v25 =	vld [tilespmem:s12+$0xFFFFFFD0]  }
0x189: {  	v60 =	vsub.f32 v48, v11;
	v49 =	vmul.f32 v44, v44;
	v50 =	vmul.f32 v45, v45;
	[tilespmem:s23+$0x10] =	vst v55  }
0x18a: {  	v23 =	vsub.f32 v30, v48;
	v29 =	vmul.f32 v59, v59;
	v28 =	vmul.f32 v28, v28;
	v61 =	vld [tilespmem:s13+$0x20]  }
0x18b: {  	v15 =	vsub.f32 v15, v17;
	v58 =	vmul.f32 v53, v53;
	v20 =	vld.idx.msk [tilespmem:v51+s25+$0x0], $0xffff;
	v54 =	vadd.f32 v50, v49  }
0x18c: {  	v24 =	vmul.f32 v60, v60;
	v23 =	vmul.f32 v23, v23;
	v42 =	vadd.f32 v28, v29;
	v28 =	vld.idx.msk [tilespmem:v51+s7+$0x0], $0xffff  }
0x18d: {  	v19 =	vmul.f32 v19, v19;
	v16 =	vmul.f32 v16, v16;
	v44 =	vld [tilespmem:s12+$0x20];
	v63 =	vadd.f32 v58, v54  }
0x18e: {  	v18 =	vadd.f32 v24, v62;
	v23 =	vadd.f32 v23, v42  }
0x18f: {  	v15 =	vmul.f32 v15, v15;
	v16 =	vadd.f32 v16, v19;
	v24 =	vld.idx.msk [tilespmem:v51+s24+$0x0], $0xffff  }
0x190: {  	v43 =	vshra.s32 v63, $0x1;
	v45 =	vshra.s32 v18, $0x1;
	v47 =	vshra.s32 v23, $0x1;
	v36 =	vld.idx.msk [tilespmem:v25+s7+$0x0], $0xffff  }
0x191: {  	v52 =	vsub.f32 v20, v1;
	v17 =	vsub.s32 $0x5F0B54EA, v43;
	v27 =	vsub.s32 $0x5F0B54EA, v45;
	v39 =	vld.idx.msk [tilespmem:v25+s24+$0x0], $0xffff  }
0x192: {  	v30 =	vsub.s32 $0x5F0B54EA, v47;
	v50 =	vsub.f32 v28, v2;
	v46 =	vmul.f32 v17, v63;
	v33 =	vld.idx.msk [tilespmem:v61+s7+$0x0], $0xffff  }
0x193: {  	v15 =	vadd.f32 v15, v16;
	v48 =	vmul.f32 v27, v18;
	v49 =	vmul.f32 v30, v23;
	v35 =	vld.idx.msk [tilespmem:v61+s24+$0x0], $0xffff  }
0x194: {  	v54 =	vmul.f32 v52, v52;
	v51 =	vsub.f32 v24, v0;
	v16 =	vmul.f32 v50, v50;
	v32 =	vld.idx.msk [tilespmem:v61+s25+$0x0], $0xffff  }
0x195: {  	v29 =	vmul.f32 v17, v46;
	v31 =	vmul.f32 v27, v48;
	v55 =	vld.idx.msk [tilespmem:v44+s7+$0x0], $0xffff  }
0x196: {  	v22 =	vsub.f32 $1.891199950e+00, v22;
	v34 =	vmul.f32 v30, v49;
	v37 =	vmul.f32 v51, v51;
	v57 =	vld.idx.msk [tilespmem:v44+s24+$0x0], $0xffff  }
0x197: {  	v19 =	vld.idx.msk [tilespmem:v44+s25+$0x0], $0xffff;
	v44 =	vshra.s32 v15, $0x1;
	v29 =	vsub.f32 $1.891199950e+00, v29;
	v31 =	vsub.f32 $1.891199950e+00, v31  }
0x198: {  	v53 =	vsub.f32 $1.891199950e+00, v34;
	v60 =	vadd.f32 v37, v16;
	v16 =	vmul.f32 v21, v22  }
0x199: {  	v17 =	vmul.f32 v17, v29;
	v45 =	vsub.f32 v36, v2;
	v51 =	vsub.f32 v39, v0  }
0x19a: {  	v27 =	vmul.f32 v27, v31;
	v28 =	vsub.f32 v28, v36;
	v24 =	vsub.f32 v24, v39  }
0x19b: {  	v59 =	vmul.f32 v30, v53;
	v56 =	vsub.f32 v33, v7;
	v58 =	vsub.f32 v35, v8  }
0x19c: {  	v27 =	vmul.f32 v27, v18;
	v62 =	vsub.f32 v32, v6;
	v18 =	vadd.f32 v54, v60  }
0x19d: {  	v25 =	vld.idx.msk [tilespmem:v25+s25+$0x0], $0xffff;
	v17 =	vmul.f32 v17, v63;
	v48 =	vsub.f32 v55, v7;
	v49 =	vsub.f32 v57, v8  }
0x19e: {  	v43 =	vmul.f32 v59, v23;
	v52 =	vsub.f32 v19, v6;
	v33 =	vsub.f32 v33, v55  }
0x19f: {  	v31 =	vsub.f32 v35, v57;
	v61 =	vmul.f32 v56, v56;
	v63 =	vmul.f32 v58, v58;
	[tilespmem:s21+$0x90] =	vst v17  }
0x1a0: {  	v19 =	vsub.f32 v32, v19;
	v22 =	vmul.f32 v45, v45;
	v30 =	vmul.f32 v51, v51;
	[tilespmem:s22+$0x90] =	vst v27  }
0x1a1: {  	v28 =	vmul.f32 v28, v28;
	v47 =	vmul.f32 v62, v62;
	v46 =	vadd.f32 v63, v61;
	[tilespmem:s23+$0x90] =	vst v43  }
0x1a2: {  	v55 =	vsub.f32 v25, v1;
	v21 =	vmul.f32 v48, v48;
	v27 =	vmul.f32 v49, v49;
	v50 =	vld [tilespmem:s13+$0xA0]  }
0x1a3: {  	v54 =	vmul.f32 v33, v33;
	v31 =	vmul.f32 v31, v31;
	v23 =	vadd.f32 v47, v46  }
0x1a4: {  	v24 =	vmul.f32 v24, v24;
	v26 =	vmul.f32 v52, v52;
	v21 =	vadd.f32 v27, v21  }
0x1a5: {  	v19 =	vmul.f32 v19, v19;
	v57 =	vadd.f32 v31, v54;
	v58 =	vld [tilespmem:s12+$0xA0];
	v53 =	vshra.s32 v23, $0x1  }
0x1a6: {  	v17 =	vsub.s32 $0x5F0B54EA, v44;
	v21 =	vadd.f32 v26, v21;
	v34 =	vsub.s32 $0x5F0B54EA, v53  }
0x1a7: {  	v59 =	vshra.s32 v18, $0x1;
	v26 =	vadd.f32 v19, v57;
	v56 =	vmul.f32 v34, v23  }
0x1a8: {  	v32 =	vmul.f32 v55, v55;
	v22 =	vadd.f32 v30, v22;
	v62 =	vshra.s32 v21, $0x1  }
0x1a9: {  	v43 =	vshra.s32 v26, $0x1;
	v35 =	vsub.s32 $0x5F0B54EA, v62;
	v60 =	vmul.f32 v34, v56  }
0x1aa: {  	v19 =	vadd.f32 v32, v22;
	v32 =	vsub.s32 $0x5F0B54EA, v43;
	v42 =	vmul.f32 v35, v21;
	v61 =	vld.idx.msk [tilespmem:v50+s7+$0x0], $0xffff  }
0x1ab: {  	v31 =	vsub.s32 $0x5F0B54EA, v59;
	v44 =	vmul.f32 v32, v26;
	v63 =	vld.idx.msk [tilespmem:v50+s24+$0x0], $0xffff;
	v30 =	vsub.f32 $1.891199950e+00, v60  }
0x1ac: {  	v20 =	vsub.f32 v20, v25;
	v45 =	vmul.f32 v31, v18;
	v29 =	vld.idx.msk [tilespmem:v50+s25+$0x0], $0xffff;
	v22 =	vmul.f32 v35, v42  }
0x1ad: {  	v48 =	vmul.f32 v32, v44;
	v49 =	vld.idx.msk [tilespmem:v58+s7+$0x0], $0xffff;
	v30 =	vmul.f32 v34, v30  }
0x1ae: {  	v20 =	vmul.f32 v20, v20;
	v24 =	vadd.f32 v24, v28;
	v50 =	vld.idx.msk [tilespmem:v58+s24+$0x0], $0xffff;
	v22 =	vsub.f32 $1.891199950e+00, v22  }
0x1af: {  	v36 =	vmul.f32 v31, v45;
	v23 =	vmul.f32 v30, v23;
	v30 =	vsub.f32 $1.891199950e+00, v48  }
0x1b0: {  	v52 =	vmul.f32 v17, v15;
	v20 =	vadd.f32 v20, v24;
	v27 =	vld.idx.msk [tilespmem:v58+s25+$0x0], $0xffff;
	v22 =	vmul.f32 v35, v22  }
0x1b1: {  	v36 =	vsub.f32 $1.891199950e+00, v36;
	v46 =	vsub.f32 v61, v9;
	v30 =	vmul.f32 v32, v30  }
0x1b2: {  	v47 =	vsub.f32 v63, v10;
	v51 =	vsub.f32 v29, v11;
	v21 =	vmul.f32 v22, v21  }
0x1b3: {  	v56 =	vsub.f32 v49, v9;
	v57 =	vsub.f32 v50, v10;
	[tilespmem:s21+$0x20] =	vst v23;
	v55 =	vmul.f32 v30, v26  }
0x1b4: {  	v58 =	vsub.f32 v61, v49;
	v38 =	vmul.f32 v46, v46;
	v39 =	vmul.f32 v47, v47;
	[tilespmem:s22+$0x20] =	vst v21  }
0x1b5: {  	v59 =	vsub.f32 v63, v50;
	v60 =	vsub.f32 v27, v11;
	v54 =	vmul.f32 v51, v51;
	[tilespmem:s23+$0x20] =	vst v55  }
0x1b6: {  	v25 =	vmul.f32 v56, v56;
	v53 =	vadd.f32 v39, v38;
	v26 =	vmul.f32 v57, v57;
	v61 =	vld [tilespmem:s13+$0x30]  }
0x1b7: {  	v27 =	vsub.f32 v29, v27;
	v62 =	vmul.f32 v59, v59;
	v21 =	vmul.f32 v58, v58  }
0x1b8: {  	v23 =	vmul.f32 v60, v60;
	v22 =	vadd.f32 v54, v53;
	v25 =	vadd.f32 v26, v25;
	v63 =	vld [tilespmem:s12+$0x30]  }
0x1b9: {  	v43 =	vshra.s32 v19, $0x1;
	v27 =	vmul.f32 v27, v27;
	v21 =	vadd.f32 v62, v21  }
0x1ba: {  	v32 =	vmul.f32 v17, v52;
	v41 =	vshra.s32 v22, $0x1;
	v23 =	vadd.f32 v23, v25  }
0x1bb: {  	v30 =	vmul.f32 v31, v36;
	v21 =	vadd.f32 v27, v21;
	v42 =	vsub.s32 $0x5F0B54EA, v41  }
0x1bc: {  	v25 =	vsub.s32 $0x5F0B54EA, v43;
	v31 =	vmul.f32 v42, v22;
	v44 =	vshra.s32 v23, $0x1  }
0x1bd: {  	v46 =	vshra.s32 v21, $0x1;
	v50 =	vmul.f32 v25, v19;
	v27 =	vsub.s32 $0x5F0B54EA, v44  }
0x1be: {  	v45 =	vmul.f32 v42, v31;
	v47 =	vmul.f32 v27, v23;
	v31 =	vsub.s32 $0x5F0B54EA, v46;
	v48 =	vld.idx.msk [tilespmem:v61+s7+$0x0], $0xffff  }
0x1bf: {  	v55 =	vmul.f32 v25, v50;
	v49 =	vmul.f32 v31, v21;
	v51 =	vld.idx.msk [tilespmem:v61+s24+$0x0], $0xffff  }
0x1c0: {  	v52 =	vshra.s32 v20, $0x1;
	v28 =	vsub.f32 $1.891199950e+00, v45;
	v34 =	vmul.f32 v27, v47;
	v53 =	vld.idx.msk [tilespmem:v63+s7+$0x0], $0xffff  }
0x1c1: {  	v56 =	vsub.s32 $0x5F0B54EA, v52;
	v35 =	vsub.f32 $1.891199950e+00, v55;
	v54 =	vmul.f32 v31, v49;
	v57 =	vld.idx.msk [tilespmem:v63+s24+$0x0], $0xffff  }
0x1c2: {  	v58 =	vmul.f32 v56, v20;
	v33 =	vld.idx.msk [tilespmem:v61+s25+$0x0], $0xffff;
	v28 =	vmul.f32 v42, v28;
	v34 =	vsub.f32 $1.891199950e+00, v34  }
0x1c3: {  	v18 =	vmul.f32 v30, v18;
	v26 =	vld.idx.msk [tilespmem:v63+s25+$0x0], $0xffff;
	v25 =	vmul.f32 v25, v35;
	v29 =	vsub.f32 $1.891199950e+00, v54  }
0x1c4: {  	v22 =	vmul.f32 v28, v22;
	v27 =	vmul.f32 v27, v34;
	v59 =	vsub.f32 v48, v7  }
0x1c5: {  	v28 =	vmul.f32 v56, v58;
	v60 =	vsub.f32 v51, v8;
	v24 =	vsub.f32 v48, v53  }
0x1c6: {  	v29 =	vmul.f32 v31, v29;
	v39 =	vsub.f32 v53, v7;
	v37 =	vsub.f32 v51, v57  }
0x1c7: {  	v38 =	vsub.f32 v57, v8;
	v23 =	vmul.f32 v27, v23;
	v61 =	vsub.f32 v33, v6  }
0x1c8: {  	[tilespmem:s21+$0xA0] =	vst v22;
	v62 =	vsub.f32 v26, v6;
	v21 =	vmul.f32 v29, v21;
	v34 =	vmul.f32 v59, v59  }
0x1c9: {  	v40 =	vsub.f32 v33, v26;
	v31 =	vmul.f32 v60, v60;
	v63 =	vmul.f32 v39, v39;
	[tilespmem:s22+$0xA0] =	vst v23  }
0x1ca: {  	v44 =	vsub.f32 $1.891199950e+00, v28;
	v38 =	vmul.f32 v38, v38;
	v24 =	vmul.f32 v24, v24;
	[tilespmem:s23+$0xA0] =	vst v21  }
0x1cb: {  	v41 =	vmul.f32 v37, v37;
	v27 =	vmul.f32 v61, v61;
	v42 =	vadd.f32 v31, v34;
	v43 =	vld [tilespmem:s13+$0xB0]  }
0x1cc: {  	v22 =	vmul.f32 v62, v62;
	v23 =	vmul.f32 v40, v40;
	v29 =	vadd.f32 v38, v63  }
0x1cd: {  	v45 =	vmul.f32 v56, v44;
	v24 =	vadd.f32 v41, v24;
	v21 =	vadd.f32 v27, v42  }
0x1ce: {  	v19 =	vmul.f32 v25, v19;
	v49 =	vld [tilespmem:s12+$0xB0];
	v22 =	vadd.f32 v22, v29  }
0x1cf: {  	[tilespmem:s21+$0xFFFFFFD0] =	vst v18;
	v53 =	vmul.f32 v45, v20;
	v23 =	vadd.f32 v23, v24;
	v46 =	vshra.s32 v21, $0x1  }
0x1d0: {  	[tilespmem:s22+$0xFFFFFFD0] =	vst v19;
	v47 =	vshra.s32 v22, $0x1;
	v25 =	vsub.s32 $0x5F0B54EA, v46  }
0x1d1: {  	[tilespmem:s23+$0xFFFFFFD0] =	vst v53;
	v48 =	vshra.s32 v23, $0x1;
	v26 =	vsub.s32 $0x5F0B54EA, v47;
	v50 =	vmul.f32 v25, v21  }
0x1d2: {  	v18 =	vld [tilespmem:s13+$0xFFFFFFE0];
	v27 =	vsub.s32 $0x5F0B54EA, v48;
	v51 =	vmul.f32 v26, v22  }
0x1d3: {  	v32 =	vsub.f32 $1.891199950e+00, v32;
	v52 =	vmul.f32 v27, v23;
	v54 =	vmul.f32 v25, v50;
	v55 =	vld.idx.msk [tilespmem:v43+s7+$0x0], $0xffff  }
0x1d4: {  	v56 =	vmul.f32 v26, v51;
	v58 =	vld.idx.msk [tilespmem:v43+s24+$0x0], $0xffff  }
0x1d5: {  	v59 =	vmul.f32 v17, v32;
	v57 =	vmul.f32 v27, v52;
	v32 =	vld.idx.msk [tilespmem:v43+s25+$0x0], $0xffff;
	v60 =	vsub.f32 $1.891199950e+00, v54  }
0x1d6: {  	v12 =	vmul.f32 v14, v12;
	v35 =	vld.idx.msk [tilespmem:v49+s7+$0x0], $0xffff;
	v61 =	vsub.f32 $1.891199950e+00, v56  }
0x1d7: {  	v13 =	vmul.f32 v16, v13;
	v36 =	vld.idx.msk [tilespmem:v49+s24+$0x0], $0xffff;
	v62 =	vsub.f32 $1.891199950e+00, v57;
	v29 =	vmul.f32 v25, v60  }
0x1d8: {  	[tilespmem:s21+$0xFFFFFF60] =	vst v12;
	v63 =	vmul.f32 v59, v15;
	v33 =	vmul.f32 v26, v61  }
0x1d9: {  	[tilespmem:s22+$0xFFFFFF60] =	vst v13;
	v41 =	vld.idx.msk [tilespmem:v49+s25+$0x0], $0xffff;
	v34 =	vmul.f32 v27, v62;
	v14 =	vmul.f32 v29, v21  }
0x1da: {  	[tilespmem:s23+$0xFFFFFF60] =	vst v63;
	v37 =	vsub.f32 v55, v9;
	v38 =	vsub.f32 v58, v10;
	v39 =	vmul.f32 v33, v22  }
0x1db: {  	v44 =	vsub.f32 v32, v11;
	v47 =	vsub.f32 v35, v9;
	v40 =	vmul.f32 v34, v23;
	[tilespmem:s21+$0x30] =	vst v14  }
0x1dc: {  	v48 =	vsub.f32 v36, v10;
	v24 =	vsub.f32 v55, v35;
	v42 =	vmul.f32 v37, v37;
	[tilespmem:s22+$0x30] =	vst v39  }
0x1dd: {  	v19 =	vsub.f32 v58, v36;
	v43 =	vmul.f32 v38, v38;
	v12 =	vmul.f32 v44, v44;
	v14 =	vld [tilespmem:s13+$0xFFFFFF70];
	[tilespmem:s23+$0x30] =	vst v40  }
0x1de: {  	v49 =	vsub.f32 v41, v11;
	v21 =	vmul.f32 v47, v47;
	v23 =	vmul.f32 v48, v48;
	v46 =	vld [tilespmem:s13+$0x40]  }
0x1df: {  	v15 =	vld.idx.msk [tilespmem:v18+s7+$0x0], $0xffff;
	v17 =	vsub.f32 v32, v41;
	v50 =	vmul.f32 v24, v24;
	v19 =	vmul.f32 v19, v19  }
0x1e0: {  	v52 =	vmul.f32 v49, v49;
	v45 =	vadd.f32 v43, v42;
	v21 =	vadd.f32 v23, v21  }
0x1e1: {  	v53 =	vmul.f32 v17, v17;
	v19 =	vadd.f32 v19, v50;
	v51 =	vld [tilespmem:s12+$0x40]  }
0x1e2: {  	v16 =	vld.idx.msk [tilespmem:v18+s24+$0x0], $0xffff;
	v13 =	vadd.f32 v12, v45;
	v21 =	vadd.f32 v52, v21  }
0x1e3: {  	v19 =	vadd.f32 v53, v19  }
0x1e4: {  	v17 =	vld.idx.msk [tilespmem:v18+s25+$0x0], $0xffff;
	v54 =	vsub.f32 v15, v2;
	v55 =	vshra.s32 v13, $0x1;
	v58 =	vshra.s32 v21, $0x1  }
0x1e5: {  	v61 =	vshra.s32 v19, $0x1;
	v23 =	vsub.s32 $0x5F0B54EA, v55;
	v26 =	vsub.s32 $0x5F0B54EA, v58;
	v12 =	vld.idx.msk [tilespmem:v14+s7+$0x0], $0xffff  }
0x1e6: {  	v29 =	vsub.s32 $0x5F0B54EA, v61;
	v60 =	vmul.f32 v23, v13;
	v62 =	vmul.f32 v26, v21;
	v57 =	vld.idx.msk [tilespmem:v46+s7+$0x0], $0xffff  }
0x1e7: {  	v56 =	vsub.f32 v16, v0;
	v18 =	vmul.f32 v54, v54;
	v40 =	vmul.f32 v29, v19;
	v59 =	vld.idx.msk [tilespmem:v46+s24+$0x0], $0xffff  }
0x1e8: {  	v28 =	vmul.f32 v23, v60;
	v30 =	vmul.f32 v26, v62;
	v20 =	vld.idx.msk [tilespmem:v46+s25+$0x0], $0xffff  }
0x1e9: {  	v22 =	vmul.f32 v56, v56;
	v41 =	vsub.f32 v17, v1;
	v32 =	vmul.f32 v29, v40;
	v42 =	vld.idx.msk [tilespmem:v51+s7+$0x0], $0xffff  }
0x1ea: {  	v43 =	vld.idx.msk [tilespmem:v51+s24+$0x0], $0xffff;
	v28 =	vsub.f32 $1.891199950e+00, v28;
	v30 =	vsub.f32 $1.891199950e+00, v30  }
0x1eb: {  	v18 =	vadd.f32 v22, v18;
	v33 =	vmul.f32 v41, v41;
	v24 =	vld.idx.msk [tilespmem:v51+s25+$0x0], $0xffff;
	v46 =	vsub.f32 $1.891199950e+00, v32  }
0x1ec: {  	v63 =	vsub.f32 v12, v5;
	v23 =	vmul.f32 v23, v28;
	v26 =	vmul.f32 v26, v30  }
0x1ed: {  	v49 =	vmul.f32 v29, v46;
	v44 =	vsub.f32 v57, v7;
	v45 =	vsub.f32 v59, v8  }
0x1ee: {  	v13 =	vmul.f32 v23, v13;
	v48 =	vsub.f32 v20, v6;
	v50 =	vsub.f32 v42, v7  }
0x1ef: {  	v21 =	vmul.f32 v26, v21;
	v51 =	vsub.f32 v43, v8;
	v25 =	vsub.f32 v57, v42  }
0x1f0: {  	v53 =	vmul.f32 v49, v19;
	v52 =	vsub.f32 v59, v43;
	v54 =	vsub.f32 v24, v6  }
0x1f1: {  	v19 =	vld [tilespmem:s12+$0xFFFFFFE0];
	v20 =	vsub.f32 v20, v24;
	[tilespmem:s21+$0xB0] =	vst v13;
	v36 =	vmul.f32 v44, v44;
	v47 =	vmul.f32 v45, v45  }
0x1f2: {  	v24 =	vadd.f32 v33, v18;
	v55 =	vmul.f32 v50, v50;
	v56 =	vmul.f32 v51, v51;
	[tilespmem:s22+$0xB0] =	vst v21  }
0x1f3: {  	v13 =	vld.idx.msk [tilespmem:v14+s24+$0x0], $0xffff;
	v57 =	vmul.f32 v25, v25;
	v58 =	vmul.f32 v52, v52;
	[tilespmem:s23+$0xB0] =	vst v53  }
0x1f4: {  	v59 =	vmul.f32 v48, v48;
	v23 =	vmul.f32 v54, v54;
	v22 =	vadd.f32 v47, v36;
	v61 =	vld [tilespmem:s13+$0xC0]  }
0x1f5: {  	v20 =	vmul.f32 v20, v20;
	v39 =	vshra.s32 v24, $0x1;
	v60 =	vadd.f32 v56, v55  }
0x1f6: {  	v25 =	vsub.s32 $0x5F0B54EA, v39;
	v21 =	vadd.f32 v58, v57;
	v22 =	vadd.f32 v59, v22  }
0x1f7: {  	v63 =	vmul.f32 v63, v63;
	v62 =	vld [tilespmem:s12+$0xC0];
	v47 =	vmul.f32 v25, v24;
	v23 =	vadd.f32 v23, v60  }
0x1f8: {  	v20 =	vadd.f32 v20, v21;
	v46 =	vsub.f32 v13, v4;
	v40 =	vshra.s32 v22, $0x1  }
0x1f9: {  	v36 =	vmul.f32 v25, v47;
	v30 =	vld.idx.msk [tilespmem:v19+s7+$0x0], $0xffff;
	v41 =	vshra.s32 v23, $0x1;
	v26 =	vsub.s32 $0x5F0B54EA, v40  }
0x1fa: {  	v32 =	vld.idx.msk [tilespmem:v19+s24+$0x0], $0xffff;
	v42 =	vshra.s32 v20, $0x1;
	v28 =	vsub.s32 $0x5F0B54EA, v41;
	v43 =	vmul.f32 v26, v22  }
0x1fb: {  	v19 =	vld.idx.msk [tilespmem:v19+s25+$0x0], $0xffff;
	v35 =	vmul.f32 v46, v46;
	v29 =	vsub.s32 $0x5F0B54EA, v42;
	v44 =	vmul.f32 v28, v23  }
0x1fc: {  	v45 =	vmul.f32 v29, v20;
	v31 =	vmul.f32 v26, v43;
	v48 =	vld.idx.msk [tilespmem:v61+s7+$0x0], $0xffff  }
0x1fd: {  	v51 =	vsub.f32 $1.891199950e+00, v36;
	v33 =	vmul.f32 v28, v44;
	v49 =	vld.idx.msk [tilespmem:v61+s24+$0x0], $0xffff  }
0x1fe: {  	v18 =	vadd.f32 v35, v63;
	v34 =	vmul.f32 v29, v45;
	v27 =	vld.idx.msk [tilespmem:v61+s25+$0x0], $0xffff;
	v31 =	vsub.f32 $1.891199950e+00, v31  }
0x1ff: {  	v51 =	vmul.f32 v25, v51;
	v50 =	vld.idx.msk [tilespmem:v62+s7+$0x0], $0xffff;
	v53 =	vsub.f32 v30, v2;
	v33 =	vsub.f32 $1.891199950e+00, v33  }
0x200: {  	v52 =	vld.idx.msk [tilespmem:v62+s24+$0x0], $0xffff;
	v56 =	vsub.f32 v32, v0;
	v34 =	vsub.f32 $1.891199950e+00, v34;
	v26 =	vmul.f32 v26, v31  }
0x201: {  	v41 =	vsub.f32 v19, v1;
	v15 =	vsub.f32 v15, v30;
	v28 =	vmul.f32 v28, v33  }
0x202: {  	v21 =	vld.idx.msk [tilespmem:v62+s25+$0x0], $0xffff;
	v16 =	vsub.f32 v16, v32;
	v29 =	vmul.f32 v29, v34;
	v22 =	vmul.f32 v26, v22  }
0x203: {  	v17 =	vsub.f32 v17, v19;
	v54 =	vsub.f32 v48, v9;
	v23 =	vmul.f32 v28, v23  }
0x204: {  	v55 =	vsub.f32 v49, v10;
	v57 =	vsub.f32 v27, v11;
	v20 =	vmul.f32 v29, v20;
	[tilespmem:s21+$0x40] =	vst v22  }
0x205: {  	v44 =	vmul.f32 v53, v53;
	v59 =	vsub.f32 v50, v9;
	v60 =	vsub.f32 v52, v10;
	[tilespmem:s22+$0x40] =	vst v23  }
0x206: {  	v62 =	vsub.f32 v48, v50;
	v31 =	vsub.f32 v49, v52;
	v26 =	vmul.f32 v54, v54;
	[tilespmem:s23+$0x40] =	vst v20  }
0x207: {  	v40 =	vsub.f32 v21, v11;
	v58 =	vmul.f32 v55, v55;
	v34 =	vmul.f32 v60, v60;
	v63 =	vld [tilespmem:s13+$0x50]  }
0x208: {  	v21 =	vsub.f32 v27, v21;
	v43 =	vmul.f32 v31, v31;
	v23 =	vmul.f32 v59, v59  }
0x209: {  	v22 =	vmul.f32 v57, v57;
	v61 =	vadd.f32 v58, v26;
	v26 =	vmul.f32 v62, v62;
	v45 =	vld [tilespmem:s12+$0x50]  }
0x20a: {  	v15 =	vmul.f32 v15, v15;
	v42 =	vmul.f32 v40, v40;
	v23 =	vadd.f32 v34, v23  }
0x20b: {  	v14 =	vld.idx.msk [tilespmem:v14+s25+$0x0], $0xffff;
	v21 =	vmul.f32 v21, v21;
	v20 =	vadd.f32 v22, v61;
	v46 =	vadd.f32 v43, v26  }
0x20c: {  	v16 =	vmul.f32 v16, v16;
	v28 =	vmul.f32 v56, v56;
	v22 =	vadd.f32 v42, v23  }
0x20d: {  	v48 =	vmul.f32 v41, v41;
	v49 =	vshra.s32 v20, $0x1;
	v21 =	vadd.f32 v21, v46  }
0x20e: {  	v47 =	vadd.f32 v28, v44;
	v28 =	vsub.s32 $0x5F0B54EA, v49;
	v50 =	vshra.s32 v22, $0x1  }
0x20f: {  	v52 =	vmul.f32 v28, v20;
	v55 =	vshra.s32 v21, $0x1;
	v31 =	vsub.s32 $0x5F0B54EA, v50;
	v25 =	vld.idx.msk [tilespmem:v63+s7+$0x0], $0xffff  }
0x210: {  	v56 =	vsub.f32 v14, v3;
	v36 =	vsub.s32 $0x5F0B54EA, v55;
	v54 =	vmul.f32 v31, v22;
	v53 =	vld.idx.msk [tilespmem:v63+s24+$0x0], $0xffff  }
0x211: {  	v26 =	vadd.f32 v48, v47;
	v34 =	vmul.f32 v28, v52;
	v58 =	vmul.f32 v36, v21;
	v59 =	vld.idx.msk [tilespmem:v45+s7+$0x0], $0xffff  }
0x212: {  	v15 =	vadd.f32 v16, v15;
	v37 =	vmul.f32 v56, v56;
	v57 =	vmul.f32 v31, v54;
	v61 =	vld.idx.msk [tilespmem:v45+s24+$0x0], $0xffff  }
0x213: {  	v42 =	vshra.s32 v26, $0x1;
	v60 =	vsub.f32 $1.891199950e+00, v34;
	v62 =	vmul.f32 v36, v58;
	v29 =	vld.idx.msk [tilespmem:v63+s25+$0x0], $0xffff  }
0x214: {  	v23 =	vmul.f32 v51, v24;
	v33 =	vld.idx.msk [tilespmem:v45+s25+$0x0], $0xffff;
	v34 =	vsub.s32 $0x5F0B54EA, v42;
	v30 =	vsub.f32 $1.891199950e+00, v57  }
0x215: {  	v51 =	vmul.f32 v34, v26;
	v28 =	vmul.f32 v28, v60;
	v41 =	vsub.f32 $1.891199950e+00, v62  }
0x216: {  	v57 =	vmul.f32 v17, v17;
	v30 =	vmul.f32 v31, v30;
	v63 =	vsub.f32 v25, v7  }
0x217: {  	v43 =	vmul.f32 v36, v41;
	v40 =	vsub.f32 v53, v8;
	v44 =	vsub.f32 v59, v7  }
0x218: {  	v20 =	vmul.f32 v28, v20;
	v45 =	vsub.f32 v61, v8;
	v46 =	vsub.f32 v29, v6  }
0x219: {  	v55 =	vsub.f32 v29, v33;
	v29 =	vld [tilespmem:s12+$0xFFFFFF70];
	v22 =	vmul.f32 v30, v22;
	v47 =	vmul.f32 v43, v21  }
0x21a: {  	v24 =	vsub.f32 v25, v59;
	v35 =	vmul.f32 v63, v63;
	v32 =	vmul.f32 v40, v40  }
0x21b: {  	v19 =	vsub.f32 v53, v61;
	v49 =	vmul.f32 v44, v44;
	v50 =	vmul.f32 v45, v45  }
0x21c: {  	v48 =	vsub.f32 v33, v6;
	[tilespmem:s21+$0xC0] =	vst v20;
	v52 =	vmul.f32 v46, v46;
	v24 =	vmul.f32 v24, v24  }
0x21d: {  	v16 =	vadd.f32 v57, v15;
	v19 =	vmul.f32 v19, v19;
	[tilespmem:s22+$0xC0] =	vst v22;
	v22 =	vmul.f32 v34, v51  }
0x21e: {  	v21 =	vmul.f32 v48, v48;
	v32 =	vadd.f32 v32, v35;
	[tilespmem:s23+$0xC0] =	vst v47;
	v53 =	vadd.f32 v50, v49  }
0x21f: {  	v56 =	vmul.f32 v55, v55;
	v19 =	vadd.f32 v19, v24;
	v54 =	vld [tilespmem:s13+$0xD0];
	v22 =	vsub.f32 $1.891199950e+00, v22  }
0x220: {  	v40 =	vshra.s32 v16, $0x1;
	v59 =	vld [tilespmem:s12+$0xD0];
	v20 =	vadd.f32 v52, v32;
	v21 =	vadd.f32 v21, v53  }
0x221: {  	v19 =	vadd.f32 v56, v19;
	v32 =	vsub.s32 $0x5F0B54EA, v40;
	v22 =	vmul.f32 v34, v22;
	v34 =	vld.idx.msk [tilespmem:v29+s7+$0x0], $0xffff  }
0x222: {  	v43 =	vmul.f32 v32, v16;
	v58 =	vshra.s32 v20, $0x1;
	v57 =	vld.idx.msk [tilespmem:v29+s24+$0x0], $0xffff  }
0x223: {  	v25 =	vshra.s32 v21, $0x1;
	v62 =	vshra.s32 v19, $0x1;
	v29 =	vld.idx.msk [tilespmem:v29+s25+$0x0], $0xffff;
	v17 =	vsub.s32 $0x5F0B54EA, v58  }
0x224: {  	v25 =	vsub.s32 $0x5F0B54EA, v25;
	v47 =	vmul.f32 v32, v43;
	v60 =	vmul.f32 v17, v20  }
0x225: {  	v30 =	vsub.s32 $0x5F0B54EA, v62;
	v45 =	vmul.f32 v22, v26;
	v61 =	vmul.f32 v25, v21  }
0x226: {  	v41 =	vmul.f32 v30, v19;
	v26 =	vsub.f32 $1.891199950e+00, v47;
	v28 =	vmul.f32 v17, v60  }
0x227: {  	v15 =	vmul.f32 v25, v61;
	v63 =	vld.idx.msk [tilespmem:v54+s7+$0x0], $0xffff;
	v5 =	vsub.f32 v34, v5;
	v4 =	vsub.f32 v57, v4  }
0x228: {  	v42 =	vld.idx.msk [tilespmem:v54+s24+$0x0], $0xffff;
	v26 =	vmul.f32 v32, v26;
	v3 =	vsub.f32 v29, v3;
	v13 =	vsub.f32 v13, v57  }
0x229: {  	v33 =	vmul.f32 v30, v41;
	v46 =	vld.idx.msk [tilespmem:v54+s25+$0x0], $0xffff;
	v28 =	vsub.f32 $1.891199950e+00, v28;
	v44 =	vsub.f32 $1.891199950e+00, v15  }
0x22a: {  	v49 =	vld.idx.msk [tilespmem:v59+s7+$0x0], $0xffff;
	v15 =	vadd.f32 v37, v18;
	v16 =	vmul.f32 v26, v16;
	v5 =	vmul.f32 v5, v5  }
0x22b: {  	v50 =	vld.idx.msk [tilespmem:v59+s24+$0x0], $0xffff;
	v48 =	vsub.f32 $1.891199950e+00, v33;
	v4 =	vmul.f32 v4, v4;
	v3 =	vmul.f32 v3, v3  }
0x22c: {  	v13 =	vmul.f32 v13, v13;
	v17 =	vmul.f32 v17, v28;
	v54 =	vshra.s32 v15, $0x1  }
0x22d: {  	v24 =	vld.idx.msk [tilespmem:v59+s25+$0x0], $0xffff;
	v25 =	vmul.f32 v25, v44;
	v53 =	vmul.f32 v30, v48;
	v27 =	vsub.s32 $0x5F0B54EA, v54  }
0x22e: {  	[tilespmem:s21+$0xFFFFFFE0] =	vst v23;
	v17 =	vmul.f32 v17, v20;
	v51 =	vsub.f32 v63, v9;
	v52 =	vsub.f32 v42, v10  }
0x22f: {  	[tilespmem:s22+$0xFFFFFFE0] =	vst v45;
	v21 =	vmul.f32 v25, v21;
	v58 =	vmul.f32 v27, v15;
	v59 =	vsub.f32 v46, v11  }
0x230: {  	[tilespmem:s23+$0xFFFFFFE0] =	vst v16;
	v19 =	vmul.f32 v53, v19;
	v60 =	vsub.f32 v49, v9;
	v61 =	vsub.f32 v50, v10  }
0x231: {  	v28 =	vsub.f32 v63, v49;
	v20 =	vsub.f32 v42, v50;
	v41 =	vld [tilespmem:s13+$0xFFFFFFF0];
	v55 =	vmul.f32 v51, v51;
	[tilespmem:s21+$0x50] =	vst v17  }
0x232: {  	v62 =	vsub.f32 v24, v11;
	v56 =	vmul.f32 v52, v52;
	v33 =	vmul.f32 v59, v59;
	[tilespmem:s22+$0x50] =	vst v21  }
0x233: {  	v22 =	vsub.f32 v46, v24;
	v25 =	vmul.f32 v61, v61;
	v21 =	vmul.f32 v60, v60;
	[tilespmem:s23+$0x50] =	vst v19  }
0x234: {  	v35 =	vmul.f32 v28, v28;
	v20 =	vmul.f32 v20, v20;
	v30 =	vadd.f32 v56, v55;
	v63 =	vld [tilespmem:s13+$0x60]  }
0x235: {  	v52 =	vsub.f32 v12, v34;
	v19 =	vmul.f32 v62, v62;
	v21 =	vadd.f32 v25, v21  }
0x236: {  	v22 =	vmul.f32 v22, v22;
	v20 =	vadd.f32 v20, v35;
	v37 =	vadd.f32 v33, v30  }
0x237: {  	v17 =	vmul.f32 v27, v58;
	v58 =	vmul.f32 v52, v52;
	v44 =	vld [tilespmem:s12+$0x60];
	v19 =	vadd.f32 v19, v21  }
0x238: {  	v4 =	vadd.f32 v4, v5;
	v20 =	vadd.f32 v22, v20;
	v38 =	vshra.s32 v37, $0x1  }
0x239: {  	v31 =	vadd.f32 v13, v58;
	v12 =	vld.idx.msk [tilespmem:v41+s7+$0x0], $0xffff;
	v39 =	vsub.s32 $0x5F0B54EA, v38;
	v40 =	vshra.s32 v19, $0x1  }
0x23a: {  	v43 =	vshra.s32 v20, $0x1;
	v13 =	vld.idx.msk [tilespmem:v41+s24+$0x0], $0xffff;
	v42 =	vmul.f32 v39, v37;
	v18 =	vsub.s32 $0x5F0B54EA, v40  }
0x23b: {  	v4 =	vadd.f32 v3, v4;
	v21 =	vld.idx.msk [tilespmem:v41+s25+$0x0], $0xffff;
	v23 =	vsub.s32 $0x5F0B54EA, v43;
	v45 =	vmul.f32 v18, v19  }
0x23c: {  	v14 =	vsub.f32 v14, v29;
	v47 =	vmul.f32 v23, v20;
	v22 =	vmul.f32 v39, v42;
	v46 =	vld.idx.msk [tilespmem:v63+s7+$0x0], $0xffff  }
0x23d: {  	v60 =	vshra.s32 v4, $0x1;
	v62 =	vsub.f32 $1.891199950e+00, v17;
	v48 =	vld.idx.msk [tilespmem:v63+s24+$0x0], $0xffff;
	v49 =	vmul.f32 v18, v45  }
0x23e: {  	v17 =	vsub.s32 $0x5F0B54EA, v60;
	v50 =	vmul.f32 v23, v47;
	v51 =	vld.idx.msk [tilespmem:v63+s25+$0x0], $0xffff;
	v22 =	vsub.f32 $1.891199950e+00, v22  }
0x23f: {  	v35 =	vmul.f32 v17, v4;
	v59 =	vld.idx.msk [tilespmem:v44+s7+$0x0], $0xffff;
	v5 =	vsub.f32 $1.891199950e+00, v49  }
0x240: {  	v33 =	vmul.f32 v14, v14;
	v61 =	vld.idx.msk [tilespmem:v44+s24+$0x0], $0xffff;
	v54 =	vsub.f32 $1.891199950e+00, v50;
	v53 =	vmul.f32 v39, v22  }
0x241: {  	v34 =	vld.idx.msk [tilespmem:v44+s25+$0x0], $0xffff;
	v36 =	vsub.f32 v12, v2;
	v45 =	vsub.f32 v13, v0;
	v5 =	vmul.f32 v18, v5  }
0x242: {  	v50 =	vsub.f32 v21, v1;
	v16 =	vmul.f32 v23, v54;
	v25 =	vmul.f32 v53, v37  }
0x243: {  	v55 =	vsub.f32 v46, v7;
	v56 =	vsub.f32 v48, v8;
	v5 =	vmul.f32 v5, v19  }
0x244: {  	v57 =	vsub.f32 v51, v6;
	v16 =	vmul.f32 v16, v20;
	v38 =	vsub.f32 v59, v7;
	[tilespmem:s21+$0xD0] =	vst v25  }
0x245: {  	v39 =	vsub.f32 v61, v8;
	v23 =	vsub.f32 v46, v59;
	v20 =	vmul.f32 v36, v36;
	[tilespmem:s22+$0xD0] =	vst v5  }
0x246: {  	v41 =	vsub.f32 v34, v6;
	v53 =	vmul.f32 v45, v45;
	v18 =	vmul.f32 v56, v56;
	v56 =	vld [tilespmem:s12+$0xFFFFFFF0];
	[tilespmem:s23+$0xD0] =	vst v16  }
0x247: {  	v3 =	vsub.f32 v51, v34;
	v22 =	vmul.f32 v55, v55;
	v19 =	vmul.f32 v57, v57;
	v63 =	vld [tilespmem:s13+$0xE0]  }
0x248: {  	v25 =	vsub.f32 v48, v61;
	v26 =	vmul.f32 v38, v38;
	v42 =	vmul.f32 v23, v23  }
0x249: {  	v18 =	vadd.f32 v18, v22;
	v16 =	vmul.f32 v27, v62;
	v27 =	vmul.f32 v39, v39  }
0x24a: {  	v46 =	vmul.f32 v41, v41;
	v20 =	vadd.f32 v53, v20;
	v43 =	vmul.f32 v25, v25;
	v44 =	vld [tilespmem:s12+$0xE0]  }
0x24b: {  	v48 =	vmul.f32 v3, v3;
	v18 =	vadd.f32 v19, v18;
	v26 =	vadd.f32 v27, v26  }
0x24c: {  	v5 =	vadd.f32 v33, v31;
	v14 =	vadd.f32 v43, v42;
	v3 =	vmul.f32 v16, v15  }
0x24d: {  	v19 =	vmul.f32 v17, v35;
	v37 =	vshra.s32 v18, $0x1;
	v51 =	vadd.f32 v46, v26  }
0x24e: {  	v15 =	vmul.f32 v50, v50;
	v14 =	vadd.f32 v48, v14;
	v24 =	vsub.s32 $0x5F0B54EA, v37;
	v53 =	vld.idx.msk [tilespmem:v56+s25+$0x0], $0xffff  }
0x24f: {  	v19 =	vsub.f32 $1.891199950e+00, v19;
	v40 =	vmul.f32 v24, v18;
	v27 =	vshra.s32 v51, $0x1;
	v47 =	vld.idx.msk [tilespmem:v63+s7+$0x0], $0xffff  }
0x250: {  	v15 =	vadd.f32 v15, v20;
	v55 =	vshra.s32 v14, $0x1;
	v54 =	vsub.s32 $0x5F0B54EA, v27;
	v49 =	vld.idx.msk [tilespmem:v63+s24+$0x0], $0xffff  }
0x251: {  	v27 =	vsub.s32 $0x5F0B54EA, v55;
	v29 =	vmul.f32 v24, v40;
	v59 =	vmul.f32 v54, v51;
	v22 =	vld.idx.msk [tilespmem:v63+s25+$0x0], $0xffff  }
0x252: {  	v17 =	vmul.f32 v17, v19;
	v31 =	vshra.s32 v15, $0x1;
	v60 =	vmul.f32 v27, v14;
	v61 =	vld.idx.msk [tilespmem:v44+s7+$0x0], $0xffff  }
0x253: {  	v35 =	vsub.s32 $0x5F0B54EA, v31;
	v62 =	vld.idx.msk [tilespmem:v44+s24+$0x0], $0xffff;
	v52 =	vsub.f32 $1.891199950e+00, v29;
	v23 =	vmul.f32 v54, v59  }
0x254: {  	v36 =	vmul.f32 v35, v15;
	v37 =	vmul.f32 v27, v60;
	v1 =	vsub.f32 v53, v1  }
0x255: {  	v21 =	vsub.f32 v21, v53;
	v24 =	vmul.f32 v24, v52;
	v39 =	vsub.f32 $1.891199950e+00, v23  }
0x256: {  	v25 =	vld.idx.msk [tilespmem:v44+s25+$0x0], $0xffff;
	v40 =	vsub.f32 $1.891199950e+00, v37;
	v1 =	vmul.f32 v1, v1;
	v57 =	vsub.f32 v47, v9  }
0x257: {  	v58 =	vsub.f32 v49, v10;
	v63 =	vsub.f32 v22, v11;
	v18 =	vmul.f32 v24, v18  }
0x258: {  	v19 =	vmul.f32 v54, v39;
	v42 =	vsub.f32 v61, v9;
	v43 =	vsub.f32 v62, v10  }
0x259: {  	v20 =	vmul.f32 v27, v40;
	v44 =	vsub.f32 v47, v61;
	v30 =	vmul.f32 v57, v57  }
0x25a: {  	v45 =	vsub.f32 v49, v62;
	v32 =	vmul.f32 v58, v58;
	v38 =	vmul.f32 v63, v63  }
0x25b: {  	v46 =	vsub.f32 v25, v11;
	v24 =	vmul.f32 v42, v42;
	v26 =	vmul.f32 v43, v43  }
0x25c: {  	v27 =	vmul.f32 v44, v44;
	v28 =	vmul.f32 v45, v45;
	v30 =	vadd.f32 v32, v30  }
0x25d: {  	v22 =	vsub.f32 v22, v25;
	v47 =	vld.idx.msk [tilespmem:v56+s7+$0x0], $0xffff;
	v16 =	vmul.f32 v19, v51;
	v14 =	vmul.f32 v20, v14  }
0x25e: {  	[tilespmem:s21+$0x60] =	vst v18;
	v24 =	vadd.f32 v26, v24;
	v41 =	vadd.f32 v38, v30;
	v30 =	vmul.f32 v46, v46  }
0x25f: {  	v48 =	vshra.s32 v5, $0x1;
	v49 =	vld.idx.msk [tilespmem:v56+s24+$0x0], $0xffff;
	v22 =	vmul.f32 v22, v22;
	v27 =	vadd.f32 v28, v27;
	[tilespmem:s22+$0x60] =	vst v16  }
0x260: {  	v21 =	vmul.f32 v21, v21;
	v26 =	vsub.s32 $0x5F0B54EA, v48;
	[tilespmem:s23+$0x60] =	vst v14;
	v24 =	vadd.f32 v30, v24  }
0x261: {  	v50 =	vmul.f32 v26, v5;
	v52 =	vadd.f32 v22, v27;
	v57 =	vld [tilespmem:s13+$0x70];
	v51 =	vshra.s32 v41, $0x1  }
0x262: {  	v2 =	vsub.f32 v47, v2;
	v54 =	vsub.s32 $0x5F0B54EA, v51;
	v55 =	vshra.s32 v24, $0x1  }
0x263: {  	v27 =	vshra.s32 v52, $0x1;
	v56 =	vmul.f32 v54, v41;
	v18 =	vsub.s32 $0x5F0B54EA, v55  }
0x264: {  	v0 =	vsub.f32 v49, v0;
	v62 =	vld [tilespmem:s12+$0x70];
	v27 =	vsub.s32 $0x5F0B54EA, v27;
	v30 =	vmul.f32 v18, v24  }
0x265: {  	v12 =	vsub.f32 v12, v47;
	v58 =	vmul.f32 v27, v52;
	v14 =	vmul.f32 v54, v56  }
0x266: {  	v13 =	vsub.f32 v13, v49;
	v19 =	vmul.f32 v26, v50;
	v59 =	vmul.f32 v18, v30  }
0x267: {  	v2 =	vmul.f32 v2, v2;
	v25 =	vmul.f32 v27, v58;
	v14 =	vsub.f32 $1.891199950e+00, v14  }
0x268: {  	v0 =	vmul.f32 v0, v0;
	v12 =	vmul.f32 v12, v12;
	v28 =	vsub.f32 $1.891199950e+00, v59  }
0x269: {  	v61 =	vmul.f32 v13, v13;
	v60 =	vsub.f32 $1.891199950e+00, v25;
	v63 =	vld.idx.msk [tilespmem:v57+s7+$0x0], $0xffff;
	v14 =	vmul.f32 v54, v14  }
0x26a: {  	v0 =	vadd.f32 v0, v2;
	v34 =	vsub.f32 $1.891199950e+00, v19;
	v32 =	vld.idx.msk [tilespmem:v57+s24+$0x0], $0xffff;
	v18 =	vmul.f32 v18, v28  }
0x26b: {  	v2 =	vadd.f32 v61, v12;
	v37 =	vld.idx.msk [tilespmem:v57+s25+$0x0], $0xffff;
	v16 =	vmul.f32 v27, v60;
	v14 =	vmul.f32 v14, v41  }
0x26c: {  	v0 =	vadd.f32 v1, v0;
	v38 =	vmul.f32 v26, v34;
	v42 =	vld.idx.msk [tilespmem:v62+s7+$0x0], $0xffff;
	v18 =	vmul.f32 v18, v24  }
0x26d: {  	v1 =	vmul.f32 v35, v36;
	v47 =	vld.idx.msk [tilespmem:v62+s24+$0x0], $0xffff;
	v33 =	vmul.f32 v16, v52;
	[tilespmem:s21+$0xE0] =	vst v14  }
0x26e: {  	v4 =	vmul.f32 v17, v4;
	v2 =	vadd.f32 v21, v2;
	v13 =	vld.idx.msk [tilespmem:v62+s25+$0x0], $0xffff;
	[tilespmem:s22+$0xE0] =	vst v18  }
0x26f: {  	v39 =	vshra.s32 v0, $0x1;
	v1 =	vsub.f32 $1.891199950e+00, v1;
	v5 =	vmul.f32 v38, v5;
	[tilespmem:s23+$0xE0] =	vst v33  }
0x270: {  	v16 =	vsub.s32 $0x5F0B54EA, v39;
	v41 =	vshra.s32 v2, $0x1;
	v43 =	vsub.f32 v63, v7;
	v40 =	vld [tilespmem:s13+$0xF0]  }
0x271: {  	v20 =	vsub.s32 $0x5F0B54EA, v41;
	v44 =	vsub.f32 v32, v8;
	v48 =	vsub.f32 v37, v6  }
0x272: {  	v45 =	vmul.f32 v16, v0;
	v7 =	vsub.f32 v42, v7;
	v8 =	vsub.f32 v47, v8;
	v49 =	vld [tilespmem:s12+$0xF0]  }
0x273: {  	v6 =	vsub.f32 v13, v6;
	v46 =	vmul.f32 v20, v2;
	v22 =	vmul.f32 v43, v43  }
0x274: {  	v12 =	vsub.f32 v63, v42;
	v24 =	vmul.f32 v44, v44;
	v25 =	vmul.f32 v16, v45  }
0x275: {  	v59 =	vsub.f32 v32, v47;
	v53 =	vmul.f32 v48, v48;
	v7 =	vmul.f32 v7, v7  }
0x276: {  	v13 =	vsub.f32 v37, v13;
	v8 =	vmul.f32 v8, v8;
	v12 =	vmul.f32 v12, v12  }
0x277: {  	v19 =	vmul.f32 v59, v59;
	v26 =	vmul.f32 v20, v46;
	v50 =	vadd.f32 v24, v22  }
0x278: {  	v6 =	vmul.f32 v6, v6;
	v51 =	vsub.f32 $1.891199950e+00, v25;
	v7 =	vadd.f32 v8, v7;
	v54 =	vld.idx.msk [tilespmem:v40+s7+$0x0], $0xffff  }
0x279: {  	v13 =	vmul.f32 v13, v13;
	v12 =	vadd.f32 v19, v12;
	v52 =	vsub.f32 $1.891199950e+00, v26;
	v56 =	vld.idx.msk [tilespmem:v40+s24+$0x0], $0xffff  }
0x27a: {  	v1 =	vmul.f32 v35, v1;
	v16 =	vmul.f32 v16, v51;
	v14 =	vadd.f32 v53, v50;
	v60 =	vld.idx.msk [tilespmem:v49+s7+$0x0], $0xffff  }
0x27b: {  	v6 =	vadd.f32 v6, v7;
	v12 =	vadd.f32 v13, v12;
	v55 =	vmul.f32 v20, v52;
	v17 =	vld.idx.msk [tilespmem:v40+s25+$0x0], $0xffff  }
0x27c: {  	v1 =	vmul.f32 v1, v15;
	v0 =	vmul.f32 v16, v0;
	v57 =	vshra.s32 v14, $0x1;
	v63 =	vld.idx.msk [tilespmem:v49+s24+$0x0], $0xffff  }
0x27d: {  	v29 =	vshra.s32 v6, $0x1;
	v37 =	vshra.s32 v12, $0x1;
	v2 =	vmul.f32 v55, v2;
	v27 =	vld.idx.msk [tilespmem:v49+s25+$0x0], $0xffff  }
0x27e: {  	v16 =	vsub.s32 $0x5F0B54EA, v57;
	v19 =	vsub.s32 $0x5F0B54EA, v29;
	v61 =	vsub.f32 v54, v9  }
0x27f: {  	v38 =	vsub.s32 $0x5F0B54EA, v37;
	v62 =	vsub.f32 v56, v10;
	v9 =	vsub.f32 v60, v9  }
0x280: {  	v58 =	vmul.f32 v16, v14;
	v15 =	vsub.f32 v54, v60;
	v30 =	vsub.f32 v17, v11  }
0x281: {  	v10 =	vsub.f32 v63, v10;
	v20 =	vsub.f32 v56, v63;
	v22 =	vmul.f32 v61, v61  }
0x282: {  	v11 =	vsub.f32 v27, v11;
	v23 =	vmul.f32 v62, v62;
	v21 =	vmul.f32 v30, v30  }
0x283: {  	v7 =	vsub.f32 v17, v27;
	v9 =	vmul.f32 v9, v9;
	v10 =	vmul.f32 v10, v10  }
0x284: {  	v15 =	vmul.f32 v15, v15;
	v32 =	vmul.f32 v20, v20;
	v28 =	vadd.f32 v23, v22  }
0x285: {  	v31 =	vmul.f32 v19, v6;
	v33 =	vmul.f32 v11, v11;
	v9 =	vadd.f32 v10, v9  }
0x286: {  	v7 =	vmul.f32 v7, v7;
	v35 =	vadd.f32 v32, v15;
	v34 =	vadd.f32 v21, v28  }
0x287: {  	v8 =	vmul.f32 v16, v58;
	v36 =	vmul.f32 v19, v31;
	v9 =	vadd.f32 v33, v9  }
0x288: {  	v40 =	vmul.f32 v38, v12;
	v7 =	vadd.f32 v7, v35;
	v39 =	vshra.s32 v34, $0x1  }
0x289: {  	v8 =	vsub.f32 $1.891199950e+00, v8;
	v41 =	vshra.s32 v9, $0x1;
	v17 =	vsub.s32 $0x5F0B54EA, v39  }
0x28a: {  	v43 =	vshra.s32 v7, $0x1;
	v18 =	vsub.s32 $0x5F0B54EA, v41;
	v42 =	vmul.f32 v17, v34  }
0x28b: {  	[tilespmem:s21+$0xFFFFFF70] =	vst v3;
	v44 =	vmul.f32 v38, v40;
	v21 =	vsub.s32 $0x5F0B54EA, v43;
	v45 =	vmul.f32 v18, v9  }
0x28c: {  	[tilespmem:s22+$0xFFFFFF70] =	vst v4;
	v46 =	vsub.f32 $1.891199950e+00, v36;
	v48 =	vmul.f32 v21, v7;
	v47 =	vmul.f32 v17, v42  }
0x28d: {  	[tilespmem:s23+$0xFFFFFF70] =	vst v5;
	v49 =	vmul.f32 v16, v8;
	v3 =	vsub.f32 $1.891199950e+00, v44;
	v50 =	vmul.f32 v18, v45  }
0x28e: {  	[tilespmem:s21+$0xFFFFFFF0] =	vst v1;
	v51 =	vmul.f32 v19, v46;
	v53 =	vmul.f32 v21, v48;
	v52 =	vsub.f32 $1.891199950e+00, v47  }
0x28f: {  	[tilespmem:s22+$0xFFFFFFF0] =	vst v0;
	v54 =	vmul.f32 v49, v14;
	v3 =	vmul.f32 v38, v3;
	v55 =	vsub.f32 $1.891199950e+00, v50  }
0x290: {  	s9 =	sadd.s32 $0x4, s9;
	[tilespmem:s23+$0xFFFFFFF0] =	vst v2;
	v1 =	vmul.f32 v51, v6;
	v57 =	vsub.f32 $1.891199950e+00, v53;
	v56 =	vmul.f32 v17, v52  }
0x291: {  	p1 =	slt.u32 s9, $0x3C;
	[tilespmem:s21+$0x70] =	vst v54;
	v58 =	vmul.f32 v3, v12;
	v59 =	vmul.f32 v18, v55  }
.Ltmp0:
0x292: {  	[tilespmem:s22+$0x70] =	vst v1;
	v61 =	vmul.f32 v21, v57;
	v60 =	vmul.f32 v56, v34;
	(pc) =	sbr.rel @p1 .LBB2_3-.Ltmp0, $4  }
0x293: {  	[tilespmem:s23+$0x70] =	vst v58;
	v62 =	vmul.f32 v59, v9  }
0x294: {  	v63 =	vmul.f32 v61, v7;
	[tilespmem:s21+$0xF0] =	vst v60  }
0x295: {  	s12 =	sadd.s32 $0x200, s12;
	s13 =	sadd.s32 $0x200, s13;
	[tilespmem:s22+$0xF0] =	vst v62  }
0x296: {  	s21 =	sadd.s32 $0x200, s21;
	s22 =	sadd.s32 $0x200, s22;
	[tilespmem:s23+$0xF0] =	vst v63;
	s23 =	sadd.s32 $0x200, s23  }
0x297: {  	p1 =	seq.s32 s16, $0x3  }
0x298: {  	s0 =	sadd.s32 @!p1 s19, s17  }
0x299: {  	s0 =	sshrl.u32 @!p1 s0, $0x3  }
0x29a: {  	s12 =	simm.s32 @!p1 $0x0;
	s13 =	simm.s32 @!p1 $0x3000;
	s9 =	sadd.s32 @!p1 s1, s0  }
0x29b: {  	[tilespmem:s13], [sflag:$0x1] =	stream.linear.gather @!p1 [hbm4b:s9+s12], $0x2000, $0x38;
	[tilespmem:$0x17000] =	vst v63  }
0x29c: {  	s14 =	sshll.u32 s15, $0x7;
	s0 =	sadd.s32 @!p1 s2, s0;
	s9 =	simm.s32 @!p1 $0x7000  }
0x29d: {  	[tilespmem:s9], [sflag:$0x1] =	stream.linear.gather @!p1 [hbm4b:s0+s12], $0x2000, $0x38;
	[tilespmem:$0x17000] =	vst v63  }
0x29e: {  	s0 =	sadd.s32 s8, s14  }
0x29f: {  	s0 =	sshrl.u32 s0, $0x3  }
0x2a0: {  	s22 =	simm.s32 $0xB000;
	s21 =	sadd.s32 s3, s0  }
0x2a1: {  	[hbm4b:s21+s7] =	stream.linear.scatter [tilespmem:s22], [sflag:$0x3], $0x2000, $0x38;
	[tilespmem:$0x17000] =	vst v63  }
0x2a2: {  	s23 =	sadd.s32 s4, s0  }
0x2a3: {  	[hbm4b:s23+s7] =	stream.linear.scatter [tilespmem:s5], [sflag:$0x3], $0x2000, $0x38;
	[tilespmem:$0x17000] =	vst v63  }
0x2a4: {  	s0 =	sadd.s32 s6, s0  }
0x2a5: {  	[hbm4b:s0+s7] =	stream.linear.scatter [tilespmem:s26], [sflag:$0x3], $0x2000, $0x38;
	[tilespmem:$0x17000] =	vst v63  }
0x2a6: {  	_ =	swait.ge [sflag:s28], $0x2000  }
0x2a7: {  	[sflag:s28] =	ssyncset.done $0x0  }
0x2a8: {  	[sflag:s28] =	ssyncadd.s32 $0xFFFFE000  }
0x2a9: {  	_ =	swait.ge [sflag:s28], $0x2000  }
0x2aa: {  	[sflag:s28] =	ssyncset.done $0x0  }
0x2ab: {  	s0 =	simm.s32 @!p0 $0x4;
	[sflag:s28] =	ssyncadd.s32 $0xFFFFE000  }
0x2ac: {  	_ =	swait.ge @!p0 [sflag:s0], $0x2000  }
0x2ad: {  	[sflag:s0] =	ssyncset.done @!p0 $0x0  }
0x2ae: {  	[sflag:s0] =	ssyncadd.s32 @!p0 $0xFFFFE000  }
0x2af: {  	_ =	swait.ge @!p0 [sflag:s0], $0x2000  }
0x2b0: {  	[sflag:s0] =	ssyncset.done @!p0 $0x0  }
0x2b1: {  	s15 =	sor.u32 $0x40, s15;
	[sflag:s0] =	ssyncadd.s32 @!p0 $0xFFFFE000  }
0x2b2: {  	s13 =	simm.s32 $0x51F0;
	s9 =	simm.s32 $0xFFFFFFFC;
	_ =	swait.ge @!p0 [sflag:s0], $0x2000  }
0x2b3: {  	s12 =	simm.s32 $0x151F0;
	s21 =	simm.s32 $0x91F0;
	[sflag:s0] =	ssyncset.done @!p0 $0x0  }
0x2b4: {  	s22 =	simm.s32 $0xD1F0;
	s23 =	simm.s32 $0x111F0;
	[sflag:s0] =	ssyncadd.s32 @!p0 $0xFFFFE000  }
.LBB2_5:
0x2b5: {  	v1 =	vld [tilespmem:s13+$0xFFFFFE10];
	_ =	sdelay $0x2  }
0x2b6: {  	v2 =	vld [tilespmem:s21+$0xFFFFFE10]  }
0x2b7: {  	s14 =	sadd.s32 s9, s20  }
0x2b8: {  	s0 =	sadd.s32 $0x44, s14  }
0x2b9: {  	v0 =	vmov s0  }
0x2ba: {  	v0 =	vand.u32 $0xFFFFFFFC, v0  }
0x2bb: {  	v0 =	vbroadcast v0, $0x0;
	v6 =	vld.idx.msk [tilespmem:v1+s7+$0x0], $0xffff  }
0x2bc: {  	v7 =	vld.idx.msk [tilespmem:v1+s24+$0x0], $0xffff  }
0x2bd: {  	v42 =	vld.idx.msk [tilespmem:v1+s25+$0x0], $0xffff  }
0x2be: {  	v43 =	vld.idx.msk [tilespmem:v2+s7+$0x0], $0xffff  }
0x2bf: {  	v8 =	vld.idx.msk [tilespmem:v2+s24+$0x0], $0xffff  }
0x2c0: {  	v2 =	vld.idx.msk [tilespmem:v2+s25+$0x0], $0xffff  }
0x2c1: {  	v5 =	vld.idx.msk [tilespmem:v0+s7+$0x0], $0xffff  }
0x2c2: {  	v4 =	vld.idx.msk [tilespmem:v0+s24+$0x0], $0xffff;
	_ =	sdelay $0x1  }
0x2c3: {  	v3 =	vld.idx.msk [tilespmem:v0+s25+$0x0], $0xffff  }
0x2c4: {  	v1 =	vsub.f32 v6, v43  }
0x2c5: {  	v45 =	vsub.f32 v7, v8;
	v0 =	vsub.f32 v42, v2  }
0x2c6: {  	v9 =	vsub.f32 v6, v5;
	v10 =	vsub.f32 v7, v4  }
0x2c7: {  	v44 =	vsub.f32 v43, v5;
	v12 =	vsub.f32 v8, v4;
	v1 =	vmul.f32 v1, v1  }
0x2c8: {  	v11 =	vsub.f32 v42, v3;
	v9 =	vmul.f32 v9, v9;
	v10 =	vmul.f32 v10, v10  }
0x2c9: {  	v46 =	vsub.f32 v2, v3;
	v47 =	vmul.f32 v44, v44;
	v48 =	vmul.f32 v12, v12  }
0x2ca: {  	v49 =	vmul.f32 v45, v45;
	v11 =	vmul.f32 v11, v11;
	v9 =	vadd.f32 v10, v9  }
0x2cb: {  	v7 =	vmul.f32 v46, v46;
	v50 =	vadd.f32 v48, v47  }
0x2cc: {  	v0 =	vmul.f32 v0, v0;
	v1 =	vadd.f32 v49, v1;
	v51 =	vadd.f32 v11, v9  }
0x2cd: {  	v52 =	vadd.f32 v7, v50  }
0x2ce: {  	v0 =	vadd.f32 v0, v1;
	v53 =	vshra.s32 v51, $0x1  }
0x2cf: {  	v55 =	vshra.s32 v52, $0x1;
	v54 =	vsub.s32 $0x5F0B54EA, v53  }
0x2d0: {  	v57 =	vshra.s32 v0, $0x1;
	v6 =	vsub.s32 $0x5F0B54EA, v55;
	v56 =	vmul.f32 v54, v51  }
0x2d1: {  	v9 =	vsub.s32 $0x5F0B54EA, v57;
	v58 =	vmul.f32 v6, v52  }
0x2d2: {  	v59 =	vmul.f32 v9, v0;
	v7 =	vmul.f32 v54, v56  }
0x2d3: {  	v10 =	vmul.f32 v6, v58  }
0x2d4: {  	v11 =	vmul.f32 v9, v59;
	v7 =	vsub.f32 $1.891199950e+00, v7  }
0x2d5: {  	v10 =	vsub.f32 $1.891199950e+00, v10  }
0x2d6: {  	v60 =	vsub.f32 $1.891199950e+00, v11;
	v1 =	vmul.f32 v54, v7  }
0x2d7: {  	v6 =	vmul.f32 v6, v10  }
0x2d8: {  	v7 =	vmul.f32 v9, v60;
	v1 =	vmul.f32 v1, v51  }
0x2d9: {  	v2 =	vmul.f32 v6, v52  }
0x2da: {  	v0 =	vmul.f32 v7, v0;
	[tilespmem:s22+$0xFFFFFE10] =	vst v1  }
0x2db: {  	[tilespmem:s23+$0xFFFFFE10] =	vst v2  }
0x2dc: {  	[tilespmem:s12+$0xFFFFFE10] =	vst v0  }
0x2dd: {  	v0 =	vld [tilespmem:s13+$0xFFFFFE20];
	_ =	sdelay $0x2  }
0x2de: {  	v1 =	vld [tilespmem:s21+$0xFFFFFE20];
	_ =	sdelay $0x4  }
0x2df: {  	v2 =	vld.idx.msk [tilespmem:v0+s7+$0x0], $0xffff  }
0x2e0: {  	v61 =	vld.idx.msk [tilespmem:v0+s24+$0x0], $0xffff  }
0x2e1: {  	v0 =	vld.idx.msk [tilespmem:v0+s25+$0x0], $0xffff  }
0x2e2: {  	v62 =	vld.idx.msk [tilespmem:v1+s7+$0x0], $0xffff  }
0x2e3: {  	v63 =	vld.idx.msk [tilespmem:v1+s24+$0x0], $0xffff;
	_ =	sdelay $0x1  }
0x2e4: {  	v1 =	vld.idx.msk [tilespmem:v1+s25+$0x0], $0xffff  }
0x2e5: {  	v15 =	vsub.f32 v2, v5  }
0x2e6: {  	v16 =	vsub.f32 v61, v4;
	v17 =	vsub.f32 v0, v3  }
0x2e7: {  	v18 =	vsub.f32 v62, v5;
	v19 =	vsub.f32 v63, v4  }
0x2e8: {  	v2 =	vsub.f32 v2, v62;
	v6 =	vsub.f32 v61, v63;
	v9 =	vmul.f32 v15, v15  }
0x2e9: {  	v20 =	vsub.f32 v1, v3;
	v10 =	vmul.f32 v16, v16;
	v11 =	vmul.f32 v17, v17  }
0x2ea: {  	v0 =	vsub.f32 v0, v1;
	v21 =	vmul.f32 v18, v18;
	v22 =	vmul.f32 v19, v19  }
0x2eb: {  	v23 =	vmul.f32 v2, v2;
	v24 =	vmul.f32 v6, v6;
	v9 =	vadd.f32 v10, v9  }
0x2ec: {  	v7 =	vmul.f32 v20, v20;
	v25 =	vadd.f32 v22, v21  }
0x2ed: {  	v0 =	vmul.f32 v0, v0;
	v1 =	vadd.f32 v24, v23;
	v26 =	vadd.f32 v11, v9  }
0x2ee: {  	v27 =	vadd.f32 v7, v25  }
0x2ef: {  	v0 =	vadd.f32 v0, v1;
	v28 =	vshra.s32 v26, $0x1  }
0x2f0: {  	v30 =	vshra.s32 v27, $0x1;
	v29 =	vsub.s32 $0x5F0B54EA, v28  }
0x2f1: {  	v32 =	vshra.s32 v0, $0x1;
	v6 =	vsub.s32 $0x5F0B54EA, v30;
	v31 =	vmul.f32 v29, v26  }
0x2f2: {  	v9 =	vsub.s32 $0x5F0B54EA, v32;
	v33 =	vmul.f32 v6, v27  }
0x2f3: {  	v34 =	vmul.f32 v9, v0;
	v7 =	vmul.f32 v29, v31  }
0x2f4: {  	v10 =	vmul.f32 v6, v33  }
0x2f5: {  	v11 =	vmul.f32 v9, v34;
	v7 =	vsub.f32 $1.891199950e+00, v7  }
0x2f6: {  	v10 =	vsub.f32 $1.891199950e+00, v10  }
0x2f7: {  	v35 =	vsub.f32 $1.891199950e+00, v11;
	v1 =	vmul.f32 v29, v7  }
0x2f8: {  	v6 =	vmul.f32 v6, v10  }
0x2f9: {  	v7 =	vmul.f32 v9, v35;
	v1 =	vmul.f32 v1, v26  }
0x2fa: {  	v2 =	vmul.f32 v6, v27  }
0x2fb: {  	v0 =	vmul.f32 v7, v0;
	[tilespmem:s22+$0xFFFFFE20] =	vst v1  }
0x2fc: {  	[tilespmem:s23+$0xFFFFFE20] =	vst v2  }
0x2fd: {  	[tilespmem:s12+$0xFFFFFE20] =	vst v0  }
0x2fe: {  	v0 =	vld [tilespmem:s13+$0xFFFFFE30];
	_ =	sdelay $0x2  }
0x2ff: {  	v1 =	vld [tilespmem:s21+$0xFFFFFE30];
	_ =	sdelay $0x4  }
0x300: {  	v2 =	vld.idx.msk [tilespmem:v0+s7+$0x0], $0xffff  }
0x301: {  	v36 =	vld.idx.msk [tilespmem:v0+s24+$0x0], $0xffff  }
0x302: {  	v0 =	vld.idx.msk [tilespmem:v0+s25+$0x0], $0xffff  }
0x303: {  	v37 =	vld.idx.msk [tilespmem:v1+s7+$0x0], $0xffff  }
0x304: {  	v38 =	vld.idx.msk [tilespmem:v1+s24+$0x0], $0xffff  }
0x305: {  	v1 =	vld.idx.msk [tilespmem:v1+s25+$0x0], $0xffff  }
0x306: {  	s0 =	sadd.s32 $0x45, s14  }
0x307: {  	v14 =	vmov s0;
	v53 =	vld [tilespmem:s21+$0xFFFFFE90];
	v39 =	vsub.f32 v2, v5  }
0x308: {  	v44 =	vand.u32 $0xFFFFFFFD, v14;
	v15 =	vld [tilespmem:s13+$0xFFFFFE90];
	v40 =	vsub.f32 v36, v4;
	v41 =	vsub.f32 v37, v5  }
0x309: {  	v11 =	vbroadcast v44, $0x0;
	v42 =	vsub.f32 v0, v3;
	v13 =	vsub.f32 v38, v4  }
0x30a: {  	v45 =	vsub.f32 v1, v3;
	v2 =	vsub.f32 v2, v37;
	v9 =	vmul.f32 v39, v39  }
0x30b: {  	v6 =	vsub.f32 v36, v38;
	v10 =	vmul.f32 v40, v40;
	v43 =	vmul.f32 v41, v41  }
0x30c: {  	v0 =	vsub.f32 v0, v1;
	v13 =	vmul.f32 v13, v13;
	v46 =	vmul.f32 v42, v42  }
0x30d: {  	v49 =	vmul.f32 v2, v2;
	v50 =	vmul.f32 v6, v6;
	v9 =	vadd.f32 v10, v9  }
0x30e: {  	v48 =	vmul.f32 v45, v45;
	v47 =	vadd.f32 v13, v43  }
0x30f: {  	v20 =	vld.idx.msk [tilespmem:v53+s24+$0x0], $0xffff;
	v0 =	vmul.f32 v0, v0;
	v1 =	vadd.f32 v50, v49;
	v51 =	vadd.f32 v46, v9  }
0x310: {  	v56 =	vld.idx.msk [tilespmem:v15+s7+$0x0], $0xffff;
	v52 =	vadd.f32 v48, v47  }
0x311: {  	v17 =	vld.idx.msk [tilespmem:v15+s24+$0x0], $0xffff;
	v54 =	vadd.f32 v0, v1;
	v9 =	vshra.s32 v51, $0x1  }
0x312: {  	v2 =	vld.idx.msk [tilespmem:v11+s7+$0x0], $0xffff;
	v10 =	vshra.s32 v52, $0x1;
	v9 =	vsub.s32 $0x5F0B54EA, v9  }
0x313: {  	v0 =	vld.idx.msk [tilespmem:v11+s24+$0x0], $0xffff;
	v16 =	vshra.s32 v54, $0x1;
	v10 =	vsub.s32 $0x5F0B54EA, v10;
	v55 =	vmul.f32 v9, v51  }
0x314: {  	v16 =	vsub.s32 $0x5F0B54EA, v16;
	v57 =	vmul.f32 v10, v52  }
0x315: {  	v8 =	vld.idx.msk [tilespmem:v53+s25+$0x0], $0xffff;
	v19 =	vmul.f32 v16, v54;
	v18 =	vmul.f32 v9, v55  }
0x316: {  	v61 =	vld.idx.msk [tilespmem:v53+s7+$0x0], $0xffff;
	v30 =	vsub.f32 v17, v20;
	v14 =	vmul.f32 v10, v57  }
0x317: {  	v58 =	vld.idx.msk [tilespmem:v15+s25+$0x0], $0xffff;
	v21 =	vsub.f32 v56, v2;
	v60 =	vmul.f32 v16, v19;
	v59 =	vsub.f32 $1.891199950e+00, v18  }
0x318: {  	v33 =	vmul.f32 v30, v30;
	v1 =	vld.idx.msk [tilespmem:v11+s25+$0x0], $0xffff;
	v22 =	vsub.f32 v17, v0;
	v14 =	vsub.f32 $1.891199950e+00, v14  }
0x319: {  	v63 =	vmul.f32 v21, v21;
	v62 =	vsub.f32 $1.891199950e+00, v60;
	v9 =	vmul.f32 v9, v59  }
0x31a: {  	v21 =	vmul.f32 v22, v22;
	v10 =	vmul.f32 v10, v14  }
0x31b: {  	v29 =	vsub.f32 v56, v61;
	v22 =	vmul.f32 v16, v62;
	v6 =	vmul.f32 v9, v51  }
0x31c: {  	v26 =	vsub.f32 v61, v2;
	v27 =	vsub.f32 v20, v0;
	v7 =	vmul.f32 v10, v52  }
0x31d: {  	v23 =	vsub.f32 v58, v1;
	v31 =	vsub.f32 v8, v1;
	v25 =	vmul.f32 v22, v54;
	[tilespmem:s22+$0xFFFFFE30] =	vst v6  }
0x31e: {  	v8 =	vsub.f32 v58, v8;
	v12 =	vmul.f32 v27, v27;
	v9 =	vmul.f32 v26, v26;
	[tilespmem:s23+$0xFFFFFE30] =	vst v7  }
0x31f: {  	v28 =	vmul.f32 v23, v23;
	v24 =	vadd.f32 v21, v63;
	v10 =	vmul.f32 v29, v29;
	[tilespmem:s12+$0xFFFFFE30] =	vst v25  }
0x320: {  	v9 =	vadd.f32 v12, v9;
	v6 =	vmul.f32 v31, v31;
	v32 =	vld [tilespmem:s13+$0xFFFFFE40]  }
0x321: {  	v8 =	vmul.f32 v8, v8;
	v10 =	vadd.f32 v33, v10;
	v7 =	vadd.f32 v28, v24  }
0x322: {  	v6 =	vadd.f32 v6, v9;
	v34 =	vld [tilespmem:s21+$0xFFFFFE40]  }
0x323: {  	v8 =	vadd.f32 v8, v10;
	v35 =	vshra.s32 v7, $0x1  }
0x324: {  	v9 =	vsub.s32 $0x5F0B54EA, v35;
	v36 =	vshra.s32 v6, $0x1  }
0x325: {  	v38 =	vshra.s32 v8, $0x1;
	v37 =	vmul.f32 v9, v7;
	v10 =	vsub.s32 $0x5F0B54EA, v36  }
0x326: {  	v13 =	vsub.s32 $0x5F0B54EA, v38;
	v39 =	vmul.f32 v10, v6  }
0x327: {  	v41 =	vmul.f32 v13, v8;
	v12 =	vmul.f32 v9, v37  }
0x328: {  	v14 =	vmul.f32 v10, v39;
	v40 =	vld.idx.msk [tilespmem:v32+s7+$0x0], $0xffff  }
0x329: {  	v17 =	vmul.f32 v13, v41;
	v12 =	vsub.f32 $1.891199950e+00, v12;
	v42 =	vld.idx.msk [tilespmem:v32+s24+$0x0], $0xffff  }
0x32a: {  	v14 =	vsub.f32 $1.891199950e+00, v14;
	v43 =	vld.idx.msk [tilespmem:v34+s7+$0x0], $0xffff  }
0x32b: {  	v45 =	vsub.f32 $1.891199950e+00, v17;
	v44 =	vld.idx.msk [tilespmem:v34+s24+$0x0], $0xffff;
	v9 =	vmul.f32 v9, v12  }
0x32c: {  	v15 =	vld.idx.msk [tilespmem:v32+s25+$0x0], $0xffff;
	v10 =	vmul.f32 v10, v14  }
0x32d: {  	v48 =	vmul.f32 v13, v45;
	v7 =	vmul.f32 v9, v7  }
0x32e: {  	v11 =	vld.idx.msk [tilespmem:v34+s25+$0x0], $0xffff;
	v6 =	vmul.f32 v10, v6  }
0x32f: {  	v51 =	vmul.f32 v48, v8;
	[tilespmem:s22+$0xFFFFFE90] =	vst v7;
	v46 =	vsub.f32 v40, v5;
	v47 =	vsub.f32 v42, v4  }
0x330: {  	v52 =	vsub.f32 v43, v5;
	v53 =	vsub.f32 v44, v4;
	[tilespmem:s23+$0xFFFFFE90] =	vst v6  }
0x331: {  	v54 =	vsub.f32 v15, v3;
	v57 =	vsub.f32 v40, v43;
	[tilespmem:s12+$0xFFFFFE90] =	vst v51  }
0x332: {  	v58 =	vsub.f32 v42, v44;
	v49 =	vmul.f32 v46, v46;
	v50 =	vmul.f32 v47, v47;
	v56 =	vld [tilespmem:s13+$0xFFFFFEA0]  }
0x333: {  	v55 =	vsub.f32 v11, v3;
	v8 =	vmul.f32 v52, v52;
	v9 =	vmul.f32 v53, v53  }
0x334: {  	v59 =	vsub.f32 v15, v11;
	v60 =	vmul.f32 v57, v57;
	v61 =	vmul.f32 v58, v58  }
0x335: {  	v6 =	vmul.f32 v54, v54;
	v7 =	vmul.f32 v55, v55;
	v63 =	vld [tilespmem:s21+$0xFFFFFEA0];
	v10 =	vadd.f32 v50, v49  }
0x336: {  	v8 =	vadd.f32 v9, v8;
	v62 =	vadd.f32 v61, v60;
	v9 =	vmul.f32 v59, v59  }
0x337: {  	v6 =	vadd.f32 v6, v10  }
0x338: {  	v7 =	vadd.f32 v7, v8;
	v8 =	vadd.f32 v9, v62  }
0x339: {  	v24 =	vshra.s32 v6, $0x1  }
0x33a: {  	v25 =	vshra.s32 v7, $0x1;
	v29 =	vshra.s32 v8, $0x1;
	v11 =	vsub.s32 $0x5F0B54EA, v24;
	v27 =	vld.idx.msk [tilespmem:v56+s7+$0x0], $0xffff  }
0x33b: {  	v13 =	vsub.s32 $0x5F0B54EA, v25;
	v16 =	vsub.s32 $0x5F0B54EA, v29;
	v26 =	vmul.f32 v11, v6;
	v30 =	vld.idx.msk [tilespmem:v56+s24+$0x0], $0xffff  }
0x33c: {  	v28 =	vmul.f32 v13, v7;
	v31 =	vmul.f32 v16, v8;
	v12 =	vld.idx.msk [tilespmem:v56+s25+$0x0], $0xffff  }
0x33d: {  	v32 =	vld.idx.msk [tilespmem:v63+s7+$0x0], $0xffff;
	v9 =	vmul.f32 v11, v26  }
0x33e: {  	v33 =	vld.idx.msk [tilespmem:v63+s24+$0x0], $0xffff;
	v15 =	vmul.f32 v13, v28;
	v18 =	vmul.f32 v16, v31  }
0x33f: {  	v9 =	vsub.f32 $1.891199950e+00, v9  }
0x340: {  	v15 =	vsub.f32 $1.891199950e+00, v15;
	v37 =	vsub.f32 $1.891199950e+00, v18  }
0x341: {  	v10 =	vld.idx.msk [tilespmem:v63+s25+$0x0], $0xffff;
	v34 =	vsub.f32 v27, v2;
	v35 =	vsub.f32 v30, v0  }
0x342: {  	v41 =	vsub.f32 v12, v1;
	v44 =	vsub.f32 v32, v2;
	v9 =	vmul.f32 v11, v9  }
0x343: {  	v45 =	vsub.f32 v33, v0;
	v36 =	vmul.f32 v13, v15;
	v40 =	vmul.f32 v16, v37  }
0x344: {  	v47 =	vsub.f32 v27, v32;
	v38 =	vmul.f32 v34, v34;
	v6 =	vmul.f32 v9, v6  }
0x345: {  	v48 =	vsub.f32 v30, v33;
	v39 =	vmul.f32 v35, v35;
	v7 =	vmul.f32 v36, v7  }
0x346: {  	v49 =	vsub.f32 v10, v1;
	v46 =	vmul.f32 v41, v41;
	v43 =	vmul.f32 v40, v8;
	[tilespmem:s22+$0xFFFFFE40] =	vst v6  }
0x347: {  	v10 =	vsub.f32 v12, v10;
	v8 =	vmul.f32 v44, v44;
	v9 =	vmul.f32 v45, v45;
	[tilespmem:s23+$0xFFFFFE40] =	vst v7  }
0x348: {  	v11 =	vmul.f32 v47, v47;
	v51 =	vmul.f32 v48, v48;
	v42 =	vadd.f32 v39, v38;
	[tilespmem:s12+$0xFFFFFE40] =	vst v43  }
0x349: {  	v8 =	vadd.f32 v9, v8;
	v6 =	vmul.f32 v49, v49;
	v50 =	vld [tilespmem:s13+$0xFFFFFE50]  }
0x34a: {  	v10 =	vmul.f32 v10, v10;
	v52 =	vadd.f32 v51, v11;
	v7 =	vadd.f32 v46, v42  }
0x34b: {  	v6 =	vadd.f32 v6, v8;
	v53 =	vld [tilespmem:s21+$0xFFFFFE50]  }
0x34c: {  	v9 =	vadd.f32 v10, v52;
	v54 =	vshra.s32 v7, $0x1  }
0x34d: {  	v8 =	vsub.s32 $0x5F0B54EA, v54;
	v55 =	vshra.s32 v6, $0x1  }
0x34e: {  	v57 =	vshra.s32 v9, $0x1;
	v56 =	vmul.f32 v8, v7;
	v10 =	vsub.s32 $0x5F0B54EA, v55  }
0x34f: {  	v13 =	vsub.s32 $0x5F0B54EA, v57;
	v58 =	vmul.f32 v10, v6  }
0x350: {  	v60 =	vmul.f32 v13, v9;
	v12 =	vmul.f32 v8, v56  }
0x351: {  	v14 =	vmul.f32 v10, v58;
	v59 =	vld.idx.msk [tilespmem:v50+s7+$0x0], $0xffff  }
0x352: {  	v17 =	vmul.f32 v13, v60;
	v12 =	vsub.f32 $1.891199950e+00, v12;
	v61 =	vld.idx.msk [tilespmem:v50+s24+$0x0], $0xffff  }
0x353: {  	v14 =	vsub.f32 $1.891199950e+00, v14;
	v62 =	vld.idx.msk [tilespmem:v53+s7+$0x0], $0xffff  }
0x354: {  	v22 =	vsub.f32 $1.891199950e+00, v17;
	v63 =	vld.idx.msk [tilespmem:v53+s24+$0x0], $0xffff;
	v8 =	vmul.f32 v8, v12  }
0x355: {  	v15 =	vld.idx.msk [tilespmem:v50+s25+$0x0], $0xffff;
	v10 =	vmul.f32 v10, v14  }
0x356: {  	v25 =	vmul.f32 v13, v22;
	v7 =	vmul.f32 v8, v7  }
0x357: {  	v11 =	vld.idx.msk [tilespmem:v53+s25+$0x0], $0xffff;
	v6 =	vmul.f32 v10, v6  }
0x358: {  	v28 =	vmul.f32 v25, v9;
	[tilespmem:s22+$0xFFFFFEA0] =	vst v7;
	v23 =	vsub.f32 v59, v5;
	v24 =	vsub.f32 v61, v4  }
0x359: {  	v29 =	vsub.f32 v62, v5;
	v30 =	vsub.f32 v63, v4;
	[tilespmem:s23+$0xFFFFFEA0] =	vst v6  }
0x35a: {  	v31 =	vsub.f32 v15, v3;
	v34 =	vsub.f32 v59, v62;
	[tilespmem:s12+$0xFFFFFEA0] =	vst v28  }
0x35b: {  	v35 =	vsub.f32 v61, v63;
	v26 =	vmul.f32 v23, v23;
	v27 =	vmul.f32 v24, v24;
	v33 =	vld [tilespmem:s13+$0xFFFFFEB0]  }
0x35c: {  	v32 =	vsub.f32 v11, v3;
	v8 =	vmul.f32 v29, v29;
	v9 =	vmul.f32 v30, v30  }
0x35d: {  	v36 =	vsub.f32 v15, v11;
	v37 =	vmul.f32 v34, v34;
	v38 =	vmul.f32 v35, v35  }
0x35e: {  	v6 =	vmul.f32 v31, v31;
	v7 =	vmul.f32 v32, v32;
	v40 =	vld [tilespmem:s21+$0xFFFFFEB0];
	v10 =	vadd.f32 v27, v26  }
0x35f: {  	v8 =	vadd.f32 v9, v8;
	v39 =	vadd.f32 v38, v37;
	v9 =	vmul.f32 v36, v36  }
0x360: {  	v6 =	vadd.f32 v6, v10  }
0x361: {  	v7 =	vadd.f32 v7, v8;
	v8 =	vadd.f32 v9, v39  }
0x362: {  	v41 =	vshra.s32 v6, $0x1  }
0x363: {  	v42 =	vshra.s32 v7, $0x1;
	v46 =	vshra.s32 v8, $0x1;
	v11 =	vsub.s32 $0x5F0B54EA, v41;
	v44 =	vld.idx.msk [tilespmem:v33+s7+$0x0], $0xffff  }
0x364: {  	v13 =	vsub.s32 $0x5F0B54EA, v42;
	v16 =	vsub.s32 $0x5F0B54EA, v46;
	v43 =	vmul.f32 v11, v6;
	v47 =	vld.idx.msk [tilespmem:v33+s24+$0x0], $0xffff  }
0x365: {  	v45 =	vmul.f32 v13, v7;
	v48 =	vmul.f32 v16, v8;
	v12 =	vld.idx.msk [tilespmem:v33+s25+$0x0], $0xffff  }
0x366: {  	v49 =	vld.idx.msk [tilespmem:v40+s7+$0x0], $0xffff;
	v9 =	vmul.f32 v11, v43  }
0x367: {  	v50 =	vld.idx.msk [tilespmem:v40+s24+$0x0], $0xffff;
	v15 =	vmul.f32 v13, v45;
	v18 =	vmul.f32 v16, v48  }
0x368: {  	v9 =	vsub.f32 $1.891199950e+00, v9  }
0x369: {  	v15 =	vsub.f32 $1.891199950e+00, v15;
	v54 =	vsub.f32 $1.891199950e+00, v18  }
0x36a: {  	v10 =	vld.idx.msk [tilespmem:v40+s25+$0x0], $0xffff;
	v51 =	vsub.f32 v44, v2;
	v52 =	vsub.f32 v47, v0  }
0x36b: {  	v58 =	vsub.f32 v12, v1;
	v60 =	vsub.f32 v49, v2  }
0x36c: {  	v61 =	vsub.f32 v50, v0;
	v9 =	vmul.f32 v11, v9;
	v53 =	vmul.f32 v13, v15  }
0x36d: {  	v14 =	vsub.f32 v44, v49;
	v57 =	vmul.f32 v16, v54;
	v55 =	vmul.f32 v51, v51  }
0x36e: {  	v62 =	vsub.f32 v47, v50;
	v56 =	vmul.f32 v52, v52;
	v11 =	vmul.f32 v58, v58  }
0x36f: {  	v63 =	vsub.f32 v10, v1;
	v15 =	vmul.f32 v61, v61;
	v21 =	vmul.f32 v14, v14  }
0x370: {  	v20 =	vsub.f32 v12, v10;
	v6 =	vmul.f32 v9, v6;
	v9 =	vmul.f32 v60, v60  }
0x371: {  	v22 =	vmul.f32 v62, v62;
	v7 =	vmul.f32 v53, v7;
	v59 =	vadd.f32 v56, v55  }
0x372: {  	v24 =	vmul.f32 v63, v63;
	v8 =	vmul.f32 v57, v8;
	[tilespmem:s22+$0xFFFFFE50] =	vst v6;
	v23 =	vadd.f32 v15, v9  }
0x373: {  	v10 =	vadd.f32 v22, v21;
	v6 =	vmul.f32 v20, v20;
	[tilespmem:s23+$0xFFFFFE50] =	vst v7;
	v25 =	vadd.f32 v11, v59  }
0x374: {  	[tilespmem:s12+$0xFFFFFE50] =	vst v8;
	v7 =	vadd.f32 v24, v23  }
0x375: {  	v6 =	vadd.f32 v6, v10;
	v26 =	vld [tilespmem:s13+$0xFFFFFE60];
	v27 =	vshra.s32 v25, $0x1  }
0x376: {  	v9 =	vsub.s32 $0x5F0B54EA, v27;
	v29 =	vshra.s32 v7, $0x1  }
0x377: {  	v28 =	vld [tilespmem:s21+$0xFFFFFE60];
	v30 =	vshra.s32 v6, $0x1;
	v13 =	vmul.f32 v9, v25;
	v12 =	vsub.s32 $0x5F0B54EA, v29  }
0x378: {  	v14 =	vsub.s32 $0x5F0B54EA, v30;
	v31 =	vmul.f32 v12, v7  }
0x379: {  	v32 =	vmul.f32 v14, v6;
	v13 =	vmul.f32 v9, v13  }
0x37a: {  	v15 =	vmul.f32 v12, v31  }
0x37b: {  	v16 =	vmul.f32 v14, v32;
	v13 =	vsub.f32 $1.891199950e+00, v13  }
0x37c: {  	v15 =	vsub.f32 $1.891199950e+00, v15  }
0x37d: {  	v35 =	vsub.f32 $1.891199950e+00, v16;
	v33 =	vld.idx.msk [tilespmem:v26+s7+$0x0], $0xffff;
	v9 =	vmul.f32 v9, v13  }
0x37e: {  	v34 =	vld.idx.msk [tilespmem:v26+s24+$0x0], $0xffff;
	v12 =	vmul.f32 v12, v15  }
0x37f: {  	v36 =	vld.idx.msk [tilespmem:v28+s7+$0x0], $0xffff;
	v38 =	vmul.f32 v14, v35;
	v8 =	vmul.f32 v9, v25  }
0x380: {  	v37 =	vld.idx.msk [tilespmem:v28+s24+$0x0], $0xffff;
	v7 =	vmul.f32 v12, v7  }
0x381: {  	v11 =	vld.idx.msk [tilespmem:v26+s25+$0x0], $0xffff;
	v6 =	vmul.f32 v38, v6;
	[tilespmem:s22+$0xFFFFFEB0] =	vst v8  }
0x382: {  	v10 =	vld.idx.msk [tilespmem:v28+s25+$0x0], $0xffff;
	[tilespmem:s23+$0xFFFFFEB0] =	vst v7  }
0x383: {  	[tilespmem:s12+$0xFFFFFEB0] =	vst v6  }
0x384: {  	v39 =	vsub.f32 v33, v5;
	v40 =	vsub.f32 v34, v4;
	v43 =	vld [tilespmem:s13+$0xFFFFFEC0]  }
0x385: {  	v41 =	vsub.f32 v36, v5;
	v42 =	vsub.f32 v37, v4  }
0x386: {  	v44 =	vsub.f32 v11, v3;
	v7 =	vmul.f32 v39, v39;
	v8 =	vmul.f32 v40, v40  }
0x387: {  	v45 =	vsub.f32 v10, v3;
	v6 =	vmul.f32 v41, v41;
	v9 =	vmul.f32 v42, v42;
	v48 =	vld [tilespmem:s21+$0xFFFFFEC0]  }
0x388: {  	v46 =	vmul.f32 v44, v44;
	v7 =	vadd.f32 v8, v7  }
0x389: {  	v50 =	vsub.f32 v33, v36;
	v47 =	vmul.f32 v45, v45;
	v6 =	vadd.f32 v9, v6  }
0x38a: {  	v51 =	vsub.f32 v34, v37;
	v7 =	vadd.f32 v46, v7  }
0x38b: {  	v10 =	vsub.f32 v11, v10;
	v6 =	vadd.f32 v47, v6  }
0x38c: {  	v54 =	vmul.f32 v50, v50;
	v55 =	vmul.f32 v51, v51;
	v49 =	vshra.s32 v7, $0x1;
	v53 =	vld.idx.msk [tilespmem:v43+s7+$0x0], $0xffff  }
0x38d: {  	v10 =	vmul.f32 v10, v10;
	v52 =	vshra.s32 v6, $0x1;
	v9 =	vsub.s32 $0x5F0B54EA, v49;
	v56 =	vld.idx.msk [tilespmem:v43+s24+$0x0], $0xffff  }
0x38e: {  	v11 =	vadd.f32 v55, v54;
	v15 =	vsub.s32 $0x5F0B54EA, v52;
	v57 =	vmul.f32 v9, v7;
	v12 =	vld.idx.msk [tilespmem:v43+s25+$0x0], $0xffff  }
0x38f: {  	v58 =	vmul.f32 v15, v6;
	v61 =	vld.idx.msk [tilespmem:v48+s7+$0x0], $0xffff  }
0x390: {  	v10 =	vadd.f32 v10, v11;
	v62 =	vld.idx.msk [tilespmem:v48+s24+$0x0], $0xffff;
	v59 =	vmul.f32 v9, v57  }
0x391: {  	v60 =	vmul.f32 v15, v58  }
0x392: {  	v25 =	vshra.s32 v10, $0x1;
	v13 =	vsub.f32 $1.891199950e+00, v59  }
0x393: {  	v21 =	vsub.s32 $0x5F0B54EA, v25;
	v8 =	vld.idx.msk [tilespmem:v48+s25+$0x0], $0xffff;
	v17 =	vsub.f32 $1.891199950e+00, v60;
	v63 =	vsub.f32 v53, v2  }
0x394: {  	v26 =	vmul.f32 v21, v10;
	v24 =	vsub.f32 v56, v0;
	v27 =	vsub.f32 v12, v1  }
0x395: {  	v28 =	vsub.f32 v61, v2;
	v29 =	vsub.f32 v62, v0;
	v9 =	vmul.f32 v9, v13  }
0x396: {  	v11 =	vsub.f32 v53, v61;
	v15 =	vmul.f32 v15, v17;
	v13 =	vmul.f32 v21, v26  }
0x397: {  	v14 =	vsub.f32 v56, v62;
	v19 =	vmul.f32 v63, v63;
	v20 =	vmul.f32 v24, v24  }
0x398: {  	v30 =	vsub.f32 v8, v1;
	v17 =	vmul.f32 v27, v27;
	v31 =	vmul.f32 v28, v28  }
0x399: {  	v32 =	vmul.f32 v29, v29;
	v11 =	vmul.f32 v11, v11;
	v13 =	vsub.f32 $1.891199950e+00, v13  }
0x39a: {  	v8 =	vsub.f32 v12, v8;
	v33 =	vmul.f32 v14, v14;
	v16 =	vmul.f32 v30, v30  }
0x39b: {  	v7 =	vmul.f32 v9, v7;
	v19 =	vadd.f32 v20, v19;
	v35 =	vmul.f32 v21, v13  }
0x39c: {  	v8 =	vmul.f32 v8, v8;
	v6 =	vmul.f32 v15, v6;
	v34 =	vadd.f32 v32, v31  }
0x39d: {  	v11 =	vadd.f32 v33, v11;
	[tilespmem:s22+$0xFFFFFE60] =	vst v7;
	v17 =	vadd.f32 v17, v19;
	v9 =	vmul.f32 v35, v10  }
0x39e: {  	v36 =	vadd.f32 v16, v34;
	[tilespmem:s23+$0xFFFFFE60] =	vst v6  }
0x39f: {  	v8 =	vadd.f32 v8, v11;
	v37 =	vshra.s32 v17, $0x1;
	[tilespmem:s12+$0xFFFFFE60] =	vst v9  }
0x3a0: {  	v39 =	vshra.s32 v36, $0x1;
	v38 =	vsub.s32 $0x5F0B54EA, v37;
	v44 =	vld [tilespmem:s13+$0xFFFFFE70]  }
0x3a1: {  	v41 =	vshra.s32 v8, $0x1;
	v11 =	vsub.s32 $0x5F0B54EA, v39;
	v40 =	vmul.f32 v38, v17  }
0x3a2: {  	v52 =	vld [tilespmem:s13+$0xFFFFFF10];
	v13 =	vsub.s32 $0x5F0B54EA, v41;
	v42 =	vmul.f32 v11, v36  }
0x3a3: {  	v43 =	vmul.f32 v13, v8;
	v7 =	vmul.f32 v38, v40  }
0x3a4: {  	v6 =	vmul.f32 v11, v42  }
0x3a5: {  	v45 =	vld [tilespmem:s21+$0xFFFFFE70];
	v9 =	vmul.f32 v13, v43;
	v7 =	vsub.f32 $1.891199950e+00, v7  }
0x3a6: {  	v6 =	vsub.f32 $1.891199950e+00, v6  }
0x3a7: {  	v53 =	vld [tilespmem:s21+$0xFFFFFF10];
	v9 =	vsub.f32 $1.891199950e+00, v9;
	v7 =	vmul.f32 v38, v7  }
0x3a8: {  	v6 =	vmul.f32 v11, v6;
	v19 =	vld.idx.msk [tilespmem:v44+s7+$0x0], $0xffff  }
0x3a9: {  	v9 =	vmul.f32 v13, v9;
	v7 =	vmul.f32 v7, v17;
	v16 =	vld.idx.msk [tilespmem:v44+s24+$0x0], $0xffff  }
0x3aa: {  	v56 =	vld.idx.msk [tilespmem:v52+s7+$0x0], $0xffff;
	v6 =	vmul.f32 v6, v36  }
0x3ab: {  	s0 =	sadd.s32 $0x46, s14;
	v46 =	vmul.f32 v9, v8;
	v15 =	vld.idx.msk [tilespmem:v44+s25+$0x0], $0xffff;
	[tilespmem:s22+$0xFFFFFEC0] =	vst v7  }
0x3ac: {  	v47 =	vmov s0;
	v26 =	vld.idx.msk [tilespmem:v52+s24+$0x0], $0xffff;
	[tilespmem:s23+$0xFFFFFEC0] =	vst v6  }
0x3ad: {  	v20 =	vld.idx.msk [tilespmem:v45+s7+$0x0], $0xffff;
	v7 =	vand.u32 $0xFFFFFFFE, v47;
	[tilespmem:s12+$0xFFFFFEC0] =	vst v46  }
0x3ae: {  	v50 =	vbroadcast v7, $0x0;
	v6 =	vld [tilespmem:s13+$0xFFFFFED0];
	v48 =	vsub.f32 v19, v5;
	v49 =	vsub.f32 v16, v4  }
0x3af: {  	v18 =	vld.idx.msk [tilespmem:v45+s24+$0x0], $0xffff  }
0x3b0: {  	v27 =	vld.idx.msk [tilespmem:v53+s7+$0x0], $0xffff;
	v51 =	vsub.f32 v15, v3;
	v8 =	vmul.f32 v48, v48;
	v9 =	vmul.f32 v49, v49  }
0x3b1: {  	v17 =	vld.idx.msk [tilespmem:v45+s25+$0x0], $0xffff  }
0x3b2: {  	v29 =	vld.idx.msk [tilespmem:v53+s24+$0x0], $0xffff;
	v7 =	vmul.f32 v51, v51;
	v8 =	vadd.f32 v9, v8  }
0x3b3: {  	v11 =	vld.idx.msk [tilespmem:v52+s25+$0x0], $0xffff;
	v57 =	vsub.f32 v20, v5  }
0x3b4: {  	v58 =	vsub.f32 v18, v4;
	v12 =	vadd.f32 v7, v8;
	v7 =	vld.idx.msk [tilespmem:v50+s7+$0x0], $0xffff  }
0x3b5: {  	v8 =	vld.idx.msk [tilespmem:v50+s24+$0x0], $0xffff  }
0x3b6: {  	v59 =	vsub.f32 v17, v3;
	v21 =	vmul.f32 v57, v57;
	v22 =	vmul.f32 v58, v58;
	v24 =	vld.idx.msk [tilespmem:v6+s7+$0x0], $0xffff  }
0x3b7: {  	v13 =	vsub.f32 v56, v27;
	v25 =	vld.idx.msk [tilespmem:v6+s24+$0x0], $0xffff  }
0x3b8: {  	v47 =	vmul.f32 v59, v59;
	v21 =	vadd.f32 v22, v21;
	v23 =	vld.idx.msk [tilespmem:v6+s25+$0x0], $0xffff  }
0x3b9: {  	v42 =	vmul.f32 v13, v13;
	v6 =	vld.idx.msk [tilespmem:v50+s25+$0x0], $0xffff  }
0x3ba: {  	v9 =	vld.idx.msk [tilespmem:v53+s25+$0x0], $0xffff;
	v13 =	vadd.f32 v47, v21;
	v54 =	vshra.s32 v12, $0x1;
	v30 =	vsub.f32 v56, v7  }
0x3bb: {  	v14 =	vsub.s32 $0x5F0B54EA, v54;
	v31 =	vsub.f32 v26, v8;
	v35 =	vsub.f32 v27, v7  }
0x3bc: {  	s14 =	sadd.s32 $0x47, s14;
	v38 =	vld [tilespmem:s13+$0xFFFFFF90];
	v55 =	vmul.f32 v14, v12;
	v36 =	vsub.f32 v29, v8;
	v26 =	vsub.f32 v26, v29  }
0x3bd: {  	v37 =	vmov s14;
	v60 =	vsub.f32 v24, v2;
	v32 =	vsub.f32 v25, v0  }
0x3be: {  	v10 =	vmul.f32 v14, v55;
	v33 =	vsub.f32 v23, v1;
	v34 =	vsub.f32 v11, v6  }
0x3bf: {  	v30 =	vmul.f32 v30, v30;
	v31 =	vmul.f32 v31, v31;
	v62 =	vsub.f32 v9, v6  }
0x3c0: {  	v35 =	vmul.f32 v35, v35;
	v36 =	vmul.f32 v36, v36;
	v9 =	vsub.f32 v11, v9  }
0x3c1: {  	v43 =	vmul.f32 v26, v26;
	v30 =	vadd.f32 v31, v30;
	v61 =	vmul.f32 v34, v34  }
0x3c2: {  	v28 =	vsub.f32 $1.891199950e+00, v10;
	v22 =	vmul.f32 v60, v60;
	v32 =	vmul.f32 v32, v32  }
0x3c3: {  	v40 =	vadd.f32 v36, v35;
	v41 =	vmul.f32 v62, v62;
	v31 =	vld [tilespmem:s21+$0xFFFFFED0];
	v63 =	vadd.f32 v61, v30  }
0x3c4: {  	v39 =	vld.idx.msk [tilespmem:v38+s24+$0x0], $0xffff;
	v44 =	vmul.f32 v33, v33;
	v11 =	vadd.f32 v43, v42;
	v46 =	vmul.f32 v9, v9  }
0x3c5: {  	v53 =	vld.idx.msk [tilespmem:v38+s7+$0x0], $0xffff;
	v14 =	vmul.f32 v14, v28;
	v29 =	vadd.f32 v41, v40;
	v45 =	vshra.s32 v63, $0x1  }
0x3c6: {  	v10 =	vld.idx.msk [tilespmem:v37+s24+$0x0], $0xffff;
	v22 =	vadd.f32 v32, v22;
	v35 =	vadd.f32 v46, v11;
	v48 =	vsub.s32 $0x5F0B54EA, v45  }
0x3c7: {  	v32 =	vld [tilespmem:s21+$0xFFFFFF90];
	v40 =	vshra.s32 v13, $0x1;
	v50 =	vshra.s32 v29, $0x1;
	v49 =	vmul.f32 v48, v63  }
0x3c8: {  	v38 =	vld.idx.msk [tilespmem:v38+s25+$0x0], $0xffff;
	v26 =	vadd.f32 v44, v22;
	v56 =	vshra.s32 v35, $0x1;
	v52 =	vsub.s32 $0x5F0B54EA, v50  }
0x3c9: {  	v9 =	vld.idx.msk [tilespmem:v37+s7+$0x0], $0xffff;
	v36 =	vsub.s32 $0x5F0B54EA, v56;
	v55 =	vmul.f32 v52, v29;
	v54 =	vmul.f32 v48, v49  }
0x3ca: {  	v11 =	vld.idx.msk [tilespmem:v37+s25+$0x0], $0xffff;
	v21 =	vsub.s32 $0x5F0B54EA, v40;
	v51 =	vshra.s32 v26, $0x1;
	v44 =	vmul.f32 v36, v35  }
0x3cb: {  	v41 =	vsub.s32 $0x5F0B54EA, v51;
	v42 =	vld.idx.msk [tilespmem:v31+s7+$0x0], $0xffff;
	v33 =	vmul.f32 v52, v55;
	v43 =	vsub.f32 $1.891199950e+00, v54  }
0x3cc: {  	v61 =	vsub.f32 v39, v10;
	v51 =	vmul.f32 v21, v13;
	v57 =	vmul.f32 v41, v26;
	v49 =	vld.idx.msk [tilespmem:v31+s24+$0x0], $0xffff  }
0x3cd: {  	v58 =	vmul.f32 v36, v44;
	v31 =	vld.idx.msk [tilespmem:v31+s25+$0x0], $0xffff;
	v33 =	vsub.f32 $1.891199950e+00, v33;
	v22 =	vmul.f32 v48, v43  }
0x3ce: {  	v60 =	vsub.f32 v53, v9;
	v44 =	vmul.f32 v61, v61;
	v28 =	vmul.f32 v41, v57  }
0x3cf: {  	v59 =	vld.idx.msk [tilespmem:v32+s7+$0x0], $0xffff;
	v62 =	vmul.f32 v52, v33;
	v22 =	vmul.f32 v22, v63;
	v63 =	vsub.f32 $1.891199950e+00, v58  }
0x3d0: {  	v48 =	vld.idx.msk [tilespmem:v32+s24+$0x0], $0xffff;
	v28 =	vsub.f32 $1.891199950e+00, v28;
	v43 =	vmul.f32 v60, v60;
	v52 =	vsub.f32 v38, v11  }
0x3d1: {  	v50 =	vsub.f32 v42, v2;
	v55 =	vsub.f32 v49, v0;
	v30 =	vmul.f32 v36, v63  }
0x3d2: {  	v32 =	vld.idx.msk [tilespmem:v32+s25+$0x0], $0xffff;
	v60 =	vsub.f32 v31, v1;
	v24 =	vsub.f32 v24, v42;
	v27 =	vmul.f32 v62, v29  }
0x3d3: {  	v25 =	vsub.f32 v25, v49;
	v23 =	vsub.f32 v23, v31;
	[tilespmem:s22+$0xFFFFFF10] =	vst v22;
	v30 =	vmul.f32 v30, v35  }
0x3d4: {  	v43 =	vadd.f32 v44, v43;
	v56 =	vmul.f32 v52, v52;
	v34 =	vsub.f32 v53, v59;
	[tilespmem:s23+$0xFFFFFF10] =	vst v27  }
0x3d5: {  	v28 =	vmul.f32 v41, v28;
	v53 =	vsub.f32 v59, v9;
	v33 =	vsub.f32 v48, v10;
	[tilespmem:s12+$0xFFFFFF10] =	vst v30  }
0x3d6: {  	v29 =	vmul.f32 v50, v50;
	v24 =	vmul.f32 v24, v24;
	v54 =	vsub.f32 v39, v48;
	v58 =	vld [tilespmem:s13+$0xFFFFFF20]  }
0x3d7: {  	v57 =	vsub.f32 v32, v11;
	v35 =	vmul.f32 v53, v53;
	v33 =	vmul.f32 v33, v33  }
0x3d8: {  	v32 =	vsub.f32 v38, v32;
	v34 =	vmul.f32 v34, v34;
	v36 =	vmul.f32 v54, v54;
	v61 =	vld [tilespmem:s21+$0xFFFFFF20]  }
0x3d9: {  	v59 =	vadd.f32 v56, v43;
	v30 =	vmul.f32 v57, v57;
	v33 =	vadd.f32 v33, v35  }
0x3da: {  	v27 =	vmul.f32 v55, v55;
	v32 =	vmul.f32 v32, v32;
	v34 =	vadd.f32 v36, v34  }
0x3db: {  	v25 =	vmul.f32 v25, v25;
	v62 =	vshra.s32 v59, $0x1;
	v30 =	vadd.f32 v30, v33  }
0x3dc: {  	v27 =	vadd.f32 v27, v29;
	v29 =	vsub.s32 $0x5F0B54EA, v62;
	v32 =	vadd.f32 v32, v34  }
0x3dd: {  	v23 =	vmul.f32 v23, v23;
	v44 =	vmul.f32 v29, v59;
	v43 =	vshra.s32 v30, $0x1  }
0x3de: {  	v63 =	vmul.f32 v60, v60;
	v45 =	vshra.s32 v32, $0x1;
	v34 =	vsub.s32 $0x5F0B54EA, v43;
	v37 =	vld.idx.msk [tilespmem:v58+s7+$0x0], $0xffff  }
0x3df: {  	v36 =	vmul.f32 v29, v44;
	v40 =	vsub.s32 $0x5F0B54EA, v45;
	v46 =	vmul.f32 v34, v30;
	v33 =	vld.idx.msk [tilespmem:v58+s24+$0x0], $0xffff  }
0x3e0: {  	v22 =	vmul.f32 v21, v51;
	v27 =	vadd.f32 v63, v27;
	v47 =	vmul.f32 v40, v32;
	v48 =	vld.idx.msk [tilespmem:v61+s7+$0x0], $0xffff  }
0x3e1: {  	v26 =	vmul.f32 v28, v26;
	v36 =	vsub.f32 $1.891199950e+00, v36;
	v41 =	vmul.f32 v34, v46;
	v50 =	vld.idx.msk [tilespmem:v61+s24+$0x0], $0xffff  }
0x3e2: {  	v24 =	vadd.f32 v25, v24;
	v56 =	vshra.s32 v27, $0x1;
	v42 =	vmul.f32 v40, v47;
	v38 =	vld.idx.msk [tilespmem:v58+s25+$0x0], $0xffff  }
0x3e3: {  	v60 =	vsub.s32 $0x5F0B54EA, v56;
	v29 =	vmul.f32 v29, v36;
	v53 =	vld.idx.msk [tilespmem:v61+s25+$0x0], $0xffff;
	v49 =	vsub.f32 $1.891199950e+00, v41  }
0x3e4: {  	v23 =	vadd.f32 v23, v24;
	v63 =	vmul.f32 v60, v27;
	v51 =	vsub.f32 $1.891199950e+00, v42  }
0x3e5: {  	v29 =	vmul.f32 v29, v59;
	v31 =	vmul.f32 v34, v49;
	v52 =	vsub.f32 v37, v7  }
0x3e6: {  	v55 =	vmul.f32 v40, v51;
	v54 =	vsub.f32 v33, v8;
	v61 =	vsub.f32 v48, v7  }
0x3e7: {  	v47 =	vshra.s32 v23, $0x1;
	v62 =	vsub.f32 v50, v8;
	v44 =	vsub.f32 v38, v6  }
0x3e8: {  	v45 =	vsub.f32 v53, v6;
	v30 =	vmul.f32 v31, v30;
	v59 =	vmul.f32 v55, v32  }
0x3e9: {  	v28 =	vsub.f32 v37, v48;
	v57 =	vmul.f32 v52, v52;
	v58 =	vmul.f32 v54, v54  }
0x3ea: {  	[tilespmem:s22+$0xFFFFFF90] =	vst v29;
	v25 =	vsub.f32 v33, v50;
	v32 =	vmul.f32 v61, v61;
	v35 =	vmul.f32 v62, v62  }
0x3eb: {  	v49 =	vsub.s32 $0x5F0B54EA, v47;
	v48 =	vmul.f32 v44, v44;
	v29 =	vmul.f32 v45, v45;
	[tilespmem:s23+$0xFFFFFF90] =	vst v30  }
0x3ec: {  	v34 =	vsub.f32 v38, v53;
	v28 =	vmul.f32 v28, v28;
	v25 =	vmul.f32 v25, v25;
	[tilespmem:s12+$0xFFFFFF90] =	vst v59  }
0x3ed: {  	v52 =	vmul.f32 v49, v23;
	v30 =	vmul.f32 v60, v63;
	v46 =	vld [tilespmem:s13+$0xFFFFFFA0]  }
0x3ee: {  	v50 =	vmul.f32 v34, v34;
	v24 =	vadd.f32 v58, v57;
	v32 =	vadd.f32 v35, v32;
	v51 =	vld [tilespmem:s21+$0xFFFFFFA0]  }
0x3ef: {  	v25 =	vadd.f32 v25, v28;
	v55 =	vmul.f32 v49, v52;
	v30 =	vsub.f32 $1.891199950e+00, v30  }
0x3f0: {  	v24 =	vadd.f32 v48, v24;
	v29 =	vadd.f32 v29, v32  }
0x3f1: {  	v25 =	vadd.f32 v50, v25;
	v28 =	vsub.f32 $1.891199950e+00, v55  }
0x3f2: {  	v30 =	vmul.f32 v60, v30;
	v53 =	vshra.s32 v24, $0x1;
	v54 =	vshra.s32 v29, $0x1  }
0x3f3: {  	v58 =	vshra.s32 v25, $0x1;
	v28 =	vmul.f32 v49, v28;
	v34 =	vsub.s32 $0x5F0B54EA, v53  }
0x3f4: {  	v36 =	vsub.s32 $0x5F0B54EA, v54;
	v38 =	vsub.s32 $0x5F0B54EA, v58;
	v56 =	vmul.f32 v34, v24  }
0x3f5: {  	v57 =	vmul.f32 v36, v29;
	v59 =	vmul.f32 v38, v25;
	v37 =	vld.idx.msk [tilespmem:v46+s7+$0x0], $0xffff  }
0x3f6: {  	v27 =	vmul.f32 v30, v27;
	v33 =	vmul.f32 v34, v56;
	v62 =	vld.idx.msk [tilespmem:v51+s7+$0x0], $0xffff  }
0x3f7: {  	v31 =	vmul.f32 v36, v57;
	v61 =	vmul.f32 v38, v59;
	v63 =	vld.idx.msk [tilespmem:v51+s24+$0x0], $0xffff  }
0x3f8: {  	[tilespmem:s22+$0xFFFFFED0] =	vst v26;
	v23 =	vmul.f32 v28, v23;
	v40 =	vld.idx.msk [tilespmem:v46+s24+$0x0], $0xffff;
	v60 =	vsub.f32 $1.891199950e+00, v33  }
0x3f9: {  	[tilespmem:s23+$0xFFFFFED0] =	vst v27;
	v30 =	vld.idx.msk [tilespmem:v46+s25+$0x0], $0xffff;
	v31 =	vsub.f32 $1.891199950e+00, v31;
	v47 =	vsub.f32 $1.891199950e+00, v61  }
0x3fa: {  	v19 =	vsub.f32 v19, v20;
	[tilespmem:s12+$0xFFFFFED0] =	vst v23;
	v48 =	vld.idx.msk [tilespmem:v51+s25+$0x0], $0xffff;
	v26 =	vmul.f32 v34, v60  }
0x3fb: {  	v16 =	vsub.f32 v16, v18;
	v51 =	vld [tilespmem:s13+$0xFFFFFEE0];
	v46 =	vmul.f32 v36, v31;
	v52 =	vmul.f32 v38, v47  }
0x3fc: {  	v24 =	vmul.f32 v26, v24;
	v56 =	vsub.f32 v62, v9;
	v57 =	vsub.f32 v63, v10  }
0x3fd: {  	v44 =	vsub.f32 v37, v9;
	v27 =	vmul.f32 v46, v29;
	v55 =	vmul.f32 v52, v25  }
0x3fe: {  	v45 =	vsub.f32 v40, v10;
	v25 =	vmul.f32 v56, v56;
	v26 =	vmul.f32 v57, v57  }
0x3ff: {  	v53 =	vsub.f32 v30, v11;
	v59 =	vsub.f32 v37, v62;
	[tilespmem:s22+$0xFFFFFF20] =	vst v24  }
0x400: {  	v28 =	vsub.f32 v40, v63;
	[tilespmem:s23+$0xFFFFFF20] =	vst v27;
	v62 =	vadd.f32 v26, v25;
	v25 =	vld [tilespmem:s21+$0xFFFFFEE0]  }
0x401: {  	v60 =	vsub.f32 v48, v11;
	v49 =	vmul.f32 v44, v44;
	v50 =	vmul.f32 v45, v45;
	[tilespmem:s12+$0xFFFFFF20] =	vst v55  }
0x402: {  	v23 =	vsub.f32 v30, v48;
	v29 =	vmul.f32 v59, v59;
	v28 =	vmul.f32 v28, v28;
	v61 =	vld [tilespmem:s13+$0xFFFFFF30]  }
0x403: {  	v15 =	vsub.f32 v15, v17;
	v58 =	vmul.f32 v53, v53;
	v20 =	vld.idx.msk [tilespmem:v51+s25+$0x0], $0xffff;
	v54 =	vadd.f32 v50, v49  }
0x404: {  	v24 =	vmul.f32 v60, v60;
	v23 =	vmul.f32 v23, v23;
	v42 =	vadd.f32 v28, v29;
	v28 =	vld.idx.msk [tilespmem:v51+s7+$0x0], $0xffff  }
0x405: {  	v19 =	vmul.f32 v19, v19;
	v16 =	vmul.f32 v16, v16;
	v44 =	vld [tilespmem:s21+$0xFFFFFF30];
	v63 =	vadd.f32 v58, v54  }
0x406: {  	v18 =	vadd.f32 v24, v62;
	v23 =	vadd.f32 v23, v42  }
0x407: {  	v15 =	vmul.f32 v15, v15;
	v16 =	vadd.f32 v16, v19;
	v24 =	vld.idx.msk [tilespmem:v51+s24+$0x0], $0xffff  }
0x408: {  	v43 =	vshra.s32 v63, $0x1;
	v45 =	vshra.s32 v18, $0x1;
	v47 =	vshra.s32 v23, $0x1;
	v36 =	vld.idx.msk [tilespmem:v25+s7+$0x0], $0xffff  }
0x409: {  	v52 =	vsub.f32 v20, v1;
	v17 =	vsub.s32 $0x5F0B54EA, v43;
	v27 =	vsub.s32 $0x5F0B54EA, v45;
	v39 =	vld.idx.msk [tilespmem:v25+s24+$0x0], $0xffff  }
0x40a: {  	v30 =	vsub.s32 $0x5F0B54EA, v47;
	v50 =	vsub.f32 v28, v2;
	v46 =	vmul.f32 v17, v63;
	v33 =	vld.idx.msk [tilespmem:v61+s7+$0x0], $0xffff  }
0x40b: {  	v15 =	vadd.f32 v15, v16;
	v48 =	vmul.f32 v27, v18;
	v49 =	vmul.f32 v30, v23;
	v35 =	vld.idx.msk [tilespmem:v61+s24+$0x0], $0xffff  }
0x40c: {  	v54 =	vmul.f32 v52, v52;
	v51 =	vsub.f32 v24, v0;
	v16 =	vmul.f32 v50, v50;
	v32 =	vld.idx.msk [tilespmem:v61+s25+$0x0], $0xffff  }
0x40d: {  	v29 =	vmul.f32 v17, v46;
	v31 =	vmul.f32 v27, v48;
	v55 =	vld.idx.msk [tilespmem:v44+s7+$0x0], $0xffff  }
0x40e: {  	v22 =	vsub.f32 $1.891199950e+00, v22;
	v34 =	vmul.f32 v30, v49;
	v37 =	vmul.f32 v51, v51;
	v57 =	vld.idx.msk [tilespmem:v44+s24+$0x0], $0xffff  }
0x40f: {  	v19 =	vld.idx.msk [tilespmem:v44+s25+$0x0], $0xffff;
	v44 =	vshra.s32 v15, $0x1;
	v29 =	vsub.f32 $1.891199950e+00, v29;
	v31 =	vsub.f32 $1.891199950e+00, v31  }
0x410: {  	v53 =	vsub.f32 $1.891199950e+00, v34;
	v60 =	vadd.f32 v37, v16;
	v16 =	vmul.f32 v21, v22  }
0x411: {  	v17 =	vmul.f32 v17, v29;
	v45 =	vsub.f32 v36, v2;
	v51 =	vsub.f32 v39, v0  }
0x412: {  	v27 =	vmul.f32 v27, v31;
	v28 =	vsub.f32 v28, v36;
	v24 =	vsub.f32 v24, v39  }
0x413: {  	v59 =	vmul.f32 v30, v53;
	v56 =	vsub.f32 v33, v7;
	v58 =	vsub.f32 v35, v8  }
0x414: {  	v27 =	vmul.f32 v27, v18;
	v62 =	vsub.f32 v32, v6;
	v18 =	vadd.f32 v54, v60  }
0x415: {  	v25 =	vld.idx.msk [tilespmem:v25+s25+$0x0], $0xffff;
	v17 =	vmul.f32 v17, v63;
	v48 =	vsub.f32 v55, v7;
	v49 =	vsub.f32 v57, v8  }
0x416: {  	v43 =	vmul.f32 v59, v23;
	v52 =	vsub.f32 v19, v6;
	v33 =	vsub.f32 v33, v55  }
0x417: {  	v31 =	vsub.f32 v35, v57;
	v61 =	vmul.f32 v56, v56;
	v63 =	vmul.f32 v58, v58;
	[tilespmem:s22+$0xFFFFFFA0] =	vst v17  }
0x418: {  	v19 =	vsub.f32 v32, v19;
	v22 =	vmul.f32 v45, v45;
	v30 =	vmul.f32 v51, v51;
	[tilespmem:s23+$0xFFFFFFA0] =	vst v27  }
0x419: {  	v28 =	vmul.f32 v28, v28;
	v47 =	vmul.f32 v62, v62;
	v46 =	vadd.f32 v63, v61;
	[tilespmem:s12+$0xFFFFFFA0] =	vst v43  }
0x41a: {  	v55 =	vsub.f32 v25, v1;
	v21 =	vmul.f32 v48, v48;
	v27 =	vmul.f32 v49, v49;
	v50 =	vld [tilespmem:s13+$0xFFFFFFB0]  }
0x41b: {  	v54 =	vmul.f32 v33, v33;
	v31 =	vmul.f32 v31, v31;
	v23 =	vadd.f32 v47, v46  }
0x41c: {  	v24 =	vmul.f32 v24, v24;
	v26 =	vmul.f32 v52, v52;
	v21 =	vadd.f32 v27, v21  }
0x41d: {  	v19 =	vmul.f32 v19, v19;
	v57 =	vadd.f32 v31, v54;
	v58 =	vld [tilespmem:s21+$0xFFFFFFB0];
	v53 =	vshra.s32 v23, $0x1  }
0x41e: {  	v17 =	vsub.s32 $0x5F0B54EA, v44;
	v21 =	vadd.f32 v26, v21;
	v34 =	vsub.s32 $0x5F0B54EA, v53  }
0x41f: {  	v59 =	vshra.s32 v18, $0x1;
	v26 =	vadd.f32 v19, v57;
	v56 =	vmul.f32 v34, v23  }
0x420: {  	v32 =	vmul.f32 v55, v55;
	v22 =	vadd.f32 v30, v22;
	v62 =	vshra.s32 v21, $0x1  }
0x421: {  	v43 =	vshra.s32 v26, $0x1;
	v35 =	vsub.s32 $0x5F0B54EA, v62;
	v60 =	vmul.f32 v34, v56  }
0x422: {  	v19 =	vadd.f32 v32, v22;
	v32 =	vsub.s32 $0x5F0B54EA, v43;
	v42 =	vmul.f32 v35, v21;
	v61 =	vld.idx.msk [tilespmem:v50+s7+$0x0], $0xffff  }
0x423: {  	v31 =	vsub.s32 $0x5F0B54EA, v59;
	v44 =	vmul.f32 v32, v26;
	v63 =	vld.idx.msk [tilespmem:v50+s24+$0x0], $0xffff;
	v30 =	vsub.f32 $1.891199950e+00, v60  }
0x424: {  	v20 =	vsub.f32 v20, v25;
	v45 =	vmul.f32 v31, v18;
	v29 =	vld.idx.msk [tilespmem:v50+s25+$0x0], $0xffff;
	v22 =	vmul.f32 v35, v42  }
0x425: {  	v48 =	vmul.f32 v32, v44;
	v49 =	vld.idx.msk [tilespmem:v58+s7+$0x0], $0xffff;
	v30 =	vmul.f32 v34, v30  }
0x426: {  	v20 =	vmul.f32 v20, v20;
	v24 =	vadd.f32 v24, v28;
	v50 =	vld.idx.msk [tilespmem:v58+s24+$0x0], $0xffff;
	v22 =	vsub.f32 $1.891199950e+00, v22  }
0x427: {  	v36 =	vmul.f32 v31, v45;
	v23 =	vmul.f32 v30, v23;
	v30 =	vsub.f32 $1.891199950e+00, v48  }
0x428: {  	v52 =	vmul.f32 v17, v15;
	v20 =	vadd.f32 v20, v24;
	v27 =	vld.idx.msk [tilespmem:v58+s25+$0x0], $0xffff;
	v22 =	vmul.f32 v35, v22  }
0x429: {  	v36 =	vsub.f32 $1.891199950e+00, v36;
	v46 =	vsub.f32 v61, v9;
	v30 =	vmul.f32 v32, v30  }
0x42a: {  	v47 =	vsub.f32 v63, v10;
	v51 =	vsub.f32 v29, v11;
	v21 =	vmul.f32 v22, v21  }
0x42b: {  	v56 =	vsub.f32 v49, v9;
	v57 =	vsub.f32 v50, v10;
	[tilespmem:s22+$0xFFFFFF30] =	vst v23;
	v55 =	vmul.f32 v30, v26  }
0x42c: {  	v58 =	vsub.f32 v61, v49;
	v38 =	vmul.f32 v46, v46;
	v39 =	vmul.f32 v47, v47;
	[tilespmem:s23+$0xFFFFFF30] =	vst v21  }
0x42d: {  	v59 =	vsub.f32 v63, v50;
	v60 =	vsub.f32 v27, v11;
	v54 =	vmul.f32 v51, v51;
	[tilespmem:s12+$0xFFFFFF30] =	vst v55  }
0x42e: {  	v25 =	vmul.f32 v56, v56;
	v53 =	vadd.f32 v39, v38;
	v26 =	vmul.f32 v57, v57;
	v61 =	vld [tilespmem:s13+$0xFFFFFF40]  }
0x42f: {  	v27 =	vsub.f32 v29, v27;
	v62 =	vmul.f32 v59, v59;
	v21 =	vmul.f32 v58, v58  }
0x430: {  	v23 =	vmul.f32 v60, v60;
	v22 =	vadd.f32 v54, v53;
	v25 =	vadd.f32 v26, v25;
	v63 =	vld [tilespmem:s21+$0xFFFFFF40]  }
0x431: {  	v43 =	vshra.s32 v19, $0x1;
	v27 =	vmul.f32 v27, v27;
	v21 =	vadd.f32 v62, v21  }
0x432: {  	v32 =	vmul.f32 v17, v52;
	v41 =	vshra.s32 v22, $0x1;
	v23 =	vadd.f32 v23, v25  }
0x433: {  	v30 =	vmul.f32 v31, v36;
	v21 =	vadd.f32 v27, v21;
	v42 =	vsub.s32 $0x5F0B54EA, v41  }
0x434: {  	v25 =	vsub.s32 $0x5F0B54EA, v43;
	v31 =	vmul.f32 v42, v22;
	v44 =	vshra.s32 v23, $0x1  }
0x435: {  	v46 =	vshra.s32 v21, $0x1;
	v50 =	vmul.f32 v25, v19;
	v27 =	vsub.s32 $0x5F0B54EA, v44  }
0x436: {  	v45 =	vmul.f32 v42, v31;
	v47 =	vmul.f32 v27, v23;
	v31 =	vsub.s32 $0x5F0B54EA, v46;
	v48 =	vld.idx.msk [tilespmem:v61+s7+$0x0], $0xffff  }
0x437: {  	v55 =	vmul.f32 v25, v50;
	v49 =	vmul.f32 v31, v21;
	v51 =	vld.idx.msk [tilespmem:v61+s24+$0x0], $0xffff  }
0x438: {  	v52 =	vshra.s32 v20, $0x1;
	v28 =	vsub.f32 $1.891199950e+00, v45;
	v34 =	vmul.f32 v27, v47;
	v53 =	vld.idx.msk [tilespmem:v63+s7+$0x0], $0xffff  }
0x439: {  	v56 =	vsub.s32 $0x5F0B54EA, v52;
	v35 =	vsub.f32 $1.891199950e+00, v55;
	v54 =	vmul.f32 v31, v49;
	v57 =	vld.idx.msk [tilespmem:v63+s24+$0x0], $0xffff  }
0x43a: {  	v58 =	vmul.f32 v56, v20;
	v33 =	vld.idx.msk [tilespmem:v61+s25+$0x0], $0xffff;
	v28 =	vmul.f32 v42, v28;
	v34 =	vsub.f32 $1.891199950e+00, v34  }
0x43b: {  	v18 =	vmul.f32 v30, v18;
	v26 =	vld.idx.msk [tilespmem:v63+s25+$0x0], $0xffff;
	v25 =	vmul.f32 v25, v35;
	v29 =	vsub.f32 $1.891199950e+00, v54  }
0x43c: {  	v22 =	vmul.f32 v28, v22;
	v27 =	vmul.f32 v27, v34;
	v59 =	vsub.f32 v48, v7  }
0x43d: {  	v28 =	vmul.f32 v56, v58;
	v60 =	vsub.f32 v51, v8;
	v24 =	vsub.f32 v48, v53  }
0x43e: {  	v29 =	vmul.f32 v31, v29;
	v39 =	vsub.f32 v53, v7;
	v37 =	vsub.f32 v51, v57  }
0x43f: {  	v38 =	vsub.f32 v57, v8;
	v23 =	vmul.f32 v27, v23;
	v61 =	vsub.f32 v33, v6  }
0x440: {  	[tilespmem:s22+$0xFFFFFFB0] =	vst v22;
	v62 =	vsub.f32 v26, v6;
	v21 =	vmul.f32 v29, v21;
	v34 =	vmul.f32 v59, v59  }
0x441: {  	v40 =	vsub.f32 v33, v26;
	v31 =	vmul.f32 v60, v60;
	v63 =	vmul.f32 v39, v39;
	[tilespmem:s23+$0xFFFFFFB0] =	vst v23  }
0x442: {  	v44 =	vsub.f32 $1.891199950e+00, v28;
	v38 =	vmul.f32 v38, v38;
	v24 =	vmul.f32 v24, v24;
	[tilespmem:s12+$0xFFFFFFB0] =	vst v21  }
0x443: {  	v41 =	vmul.f32 v37, v37;
	v27 =	vmul.f32 v61, v61;
	v42 =	vadd.f32 v31, v34;
	v43 =	vld [tilespmem:s13+$0xFFFFFFC0]  }
0x444: {  	v22 =	vmul.f32 v62, v62;
	v23 =	vmul.f32 v40, v40;
	v29 =	vadd.f32 v38, v63  }
0x445: {  	v45 =	vmul.f32 v56, v44;
	v24 =	vadd.f32 v41, v24;
	v21 =	vadd.f32 v27, v42  }
0x446: {  	v19 =	vmul.f32 v25, v19;
	v49 =	vld [tilespmem:s21+$0xFFFFFFC0];
	v22 =	vadd.f32 v22, v29  }
0x447: {  	[tilespmem:s22+$0xFFFFFEE0] =	vst v18;
	v53 =	vmul.f32 v45, v20;
	v23 =	vadd.f32 v23, v24;
	v46 =	vshra.s32 v21, $0x1  }
0x448: {  	[tilespmem:s23+$0xFFFFFEE0] =	vst v19;
	v47 =	vshra.s32 v22, $0x1;
	v25 =	vsub.s32 $0x5F0B54EA, v46  }
0x449: {  	[tilespmem:s12+$0xFFFFFEE0] =	vst v53;
	v48 =	vshra.s32 v23, $0x1;
	v26 =	vsub.s32 $0x5F0B54EA, v47;
	v50 =	vmul.f32 v25, v21  }
0x44a: {  	v18 =	vld [tilespmem:s13+$0xFFFFFEF0];
	v27 =	vsub.s32 $0x5F0B54EA, v48;
	v51 =	vmul.f32 v26, v22  }
0x44b: {  	v32 =	vsub.f32 $1.891199950e+00, v32;
	v52 =	vmul.f32 v27, v23;
	v54 =	vmul.f32 v25, v50;
	v55 =	vld.idx.msk [tilespmem:v43+s7+$0x0], $0xffff  }
0x44c: {  	v56 =	vmul.f32 v26, v51;
	v58 =	vld.idx.msk [tilespmem:v43+s24+$0x0], $0xffff  }
0x44d: {  	v59 =	vmul.f32 v17, v32;
	v57 =	vmul.f32 v27, v52;
	v32 =	vld.idx.msk [tilespmem:v43+s25+$0x0], $0xffff;
	v60 =	vsub.f32 $1.891199950e+00, v54  }
0x44e: {  	v12 =	vmul.f32 v14, v12;
	v35 =	vld.idx.msk [tilespmem:v49+s7+$0x0], $0xffff;
	v61 =	vsub.f32 $1.891199950e+00, v56  }
0x44f: {  	v13 =	vmul.f32 v16, v13;
	v36 =	vld.idx.msk [tilespmem:v49+s24+$0x0], $0xffff;
	v62 =	vsub.f32 $1.891199950e+00, v57;
	v29 =	vmul.f32 v25, v60  }
0x450: {  	[tilespmem:s22+$0xFFFFFE70] =	vst v12;
	v63 =	vmul.f32 v59, v15;
	v33 =	vmul.f32 v26, v61  }
0x451: {  	[tilespmem:s23+$0xFFFFFE70] =	vst v13;
	v41 =	vld.idx.msk [tilespmem:v49+s25+$0x0], $0xffff;
	v34 =	vmul.f32 v27, v62;
	v14 =	vmul.f32 v29, v21  }
0x452: {  	[tilespmem:s12+$0xFFFFFE70] =	vst v63;
	v37 =	vsub.f32 v55, v9;
	v38 =	vsub.f32 v58, v10;
	v39 =	vmul.f32 v33, v22  }
0x453: {  	v44 =	vsub.f32 v32, v11;
	v47 =	vsub.f32 v35, v9;
	v40 =	vmul.f32 v34, v23;
	[tilespmem:s22+$0xFFFFFF40] =	vst v14  }
0x454: {  	v48 =	vsub.f32 v36, v10;
	v24 =	vsub.f32 v55, v35;
	v42 =	vmul.f32 v37, v37;
	[tilespmem:s23+$0xFFFFFF40] =	vst v39  }
0x455: {  	v19 =	vsub.f32 v58, v36;
	v43 =	vmul.f32 v38, v38;
	v12 =	vmul.f32 v44, v44;
	v14 =	vld [tilespmem:s13+$0xFFFFFE80];
	[tilespmem:s12+$0xFFFFFF40] =	vst v40  }
0x456: {  	v49 =	vsub.f32 v41, v11;
	v21 =	vmul.f32 v47, v47;
	v23 =	vmul.f32 v48, v48;
	v46 =	vld [tilespmem:s13+$0xFFFFFF50]  }
0x457: {  	v15 =	vld.idx.msk [tilespmem:v18+s7+$0x0], $0xffff;
	v17 =	vsub.f32 v32, v41;
	v50 =	vmul.f32 v24, v24;
	v19 =	vmul.f32 v19, v19  }
0x458: {  	v52 =	vmul.f32 v49, v49;
	v45 =	vadd.f32 v43, v42;
	v21 =	vadd.f32 v23, v21  }
0x459: {  	v53 =	vmul.f32 v17, v17;
	v19 =	vadd.f32 v19, v50;
	v51 =	vld [tilespmem:s21+$0xFFFFFF50]  }
0x45a: {  	v16 =	vld.idx.msk [tilespmem:v18+s24+$0x0], $0xffff;
	v13 =	vadd.f32 v12, v45;
	v21 =	vadd.f32 v52, v21  }
0x45b: {  	v19 =	vadd.f32 v53, v19  }
0x45c: {  	v17 =	vld.idx.msk [tilespmem:v18+s25+$0x0], $0xffff;
	v54 =	vsub.f32 v15, v2;
	v55 =	vshra.s32 v13, $0x1;
	v58 =	vshra.s32 v21, $0x1  }
0x45d: {  	v61 =	vshra.s32 v19, $0x1;
	v23 =	vsub.s32 $0x5F0B54EA, v55;
	v26 =	vsub.s32 $0x5F0B54EA, v58;
	v12 =	vld.idx.msk [tilespmem:v14+s7+$0x0], $0xffff  }
0x45e: {  	v29 =	vsub.s32 $0x5F0B54EA, v61;
	v60 =	vmul.f32 v23, v13;
	v62 =	vmul.f32 v26, v21;
	v57 =	vld.idx.msk [tilespmem:v46+s7+$0x0], $0xffff  }
0x45f: {  	v56 =	vsub.f32 v16, v0;
	v18 =	vmul.f32 v54, v54;
	v40 =	vmul.f32 v29, v19;
	v59 =	vld.idx.msk [tilespmem:v46+s24+$0x0], $0xffff  }
0x460: {  	v28 =	vmul.f32 v23, v60;
	v30 =	vmul.f32 v26, v62;
	v20 =	vld.idx.msk [tilespmem:v46+s25+$0x0], $0xffff  }
0x461: {  	v22 =	vmul.f32 v56, v56;
	v41 =	vsub.f32 v17, v1;
	v32 =	vmul.f32 v29, v40;
	v42 =	vld.idx.msk [tilespmem:v51+s7+$0x0], $0xffff  }
0x462: {  	v43 =	vld.idx.msk [tilespmem:v51+s24+$0x0], $0xffff;
	v28 =	vsub.f32 $1.891199950e+00, v28;
	v30 =	vsub.f32 $1.891199950e+00, v30  }
0x463: {  	v18 =	vadd.f32 v22, v18;
	v33 =	vmul.f32 v41, v41;
	v24 =	vld.idx.msk [tilespmem:v51+s25+$0x0], $0xffff;
	v46 =	vsub.f32 $1.891199950e+00, v32  }
0x464: {  	v63 =	vsub.f32 v12, v5;
	v23 =	vmul.f32 v23, v28;
	v26 =	vmul.f32 v26, v30  }
0x465: {  	v49 =	vmul.f32 v29, v46;
	v44 =	vsub.f32 v57, v7;
	v45 =	vsub.f32 v59, v8  }
0x466: {  	v13 =	vmul.f32 v23, v13;
	v48 =	vsub.f32 v20, v6;
	v50 =	vsub.f32 v42, v7  }
0x467: {  	v21 =	vmul.f32 v26, v21;
	v51 =	vsub.f32 v43, v8;
	v25 =	vsub.f32 v57, v42  }
0x468: {  	v53 =	vmul.f32 v49, v19;
	v52 =	vsub.f32 v59, v43;
	v54 =	vsub.f32 v24, v6  }
0x469: {  	v19 =	vld [tilespmem:s21+$0xFFFFFEF0];
	v20 =	vsub.f32 v20, v24;
	[tilespmem:s22+$0xFFFFFFC0] =	vst v13;
	v36 =	vmul.f32 v44, v44;
	v47 =	vmul.f32 v45, v45  }
0x46a: {  	v24 =	vadd.f32 v33, v18;
	v55 =	vmul.f32 v50, v50;
	v56 =	vmul.f32 v51, v51;
	[tilespmem:s23+$0xFFFFFFC0] =	vst v21  }
0x46b: {  	v13 =	vld.idx.msk [tilespmem:v14+s24+$0x0], $0xffff;
	v57 =	vmul.f32 v25, v25;
	v58 =	vmul.f32 v52, v52;
	[tilespmem:s12+$0xFFFFFFC0] =	vst v53  }
0x46c: {  	v59 =	vmul.f32 v48, v48;
	v23 =	vmul.f32 v54, v54;
	v22 =	vadd.f32 v47, v36;
	v61 =	vld [tilespmem:s13+$0xFFFFFFD0]  }
0x46d: {  	v20 =	vmul.f32 v20, v20;
	v39 =	vshra.s32 v24, $0x1;
	v60 =	vadd.f32 v56, v55  }
0x46e: {  	v25 =	vsub.s32 $0x5F0B54EA, v39;
	v21 =	vadd.f32 v58, v57;
	v22 =	vadd.f32 v59, v22  }
0x46f: {  	v63 =	vmul.f32 v63, v63;
	v62 =	vld [tilespmem:s21+$0xFFFFFFD0];
	v47 =	vmul.f32 v25, v24;
	v23 =	vadd.f32 v23, v60  }
0x470: {  	v20 =	vadd.f32 v20, v21;
	v46 =	vsub.f32 v13, v4;
	v40 =	vshra.s32 v22, $0x1  }
0x471: {  	v36 =	vmul.f32 v25, v47;
	v30 =	vld.idx.msk [tilespmem:v19+s7+$0x0], $0xffff;
	v41 =	vshra.s32 v23, $0x1;
	v26 =	vsub.s32 $0x5F0B54EA, v40  }
0x472: {  	v32 =	vld.idx.msk [tilespmem:v19+s24+$0x0], $0xffff;
	v42 =	vshra.s32 v20, $0x1;
	v28 =	vsub.s32 $0x5F0B54EA, v41;
	v43 =	vmul.f32 v26, v22  }
0x473: {  	v19 =	vld.idx.msk [tilespmem:v19+s25+$0x0], $0xffff;
	v35 =	vmul.f32 v46, v46;
	v29 =	vsub.s32 $0x5F0B54EA, v42;
	v44 =	vmul.f32 v28, v23  }
0x474: {  	v45 =	vmul.f32 v29, v20;
	v31 =	vmul.f32 v26, v43;
	v48 =	vld.idx.msk [tilespmem:v61+s7+$0x0], $0xffff  }
0x475: {  	v51 =	vsub.f32 $1.891199950e+00, v36;
	v33 =	vmul.f32 v28, v44;
	v49 =	vld.idx.msk [tilespmem:v61+s24+$0x0], $0xffff  }
0x476: {  	v18 =	vadd.f32 v35, v63;
	v34 =	vmul.f32 v29, v45;
	v27 =	vld.idx.msk [tilespmem:v61+s25+$0x0], $0xffff;
	v31 =	vsub.f32 $1.891199950e+00, v31  }
0x477: {  	v51 =	vmul.f32 v25, v51;
	v50 =	vld.idx.msk [tilespmem:v62+s7+$0x0], $0xffff;
	v53 =	vsub.f32 v30, v2;
	v33 =	vsub.f32 $1.891199950e+00, v33  }
0x478: {  	v52 =	vld.idx.msk [tilespmem:v62+s24+$0x0], $0xffff;
	v56 =	vsub.f32 v32, v0;
	v34 =	vsub.f32 $1.891199950e+00, v34;
	v26 =	vmul.f32 v26, v31  }
0x479: {  	v41 =	vsub.f32 v19, v1;
	v15 =	vsub.f32 v15, v30;
	v28 =	vmul.f32 v28, v33  }
0x47a: {  	v21 =	vld.idx.msk [tilespmem:v62+s25+$0x0], $0xffff;
	v16 =	vsub.f32 v16, v32;
	v29 =	vmul.f32 v29, v34;
	v22 =	vmul.f32 v26, v22  }
0x47b: {  	v17 =	vsub.f32 v17, v19;
	v54 =	vsub.f32 v48, v9;
	v23 =	vmul.f32 v28, v23  }
0x47c: {  	v55 =	vsub.f32 v49, v10;
	v57 =	vsub.f32 v27, v11;
	v20 =	vmul.f32 v29, v20;
	[tilespmem:s22+$0xFFFFFF50] =	vst v22  }
0x47d: {  	v44 =	vmul.f32 v53, v53;
	v59 =	vsub.f32 v50, v9;
	v60 =	vsub.f32 v52, v10;
	[tilespmem:s23+$0xFFFFFF50] =	vst v23  }
0x47e: {  	v62 =	vsub.f32 v48, v50;
	v31 =	vsub.f32 v49, v52;
	v26 =	vmul.f32 v54, v54;
	[tilespmem:s12+$0xFFFFFF50] =	vst v20  }
0x47f: {  	v40 =	vsub.f32 v21, v11;
	v58 =	vmul.f32 v55, v55;
	v34 =	vmul.f32 v60, v60;
	v63 =	vld [tilespmem:s13+$0xFFFFFF60]  }
0x480: {  	v21 =	vsub.f32 v27, v21;
	v43 =	vmul.f32 v31, v31;
	v23 =	vmul.f32 v59, v59  }
0x481: {  	v22 =	vmul.f32 v57, v57;
	v61 =	vadd.f32 v58, v26;
	v26 =	vmul.f32 v62, v62;
	v45 =	vld [tilespmem:s21+$0xFFFFFF60]  }
0x482: {  	v15 =	vmul.f32 v15, v15;
	v42 =	vmul.f32 v40, v40;
	v23 =	vadd.f32 v34, v23  }
0x483: {  	v14 =	vld.idx.msk [tilespmem:v14+s25+$0x0], $0xffff;
	v21 =	vmul.f32 v21, v21;
	v20 =	vadd.f32 v22, v61;
	v46 =	vadd.f32 v43, v26  }
0x484: {  	v16 =	vmul.f32 v16, v16;
	v28 =	vmul.f32 v56, v56;
	v22 =	vadd.f32 v42, v23  }
0x485: {  	v48 =	vmul.f32 v41, v41;
	v49 =	vshra.s32 v20, $0x1;
	v21 =	vadd.f32 v21, v46  }
0x486: {  	v47 =	vadd.f32 v28, v44;
	v28 =	vsub.s32 $0x5F0B54EA, v49;
	v50 =	vshra.s32 v22, $0x1  }
0x487: {  	v52 =	vmul.f32 v28, v20;
	v55 =	vshra.s32 v21, $0x1;
	v31 =	vsub.s32 $0x5F0B54EA, v50;
	v25 =	vld.idx.msk [tilespmem:v63+s7+$0x0], $0xffff  }
0x488: {  	v56 =	vsub.f32 v14, v3;
	v36 =	vsub.s32 $0x5F0B54EA, v55;
	v54 =	vmul.f32 v31, v22;
	v53 =	vld.idx.msk [tilespmem:v63+s24+$0x0], $0xffff  }
0x489: {  	v26 =	vadd.f32 v48, v47;
	v34 =	vmul.f32 v28, v52;
	v58 =	vmul.f32 v36, v21;
	v59 =	vld.idx.msk [tilespmem:v45+s7+$0x0], $0xffff  }
0x48a: {  	v15 =	vadd.f32 v16, v15;
	v37 =	vmul.f32 v56, v56;
	v57 =	vmul.f32 v31, v54;
	v61 =	vld.idx.msk [tilespmem:v45+s24+$0x0], $0xffff  }
0x48b: {  	v42 =	vshra.s32 v26, $0x1;
	v60 =	vsub.f32 $1.891199950e+00, v34;
	v62 =	vmul.f32 v36, v58;
	v29 =	vld.idx.msk [tilespmem:v63+s25+$0x0], $0xffff  }
0x48c: {  	v23 =	vmul.f32 v51, v24;
	v33 =	vld.idx.msk [tilespmem:v45+s25+$0x0], $0xffff;
	v34 =	vsub.s32 $0x5F0B54EA, v42;
	v30 =	vsub.f32 $1.891199950e+00, v57  }
0x48d: {  	v51 =	vmul.f32 v34, v26;
	v28 =	vmul.f32 v28, v60;
	v41 =	vsub.f32 $1.891199950e+00, v62  }
0x48e: {  	v57 =	vmul.f32 v17, v17;
	v30 =	vmul.f32 v31, v30;
	v63 =	vsub.f32 v25, v7  }
0x48f: {  	v43 =	vmul.f32 v36, v41;
	v40 =	vsub.f32 v53, v8;
	v44 =	vsub.f32 v59, v7  }
0x490: {  	v20 =	vmul.f32 v28, v20;
	v45 =	vsub.f32 v61, v8;
	v46 =	vsub.f32 v29, v6  }
0x491: {  	v55 =	vsub.f32 v29, v33;
	v29 =	vld [tilespmem:s21+$0xFFFFFE80];
	v22 =	vmul.f32 v30, v22;
	v47 =	vmul.f32 v43, v21  }
0x492: {  	v24 =	vsub.f32 v25, v59;
	v35 =	vmul.f32 v63, v63;
	v32 =	vmul.f32 v40, v40  }
0x493: {  	v19 =	vsub.f32 v53, v61;
	v49 =	vmul.f32 v44, v44;
	v50 =	vmul.f32 v45, v45  }
0x494: {  	v48 =	vsub.f32 v33, v6;
	[tilespmem:s22+$0xFFFFFFD0] =	vst v20;
	v52 =	vmul.f32 v46, v46;
	v24 =	vmul.f32 v24, v24  }
0x495: {  	v16 =	vadd.f32 v57, v15;
	v19 =	vmul.f32 v19, v19;
	[tilespmem:s23+$0xFFFFFFD0] =	vst v22;
	v22 =	vmul.f32 v34, v51  }
0x496: {  	v21 =	vmul.f32 v48, v48;
	v32 =	vadd.f32 v32, v35;
	[tilespmem:s12+$0xFFFFFFD0] =	vst v47;
	v53 =	vadd.f32 v50, v49  }
0x497: {  	v56 =	vmul.f32 v55, v55;
	v19 =	vadd.f32 v19, v24;
	v54 =	vld [tilespmem:s13+$0xFFFFFFE0];
	v22 =	vsub.f32 $1.891199950e+00, v22  }
0x498: {  	v40 =	vshra.s32 v16, $0x1;
	v59 =	vld [tilespmem:s21+$0xFFFFFFE0];
	v20 =	vadd.f32 v52, v32;
	v21 =	vadd.f32 v21, v53  }
0x499: {  	v19 =	vadd.f32 v56, v19;
	v32 =	vsub.s32 $0x5F0B54EA, v40;
	v22 =	vmul.f32 v34, v22;
	v34 =	vld.idx.msk [tilespmem:v29+s7+$0x0], $0xffff  }
0x49a: {  	v43 =	vmul.f32 v32, v16;
	v58 =	vshra.s32 v20, $0x1;
	v57 =	vld.idx.msk [tilespmem:v29+s24+$0x0], $0xffff  }
0x49b: {  	v25 =	vshra.s32 v21, $0x1;
	v62 =	vshra.s32 v19, $0x1;
	v29 =	vld.idx.msk [tilespmem:v29+s25+$0x0], $0xffff;
	v17 =	vsub.s32 $0x5F0B54EA, v58  }
0x49c: {  	v25 =	vsub.s32 $0x5F0B54EA, v25;
	v47 =	vmul.f32 v32, v43;
	v60 =	vmul.f32 v17, v20  }
0x49d: {  	v30 =	vsub.s32 $0x5F0B54EA, v62;
	v45 =	vmul.f32 v22, v26;
	v61 =	vmul.f32 v25, v21  }
0x49e: {  	v41 =	vmul.f32 v30, v19;
	v26 =	vsub.f32 $1.891199950e+00, v47;
	v28 =	vmul.f32 v17, v60  }
0x49f: {  	v15 =	vmul.f32 v25, v61;
	v63 =	vld.idx.msk [tilespmem:v54+s7+$0x0], $0xffff;
	v5 =	vsub.f32 v34, v5;
	v4 =	vsub.f32 v57, v4  }
0x4a0: {  	v42 =	vld.idx.msk [tilespmem:v54+s24+$0x0], $0xffff;
	v26 =	vmul.f32 v32, v26;
	v3 =	vsub.f32 v29, v3;
	v13 =	vsub.f32 v13, v57  }
0x4a1: {  	v33 =	vmul.f32 v30, v41;
	v46 =	vld.idx.msk [tilespmem:v54+s25+$0x0], $0xffff;
	v28 =	vsub.f32 $1.891199950e+00, v28;
	v44 =	vsub.f32 $1.891199950e+00, v15  }
0x4a2: {  	v49 =	vld.idx.msk [tilespmem:v59+s7+$0x0], $0xffff;
	v15 =	vadd.f32 v37, v18;
	v16 =	vmul.f32 v26, v16;
	v5 =	vmul.f32 v5, v5  }
0x4a3: {  	v50 =	vld.idx.msk [tilespmem:v59+s24+$0x0], $0xffff;
	v48 =	vsub.f32 $1.891199950e+00, v33;
	v4 =	vmul.f32 v4, v4;
	v3 =	vmul.f32 v3, v3  }
0x4a4: {  	v13 =	vmul.f32 v13, v13;
	v17 =	vmul.f32 v17, v28;
	v54 =	vshra.s32 v15, $0x1  }
0x4a5: {  	v24 =	vld.idx.msk [tilespmem:v59+s25+$0x0], $0xffff;
	v25 =	vmul.f32 v25, v44;
	v53 =	vmul.f32 v30, v48;
	v27 =	vsub.s32 $0x5F0B54EA, v54  }
0x4a6: {  	[tilespmem:s22+$0xFFFFFEF0] =	vst v23;
	v17 =	vmul.f32 v17, v20;
	v51 =	vsub.f32 v63, v9;
	v52 =	vsub.f32 v42, v10  }
0x4a7: {  	[tilespmem:s23+$0xFFFFFEF0] =	vst v45;
	v21 =	vmul.f32 v25, v21;
	v58 =	vmul.f32 v27, v15;
	v59 =	vsub.f32 v46, v11  }
0x4a8: {  	[tilespmem:s12+$0xFFFFFEF0] =	vst v16;
	v19 =	vmul.f32 v53, v19;
	v60 =	vsub.f32 v49, v9;
	v61 =	vsub.f32 v50, v10  }
0x4a9: {  	v28 =	vsub.f32 v63, v49;
	v20 =	vsub.f32 v42, v50;
	v41 =	vld [tilespmem:s13+$0xFFFFFF00];
	v55 =	vmul.f32 v51, v51;
	[tilespmem:s22+$0xFFFFFF60] =	vst v17  }
0x4aa: {  	v62 =	vsub.f32 v24, v11;
	v56 =	vmul.f32 v52, v52;
	v33 =	vmul.f32 v59, v59;
	[tilespmem:s23+$0xFFFFFF60] =	vst v21  }
0x4ab: {  	v22 =	vsub.f32 v46, v24;
	v25 =	vmul.f32 v61, v61;
	v21 =	vmul.f32 v60, v60;
	[tilespmem:s12+$0xFFFFFF60] =	vst v19  }
0x4ac: {  	v35 =	vmul.f32 v28, v28;
	v20 =	vmul.f32 v20, v20;
	v30 =	vadd.f32 v56, v55;
	v63 =	vld [tilespmem:s13+$0xFFFFFF70]  }
0x4ad: {  	v52 =	vsub.f32 v12, v34;
	v19 =	vmul.f32 v62, v62;
	v21 =	vadd.f32 v25, v21  }
0x4ae: {  	v22 =	vmul.f32 v22, v22;
	v20 =	vadd.f32 v20, v35;
	v37 =	vadd.f32 v33, v30  }
0x4af: {  	v17 =	vmul.f32 v27, v58;
	v58 =	vmul.f32 v52, v52;
	v44 =	vld [tilespmem:s21+$0xFFFFFF70];
	v19 =	vadd.f32 v19, v21  }
0x4b0: {  	v4 =	vadd.f32 v4, v5;
	v20 =	vadd.f32 v22, v20;
	v38 =	vshra.s32 v37, $0x1  }
0x4b1: {  	v31 =	vadd.f32 v13, v58;
	v12 =	vld.idx.msk [tilespmem:v41+s7+$0x0], $0xffff;
	v39 =	vsub.s32 $0x5F0B54EA, v38;
	v40 =	vshra.s32 v19, $0x1  }
0x4b2: {  	v43 =	vshra.s32 v20, $0x1;
	v13 =	vld.idx.msk [tilespmem:v41+s24+$0x0], $0xffff;
	v42 =	vmul.f32 v39, v37;
	v18 =	vsub.s32 $0x5F0B54EA, v40  }
0x4b3: {  	v4 =	vadd.f32 v3, v4;
	v21 =	vld.idx.msk [tilespmem:v41+s25+$0x0], $0xffff;
	v23 =	vsub.s32 $0x5F0B54EA, v43;
	v45 =	vmul.f32 v18, v19  }
0x4b4: {  	v14 =	vsub.f32 v14, v29;
	v47 =	vmul.f32 v23, v20;
	v22 =	vmul.f32 v39, v42;
	v46 =	vld.idx.msk [tilespmem:v63+s7+$0x0], $0xffff  }
0x4b5: {  	v60 =	vshra.s32 v4, $0x1;
	v62 =	vsub.f32 $1.891199950e+00, v17;
	v48 =	vld.idx.msk [tilespmem:v63+s24+$0x0], $0xffff;
	v49 =	vmul.f32 v18, v45  }
0x4b6: {  	v17 =	vsub.s32 $0x5F0B54EA, v60;
	v50 =	vmul.f32 v23, v47;
	v51 =	vld.idx.msk [tilespmem:v63+s25+$0x0], $0xffff;
	v22 =	vsub.f32 $1.891199950e+00, v22  }
0x4b7: {  	v35 =	vmul.f32 v17, v4;
	v59 =	vld.idx.msk [tilespmem:v44+s7+$0x0], $0xffff;
	v5 =	vsub.f32 $1.891199950e+00, v49  }
0x4b8: {  	v33 =	vmul.f32 v14, v14;
	v61 =	vld.idx.msk [tilespmem:v44+s24+$0x0], $0xffff;
	v54 =	vsub.f32 $1.891199950e+00, v50;
	v53 =	vmul.f32 v39, v22  }
0x4b9: {  	v34 =	vld.idx.msk [tilespmem:v44+s25+$0x0], $0xffff;
	v36 =	vsub.f32 v12, v2;
	v45 =	vsub.f32 v13, v0;
	v5 =	vmul.f32 v18, v5  }
0x4ba: {  	v50 =	vsub.f32 v21, v1;
	v16 =	vmul.f32 v23, v54;
	v25 =	vmul.f32 v53, v37  }
0x4bb: {  	v55 =	vsub.f32 v46, v7;
	v56 =	vsub.f32 v48, v8;
	v5 =	vmul.f32 v5, v19  }
0x4bc: {  	v57 =	vsub.f32 v51, v6;
	v16 =	vmul.f32 v16, v20;
	v38 =	vsub.f32 v59, v7;
	[tilespmem:s22+$0xFFFFFFE0] =	vst v25  }
0x4bd: {  	v39 =	vsub.f32 v61, v8;
	v23 =	vsub.f32 v46, v59;
	v20 =	vmul.f32 v36, v36;
	[tilespmem:s23+$0xFFFFFFE0] =	vst v5  }
0x4be: {  	v41 =	vsub.f32 v34, v6;
	v53 =	vmul.f32 v45, v45;
	v18 =	vmul.f32 v56, v56;
	v56 =	vld [tilespmem:s21+$0xFFFFFF00];
	[tilespmem:s12+$0xFFFFFFE0] =	vst v16  }
0x4bf: {  	v3 =	vsub.f32 v51, v34;
	v22 =	vmul.f32 v55, v55;
	v19 =	vmul.f32 v57, v57;
	v63 =	vld [tilespmem:s13+$0xFFFFFFF0]  }
0x4c0: {  	v25 =	vsub.f32 v48, v61;
	v26 =	vmul.f32 v38, v38;
	v42 =	vmul.f32 v23, v23  }
0x4c1: {  	v18 =	vadd.f32 v18, v22;
	v16 =	vmul.f32 v27, v62;
	v27 =	vmul.f32 v39, v39  }
0x4c2: {  	v46 =	vmul.f32 v41, v41;
	v20 =	vadd.f32 v53, v20;
	v43 =	vmul.f32 v25, v25;
	v44 =	vld [tilespmem:s21+$0xFFFFFFF0]  }
0x4c3: {  	v48 =	vmul.f32 v3, v3;
	v18 =	vadd.f32 v19, v18;
	v26 =	vadd.f32 v27, v26  }
0x4c4: {  	v5 =	vadd.f32 v33, v31;
	v14 =	vadd.f32 v43, v42;
	v3 =	vmul.f32 v16, v15  }
0x4c5: {  	v19 =	vmul.f32 v17, v35;
	v37 =	vshra.s32 v18, $0x1;
	v51 =	vadd.f32 v46, v26  }
0x4c6: {  	v15 =	vmul.f32 v50, v50;
	v14 =	vadd.f32 v48, v14;
	v24 =	vsub.s32 $0x5F0B54EA, v37;
	v53 =	vld.idx.msk [tilespmem:v56+s25+$0x0], $0xffff  }
0x4c7: {  	v19 =	vsub.f32 $1.891199950e+00, v19;
	v40 =	vmul.f32 v24, v18;
	v27 =	vshra.s32 v51, $0x1;
	v47 =	vld.idx.msk [tilespmem:v63+s7+$0x0], $0xffff  }
0x4c8: {  	v15 =	vadd.f32 v15, v20;
	v55 =	vshra.s32 v14, $0x1;
	v54 =	vsub.s32 $0x5F0B54EA, v27;
	v49 =	vld.idx.msk [tilespmem:v63+s24+$0x0], $0xffff  }
0x4c9: {  	v27 =	vsub.s32 $0x5F0B54EA, v55;
	v29 =	vmul.f32 v24, v40;
	v59 =	vmul.f32 v54, v51;
	v22 =	vld.idx.msk [tilespmem:v63+s25+$0x0], $0xffff  }
0x4ca: {  	v17 =	vmul.f32 v17, v19;
	v31 =	vshra.s32 v15, $0x1;
	v60 =	vmul.f32 v27, v14;
	v61 =	vld.idx.msk [tilespmem:v44+s7+$0x0], $0xffff  }
0x4cb: {  	v35 =	vsub.s32 $0x5F0B54EA, v31;
	v62 =	vld.idx.msk [tilespmem:v44+s24+$0x0], $0xffff;
	v52 =	vsub.f32 $1.891199950e+00, v29;
	v23 =	vmul.f32 v54, v59  }
0x4cc: {  	v36 =	vmul.f32 v35, v15;
	v37 =	vmul.f32 v27, v60;
	v1 =	vsub.f32 v53, v1  }
0x4cd: {  	v21 =	vsub.f32 v21, v53;
	v24 =	vmul.f32 v24, v52;
	v39 =	vsub.f32 $1.891199950e+00, v23  }
0x4ce: {  	v25 =	vld.idx.msk [tilespmem:v44+s25+$0x0], $0xffff;
	v40 =	vsub.f32 $1.891199950e+00, v37;
	v1 =	vmul.f32 v1, v1;
	v57 =	vsub.f32 v47, v9  }
0x4cf: {  	v58 =	vsub.f32 v49, v10;
	v63 =	vsub.f32 v22, v11;
	v18 =	vmul.f32 v24, v18  }
0x4d0: {  	v19 =	vmul.f32 v54, v39;
	v42 =	vsub.f32 v61, v9;
	v43 =	vsub.f32 v62, v10  }
0x4d1: {  	v20 =	vmul.f32 v27, v40;
	v44 =	vsub.f32 v47, v61;
	v30 =	vmul.f32 v57, v57  }
0x4d2: {  	v45 =	vsub.f32 v49, v62;
	v32 =	vmul.f32 v58, v58;
	v38 =	vmul.f32 v63, v63  }
0x4d3: {  	v46 =	vsub.f32 v25, v11;
	v24 =	vmul.f32 v42, v42;
	v26 =	vmul.f32 v43, v43  }
0x4d4: {  	v27 =	vmul.f32 v44, v44;
	v28 =	vmul.f32 v45, v45;
	v30 =	vadd.f32 v32, v30  }
0x4d5: {  	v22 =	vsub.f32 v22, v25;
	v47 =	vld.idx.msk [tilespmem:v56+s7+$0x0], $0xffff;
	v16 =	vmul.f32 v19, v51;
	v14 =	vmul.f32 v20, v14  }
0x4d6: {  	[tilespmem:s22+$0xFFFFFF70] =	vst v18;
	v24 =	vadd.f32 v26, v24;
	v41 =	vadd.f32 v38, v30;
	v30 =	vmul.f32 v46, v46  }
0x4d7: {  	v48 =	vshra.s32 v5, $0x1;
	v49 =	vld.idx.msk [tilespmem:v56+s24+$0x0], $0xffff;
	v22 =	vmul.f32 v22, v22;
	v27 =	vadd.f32 v28, v27;
	[tilespmem:s23+$0xFFFFFF70] =	vst v16  }
0x4d8: {  	v21 =	vmul.f32 v21, v21;
	v26 =	vsub.s32 $0x5F0B54EA, v48;
	[tilespmem:s12+$0xFFFFFF70] =	vst v14;
	v24 =	vadd.f32 v30, v24  }
0x4d9: {  	v50 =	vmul.f32 v26, v5;
	v52 =	vadd.f32 v22, v27;
	v57 =	vld [tilespmem:s13+$0xFFFFFF80];
	v51 =	vshra.s32 v41, $0x1  }
0x4da: {  	v2 =	vsub.f32 v47, v2;
	v54 =	vsub.s32 $0x5F0B54EA, v51;
	v55 =	vshra.s32 v24, $0x1  }
0x4db: {  	v27 =	vshra.s32 v52, $0x1;
	v56 =	vmul.f32 v54, v41;
	v18 =	vsub.s32 $0x5F0B54EA, v55  }
0x4dc: {  	v0 =	vsub.f32 v49, v0;
	v62 =	vld [tilespmem:s21+$0xFFFFFF80];
	v27 =	vsub.s32 $0x5F0B54EA, v27;
	v30 =	vmul.f32 v18, v24  }
0x4dd: {  	v12 =	vsub.f32 v12, v47;
	v58 =	vmul.f32 v27, v52;
	v14 =	vmul.f32 v54, v56  }
0x4de: {  	v13 =	vsub.f32 v13, v49;
	v19 =	vmul.f32 v26, v50;
	v59 =	vmul.f32 v18, v30  }
0x4df: {  	v2 =	vmul.f32 v2, v2;
	v25 =	vmul.f32 v27, v58;
	v14 =	vsub.f32 $1.891199950e+00, v14  }
0x4e0: {  	v0 =	vmul.f32 v0, v0;
	v12 =	vmul.f32 v12, v12;
	v28 =	vsub.f32 $1.891199950e+00, v59  }
0x4e1: {  	v61 =	vmul.f32 v13, v13;
	v60 =	vsub.f32 $1.891199950e+00, v25;
	v63 =	vld.idx.msk [tilespmem:v57+s7+$0x0], $0xffff;
	v14 =	vmul.f32 v54, v14  }
0x4e2: {  	v0 =	vadd.f32 v0, v2;
	v34 =	vsub.f32 $1.891199950e+00, v19;
	v32 =	vld.idx.msk [tilespmem:v57+s24+$0x0], $0xffff;
	v18 =	vmul.f32 v18, v28  }
0x4e3: {  	v2 =	vadd.f32 v61, v12;
	v37 =	vld.idx.msk [tilespmem:v57+s25+$0x0], $0xffff;
	v16 =	vmul.f32 v27, v60;
	v14 =	vmul.f32 v14, v41  }
0x4e4: {  	v0 =	vadd.f32 v1, v0;
	v38 =	vmul.f32 v26, v34;
	v42 =	vld.idx.msk [tilespmem:v62+s7+$0x0], $0xffff;
	v18 =	vmul.f32 v18, v24  }
0x4e5: {  	v1 =	vmul.f32 v35, v36;
	v47 =	vld.idx.msk [tilespmem:v62+s24+$0x0], $0xffff;
	v33 =	vmul.f32 v16, v52;
	[tilespmem:s22+$0xFFFFFFF0] =	vst v14  }
0x4e6: {  	v4 =	vmul.f32 v17, v4;
	v2 =	vadd.f32 v21, v2;
	v13 =	vld.idx.msk [tilespmem:v62+s25+$0x0], $0xffff;
	[tilespmem:s23+$0xFFFFFFF0] =	vst v18  }
0x4e7: {  	v39 =	vshra.s32 v0, $0x1;
	v1 =	vsub.f32 $1.891199950e+00, v1;
	v5 =	vmul.f32 v38, v5;
	[tilespmem:s12+$0xFFFFFFF0] =	vst v33  }
0x4e8: {  	v16 =	vsub.s32 $0x5F0B54EA, v39;
	v41 =	vshra.s32 v2, $0x1;
	v43 =	vsub.f32 v63, v7;
	v40 =	vld [tilespmem:s13+$0x0]  }
0x4e9: {  	v20 =	vsub.s32 $0x5F0B54EA, v41;
	v44 =	vsub.f32 v32, v8;
	v48 =	vsub.f32 v37, v6  }
0x4ea: {  	v45 =	vmul.f32 v16, v0;
	v7 =	vsub.f32 v42, v7;
	v8 =	vsub.f32 v47, v8;
	v49 =	vld [tilespmem:s21+$0x0]  }
0x4eb: {  	v6 =	vsub.f32 v13, v6;
	v46 =	vmul.f32 v20, v2;
	v22 =	vmul.f32 v43, v43  }
0x4ec: {  	v12 =	vsub.f32 v63, v42;
	v24 =	vmul.f32 v44, v44;
	v25 =	vmul.f32 v16, v45  }
0x4ed: {  	v59 =	vsub.f32 v32, v47;
	v53 =	vmul.f32 v48, v48;
	v7 =	vmul.f32 v7, v7  }
0x4ee: {  	v13 =	vsub.f32 v37, v13;
	v8 =	vmul.f32 v8, v8;
	v12 =	vmul.f32 v12, v12  }
0x4ef: {  	v19 =	vmul.f32 v59, v59;
	v26 =	vmul.f32 v20, v46;
	v50 =	vadd.f32 v24, v22  }
0x4f0: {  	v6 =	vmul.f32 v6, v6;
	v51 =	vsub.f32 $1.891199950e+00, v25;
	v7 =	vadd.f32 v8, v7;
	v54 =	vld.idx.msk [tilespmem:v40+s7+$0x0], $0xffff  }
0x4f1: {  	v13 =	vmul.f32 v13, v13;
	v12 =	vadd.f32 v19, v12;
	v52 =	vsub.f32 $1.891199950e+00, v26;
	v56 =	vld.idx.msk [tilespmem:v40+s24+$0x0], $0xffff  }
0x4f2: {  	v1 =	vmul.f32 v35, v1;
	v16 =	vmul.f32 v16, v51;
	v14 =	vadd.f32 v53, v50;
	v60 =	vld.idx.msk [tilespmem:v49+s7+$0x0], $0xffff  }
0x4f3: {  	v6 =	vadd.f32 v6, v7;
	v12 =	vadd.f32 v13, v12;
	v55 =	vmul.f32 v20, v52;
	v17 =	vld.idx.msk [tilespmem:v40+s25+$0x0], $0xffff  }
0x4f4: {  	v1 =	vmul.f32 v1, v15;
	v0 =	vmul.f32 v16, v0;
	v57 =	vshra.s32 v14, $0x1;
	v63 =	vld.idx.msk [tilespmem:v49+s24+$0x0], $0xffff  }
0x4f5: {  	v29 =	vshra.s32 v6, $0x1;
	v37 =	vshra.s32 v12, $0x1;
	v2 =	vmul.f32 v55, v2;
	v27 =	vld.idx.msk [tilespmem:v49+s25+$0x0], $0xffff  }
0x4f6: {  	v16 =	vsub.s32 $0x5F0B54EA, v57;
	v19 =	vsub.s32 $0x5F0B54EA, v29;
	v61 =	vsub.f32 v54, v9  }
0x4f7: {  	v38 =	vsub.s32 $0x5F0B54EA, v37;
	v62 =	vsub.f32 v56, v10;
	v9 =	vsub.f32 v60, v9  }
0x4f8: {  	v58 =	vmul.f32 v16, v14;
	v15 =	vsub.f32 v54, v60;
	v30 =	vsub.f32 v17, v11  }
0x4f9: {  	v10 =	vsub.f32 v63, v10;
	v20 =	vsub.f32 v56, v63;
	v22 =	vmul.f32 v61, v61  }
0x4fa: {  	v11 =	vsub.f32 v27, v11;
	v23 =	vmul.f32 v62, v62;
	v21 =	vmul.f32 v30, v30  }
0x4fb: {  	v7 =	vsub.f32 v17, v27;
	v9 =	vmul.f32 v9, v9;
	v10 =	vmul.f32 v10, v10  }
0x4fc: {  	v15 =	vmul.f32 v15, v15;
	v32 =	vmul.f32 v20, v20;
	v28 =	vadd.f32 v23, v22  }
0x4fd: {  	v31 =	vmul.f32 v19, v6;
	v33 =	vmul.f32 v11, v11;
	v9 =	vadd.f32 v10, v9  }
0x4fe: {  	v7 =	vmul.f32 v7, v7;
	v35 =	vadd.f32 v32, v15;
	v34 =	vadd.f32 v21, v28  }
0x4ff: {  	v8 =	vmul.f32 v16, v58;
	v36 =	vmul.f32 v19, v31;
	v9 =	vadd.f32 v33, v9  }
0x500: {  	v40 =	vmul.f32 v38, v12;
	v7 =	vadd.f32 v7, v35;
	v39 =	vshra.s32 v34, $0x1  }
0x501: {  	v8 =	vsub.f32 $1.891199950e+00, v8;
	v41 =	vshra.s32 v9, $0x1;
	v17 =	vsub.s32 $0x5F0B54EA, v39  }
0x502: {  	v43 =	vshra.s32 v7, $0x1;
	v18 =	vsub.s32 $0x5F0B54EA, v41;
	v42 =	vmul.f32 v17, v34  }
0x503: {  	[tilespmem:s22+$0xFFFFFE80] =	vst v3;
	v44 =	vmul.f32 v38, v40;
	v21 =	vsub.s32 $0x5F0B54EA, v43;
	v45 =	vmul.f32 v18, v9  }
0x504: {  	[tilespmem:s23+$0xFFFFFE80] =	vst v4;
	v46 =	vsub.f32 $1.891199950e+00, v36;
	v48 =	vmul.f32 v21, v7;
	v47 =	vmul.f32 v17, v42  }
0x505: {  	[tilespmem:s12+$0xFFFFFE80] =	vst v5;
	v49 =	vmul.f32 v16, v8;
	v3 =	vsub.f32 $1.891199950e+00, v44;
	v50 =	vmul.f32 v18, v45  }
0x506: {  	[tilespmem:s22+$0xFFFFFF00] =	vst v1;
	v51 =	vmul.f32 v19, v46;
	v53 =	vmul.f32 v21, v48;
	v52 =	vsub.f32 $1.891199950e+00, v47  }
0x507: {  	[tilespmem:s23+$0xFFFFFF00] =	vst v0;
	v54 =	vmul.f32 v49, v14;
	v3 =	vmul.f32 v38, v3;
	v55 =	vsub.f32 $1.891199950e+00, v50  }
0x508: {  	s9 =	sadd.s32 $0x4, s9;
	[tilespmem:s12+$0xFFFFFF00] =	vst v2;
	v1 =	vmul.f32 v51, v6;
	v57 =	vsub.f32 $1.891199950e+00, v53;
	v56 =	vmul.f32 v17, v52  }
0x509: {  	p0 =	slt.u32 s9, $0x3C;
	[tilespmem:s22+$0xFFFFFF80] =	vst v54;
	v58 =	vmul.f32 v3, v12;
	v59 =	vmul.f32 v18, v55  }
.Ltmp1:
0x50a: {  	[tilespmem:s23+$0xFFFFFF80] =	vst v1;
	v61 =	vmul.f32 v21, v57;
	v60 =	vmul.f32 v56, v34;
	(pc) =	sbr.rel @p0 .LBB2_5-.Ltmp1, $4  }
0x50b: {  	[tilespmem:s12+$0xFFFFFF80] =	vst v58;
	v62 =	vmul.f32 v59, v9  }
0x50c: {  	v63 =	vmul.f32 v61, v7;
	[tilespmem:s22+$0x0] =	vst v60  }
0x50d: {  	s21 =	sadd.s32 $0x200, s21;
	s13 =	sadd.s32 $0x200, s13;
	[tilespmem:s23+$0x0] =	vst v62  }
0x50e: {  	s22 =	sadd.s32 $0x200, s22;
	s23 =	sadd.s32 $0x200, s23;
	[tilespmem:s12+$0x0] =	vst v63;
	s12 =	sadd.s32 $0x200, s12  }
0x50f: {  	s0 =	sadd.s32 @!p1 s19, s18  }
0x510: {  	s0 =	sshrl.u32 @!p1 s0, $0x3  }
0x511: {  	s12 =	simm.s32 @!p1 $0x0;
	s13 =	simm.s32 @!p1 $0x5000;
	s9 =	sadd.s32 @!p1 s1, s0  }
0x512: {  	[tilespmem:s13], [sflag:$0x2] =	stream.linear.gather @!p1 [hbm4b:s9+s12], $0x2000, $0x38;
	[tilespmem:$0x17000] =	vst v63  }
0x513: {  	s21 =	sshll.u32 s15, $0x7;
	s0 =	sadd.s32 @!p1 s2, s0;
	s9 =	simm.s32 @!p1 $0x9000  }
0x514: {  	[tilespmem:s9], [sflag:$0x2] =	stream.linear.gather @!p1 [hbm4b:s0+s12], $0x2000, $0x38;
	[tilespmem:$0x17000] =	vst v63  }
0x515: {  	s0 =	sadd.s32 s8, s21  }
0x516: {  	s16 =	sadd.s32 $0x1, s16;
	s0 =	sshrl.u32 s0, $0x3  }
0x517: {  	p0 =	sne.s32 s16, $0x4;
	s22 =	sadd.s32 s3, s0  }
0x518: {  	[hbm4b:s22+s7] =	stream.linear.scatter [tilespmem:s29], [sflag:$0x4], $0x2000, $0x38;
	[tilespmem:$0x17000] =	vst v63  }
.Ltmp2:
0x519: {  	_ = 	snop;
	(pc) =	sbr.rel @p0 .LBB2_2-.Ltmp2, $4  }
0x51a: {  	s23 =	sadd.s32 s4, s0  }
0x51b: {  	[hbm4b:s23+s7] =	stream.linear.scatter [tilespmem:s30], [sflag:$0x4], $0x2000, $0x38;
	[tilespmem:$0x17000] =	vst v63  }
0x51c: {  	s20 =	sadd.s32 $0x80, s20;
	s0 =	sadd.s32 s6, s0  }
0x51d: {  	[hbm4b:s0+s7] =	stream.linear.scatter [tilespmem:s11], [sflag:$0x4], $0x2000, $0x38;
	[tilespmem:$0x17000] =	vst v63  }
0x51e: {  	s0 =	simm.s32 $0x3  }
0x51f: {  	_ =	swait.ge [sflag:s0], $0x2000  }
0x520: {  	[sflag:s0] =	ssyncset.done $0x0  }
0x521: {  	[sflag:s0] =	ssyncadd.s32 $0xFFFFE000  }
0x522: {  	_ =	swait.ge [sflag:s0], $0x2000  }
0x523: {  	[sflag:s0] =	ssyncset.done $0x0  }
0x524: {  	[sflag:s0] =	ssyncadd.s32 $0xFFFFE000  }
0x525: {  	_ =	swait.ge [sflag:s0], $0x2000  }
0x526: {  	[sflag:s0] =	ssyncset.done $0x0  }
0x527: {  	s9 =	simm.s32 $0x4;
	[sflag:s0] =	ssyncadd.s32 $0xFFFFE000  }
0x528: {  	_ =	swait.ge [sflag:s9], $0x2000  }
0x529: {  	[sflag:s9] =	ssyncset.done $0x0  }
0x52a: {  	[sflag:s9] =	ssyncadd.s32 $0xFFFFE000  }
0x52b: {  	_ =	swait.ge [sflag:s9], $0x2000  }
0x52c: {  	[sflag:s9] =	ssyncset.done $0x0  }
0x52d: {  	[sflag:s9] =	ssyncadd.s32 $0xFFFFE000  }
0x52e: {  	_ =	swait.ge [sflag:s9], $0x2000  }
0x52f: {  	s12 =	rddreg [dreg:$0x10]  }
0x530: {  	s23 =	rddreg [dreg:$0xe];
	s12 =	sadd.s32 $0x1, s12  }
0x531: {  	p0 =	sne.s32 s12, s23  }
.Ltmp3:
0x532: {  	_ = 	snop;
	(pc) =	sbr.rel @p0 .LBB2_1-.Ltmp3, $3  }
0x533: {  	_ =	sdelay $0x1  }
0x534: {  	[sflag:s9] =	ssyncset.done $0x0  }
0x535: {  	[sflag:s9] =	ssyncadd.s32 $0xFFFFE000  }
0x536: {  	_ =	sfence.sel $0x180000  }
0x537: {  	[bflag:$0x0] =	sbarrier.arrive $0xFFFF  }
0x538: {  	_ =	strace $0x90000047  }
0x539: {  	s0 =	stileid.u32;
	[bflag:$0x2] =	sbarrier.arrive $0xFFFF  }
0x53a: {  	p0 =	sne.s32 s0, $0x0;
	s0 =	rddreg [dreg:$0x6]  }
0x53b: {  	s0 =	sadd.s32 @!p0 $0x100000, s0  }
0x53c: {  	[sflag:s0] =	ssyncadd.tile.s32 @!p0 $0x1;
	_ =	shalt  }
.Lfunc_end2:
_tile_overlayer_lowered:
.L_overlay_start_2:
0x53d: {  	(tag) =	ssettag $0x2  }
0x53e: {  	s0 =	rddreg [dreg:$0x0];
	s2 =	stileid.u32  }
0x53f: {  	s1 =	rddreg [dreg:$0x1];
	p0 =	sne.s32 s2, $0x0  }
0x540: {  	s3 =	rddreg [dreg:$0x2];
	[bflag:$0x3] =	sbarrier.arrive $0xFFFF;
	s2 =	simm.s32 @!p0 $0x1C05  }
0x541: {  	[timem:s3], [sflag:s2] =	dma.local @!p0 [hbm:s0], s1  }
0x542: {  	s0 =	simm.s32 @!p0 $0x5  }
0x543: {  	_ =	swait.ge @!p0 [sflag:s0], s1  }
0x544: {  	s1 =	ssub.s32 @!p0 $0x0, s1;
	[sflag:s0] =	ssyncset.done @!p0 $0x0  }
0x545: {  	[sflag:s0] =	ssyncadd.s32 @!p0 s1  }
0x546: {  	[bflag:$0x3] =	sbarrier.arrive $0xFFFF  }
0x547: {  	_ =	shalt  }

</sc_bundles>
